<compile_context>
chip_gen: v7x
topology: tpu7x:2x2x1
jax: 0.10.2.dev20260603
libtpu: 0.0.44.dev20260713+nightly
codegen_flags: <defaults>
</compile_context>

<pallas_src>
import jax
import jax.numpy as jnp
from jax import lax
from jax.experimental import pallas as pl
from jax.experimental.pallas import tpu as pltpu
from jax.experimental.pallas import tpu_sc as plsc

N_ROWS = 4096
N_COLS = 4096
NNZ = 167772

L = 16
NC, NS = 2, 16
NW = NC * NS
OUT_ELEMS = N_ROWS * N_COLS
W_ELEMS = OUT_ELEMS // NW
CAPW = 8192
WIN = CAPW + L
SENT = 0x7FFFFFFF
NNZ_SRT = 176000
NSUB = 16
SUB = W_ELEMS // NSUB
NB = 48


def _sc_body(k_hbm, v_hbm, b_hbm, out_hbm,
             kwin, vwin, cb0, cb1, bnd, sem_w, sem_d):
    wid = lax.axis_index("s") * NC + lax.axis_index("c")
    lo = wid * W_ELEMS

    cpb = pltpu.async_copy(b_hbm, bnd, sem_w)
    zeros = jnp.zeros((L,), jnp.float32)

    cpb.wait()
    bv = bnd[pl.ds(wid, L)]
    s0 = bv[0]
    s = pl.multiple_of(jnp.bitwise_and(s0, -8), 8)
    e = bv[1]
    ng = jnp.minimum((e - s + (L - 1)) // L, CAPW // L)

    cpk = pltpu.async_copy(k_hbm.at[pl.ds(s, WIN)], kwin, sem_w)
    cpv = pltpu.async_copy(v_hbm.at[pl.ds(s, WIN)], vwin, sem_w)
    cpk.wait()
    cpv.wait()

    cps = []
    for sub in range(NSUB):
        buf = cb0 if sub % 2 == 0 else cb1
        if sub >= 2:
            cps[sub - 2].wait()

        def zbody(i, c, buf=buf):
            r = i // (N_COLS // L // 8)
            j = i % (N_COLS // L // 8)
            for u in range(8):
                buf[r, pl.ds((j * 8 + u) * L, L)] = zeros
            return c

        lax.fori_loop(0, SUB // L // 8, zbody, 0)

        base = lo + sub * SUB

        def group(g, c, buf=buf, base=base):
            kc = kwin[pl.ds(g * L, L)]
            kn = kwin[pl.ds(g * L + 1, L)]
            vv = vwin[pl.ds(g * L, L)]
            idxl = kc - base
            insub = idxl.astype(jnp.uint32) < jnp.uint32(SUB)
            alive = jnp.logical_and(insub, kc != kn)
            ir = lax.shift_right_logical(idxl, 12)
            ic = jnp.bitwise_and(idxl, N_COLS - 1)
            plsc.store_scatter(buf, [ir, ic], vv, mask=alive)
            return c

        lax.fori_loop(0, ng, group, 0)

        row0 = wid * (N_ROWS // NW) + sub * 8
        cps.append(
            pltpu.async_copy(buf, out_hbm.at[pl.ds(row0, 8), :], sem_d)
        )

    cps[NSUB - 2].wait()
    cps[NSUB - 1].wait()


@jax.jit
def _to_dense(k, v, bnd):
    kern = pl.kernel(
        _sc_body,
        out_type=jax.ShapeDtypeStruct((N_ROWS, N_COLS), jnp.float32),
        mesh=plsc.VectorSubcoreMesh(core_axis_name="c", subcore_axis_name="s"),
        compiler_params=pltpu.CompilerParams(needs_layout_passes=False),
        scratch_types=[
            pltpu.VMEM((WIN,), jnp.int32),
            pltpu.VMEM((WIN,), jnp.float32),
            pltpu.VMEM((8, N_COLS), jnp.float32),
            pltpu.VMEM((8, N_COLS), jnp.float32),
            pltpu.VMEM((NB,), jnp.int32),
            pltpu.SemaphoreType.DMA,
            pltpu.SemaphoreType.DMA,
        ],
    )
    return kern(k, v, bnd)


def kernel(indices, values):
    idx = indices.astype(jnp.int32)
    lin = idx[:, 0] * N_COLS + idx[:, 1]
    k, v = lax.sort((lin, values), num_keys=1, is_stable=False)
    padn = NNZ_SRT - NNZ
    k = jnp.concatenate([k, jnp.full((padn,), SENT, jnp.int32)])
    v = jnp.concatenate([v, jnp.zeros((padn,), jnp.float32)])
    bnd = jnp.searchsorted(
        k, jnp.arange(NW + 1, dtype=jnp.int32) * W_ELEMS, side="left"
    ).astype(jnp.int32)
    bnd = jnp.concatenate([bnd, jnp.zeros((NB - NW - 1,), jnp.int32)])
    return _to_dense(k, v, bnd)

# --- scband reference (transcript-rebuilt; emitter-appended) ---
"""Pipeline reference for scband-sparse-to-dense-87522843560019 (READ-ONLY COPY).

The authoritative reference and input builder live on the scoring server;
editing this copy changes nothing except your own understanding.
"""

import jax, jax.numpy as jnp
import numpy as np

N_ROWS = 4096
N_COLS = 4096
NNZ = 167772


def setup_inputs(seed: int = 0) -> dict:
    key = jax.random.key(seed)
    k1, k2 = jax.random.split(key)
    indices = jax.random.randint(k1, (NNZ, 2), 0, N_ROWS, dtype=jnp.int64)
    values = jax.random.normal(k2, (NNZ,), dtype=jnp.float32)
    return {"indices": indices, "values": values}


def reference(indices, values):
    # Equivalent of tf.sparse.to_dense: scatter values into a zero-initialized
    # dense tensor at the given (row, col) coordinates (overwrite semantics).
    dense = jnp.zeros((N_ROWS, N_COLS), dtype=values.dtype)
    dense = dense.at[indices[:, 0], indices[:, 1]].set(values)
    return dense

if __name__ == "__main__":
    import jax
    _d = setup_inputs()
    print(jax.jit(kernel)(*tuple(_d.values())))

</pallas_src>

<mosaic_0001>
#map = affine_map<(d0, d1) -> (0)>
#map1 = affine_map<(d0, d1) -> (0, 0)>
module attributes {stable_mosaic.version = 14 : i64} {
  func.func @_sc_body(%arg0: i32, %arg1: i32, %arg2: memref<176000xi32, #tpu.memory_space<hbm>>, %arg3: memref<176000xf32, #tpu.memory_space<hbm>>, %arg4: memref<48xi32, #tpu.memory_space<hbm>>, %arg5: memref<4096x4096xf32, #tpu.memory_space<hbm>>, %arg6: memref<8208xi32, #tpu.memory_space<vmem>>, %arg7: memref<8208xf32, #tpu.memory_space<vmem>>, %arg8: memref<8x4096xf32, #tpu.memory_space<vmem>>, %arg9: memref<8x4096xf32, #tpu.memory_space<vmem>>, %arg10: memref<48xi32, #tpu.memory_space<vmem>>, %arg11: memref<!tpu.dma_semaphore, #tpu.memory_space<semaphore_mem>>, %arg12: memref<!tpu.dma_semaphore, #tpu.memory_space<semaphore_mem>>) attributes {dimension_semantics = [#tpu.dimension_semantics<core_parallel>, #tpu.dimension_semantics<subcore_parallel>], iteration_bounds = array<i64: 2, 16>, scalar_prefetch = 0 : i64, scratch_operands = 7 : i64, tpu.core_type = #tpu.core_type<sc_vector_subcore>, window_params = [{transform_indices = #map}, {transform_indices = #map}, {transform_indices = #map}, {transform_indices = #map1}]} {
    %mul3A = arith.constant 2 : i32
    %mul3A_0 = arith.muli %arg1, %mul3A : i32
    %add3A = arith.addi %mul3A_0, %arg0 : i32
    %mul3A_1 = arith.constant 524288 : i32
    %mul3A_2 = arith.muli %add3A, %mul3A_1 : i32
    tpu.enqueue_dma source(%arg4 : memref<48xi32, #tpu.memory_space<hbm>>) target(%arg10 : memref<48xi32, #tpu.memory_space<vmem>>) target_semaphore(%arg11 : memref<!tpu.dma_semaphore, #tpu.memory_space<semaphore_mem>>)
    %broadcast_in_dim3A = arith.constant 0.000000e+00 : f32
    %broadcast_in_dim3A_3 = vector.broadcast %broadcast_in_dim3A : f32 to vector<16xf32>
    tpu.wait_dma2 semaphore(%arg11 : memref<!tpu.dma_semaphore, #tpu.memory_space<semaphore_mem>>) src(%arg4 : memref<48xi32, #tpu.memory_space<hbm>>) dst(%arg10 : memref<48xi32, #tpu.memory_space<vmem>>)
    %get3A = arith.index_cast %add3A : i32 to index
    %get3A_4 = tpu.vector_load %arg10[%get3A] {strides = array<i32>} : memref<48xi32, #tpu.memory_space<vmem>>, vector<16xi32>,
    %slice3A = vector.extract_strided_slice %get3A_4 {offsets = [0], sizes = [1], strides = [1]} : vector<16xi32> to vector<1xi32>
    %squeeze3A = vector.extract %slice3A[0] : i32 from vector<1xi32>
    %and3A = arith.constant -8 : i32
    %and3A_5 = arith.andi %squeeze3A, %and3A : i32
    %multiple_of3A = tpu.assume_multiple %and3A_5, 8 : i32
    %slice3A_6 = vector.extract_strided_slice %get3A_4 {offsets = [1], sizes = [1], strides = [1]} : vector<16xi32> to vector<1xi32>
    %squeeze3A_7 = vector.extract %slice3A_6[0] : i32 from vector<1xi32>
    %sub3A = arith.subi %squeeze3A_7, %multiple_of3A : i32
    %add3A_8 = arith.constant 15 : i32
    %add3A_9 = arith.addi %sub3A, %add3A_8 : i32
    %jit3A = arith.constant 16 : i32
    %div3A = arith.divsi %add3A_9, %jit3A : i32
    %sign3A = arith.constant 0 : i32
    %sign3A_10 = arith.cmpi sgt, %add3A_9, %sign3A : i32
    %sign3A_11 = arith.extui %sign3A_10 : i1 to i32
    %sign3A_12 = arith.constant 0 : i32
    %sign3A_13 = arith.cmpi slt, %add3A_9, %sign3A_12 : i32
    %sign3A_14 = arith.extui %sign3A_13 : i1 to i32
    %sign3A_15 = arith.subi %sign3A_11, %sign3A_14 : i32
    %sign3A_16 = arith.constant 0 : i32
    %sign3A_17 = arith.cmpi sgt, %jit3A, %sign3A_16 : i32
    %sign3A_18 = arith.extui %sign3A_17 : i1 to i32
    %sign3A_19 = arith.constant 0 : i32
    %sign3A_20 = arith.cmpi slt, %jit3A, %sign3A_19 : i32
    %sign3A_21 = arith.extui %sign3A_20 : i1 to i32
    %sign3A_22 = arith.subi %sign3A_18, %sign3A_21 : i32
    %ne3A = arith.cmpi ne, %sign3A_15, %sign3A_22 : i32
    %rem3A = arith.remsi %add3A_9, %jit3A : i32
    %ne3A_23 = arith.constant 0 : i32
    %ne3A_24 = arith.cmpi ne, %rem3A, %ne3A_23 : i32
    %and3A_25 = arith.andi %ne3A, %ne3A_24 : i1
    %sub3A_26 = arith.constant 1 : i32
    %sub3A_27 = arith.subi %div3A, %sub3A_26 : i32
    %select_n3A = arith.select %and3A_25, %sub3A_27, %div3A : i32
    %min3A = arith.constant 512 : i32
    %min3A_28 = arith.minsi %select_n3A, %min3A : i32
    %dma_start3A = tpu.memref_slice %arg2[%multiple_of3A] : memref<176000xi32, #tpu.memory_space<hbm>> -> memref<8208xi32, #tpu.memory_space<hbm>>
    %dma_start3A_29 = tpu.memref_slice %arg2[%multiple_of3A] : memref<176000xi32, #tpu.memory_space<hbm>> -> memref<8208xi32, #tpu.memory_space<hbm>>
    tpu.enqueue_dma source(%dma_start3A_29 : memref<8208xi32, #tpu.memory_space<hbm>>) target(%arg6 : memref<8208xi32, #tpu.memory_space<vmem>>) target_semaphore(%arg11 : memref<!tpu.dma_semaphore, #tpu.memory_space<semaphore_mem>>)
    %dma_start3A_30 = tpu.memref_slice %arg3[%multiple_of3A] : memref<176000xf32, #tpu.memory_space<hbm>> -> memref<8208xf32, #tpu.memory_space<hbm>>
    %dma_start3A_31 = tpu.memref_slice %arg3[%multiple_of3A] : memref<176000xf32, #tpu.memory_space<hbm>> -> memref<8208xf32, #tpu.memory_space<hbm>>
    tpu.enqueue_dma source(%dma_start3A_31 : memref<8208xf32, #tpu.memory_space<hbm>>) target(%arg7 : memref<8208xf32, #tpu.memory_space<vmem>>) target_semaphore(%arg11 : memref<!tpu.dma_semaphore, #tpu.memory_space<semaphore_mem>>)
    %dma_wait3A = tpu.memref_slice %arg2[%multiple_of3A] : memref<176000xi32, #tpu.memory_space<hbm>> -> memref<8208xi32, #tpu.memory_space<hbm>>
    %dma_wait3A_32 = tpu.memref_slice %arg2[%multiple_of3A] : memref<176000xi32, #tpu.memory_space<hbm>> -> memref<8208xi32, #tpu.memory_space<hbm>>
    tpu.wait_dma2 semaphore(%arg11 : memref<!tpu.dma_semaphore, #tpu.memory_space<semaphore_mem>>) src(%dma_wait3A_32 : memref<8208xi32, #tpu.memory_space<hbm>>) dst(%arg6 : memref<8208xi32, #tpu.memory_space<vmem>>)
    %dma_wait3A_33 = tpu.memref_slice %arg3[%multiple_of3A] : memref<176000xf32, #tpu.memory_space<hbm>> -> memref<8208xf32, #tpu.memory_space<hbm>>
    %dma_wait3A_34 = tpu.memref_slice %arg3[%multiple_of3A] : memref<176000xf32, #tpu.memory_space<hbm>> -> memref<8208xf32, #tpu.memory_space<hbm>>
    tpu.wait_dma2 semaphore(%arg11 : memref<!tpu.dma_semaphore, #tpu.memory_space<semaphore_mem>>) src(%dma_wait3A_34 : memref<8208xf32, #tpu.memory_space<hbm>>) dst(%arg7 : memref<8208xf32, #tpu.memory_space<vmem>>)
    %scan3A = arith.constant 0 : i32
    %scan3A_35 = arith.constant 0 : i32
    %scan3A_36 = arith.constant 256 : i32
    %scan3A_37 = arith.addi %scan3A_35, %scan3A_36 : i32
    %scan3A_38 = arith.constant 1 : i32
    scf.for %scan3A_513 = %scan3A_35 to %scan3A_37 step %scan3A_38  : i32 {
      %jit3A_514 = arith.constant 32 : i32
      %div3A_515 = arith.divsi %scan3A_513, %jit3A_514 : i32
      %sign3A_516 = arith.constant 0 : i32
      %sign3A_517 = arith.cmpi sgt, %scan3A_513, %sign3A_516 : i32
      %sign3A_518 = arith.extui %sign3A_517 : i1 to i32
      %sign3A_519 = arith.constant 0 : i32
      %sign3A_520 = arith.cmpi slt, %scan3A_513, %sign3A_519 : i32
      %sign3A_521 = arith.extui %sign3A_520 : i1 to i32
      %sign3A_522 = arith.subi %sign3A_518, %sign3A_521 : i32
      %sign3A_523 = arith.constant 0 : i32
      %sign3A_524 = arith.cmpi sgt, %jit3A_514, %sign3A_523 : i32
      %sign3A_525 = arith.extui %sign3A_524 : i1 to i32
      %sign3A_526 = arith.constant 0 : i32
      %sign3A_527 = arith.cmpi slt, %jit3A_514, %sign3A_526 : i32
      %sign3A_528 = arith.extui %sign3A_527 : i1 to i32
      %sign3A_529 = arith.subi %sign3A_525, %sign3A_528 : i32
      %ne3A_530 = arith.cmpi ne, %sign3A_522, %sign3A_529 : i32
      %rem3A_531 = arith.remsi %scan3A_513, %jit3A_514 : i32
      %ne3A_532 = arith.constant 0 : i32
      %ne3A_533 = arith.cmpi ne, %rem3A_531, %ne3A_532 : i32
      %and3A_534 = arith.andi %ne3A_530, %ne3A_533 : i1
      %sub3A_535 = arith.constant 1 : i32
      %sub3A_536 = arith.subi %div3A_515, %sub3A_535 : i32
      %select_n3A_537 = arith.select %and3A_534, %sub3A_536, %div3A_515 : i32
      %jit3A_538 = arith.constant 32 : i32
      %eq3A = arith.constant 0 : i32
      %eq3A_539 = arith.cmpi eq, %jit3A_538, %eq3A : i32
      %jit3A_540 = arith.constant 1 : i32
      %select_n3A_541 = arith.select %eq3A_539, %jit3A_540, %jit3A_538 : i32
      %rem3A_542 = arith.remsi %scan3A_513, %select_n3A_541 : i32
      %ne3A_543 = arith.constant 0 : i32
      %ne3A_544 = arith.cmpi ne, %rem3A_542, %ne3A_543 : i32
      %lt3A = arith.constant 0 : i32
      %lt3A_545 = arith.cmpi slt, %rem3A_542, %lt3A : i32
      %lt3A_546 = arith.constant 0 : i32
      %lt3A_547 = arith.cmpi slt, %select_n3A_541, %lt3A_546 : i32
      %ne3A_548 = arith.xori %lt3A_545, %lt3A_547 : i1
      %and3A_549 = arith.andi %ne3A_548, %ne3A_544 : i1
      %add3A_550 = arith.addi %rem3A_542, %select_n3A_541 : i32
      %select_n3A_551 = arith.select %and3A_549, %add3A_550, %rem3A_542 : i32
      %mul3A_552 = arith.constant 8 : i32
      %mul3A_553 = arith.muli %select_n3A_551, %mul3A_552 : i32
      %add3A_554 = arith.constant 0 : i32
      %add3A_555 = arith.addi %mul3A_553, %add3A_554 : i32
      %mul3A_556 = arith.constant 16 : i32
      %mul3A_557 = arith.muli %add3A_555, %mul3A_556 : i32
      %swap3A = arith.index_cast %select_n3A_537 : i32 to index
      %swap3A_558 = arith.index_cast %mul3A_557 : i32 to index
      %swap3A_559 = tpu.vector_load %arg8[%swap3A, %swap3A_558] {strides = array<i32>} : memref<8x4096xf32, #tpu.memory_space<vmem>>, vector<16xf32>,
      tpu.vector_store %arg8[%swap3A, %swap3A_558], %broadcast_in_dim3A_3 {strides = array<i32>} : memref<8x4096xf32, #tpu.memory_space<vmem>>, vector<16xf32>,
      %mul3A_560 = arith.constant 8 : i32
      %mul3A_561 = arith.muli %select_n3A_551, %mul3A_560 : i32
      %add3A_562 = arith.constant 1 : i32
      %add3A_563 = arith.addi %mul3A_561, %add3A_562 : i32
      %mul3A_564 = arith.constant 16 : i32
      %mul3A_565 = arith.muli %add3A_563, %mul3A_564 : i32
      %swap3A_566 = arith.index_cast %select_n3A_537 : i32 to index
      %swap3A_567 = arith.index_cast %mul3A_565 : i32 to index
      %swap3A_568 = tpu.vector_load %arg8[%swap3A_566, %swap3A_567] {strides = array<i32>} : memref<8x4096xf32, #tpu.memory_space<vmem>>, vector<16xf32>,
      tpu.vector_store %arg8[%swap3A_566, %swap3A_567], %broadcast_in_dim3A_3 {strides = array<i32>} : memref<8x4096xf32, #tpu.memory_space<vmem>>, vector<16xf32>,
      %mul3A_569 = arith.constant 8 : i32
      %mul3A_570 = arith.muli %select_n3A_551, %mul3A_569 : i32
      %add3A_571 = arith.constant 2 : i32
      %add3A_572 = arith.addi %mul3A_570, %add3A_571 : i32
      %mul3A_573 = arith.constant 16 : i32
      %mul3A_574 = arith.muli %add3A_572, %mul3A_573 : i32
      %swap3A_575 = arith.index_cast %select_n3A_537 : i32 to index
      %swap3A_576 = arith.index_cast %mul3A_574 : i32 to index
      %swap3A_577 = tpu.vector_load %arg8[%swap3A_575, %swap3A_576] {strides = array<i32>} : memref<8x4096xf32, #tpu.memory_space<vmem>>, vector<16xf32>,
      tpu.vector_store %arg8[%swap3A_575, %swap3A_576], %broadcast_in_dim3A_3 {strides = array<i32>} : memref<8x4096xf32, #tpu.memory_space<vmem>>, vector<16xf32>,
      %mul3A_578 = arith.constant 8 : i32
      %mul3A_579 = arith.muli %select_n3A_551, %mul3A_578 : i32
      %add3A_580 = arith.constant 3 : i32
      %add3A_581 = arith.addi %mul3A_579, %add3A_580 : i32
      %mul3A_582 = arith.constant 16 : i32
      %mul3A_583 = arith.muli %add3A_581, %mul3A_582 : i32
      %swap3A_584 = arith.index_cast %select_n3A_537 : i32 to index
      %swap3A_585 = arith.index_cast %mul3A_583 : i32 to index
      %swap3A_586 = tpu.vector_load %arg8[%swap3A_584, %swap3A_585] {strides = array<i32>} : memref<8x4096xf32, #tpu.memory_space<vmem>>, vector<16xf32>,
      tpu.vector_store %arg8[%swap3A_584, %swap3A_585], %broadcast_in_dim3A_3 {strides = array<i32>} : memref<8x4096xf32, #tpu.memory_space<vmem>>, vector<16xf32>,
      %mul3A_587 = arith.constant 8 : i32
      %mul3A_588 = arith.muli %select_n3A_551, %mul3A_587 : i32
      %add3A_589 = arith.constant 4 : i32
      %add3A_590 = arith.addi %mul3A_588, %add3A_589 : i32
      %mul3A_591 = arith.constant 16 : i32
      %mul3A_592 = arith.muli %add3A_590, %mul3A_591 : i32
      %swap3A_593 = arith.index_cast %select_n3A_537 : i32 to index
      %swap3A_594 = arith.index_cast %mul3A_592 : i32 to index
      %swap3A_595 = tpu.vector_load %arg8[%swap3A_593, %swap3A_594] {strides = array<i32>} : memref<8x4096xf32, #tpu.memory_space<vmem>>, vector<16xf32>,
      tpu.vector_store %arg8[%swap3A_593, %swap3A_594], %broadcast_in_dim3A_3 {strides = array<i32>} : memref<8x4096xf32, #tpu.memory_space<vmem>>, vector<16xf32>,
      %mul3A_596 = arith.constant 8 : i32
      %mul3A_597 = arith.muli %select_n3A_551, %mul3A_596 : i32
      %add3A_598 = arith.constant 5 : i32
      %add3A_599 = arith.addi %mul3A_597, %add3A_598 : i32
      %mul3A_600 = arith.constant 16 : i32
      %mul3A_601 = arith.muli %add3A_599, %mul3A_600 : i32
      %swap3A_602 = arith.index_cast %select_n3A_537 : i32 to index
      %swap3A_603 = arith.index_cast %mul3A_601 : i32 to index
      %swap3A_604 = tpu.vector_load %arg8[%swap3A_602, %swap3A_603] {strides = array<i32>} : memref<8x4096xf32, #tpu.memory_space<vmem>>, vector<16xf32>,
      tpu.vector_store %arg8[%swap3A_602, %swap3A_603], %broadcast_in_dim3A_3 {strides = array<i32>} : memref<8x4096xf32, #tpu.memory_space<vmem>>, vector<16xf32>,
      %mul3A_605 = arith.constant 8 : i32
      %mul3A_606 = arith.muli %select_n3A_551, %mul3A_605 : i32
      %add3A_607 = arith.constant 6 : i32
      %add3A_608 = arith.addi %mul3A_606, %add3A_607 : i32
      %mul3A_609 = arith.constant 16 : i32
      %mul3A_610 = arith.muli %add3A_608, %mul3A_609 : i32
      %swap3A_611 = arith.index_cast %select_n3A_537 : i32 to index
      %swap3A_612 = arith.index_cast %mul3A_610 : i32 to index
      %swap3A_613 = tpu.vector_load %arg8[%swap3A_611, %swap3A_612] {strides = array<i32>} : memref<8x4096xf32, #tpu.memory_space<vmem>>, vector<16xf32>,
      tpu.vector_store %arg8[%swap3A_611, %swap3A_612], %broadcast_in_dim3A_3 {strides = array<i32>} : memref<8x4096xf32, #tpu.memory_space<vmem>>, vector<16xf32>,
      %mul3A_614 = arith.constant 8 : i32
      %mul3A_615 = arith.muli %select_n3A_551, %mul3A_614 : i32
      %add3A_616 = arith.constant 7 : i32
      %add3A_617 = arith.addi %mul3A_615, %add3A_616 : i32
      %mul3A_618 = arith.constant 16 : i32
      %mul3A_619 = arith.muli %add3A_617, %mul3A_618 : i32
      %swap3A_620 = arith.index_cast %select_n3A_537 : i32 to index
      %swap3A_621 = arith.index_cast %mul3A_619 : i32 to index
      %swap3A_622 = tpu.vector_load %arg8[%swap3A_620, %swap3A_621] {strides = array<i32>} : memref<8x4096xf32, #tpu.memory_space<vmem>>, vector<16xf32>,
      tpu.vector_store %arg8[%swap3A_620, %swap3A_621], %broadcast_in_dim3A_3 {strides = array<i32>} : memref<8x4096xf32, #tpu.memory_space<vmem>>, vector<16xf32>,
    }
    %scan3A_39 = arith.constant 256 : i32
    %add3A_40 = arith.constant 0 : i32
    %add3A_41 = arith.addi %mul3A_2, %add3A_40 : i32
    %while3A = arith.constant 0 : i32
    %while3A_42 = arith.constant 0 : i32
    %while3A_43 = arith.subi %min3A_28, %while3A_42 : i32
    %while3A_44 = arith.addi %while3A_42, %while3A_43 : i32
    %while3A_45 = arith.constant 1 : i32
    %while3A_46 = arith.divsi %while3A_43, %while3A_45 : i32
    %while3A_47 = arith.muli %while3A_46, %while3A_45 : i32
    %while3A_48 = arith.addi %while3A_42, %while3A_47 : i32
    %while3A_49 = arith.constant 1 : i32
    scf.for %while3A_513 = %while3A_42 to %while3A_48 step %while3A_49  : i32 {
      %mul3A_514 = arith.constant 16 : i32
      %mul3A_515 = arith.muli %while3A_513, %mul3A_514 : i32
      %get3A_516 = arith.index_cast %mul3A_515 : i32 to index
      %get3A_517 = tpu.vector_load %arg6[%get3A_516] {strides = array<i32>} : memref<8208xi32, #tpu.memory_space<vmem>>, vector<16xi32>,
      %mul3A_518 = arith.constant 16 : i32
      %mul3A_519 = arith.muli %while3A_513, %mul3A_518 : i32
      %add3A_520 = arith.constant 1 : i32
      %add3A_521 = arith.addi %mul3A_519, %add3A_520 : i32
      %get3A_522 = arith.index_cast %add3A_521 : i32 to index
      %get3A_523 = tpu.vector_load %arg6[%get3A_522] {strides = array<i32>} : memref<8208xi32, #tpu.memory_space<vmem>>, vector<16xi32>,
      %mul3A_524 = arith.constant 16 : i32
      %mul3A_525 = arith.muli %while3A_513, %mul3A_524 : i32
      %get3A_526 = arith.index_cast %mul3A_525 : i32 to index
      %get3A_527 = tpu.vector_load %arg7[%get3A_526] {strides = array<i32>} : memref<8208xf32, #tpu.memory_space<vmem>>, vector<16xf32>,
      %sub3A_528 = vector.broadcast %add3A_41 : i32 to vector<16xi32>
      %sub3A_529 = arith.subi %get3A_517, %sub3A_528 : vector<16xi32>
      %lt3A = arith.constant 32768 : i32
      %lt3A_530 = vector.broadcast %lt3A : i32 to vector<16xi32>
      %lt3A_531 = arith.cmpi ult, %sub3A_529, %lt3A_530 : vector<16xi32>
      %ne3A_532 = arith.cmpi ne, %get3A_517, %get3A_523 : vector<16xi32>
      %and3A_533 = arith.andi %lt3A_531, %ne3A_532 : vector<16xi1>
      %shift_right_logical3A = arith.constant 12 : i32
      %shift_right_logical3A_534 = vector.broadcast %shift_right_logical3A : i32 to vector<16xi32>
      %shift_right_logical3A_535 = arith.shrui %sub3A_529, %shift_right_logical3A_534 : vector<16xi32>
      %and3A_536 = arith.constant 4095 : i32
      %and3A_537 = vector.broadcast %and3A_536 : i32 to vector<16xi32>
      %and3A_538 = arith.andi %sub3A_529, %and3A_537 : vector<16xi32>
      tpu.vector_store_idx %arg8[%shift_right_logical3A_535, %and3A_538], %get3A_527 masked %and3A_533 : memref<8x4096xf32, #tpu.memory_space<vmem>>[vector<16xi32>, vector<16xi32>], vector<16xf32>, vector<16xi1>
    }
    %while3A_50 = arith.constant 1 : i32
    scf.for %while3A_513 = %while3A_48 to %while3A_44 step %while3A_50  : i32 {
      %mul3A_514 = arith.constant 16 : i32
      %mul3A_515 = arith.muli %while3A_513, %mul3A_514 : i32
      %get3A_516 = arith.index_cast %mul3A_515 : i32 to index
      %get3A_517 = tpu.vector_load %arg6[%get3A_516] {strides = array<i32>} : memref<8208xi32, #tpu.memory_space<vmem>>, vector<16xi32>,
      %mul3A_518 = arith.constant 16 : i32
      %mul3A_519 = arith.muli %while3A_513, %mul3A_518 : i32
      %add3A_520 = arith.constant 1 : i32
      %add3A_521 = arith.addi %mul3A_519, %add3A_520 : i32
      %get3A_522 = arith.index_cast %add3A_521 : i32 to index
      %get3A_523 = tpu.vector_load %arg6[%get3A_522] {strides = array<i32>} : memref<8208xi32, #tpu.memory_space<vmem>>, vector<16xi32>,
      %mul3A_524 = arith.constant 16 : i32
      %mul3A_525 = arith.muli %while3A_513, %mul3A_524 : i32
      %get3A_526 = arith.index_cast %mul3A_525 : i32 to index
      %get3A_527 = tpu.vector_load %arg7[%get3A_526] {strides = array<i32>} : memref<8208xf32, #tpu.memory_space<vmem>>, vector<16xf32>,
      %sub3A_528 = vector.broadcast %add3A_41 : i32 to vector<16xi32>
      %sub3A_529 = arith.subi %get3A_517, %sub3A_528 : vector<16xi32>
      %lt3A = arith.constant 32768 : i32
      %lt3A_530 = vector.broadcast %lt3A : i32 to vector<16xi32>
      %lt3A_531 = arith.cmpi ult, %sub3A_529, %lt3A_530 : vector<16xi32>
      %ne3A_532 = arith.cmpi ne, %get3A_517, %get3A_523 : vector<16xi32>
      %and3A_533 = arith.andi %lt3A_531, %ne3A_532 : vector<16xi1>
      %shift_right_logical3A = arith.constant 12 : i32
      %shift_right_logical3A_534 = vector.broadcast %shift_right_logical3A : i32 to vector<16xi32>
      %shift_right_logical3A_535 = arith.shrui %sub3A_529, %shift_right_logical3A_534 : vector<16xi32>
      %and3A_536 = arith.constant 4095 : i32
      %and3A_537 = vector.broadcast %and3A_536 : i32 to vector<16xi32>
      %and3A_538 = arith.andi %sub3A_529, %and3A_537 : vector<16xi32>
      tpu.vector_store_idx %arg8[%shift_right_logical3A_535, %and3A_538], %get3A_527 masked %and3A_533 : memref<8x4096xf32, #tpu.memory_space<vmem>>[vector<16xi32>, vector<16xi32>], vector<16xf32>, vector<16xi1>
    }
    %mul3A_51 = arith.constant 128 : i32
    %mul3A_52 = arith.muli %add3A, %mul3A_51 : i32
    %add3A_53 = arith.constant 0 : i32
    %add3A_54 = arith.addi %mul3A_52, %add3A_53 : i32
    %dma_start3A_55 = arith.constant 0 : i32
    %dma_start3A_56 = tpu.memref_slice %arg5[%add3A_54, %dma_start3A_55] : memref<4096x4096xf32, #tpu.memory_space<hbm>> -> memref<8x4096xf32, #tpu.memory_space<hbm>>
    %dma_start3A_57 = arith.constant 0 : i32
    %dma_start3A_58 = tpu.memref_slice %arg5[%add3A_54, %dma_start3A_57] : memref<4096x4096xf32, #tpu.memory_space<hbm>> -> memref<8x4096xf32, #tpu.memory_space<hbm>>
    tpu.enqueue_dma source(%arg8 : memref<8x4096xf32, #tpu.memory_space<vmem>>) target(%dma_start3A_58 : memref<8x4096xf32, #tpu.memory_space<hbm>>) target_semaphore(%arg12 : memref<!tpu.dma_semaphore, #tpu.memory_space<semaphore_mem>>)
    %scan3A_59 = arith.constant 0 : i32
    %scan3A_60 = arith.constant 0 : i32
    %scan3A_61 = arith.constant 256 : i32
    %scan3A_62 = arith.addi %scan3A_60, %scan3A_61 : i32
    %scan3A_63 = arith.constant 1 : i32
    scf.for %scan3A_513 = %scan3A_60 to %scan3A_62 step %scan3A_63  : i32 {
      %jit3A_514 = arith.constant 32 : i32
      %div3A_515 = arith.divsi %scan3A_513, %jit3A_514 : i32
      %sign3A_516 = arith.constant 0 : i32
      %sign3A_517 = arith.cmpi sgt, %scan3A_513, %sign3A_516 : i32
      %sign3A_518 = arith.extui %sign3A_517 : i1 to i32
      %sign3A_519 = arith.constant 0 : i32
      %sign3A_520 = arith.cmpi slt, %scan3A_513, %sign3A_519 : i32
      %sign3A_521 = arith.extui %sign3A_520 : i1 to i32
      %sign3A_522 = arith.subi %sign3A_518, %sign3A_521 : i32
      %sign3A_523 = arith.constant 0 : i32
      %sign3A_524 = arith.cmpi sgt, %jit3A_514, %sign3A_523 : i32
      %sign3A_525 = arith.extui %sign3A_524 : i1 to i32
      %sign3A_526 = arith.constant 0 : i32
      %sign3A_527 = arith.cmpi slt, %jit3A_514, %sign3A_526 : i32
      %sign3A_528 = arith.extui %sign3A_527 : i1 to i32
      %sign3A_529 = arith.subi %sign3A_525, %sign3A_528 : i32
      %ne3A_530 = arith.cmpi ne, %sign3A_522, %sign3A_529 : i32
      %rem3A_531 = arith.remsi %scan3A_513, %jit3A_514 : i32
      %ne3A_532 = arith.constant 0 : i32
      %ne3A_533 = arith.cmpi ne, %rem3A_531, %ne3A_532 : i32
      %and3A_534 = arith.andi %ne3A_530, %ne3A_533 : i1
      %sub3A_535 = arith.constant 1 : i32
      %sub3A_536 = arith.subi %div3A_515, %sub3A_535 : i32
      %select_n3A_537 = arith.select %and3A_534, %sub3A_536, %div3A_515 : i32
      %jit3A_538 = arith.constant 32 : i32
      %eq3A = arith.constant 0 : i32
      %eq3A_539 = arith.cmpi eq, %jit3A_538, %eq3A : i32
      %jit3A_540 = arith.constant 1 : i32
      %select_n3A_541 = arith.select %eq3A_539, %jit3A_540, %jit3A_538 : i32
      %rem3A_542 = arith.remsi %scan3A_513, %select_n3A_541 : i32
      %ne3A_543 = arith.constant 0 : i32
      %ne3A_544 = arith.cmpi ne, %rem3A_542, %ne3A_543 : i32
      %lt3A = arith.constant 0 : i32
      %lt3A_545 = arith.cmpi slt, %rem3A_542, %lt3A : i32
      %lt3A_546 = arith.constant 0 : i32
      %lt3A_547 = arith.cmpi slt, %select_n3A_541, %lt3A_546 : i32
      %ne3A_548 = arith.xori %lt3A_545, %lt3A_547 : i1
      %and3A_549 = arith.andi %ne3A_548, %ne3A_544 : i1
      %add3A_550 = arith.addi %rem3A_542, %select_n3A_541 : i32
      %select_n3A_551 = arith.select %and3A_549, %add3A_550, %rem3A_542 : i32
      %mul3A_552 = arith.constant 8 : i32
      %mul3A_553 = arith.muli %select_n3A_551, %mul3A_552 : i32
      %add3A_554 = arith.constant 0 : i32
      %add3A_555 = arith.addi %mul3A_553, %add3A_554 : i32
      %mul3A_556 = arith.constant 16 : i32
      %mul3A_557 = arith.muli %add3A_555, %mul3A_556 : i32
      %swap3A = arith.index_cast %select_n3A_537 : i32 to index
      %swap3A_558 = arith.index_cast %mul3A_557 : i32 to index
      %swap3A_559 = tpu.vector_load %arg9[%swap3A, %swap3A_558] {strides = array<i32>} : memref<8x4096xf32, #tpu.memory_space<vmem>>, vector<16xf32>,
      tpu.vector_store %arg9[%swap3A, %swap3A_558], %broadcast_in_dim3A_3 {strides = array<i32>} : memref<8x4096xf32, #tpu.memory_space<vmem>>, vector<16xf32>,
      %mul3A_560 = arith.constant 8 : i32
      %mul3A_561 = arith.muli %select_n3A_551, %mul3A_560 : i32
      %add3A_562 = arith.constant 1 : i32
      %add3A_563 = arith.addi %mul3A_561, %add3A_562 : i32
      %mul3A_564 = arith.constant 16 : i32
      %mul3A_565 = arith.muli %add3A_563, %mul3A_564 : i32
      %swap3A_566 = arith.index_cast %select_n3A_537 : i32 to index
      %swap3A_567 = arith.index_cast %mul3A_565 : i32 to index
      %swap3A_568 = tpu.vector_load %arg9[%swap3A_566, %swap3A_567] {strides = array<i32>} : memref<8x4096xf32, #tpu.memory_space<vmem>>, vector<16xf32>,
      tpu.vector_store %arg9[%swap3A_566, %swap3A_567], %broadcast_in_dim3A_3 {strides = array<i32>} : memref<8x4096xf32, #tpu.memory_space<vmem>>, vector<16xf32>,
      %mul3A_569 = arith.constant 8 : i32
      %mul3A_570 = arith.muli %select_n3A_551, %mul3A_569 : i32
      %add3A_571 = arith.constant 2 : i32
      %add3A_572 = arith.addi %mul3A_570, %add3A_571 : i32
      %mul3A_573 = arith.constant 16 : i32
      %mul3A_574 = arith.muli %add3A_572, %mul3A_573 : i32
      %swap3A_575 = arith.index_cast %select_n3A_537 : i32 to index
      %swap3A_576 = arith.index_cast %mul3A_574 : i32 to index
      %swap3A_577 = tpu.vector_load %arg9[%swap3A_575, %swap3A_576] {strides = array<i32>} : memref<8x4096xf32, #tpu.memory_space<vmem>>, vector<16xf32>,
      tpu.vector_store %arg9[%swap3A_575, %swap3A_576], %broadcast_in_dim3A_3 {strides = array<i32>} : memref<8x4096xf32, #tpu.memory_space<vmem>>, vector<16xf32>,
      %mul3A_578 = arith.constant 8 : i32
      %mul3A_579 = arith.muli %select_n3A_551, %mul3A_578 : i32
      %add3A_580 = arith.constant 3 : i32
      %add3A_581 = arith.addi %mul3A_579, %add3A_580 : i32
      %mul3A_582 = arith.constant 16 : i32
      %mul3A_583 = arith.muli %add3A_581, %mul3A_582 : i32
      %swap3A_584 = arith.index_cast %select_n3A_537 : i32 to index
      %swap3A_585 = arith.index_cast %mul3A_583 : i32 to index
      %swap3A_586 = tpu.vector_load %arg9[%swap3A_584, %swap3A_585] {strides = array<i32>} : memref<8x4096xf32, #tpu.memory_space<vmem>>, vector<16xf32>,
      tpu.vector_store %arg9[%swap3A_584, %swap3A_585], %broadcast_in_dim3A_3 {strides = array<i32>} : memref<8x4096xf32, #tpu.memory_space<vmem>>, vector<16xf32>,
      %mul3A_587 = arith.constant 8 : i32
      %mul3A_588 = arith.muli %select_n3A_551, %mul3A_587 : i32
      %add3A_589 = arith.constant 4 : i32
      %add3A_590 = arith.addi %mul3A_588, %add3A_589 : i32
      %mul3A_591 = arith.constant 16 : i32
      %mul3A_592 = arith.muli %add3A_590, %mul3A_591 : i32
      %swap3A_593 = arith.index_cast %select_n3A_537 : i32 to index
      %swap3A_594 = arith.index_cast %mul3A_592 : i32 to index
      %swap3A_595 = tpu.vector_load %arg9[%swap3A_593, %swap3A_594] {strides = array<i32>} : memref<8x4096xf32, #tpu.memory_space<vmem>>, vector<16xf32>,
      tpu.vector_store %arg9[%swap3A_593, %swap3A_594], %broadcast_in_dim3A_3 {strides = array<i32>} : memref<8x4096xf32, #tpu.memory_space<vmem>>, vector<16xf32>,
      %mul3A_596 = arith.constant 8 : i32
      %mul3A_597 = arith.muli %select_n3A_551, %mul3A_596 : i32
      %add3A_598 = arith.constant 5 : i32
      %add3A_599 = arith.addi %mul3A_597, %add3A_598 : i32
      %mul3A_600 = arith.constant 16 : i32
      %mul3A_601 = arith.muli %add3A_599, %mul3A_600 : i32
      %swap3A_602 = arith.index_cast %select_n3A_537 : i32 to index
      %swap3A_603 = arith.index_cast %mul3A_601 : i32 to index
      %swap3A_604 = tpu.vector_load %arg9[%swap3A_602, %swap3A_603] {strides = array<i32>} : memref<8x4096xf32, #tpu.memory_space<vmem>>, vector<16xf32>,
      tpu.vector_store %arg9[%swap3A_602, %swap3A_603], %broadcast_in_dim3A_3 {strides = array<i32>} : memref<8x4096xf32, #tpu.memory_space<vmem>>, vector<16xf32>,
      %mul3A_605 = arith.constant 8 : i32
      %mul3A_606 = arith.muli %select_n3A_551, %mul3A_605 : i32
      %add3A_607 = arith.constant 6 : i32
      %add3A_608 = arith.addi %mul3A_606, %add3A_607 : i32
      %mul3A_609 = arith.constant 16 : i32
      %mul3A_610 = arith.muli %add3A_608, %mul3A_609 : i32
      %swap3A_611 = arith.index_cast %select_n3A_537 : i32 to index
      %swap3A_612 = arith.index_cast %mul3A_610 : i32 to index
      %swap3A_613 = tpu.vector_load %arg9[%swap3A_611, %swap3A_612] {strides = array<i32>} : memref<8x4096xf32, #tpu.memory_space<vmem>>, vector<16xf32>,
      tpu.vector_store %arg9[%swap3A_611, %swap3A_612], %broadcast_in_dim3A_3 {strides = array<i32>} : memref<8x4096xf32, #tpu.memory_space<vmem>>, vector<16xf32>,
      %mul3A_614 = arith.constant 8 : i32
      %mul3A_615 = arith.muli %select_n3A_551, %mul3A_614 : i32
      %add3A_616 = arith.constant 7 : i32
      %add3A_617 = arith.addi %mul3A_615, %add3A_616 : i32
      %mul3A_618 = arith.constant 16 : i32
      %mul3A_619 = arith.muli %add3A_617, %mul3A_618 : i32
      %swap3A_620 = arith.index_cast %select_n3A_537 : i32 to index
      %swap3A_621 = arith.index_cast %mul3A_619 : i32 to index
      %swap3A_622 = tpu.vector_load %arg9[%swap3A_620, %swap3A_621] {strides = array<i32>} : memref<8x4096xf32, #tpu.memory_space<vmem>>, vector<16xf32>,
      tpu.vector_store %arg9[%swap3A_620, %swap3A_621], %broadcast_in_dim3A_3 {strides = array<i32>} : memref<8x4096xf32, #tpu.memory_space<vmem>>, vector<16xf32>,
    }
    %scan3A_64 = arith.constant 256 : i32
    %add3A_65 = arith.constant 32768 : i32
    %add3A_66 = arith.addi %mul3A_2, %add3A_65 : i32
    %while3A_67 = arith.constant 0 : i32
    %while3A_68 = arith.constant 0 : i32
    %while3A_69 = arith.subi %min3A_28, %while3A_68 : i32
    %while3A_70 = arith.addi %while3A_68, %while3A_69 : i32
    %while3A_71 = arith.constant 1 : i32
    %while3A_72 = arith.divsi %while3A_69, %while3A_71 : i32
    %while3A_73 = arith.muli %while3A_72, %while3A_71 : i32
    %while3A_74 = arith.addi %while3A_68, %while3A_73 : i32
    %while3A_75 = arith.constant 1 : i32
    scf.for %while3A_513 = %while3A_68 to %while3A_74 step %while3A_75  : i32 {
      %mul3A_514 = arith.constant 16 : i32
      %mul3A_515 = arith.muli %while3A_513, %mul3A_514 : i32
      %get3A_516 = arith.index_cast %mul3A_515 : i32 to index
      %get3A_517 = tpu.vector_load %arg6[%get3A_516] {strides = array<i32>} : memref<8208xi32, #tpu.memory_space<vmem>>, vector<16xi32>,
      %mul3A_518 = arith.constant 16 : i32
      %mul3A_519 = arith.muli %while3A_513, %mul3A_518 : i32
      %add3A_520 = arith.constant 1 : i32
      %add3A_521 = arith.addi %mul3A_519, %add3A_520 : i32
      %get3A_522 = arith.index_cast %add3A_521 : i32 to index
      %get3A_523 = tpu.vector_load %arg6[%get3A_522] {strides = array<i32>} : memref<8208xi32, #tpu.memory_space<vmem>>, vector<16xi32>,
      %mul3A_524 = arith.constant 16 : i32
      %mul3A_525 = arith.muli %while3A_513, %mul3A_524 : i32
      %get3A_526 = arith.index_cast %mul3A_525 : i32 to index
      %get3A_527 = tpu.vector_load %arg7[%get3A_526] {strides = array<i32>} : memref<8208xf32, #tpu.memory_space<vmem>>, vector<16xf32>,
      %sub3A_528 = vector.broadcast %add3A_66 : i32 to vector<16xi32>
      %sub3A_529 = arith.subi %get3A_517, %sub3A_528 : vector<16xi32>
      %lt3A = arith.constant 32768 : i32
      %lt3A_530 = vector.broadcast %lt3A : i32 to vector<16xi32>
      %lt3A_531 = arith.cmpi ult, %sub3A_529, %lt3A_530 : vector<16xi32>
      %ne3A_532 = arith.cmpi ne, %get3A_517, %get3A_523 : vector<16xi32>
      %and3A_533 = arith.andi %lt3A_531, %ne3A_532 : vector<16xi1>
      %shift_right_logical3A = arith.constant 12 : i32
      %shift_right_logical3A_534 = vector.broadcast %shift_right_logical3A : i32 to vector<16xi32>
      %shift_right_logical3A_535 = arith.shrui %sub3A_529, %shift_right_logical3A_534 : vector<16xi32>
      %and3A_536 = arith.constant 4095 : i32
      %and3A_537 = vector.broadcast %and3A_536 : i32 to vector<16xi32>
      %and3A_538 = arith.andi %sub3A_529, %and3A_537 : vector<16xi32>
      tpu.vector_store_idx %arg9[%shift_right_logical3A_535, %and3A_538], %get3A_527 masked %and3A_533 : memref<8x4096xf32, #tpu.memory_space<vmem>>[vector<16xi32>, vector<16xi32>], vector<16xf32>, vector<16xi1>
    }
    %while3A_76 = arith.constant 1 : i32
    scf.for %while3A_513 = %while3A_74 to %while3A_70 step %while3A_76  : i32 {
      %mul3A_514 = arith.constant 16 : i32
      %mul3A_515 = arith.muli %while3A_513, %mul3A_514 : i32
      %get3A_516 = arith.index_cast %mul3A_515 : i32 to index
      %get3A_517 = tpu.vector_load %arg6[%get3A_516] {strides = array<i32>} : memref<8208xi32, #tpu.memory_space<vmem>>, vector<16xi32>,
      %mul3A_518 = arith.constant 16 : i32
      %mul3A_519 = arith.muli %while3A_513, %mul3A_518 : i32
      %add3A_520 = arith.constant 1 : i32
      %add3A_521 = arith.addi %mul3A_519, %add3A_520 : i32
      %get3A_522 = arith.index_cast %add3A_521 : i32 to index
      %get3A_523 = tpu.vector_load %arg6[%get3A_522] {strides = array<i32>} : memref<8208xi32, #tpu.memory_space<vmem>>, vector<16xi32>,
      %mul3A_524 = arith.constant 16 : i32
      %mul3A_525 = arith.muli %while3A_513, %mul3A_524 : i32
      %get3A_526 = arith.index_cast %mul3A_525 : i32 to index
      %get3A_527 = tpu.vector_load %arg7[%get3A_526] {strides = array<i32>} : memref<8208xf32, #tpu.memory_space<vmem>>, vector<16xf32>,
      %sub3A_528 = vector.broadcast %add3A_66 : i32 to vector<16xi32>
      %sub3A_529 = arith.subi %get3A_517, %sub3A_528 : vector<16xi32>
      %lt3A = arith.constant 32768 : i32
      %lt3A_530 = vector.broadcast %lt3A : i32 to vector<16xi32>
      %lt3A_531 = arith.cmpi ult, %sub3A_529, %lt3A_530 : vector<16xi32>
      %ne3A_532 = arith.cmpi ne, %get3A_517, %get3A_523 : vector<16xi32>
      %and3A_533 = arith.andi %lt3A_531, %ne3A_532 : vector<16xi1>
      %shift_right_logical3A = arith.constant 12 : i32
      %shift_right_logical3A_534 = vector.broadcast %shift_right_logical3A : i32 to vector<16xi32>
      %shift_right_logical3A_535 = arith.shrui %sub3A_529, %shift_right_logical3A_534 : vector<16xi32>
      %and3A_536 = arith.constant 4095 : i32
      %and3A_537 = vector.broadcast %and3A_536 : i32 to vector<16xi32>
      %and3A_538 = arith.andi %sub3A_529, %and3A_537 : vector<16xi32>
      tpu.vector_store_idx %arg9[%shift_right_logical3A_535, %and3A_538], %get3A_527 masked %and3A_533 : memref<8x4096xf32, #tpu.memory_space<vmem>>[vector<16xi32>, vector<16xi32>], vector<16xf32>, vector<16xi1>
    }
    %mul3A_77 = arith.constant 128 : i32
    %mul3A_78 = arith.muli %add3A, %mul3A_77 : i32
    %add3A_79 = arith.constant 8 : i32
    %add3A_80 = arith.addi %mul3A_78, %add3A_79 : i32
    %dma_start3A_81 = arith.constant 0 : i32
    %dma_start3A_82 = tpu.memref_slice %arg5[%add3A_80, %dma_start3A_81] : memref<4096x4096xf32, #tpu.memory_space<hbm>> -> memref<8x4096xf32, #tpu.memory_space<hbm>>
    %dma_start3A_83 = arith.constant 0 : i32
    %dma_start3A_84 = tpu.memref_slice %arg5[%add3A_80, %dma_start3A_83] : memref<4096x4096xf32, #tpu.memory_space<hbm>> -> memref<8x4096xf32, #tpu.memory_space<hbm>>
    tpu.enqueue_dma source(%arg9 : memref<8x4096xf32, #tpu.memory_space<vmem>>) target(%dma_start3A_84 : memref<8x4096xf32, #tpu.memory_space<hbm>>) target_semaphore(%arg12 : memref<!tpu.dma_semaphore, #tpu.memory_space<semaphore_mem>>)
    %dma_wait3A_85 = arith.constant 0 : i32
    %dma_wait3A_86 = tpu.memref_slice %arg5[%add3A_54, %dma_wait3A_85] : memref<4096x4096xf32, #tpu.memory_space<hbm>> -> memref<8x4096xf32, #tpu.memory_space<hbm>>
    %dma_wait3A_87 = arith.constant 0 : i32
    %dma_wait3A_88 = tpu.memref_slice %arg5[%add3A_54, %dma_wait3A_87] : memref<4096x4096xf32, #tpu.memory_space<hbm>> -> memref<8x4096xf32, #tpu.memory_space<hbm>>
    tpu.wait_dma2 semaphore(%arg12 : memref<!tpu.dma_semaphore, #tpu.memory_space<semaphore_mem>>) src(%arg8 : memref<8x4096xf32, #tpu.memory_space<vmem>>) dst(%dma_wait3A_88 : memref<8x4096xf32, #tpu.memory_space<hbm>>)
    %scan3A_89 = arith.constant 0 : i32
    %scan3A_90 = arith.constant 0 : i32
    %scan3A_91 = arith.constant 256 : i32
    %scan3A_92 = arith.addi %scan3A_90, %scan3A_91 : i32
    %scan3A_93 = arith.constant 1 : i32
    scf.for %scan3A_513 = %scan3A_90 to %scan3A_92 step %scan3A_93  : i32 {
      %jit3A_514 = arith.constant 32 : i32
      %div3A_515 = arith.divsi %scan3A_513, %jit3A_514 : i32
      %sign3A_516 = arith.constant 0 : i32
      %sign3A_517 = arith.cmpi sgt, %scan3A_513, %sign3A_516 : i32
      %sign3A_518 = arith.extui %sign3A_517 : i1 to i32
      %sign3A_519 = arith.constant 0 : i32
      %sign3A_520 = arith.cmpi slt, %scan3A_513, %sign3A_519 : i32
      %sign3A_521 = arith.extui %sign3A_520 : i1 to i32
      %sign3A_522 = arith.subi %sign3A_518, %sign3A_521 : i32
      %sign3A_523 = arith.constant 0 : i32
      %sign3A_524 = arith.cmpi sgt, %jit3A_514, %sign3A_523 : i32
      %sign3A_525 = arith.extui %sign3A_524 : i1 to i32
      %sign3A_526 = arith.constant 0 : i32
      %sign3A_527 = arith.cmpi slt, %jit3A_514, %sign3A_526 : i32
      %sign3A_528 = arith.extui %sign3A_527 : i1 to i32
      %sign3A_529 = arith.subi %sign3A_525, %sign3A_528 : i32
      %ne3A_530 = arith.cmpi ne, %sign3A_522, %sign3A_529 : i32
      %rem3A_531 = arith.remsi %scan3A_513, %jit3A_514 : i32
      %ne3A_532 = arith.constant 0 : i32
      %ne3A_533 = arith.cmpi ne, %rem3A_531, %ne3A_532 : i32
      %and3A_534 = arith.andi %ne3A_530, %ne3A_533 : i1
      %sub3A_535 = arith.constant 1 : i32
      %sub3A_536 = arith.subi %div3A_515, %sub3A_535 : i32
      %select_n3A_537 = arith.select %and3A_534, %sub3A_536, %div3A_515 : i32
      %jit3A_538 = arith.constant 32 : i32
      %eq3A = arith.constant 0 : i32
      %eq3A_539 = arith.cmpi eq, %jit3A_538, %eq3A : i32
      %jit3A_540 = arith.constant 1 : i32
      %select_n3A_541 = arith.select %eq3A_539, %jit3A_540, %jit3A_538 : i32
      %rem3A_542 = arith.remsi %scan3A_513, %select_n3A_541 : i32
      %ne3A_543 = arith.constant 0 : i32
      %ne3A_544 = arith.cmpi ne, %rem3A_542, %ne3A_543 : i32
      %lt3A = arith.constant 0 : i32
      %lt3A_545 = arith.cmpi slt, %rem3A_542, %lt3A : i32
      %lt3A_546 = arith.constant 0 : i32
      %lt3A_547 = arith.cmpi slt, %select_n3A_541, %lt3A_546 : i32
      %ne3A_548 = arith.xori %lt3A_545, %lt3A_547 : i1
      %and3A_549 = arith.andi %ne3A_548, %ne3A_544 : i1
      %add3A_550 = arith.addi %rem3A_542, %select_n3A_541 : i32
      %select_n3A_551 = arith.select %and3A_549, %add3A_550, %rem3A_542 : i32
      %mul3A_552 = arith.constant 8 : i32
      %mul3A_553 = arith.muli %select_n3A_551, %mul3A_552 : i32
      %add3A_554 = arith.constant 0 : i32
      %add3A_555 = arith.addi %mul3A_553, %add3A_554 : i32
      %mul3A_556 = arith.constant 16 : i32
      %mul3A_557 = arith.muli %add3A_555, %mul3A_556 : i32
      %swap3A = arith.index_cast %select_n3A_537 : i32 to index
      %swap3A_558 = arith.index_cast %mul3A_557 : i32 to index
      %swap3A_559 = tpu.vector_load %arg8[%swap3A, %swap3A_558] {strides = array<i32>} : memref<8x4096xf32, #tpu.memory_space<vmem>>, vector<16xf32>,
      tpu.vector_store %arg8[%swap3A, %swap3A_558], %broadcast_in_dim3A_3 {strides = array<i32>} : memref<8x4096xf32, #tpu.memory_space<vmem>>, vector<16xf32>,
      %mul3A_560 = arith.constant 8 : i32
      %mul3A_561 = arith.muli %select_n3A_551, %mul3A_560 : i32
      %add3A_562 = arith.constant 1 : i32
      %add3A_563 = arith.addi %mul3A_561, %add3A_562 : i32
      %mul3A_564 = arith.constant 16 : i32
      %mul3A_565 = arith.muli %add3A_563, %mul3A_564 : i32
      %swap3A_566 = arith.index_cast %select_n3A_537 : i32 to index
      %swap3A_567 = arith.index_cast %mul3A_565 : i32 to index
      %swap3A_568 = tpu.vector_load %arg8[%swap3A_566, %swap3A_567] {strides = array<i32>} : memref<8x4096xf32, #tpu.memory_space<vmem>>, vector<16xf32>,
      tpu.vector_store %arg8[%swap3A_566, %swap3A_567], %broadcast_in_dim3A_3 {strides = array<i32>} : memref<8x4096xf32, #tpu.memory_space<vmem>>, vector<16xf32>,
      %mul3A_569 = arith.constant 8 : i32
      %mul3A_570 = arith.muli %select_n3A_551, %mul3A_569 : i32
      %add3A_571 = arith.constant 2 : i32
      %add3A_572 = arith.addi %mul3A_570, %add3A_571 : i32
      %mul3A_573 = arith.constant 16 : i32
      %mul3A_574 = arith.muli %add3A_572, %mul3A_573 : i32
      %swap3A_575 = arith.index_cast %select_n3A_537 : i32 to index
      %swap3A_576 = arith.index_cast %mul3A_574 : i32 to index
      %swap3A_577 = tpu.vector_load %arg8[%swap3A_575, %swap3A_576] {strides = array<i32>} : memref<8x4096xf32, #tpu.memory_space<vmem>>, vector<16xf32>,
      tpu.vector_store %arg8[%swap3A_575, %swap3A_576], %broadcast_in_dim3A_3 {strides = array<i32>} : memref<8x4096xf32, #tpu.memory_space<vmem>>, vector<16xf32>,
      %mul3A_578 = arith.constant 8 : i32
      %mul3A_579 = arith.muli %select_n3A_551, %mul3A_578 : i32
      %add3A_580 = arith.constant 3 : i32
      %add3A_581 = arith.addi %mul3A_579, %add3A_580 : i32
      %mul3A_582 = arith.constant 16 : i32
      %mul3A_583 = arith.muli %add3A_581, %mul3A_582 : i32
      %swap3A_584 = arith.index_cast %select_n3A_537 : i32 to index
      %swap3A_585 = arith.index_cast %mul3A_583 : i32 to index
      %swap3A_586 = tpu.vector_load %arg8[%swap3A_584, %swap3A_585] {strides = array<i32>} : memref<8x4096xf32, #tpu.memory_space<vmem>>, vector<16xf32>,
      tpu.vector_store %arg8[%swap3A_584, %swap3A_585], %broadcast_in_dim3A_3 {strides = array<i32>} : memref<8x4096xf32, #tpu.memory_space<vmem>>, vector<16xf32>,
      %mul3A_587 = arith.constant 8 : i32
      %mul3A_588 = arith.muli %select_n3A_551, %mul3A_587 : i32
      %add3A_589 = arith.constant 4 : i32
      %add3A_590 = arith.addi %mul3A_588, %add3A_589 : i32
      %mul3A_591 = arith.constant 16 : i32
      %mul3A_592 = arith.muli %add3A_590, %mul3A_591 : i32
      %swap3A_593 = arith.index_cast %select_n3A_537 : i32 to index
      %swap3A_594 = arith.index_cast %mul3A_592 : i32 to index
      %swap3A_595 = tpu.vector_load %arg8[%swap3A_593, %swap3A_594] {strides = array<i32>} : memref<8x4096xf32, #tpu.memory_space<vmem>>, vector<16xf32>,
      tpu.vector_store %arg8[%swap3A_593, %swap3A_594], %broadcast_in_dim3A_3 {strides = array<i32>} : memref<8x4096xf32, #tpu.memory_space<vmem>>, vector<16xf32>,
      %mul3A_596 = arith.constant 8 : i32
      %mul3A_597 = arith.muli %select_n3A_551, %mul3A_596 : i32
      %add3A_598 = arith.constant 5 : i32
      %add3A_599 = arith.addi %mul3A_597, %add3A_598 : i32
      %mul3A_600 = arith.constant 16 : i32
      %mul3A_601 = arith.muli %add3A_599, %mul3A_600 : i32
      %swap3A_602 = arith.index_cast %select_n3A_537 : i32 to index
      %swap3A_603 = arith.index_cast %mul3A_601 : i32 to index
      %swap3A_604 = tpu.vector_load %arg8[%swap3A_602, %swap3A_603] {strides = array<i32>} : memref<8x4096xf32, #tpu.memory_space<vmem>>, vector<16xf32>,
      tpu.vector_store %arg8[%swap3A_602, %swap3A_603], %broadcast_in_dim3A_3 {strides = array<i32>} : memref<8x4096xf32, #tpu.memory_space<vmem>>, vector<16xf32>,
      %mul3A_605 = arith.constant 8 : i32
      %mul3A_606 = arith.muli %select_n3A_551, %mul3A_605 : i32
      %add3A_607 = arith.constant 6 : i32
      %add3A_608 = arith.addi %mul3A_606, %add3A_607 : i32
      %mul3A_609 = arith.constant 16 : i32
      %mul3A_610 = arith.muli %add3A_608, %mul3A_609 : i32
      %swap3A_611 = arith.index_cast %select_n3A_537 : i32 to index
      %swap3A_612 = arith.index_cast %mul3A_610 : i32 to index
      %swap3A_613 = tpu.vector_load %arg8[%swap3A_611, %swap3A_612] {strides = array<i32>} : memref<8x4096xf32, #tpu.memory_space<vmem>>, vector<16xf32>,
      tpu.vector_store %arg8[%swap3A_611, %swap3A_612], %broadcast_in_dim3A_3 {strides = array<i32>} : memref<8x4096xf32, #tpu.memory_space<vmem>>, vector<16xf32>,
      %mul3A_614 = arith.constant 8 : i32
      %mul3A_615 = arith.muli %select_n3A_551, %mul3A_614 : i32
      %add3A_616 = arith.constant 7 : i32
      %add3A_617 = arith.addi %mul3A_615, %add3A_616 : i32
      %mul3A_618 = arith.constant 16 : i32
      %mul3A_619 = arith.muli %add3A_617, %mul3A_618 : i32
      %swap3A_620 = arith.index_cast %select_n3A_537 : i32 to index
      %swap3A_621 = arith.index_cast %mul3A_619 : i32 to index
      %swap3A_622 = tpu.vector_load %arg8[%swap3A_620, %swap3A_621] {strides = array<i32>} : memref<8x4096xf32, #tpu.memory_space<vmem>>, vector<16xf32>,
      tpu.vector_store %arg8[%swap3A_620, %swap3A_621], %broadcast_in_dim3A_3 {strides = array<i32>} : memref<8x4096xf32, #tpu.memory_space<vmem>>, vector<16xf32>,
    }
    %scan3A_94 = arith.constant 256 : i32
    %add3A_95 = arith.constant 65536 : i32
    %add3A_96 = arith.addi %mul3A_2, %add3A_95 : i32
    %while3A_97 = arith.constant 0 : i32
    %while3A_98 = arith.constant 0 : i32
    %while3A_99 = arith.subi %min3A_28, %while3A_98 : i32
    %while3A_100 = arith.addi %while3A_98, %while3A_99 : i32
    %while3A_101 = arith.constant 1 : i32
    %while3A_102 = arith.divsi %while3A_99, %while3A_101 : i32
    %while3A_103 = arith.muli %while3A_102, %while3A_101 : i32
    %while3A_104 = arith.addi %while3A_98, %while3A_103 : i32
    %while3A_105 = arith.constant 1 : i32
    scf.for %while3A_513 = %while3A_98 to %while3A_104 step %while3A_105  : i32 {
      %mul3A_514 = arith.constant 16 : i32
      %mul3A_515 = arith.muli %while3A_513, %mul3A_514 : i32
      %get3A_516 = arith.index_cast %mul3A_515 : i32 to index
      %get3A_517 = tpu.vector_load %arg6[%get3A_516] {strides = array<i32>} : memref<8208xi32, #tpu.memory_space<vmem>>, vector<16xi32>,
      %mul3A_518 = arith.constant 16 : i32
      %mul3A_519 = arith.muli %while3A_513, %mul3A_518 : i32
      %add3A_520 = arith.constant 1 : i32
      %add3A_521 = arith.addi %mul3A_519, %add3A_520 : i32
      %get3A_522 = arith.index_cast %add3A_521 : i32 to index
      %get3A_523 = tpu.vector_load %arg6[%get3A_522] {strides = array<i32>} : memref<8208xi32, #tpu.memory_space<vmem>>, vector<16xi32>,
      %mul3A_524 = arith.constant 16 : i32
      %mul3A_525 = arith.muli %while3A_513, %mul3A_524 : i32
      %get3A_526 = arith.index_cast %mul3A_525 : i32 to index
      %get3A_527 = tpu.vector_load %arg7[%get3A_526] {strides = array<i32>} : memref<8208xf32, #tpu.memory_space<vmem>>, vector<16xf32>,
      %sub3A_528 = vector.broadcast %add3A_96 : i32 to vector<16xi32>
      %sub3A_529 = arith.subi %get3A_517, %sub3A_528 : vector<16xi32>
      %lt3A = arith.constant 32768 : i32
      %lt3A_530 = vector.broadcast %lt3A : i32 to vector<16xi32>
      %lt3A_531 = arith.cmpi ult, %sub3A_529, %lt3A_530 : vector<16xi32>
      %ne3A_532 = arith.cmpi ne, %get3A_517, %get3A_523 : vector<16xi32>
      %and3A_533 = arith.andi %lt3A_531, %ne3A_532 : vector<16xi1>
      %shift_right_logical3A = arith.constant 12 : i32
      %shift_right_logical3A_534 = vector.broadcast %shift_right_logical3A : i32 to vector<16xi32>
      %shift_right_logical3A_535 = arith.shrui %sub3A_529, %shift_right_logical3A_534 : vector<16xi32>
      %and3A_536 = arith.constant 4095 : i32
      %and3A_537 = vector.broadcast %and3A_536 : i32 to vector<16xi32>
      %and3A_538 = arith.andi %sub3A_529, %and3A_537 : vector<16xi32>
      tpu.vector_store_idx %arg8[%shift_right_logical3A_535, %and3A_538], %get3A_527 masked %and3A_533 : memref<8x4096xf32, #tpu.memory_space<vmem>>[vector<16xi32>, vector<16xi32>], vector<16xf32>, vector<16xi1>
    }
    %while3A_106 = arith.constant 1 : i32
    scf.for %while3A_513 = %while3A_104 to %while3A_100 step %while3A_106  : i32 {
      %mul3A_514 = arith.constant 16 : i32
      %mul3A_515 = arith.muli %while3A_513, %mul3A_514 : i32
      %get3A_516 = arith.index_cast %mul3A_515 : i32 to index
      %get3A_517 = tpu.vector_load %arg6[%get3A_516] {strides = array<i32>} : memref<8208xi32, #tpu.memory_space<vmem>>, vector<16xi32>,
      %mul3A_518 = arith.constant 16 : i32
      %mul3A_519 = arith.muli %while3A_513, %mul3A_518 : i32
      %add3A_520 = arith.constant 1 : i32
      %add3A_521 = arith.addi %mul3A_519, %add3A_520 : i32
      %get3A_522 = arith.index_cast %add3A_521 : i32 to index
      %get3A_523 = tpu.vector_load %arg6[%get3A_522] {strides = array<i32>} : memref<8208xi32, #tpu.memory_space<vmem>>, vector<16xi32>,
      %mul3A_524 = arith.constant 16 : i32
      %mul3A_525 = arith.muli %while3A_513, %mul3A_524 : i32
      %get3A_526 = arith.index_cast %mul3A_525 : i32 to index
      %get3A_527 = tpu.vector_load %arg7[%get3A_526] {strides = array<i32>} : memref<8208xf32, #tpu.memory_space<vmem>>, vector<16xf32>,
      %sub3A_528 = vector.broadcast %add3A_96 : i32 to vector<16xi32>
      %sub3A_529 = arith.subi %get3A_517, %sub3A_528 : vector<16xi32>
      %lt3A = arith.constant 32768 : i32
      %lt3A_530 = vector.broadcast %lt3A : i32 to vector<16xi32>
      %lt3A_531 = arith.cmpi ult, %sub3A_529, %lt3A_530 : vector<16xi32>
      %ne3A_532 = arith.cmpi ne, %get3A_517, %get3A_523 : vector<16xi32>
      %and3A_533 = arith.andi %lt3A_531, %ne3A_532 : vector<16xi1>
      %shift_right_logical3A = arith.constant 12 : i32
      %shift_right_logical3A_534 = vector.broadcast %shift_right_logical3A : i32 to vector<16xi32>
      %shift_right_logical3A_535 = arith.shrui %sub3A_529, %shift_right_logical3A_534 : vector<16xi32>
      %and3A_536 = arith.constant 4095 : i32
      %and3A_537 = vector.broadcast %and3A_536 : i32 to vector<16xi32>
      %and3A_538 = arith.andi %sub3A_529, %and3A_537 : vector<16xi32>
      tpu.vector_store_idx %arg8[%shift_right_logical3A_535, %and3A_538], %get3A_527 masked %and3A_533 : memref<8x4096xf32, #tpu.memory_space<vmem>>[vector<16xi32>, vector<16xi32>], vector<16xf32>, vector<16xi1>
    }
    %mul3A_107 = arith.constant 128 : i32
    %mul3A_108 = arith.muli %add3A, %mul3A_107 : i32
    %add3A_109 = arith.constant 16 : i32
    %add3A_110 = arith.addi %mul3A_108, %add3A_109 : i32
    %dma_start3A_111 = arith.constant 0 : i32
    %dma_start3A_112 = tpu.memref_slice %arg5[%add3A_110, %dma_start3A_111] : memref<4096x4096xf32, #tpu.memory_space<hbm>> -> memref<8x4096xf32, #tpu.memory_space<hbm>>
    %dma_start3A_113 = arith.constant 0 : i32
    %dma_start3A_114 = tpu.memref_slice %arg5[%add3A_110, %dma_start3A_113] : memref<4096x4096xf32, #tpu.memory_space<hbm>> -> memref<8x4096xf32, #tpu.memory_space<hbm>>
    tpu.enqueue_dma source(%arg8 : memref<8x4096xf32, #tpu.memory_space<vmem>>) target(%dma_start3A_114 : memref<8x4096xf32, #tpu.memory_space<hbm>>) target_semaphore(%arg12 : memref<!tpu.dma_semaphore, #tpu.memory_space<semaphore_mem>>)
    %dma_wait3A_115 = arith.constant 0 : i32
    %dma_wait3A_116 = tpu.memref_slice %arg5[%add3A_80, %dma_wait3A_115] : memref<4096x4096xf32, #tpu.memory_space<hbm>> -> memref<8x4096xf32, #tpu.memory_space<hbm>>
    %dma_wait3A_117 = arith.constant 0 : i32
    %dma_wait3A_118 = tpu.memref_slice %arg5[%add3A_80, %dma_wait3A_117] : memref<4096x4096xf32, #tpu.memory_space<hbm>> -> memref<8x4096xf32, #tpu.memory_space<hbm>>
    tpu.wait_dma2 semaphore(%arg12 : memref<!tpu.dma_semaphore, #tpu.memory_space<semaphore_mem>>) src(%arg9 : memref<8x4096xf32, #tpu.memory_space<vmem>>) dst(%dma_wait3A_118 : memref<8x4096xf32, #tpu.memory_space<hbm>>)
    %scan3A_119 = arith.constant 0 : i32
    %scan3A_120 = arith.constant 0 : i32
    %scan3A_121 = arith.constant 256 : i32
    %scan3A_122 = arith.addi %scan3A_120, %scan3A_121 : i32
    %scan3A_123 = arith.constant 1 : i32
    scf.for %scan3A_513 = %scan3A_120 to %scan3A_122 step %scan3A_123  : i32 {
      %jit3A_514 = arith.constant 32 : i32
      %div3A_515 = arith.divsi %scan3A_513, %jit3A_514 : i32
      %sign3A_516 = arith.constant 0 : i32
      %sign3A_517 = arith.cmpi sgt, %scan3A_513, %sign3A_516 : i32
      %sign3A_518 = arith.extui %sign3A_517 : i1 to i32
      %sign3A_519 = arith.constant 0 : i32
      %sign3A_520 = arith.cmpi slt, %scan3A_513, %sign3A_519 : i32
      %sign3A_521 = arith.extui %sign3A_520 : i1 to i32
      %sign3A_522 = arith.subi %sign3A_518, %sign3A_521 : i32
      %sign3A_523 = arith.constant 0 : i32
      %sign3A_524 = arith.cmpi sgt, %jit3A_514, %sign3A_523 : i32
      %sign3A_525 = arith.extui %sign3A_524 : i1 to i32
      %sign3A_526 = arith.constant 0 : i32
      %sign3A_527 = arith.cmpi slt, %jit3A_514, %sign3A_526 : i32
      %sign3A_528 = arith.extui %sign3A_527 : i1 to i32
      %sign3A_529 = arith.subi %sign3A_525, %sign3A_528 : i32
      %ne3A_530 = arith.cmpi ne, %sign3A_522, %sign3A_529 : i32
      %rem3A_531 = arith.remsi %scan3A_513, %jit3A_514 : i32
      %ne3A_532 = arith.constant 0 : i32
      %ne3A_533 = arith.cmpi ne, %rem3A_531, %ne3A_532 : i32
      %and3A_534 = arith.andi %ne3A_530, %ne3A_533 : i1
      %sub3A_535 = arith.constant 1 : i32
      %sub3A_536 = arith.subi %div3A_515, %sub3A_535 : i32
      %select_n3A_537 = arith.select %and3A_534, %sub3A_536, %div3A_515 : i32
      %jit3A_538 = arith.constant 32 : i32
      %eq3A = arith.constant 0 : i32
      %eq3A_539 = arith.cmpi eq, %jit3A_538, %eq3A : i32
      %jit3A_540 = arith.constant 1 : i32
      %select_n3A_541 = arith.select %eq3A_539, %jit3A_540, %jit3A_538 : i32
      %rem3A_542 = arith.remsi %scan3A_513, %select_n3A_541 : i32
      %ne3A_543 = arith.constant 0 : i32
      %ne3A_544 = arith.cmpi ne, %rem3A_542, %ne3A_543 : i32
      %lt3A = arith.constant 0 : i32
      %lt3A_545 = arith.cmpi slt, %rem3A_542, %lt3A : i32
      %lt3A_546 = arith.constant 0 : i32
      %lt3A_547 = arith.cmpi slt, %select_n3A_541, %lt3A_546 : i32
      %ne3A_548 = arith.xori %lt3A_545, %lt3A_547 : i1
      %and3A_549 = arith.andi %ne3A_548, %ne3A_544 : i1
      %add3A_550 = arith.addi %rem3A_542, %select_n3A_541 : i32
      %select_n3A_551 = arith.select %and3A_549, %add3A_550, %rem3A_542 : i32
      %mul3A_552 = arith.constant 8 : i32
      %mul3A_553 = arith.muli %select_n3A_551, %mul3A_552 : i32
      %add3A_554 = arith.constant 0 : i32
      %add3A_555 = arith.addi %mul3A_553, %add3A_554 : i32
      %mul3A_556 = arith.constant 16 : i32
      %mul3A_557 = arith.muli %add3A_555, %mul3A_556 : i32
      %swap3A = arith.index_cast %select_n3A_537 : i32 to index
      %swap3A_558 = arith.index_cast %mul3A_557 : i32 to index
      %swap3A_559 = tpu.vector_load %arg9[%swap3A, %swap3A_558] {strides = array<i32>} : memref<8x4096xf32, #tpu.memory_space<vmem>>, vector<16xf32>,
      tpu.vector_store %arg9[%swap3A, %swap3A_558], %broadcast_in_dim3A_3 {strides = array<i32>} : memref<8x4096xf32, #tpu.memory_space<vmem>>, vector<16xf32>,
      %mul3A_560 = arith.constant 8 : i32
      %mul3A_561 = arith.muli %select_n3A_551, %mul3A_560 : i32
      %add3A_562 = arith.constant 1 : i32
      %add3A_563 = arith.addi %mul3A_561, %add3A_562 : i32
      %mul3A_564 = arith.constant 16 : i32
      %mul3A_565 = arith.muli %add3A_563, %mul3A_564 : i32
      %swap3A_566 = arith.index_cast %select_n3A_537 : i32 to index
      %swap3A_567 = arith.index_cast %mul3A_565 : i32 to index
      %swap3A_568 = tpu.vector_load %arg9[%swap3A_566, %swap3A_567] {strides = array<i32>} : memref<8x4096xf32, #tpu.memory_space<vmem>>, vector<16xf32>,
      tpu.vector_store %arg9[%swap3A_566, %swap3A_567], %broadcast_in_dim3A_3 {strides = array<i32>} : memref<8x4096xf32, #tpu.memory_space<vmem>>, vector<16xf32>,
      %mul3A_569 = arith.constant 8 : i32
      %mul3A_570 = arith.muli %select_n3A_551, %mul3A_569 : i32
      %add3A_571 = arith.constant 2 : i32
      %add3A_572 = arith.addi %mul3A_570, %add3A_571 : i32
      %mul3A_573 = arith.constant 16 : i32
      %mul3A_574 = arith.muli %add3A_572, %mul3A_573 : i32
      %swap3A_575 = arith.index_cast %select_n3A_537 : i32 to index
      %swap3A_576 = arith.index_cast %mul3A_574 : i32 to index
      %swap3A_577 = tpu.vector_load %arg9[%swap3A_575, %swap3A_576] {strides = array<i32>} : memref<8x4096xf32, #tpu.memory_space<vmem>>, vector<16xf32>,
      tpu.vector_store %arg9[%swap3A_575, %swap3A_576], %broadcast_in_dim3A_3 {strides = array<i32>} : memref<8x4096xf32, #tpu.memory_space<vmem>>, vector<16xf32>,
      %mul3A_578 = arith.constant 8 : i32
      %mul3A_579 = arith.muli %select_n3A_551, %mul3A_578 : i32
      %add3A_580 = arith.constant 3 : i32
      %add3A_581 = arith.addi %mul3A_579, %add3A_580 : i32
      %mul3A_582 = arith.constant 16 : i32
      %mul3A_583 = arith.muli %add3A_581, %mul3A_582 : i32
      %swap3A_584 = arith.index_cast %select_n3A_537 : i32 to index
      %swap3A_585 = arith.index_cast %mul3A_583 : i32 to index
      %swap3A_586 = tpu.vector_load %arg9[%swap3A_584, %swap3A_585] {strides = array<i32>} : memref<8x4096xf32, #tpu.memory_space<vmem>>, vector<16xf32>,
      tpu.vector_store %arg9[%swap3A_584, %swap3A_585], %broadcast_in_dim3A_3 {strides = array<i32>} : memref<8x4096xf32, #tpu.memory_space<vmem>>, vector<16xf32>,
      %mul3A_587 = arith.constant 8 : i32
      %mul3A_588 = arith.muli %select_n3A_551, %mul3A_587 : i32
      %add3A_589 = arith.constant 4 : i32
      %add3A_590 = arith.addi %mul3A_588, %add3A_589 : i32
      %mul3A_591 = arith.constant 16 : i32
      %mul3A_592 = arith.muli %add3A_590, %mul3A_591 : i32
      %swap3A_593 = arith.index_cast %select_n3A_537 : i32 to index
      %swap3A_594 = arith.index_cast %mul3A_592 : i32 to index
      %swap3A_595 = tpu.vector_load %arg9[%swap3A_593, %swap3A_594] {strides = array<i32>} : memref<8x4096xf32, #tpu.memory_space<vmem>>, vector<16xf32>,
      tpu.vector_store %arg9[%swap3A_593, %swap3A_594], %broadcast_in_dim3A_3 {strides = array<i32>} : memref<8x4096xf32, #tpu.memory_space<vmem>>, vector<16xf32>,
      %mul3A_596 = arith.constant 8 : i32
      %mul3A_597 = arith.muli %select_n3A_551, %mul3A_596 : i32
      %add3A_598 = arith.constant 5 : i32
      %add3A_599 = arith.addi %mul3A_597, %add3A_598 : i32
      %mul3A_600 = arith.constant 16 : i32
      %mul3A_601 = arith.muli %add3A_599, %mul3A_600 : i32
      %swap3A_602 = arith.index_cast %select_n3A_537 : i32 to index
      %swap3A_603 = arith.index_cast %mul3A_601 : i32 to index
      %swap3A_604 = tpu.vector_load %arg9[%swap3A_602, %swap3A_603] {strides = array<i32>} : memref<8x4096xf32, #tpu.memory_space<vmem>>, vector<16xf32>,
      tpu.vector_store %arg9[%swap3A_602, %swap3A_603], %broadcast_in_dim3A_3 {strides = array<i32>} : memref<8x4096xf32, #tpu.memory_space<vmem>>, vector<16xf32>,
      %mul3A_605 = arith.constant 8 : i32
      %mul3A_606 = arith.muli %select_n3A_551, %mul3A_605 : i32
      %add3A_607 = arith.constant 6 : i32
      %add3A_608 = arith.addi %mul3A_606, %add3A_607 : i32
      %mul3A_609 = arith.constant 16 : i32
      %mul3A_610 = arith.muli %add3A_608, %mul3A_609 : i32
      %swap3A_611 = arith.index_cast %select_n3A_537 : i32 to index
      %swap3A_612 = arith.index_cast %mul3A_610 : i32 to index
      %swap3A_613 = tpu.vector_load %arg9[%swap3A_611, %swap3A_612] {strides = array<i32>} : memref<8x4096xf32, #tpu.memory_space<vmem>>, vector<16xf32>,
      tpu.vector_store %arg9[%swap3A_611, %swap3A_612], %broadcast_in_dim3A_3 {strides = array<i32>} : memref<8x4096xf32, #tpu.memory_space<vmem>>, vector<16xf32>,
      %mul3A_614 = arith.constant 8 : i32
      %mul3A_615 = arith.muli %select_n3A_551, %mul3A_614 : i32
      %add3A_616 = arith.constant 7 : i32
      %add3A_617 = arith.addi %mul3A_615, %add3A_616 : i32
      %mul3A_618 = arith.constant 16 : i32
      %mul3A_619 = arith.muli %add3A_617, %mul3A_618 : i32
      %swap3A_620 = arith.index_cast %select_n3A_537 : i32 to index
      %swap3A_621 = arith.index_cast %mul3A_619 : i32 to index
      %swap3A_622 = tpu.vector_load %arg9[%swap3A_620, %swap3A_621] {strides = array<i32>} : memref<8x4096xf32, #tpu.memory_space<vmem>>, vector<16xf32>,
      tpu.vector_store %arg9[%swap3A_620, %swap3A_621], %broadcast_in_dim3A_3 {strides = array<i32>} : memref<8x4096xf32, #tpu.memory_space<vmem>>, vector<16xf32>,
    }
    %scan3A_124 = arith.constant 256 : i32
    %add3A_125 = arith.constant 98304 : i32
    %add3A_126 = arith.addi %mul3A_2, %add3A_125 : i32
    %while3A_127 = arith.constant 0 : i32
    %while3A_128 = arith.constant 0 : i32
    %while3A_129 = arith.subi %min3A_28, %while3A_128 : i32
    %while3A_130 = arith.addi %while3A_128, %while3A_129 : i32
    %while3A_131 = arith.constant 1 : i32
    %while3A_132 = arith.divsi %while3A_129, %while3A_131 : i32
    %while3A_133 = arith.muli %while3A_132, %while3A_131 : i32
    %while3A_134 = arith.addi %while3A_128, %while3A_133 : i32
    %while3A_135 = arith.constant 1 : i32
    scf.for %while3A_513 = %while3A_128 to %while3A_134 step %while3A_135  : i32 {
      %mul3A_514 = arith.constant 16 : i32
      %mul3A_515 = arith.muli %while3A_513, %mul3A_514 : i32
      %get3A_516 = arith.index_cast %mul3A_515 : i32 to index
      %get3A_517 = tpu.vector_load %arg6[%get3A_516] {strides = array<i32>} : memref<8208xi32, #tpu.memory_space<vmem>>, vector<16xi32>,
      %mul3A_518 = arith.constant 16 : i32
      %mul3A_519 = arith.muli %while3A_513, %mul3A_518 : i32
      %add3A_520 = arith.constant 1 : i32
      %add3A_521 = arith.addi %mul3A_519, %add3A_520 : i32
      %get3A_522 = arith.index_cast %add3A_521 : i32 to index
      %get3A_523 = tpu.vector_load %arg6[%get3A_522] {strides = array<i32>} : memref<8208xi32, #tpu.memory_space<vmem>>, vector<16xi32>,
      %mul3A_524 = arith.constant 16 : i32
      %mul3A_525 = arith.muli %while3A_513, %mul3A_524 : i32
      %get3A_526 = arith.index_cast %mul3A_525 : i32 to index
      %get3A_527 = tpu.vector_load %arg7[%get3A_526] {strides = array<i32>} : memref<8208xf32, #tpu.memory_space<vmem>>, vector<16xf32>,
      %sub3A_528 = vector.broadcast %add3A_126 : i32 to vector<16xi32>
      %sub3A_529 = arith.subi %get3A_517, %sub3A_528 : vector<16xi32>
      %lt3A = arith.constant 32768 : i32
      %lt3A_530 = vector.broadcast %lt3A : i32 to vector<16xi32>
      %lt3A_531 = arith.cmpi ult, %sub3A_529, %lt3A_530 : vector<16xi32>
      %ne3A_532 = arith.cmpi ne, %get3A_517, %get3A_523 : vector<16xi32>
      %and3A_533 = arith.andi %lt3A_531, %ne3A_532 : vector<16xi1>
      %shift_right_logical3A = arith.constant 12 : i32
      %shift_right_logical3A_534 = vector.broadcast %shift_right_logical3A : i32 to vector<16xi32>
      %shift_right_logical3A_535 = arith.shrui %sub3A_529, %shift_right_logical3A_534 : vector<16xi32>
      %and3A_536 = arith.constant 4095 : i32
      %and3A_537 = vector.broadcast %and3A_536 : i32 to vector<16xi32>
      %and3A_538 = arith.andi %sub3A_529, %and3A_537 : vector<16xi32>
      tpu.vector_store_idx %arg9[%shift_right_logical3A_535, %and3A_538], %get3A_527 masked %and3A_533 : memref<8x4096xf32, #tpu.memory_space<vmem>>[vector<16xi32>, vector<16xi32>], vector<16xf32>, vector<16xi1>
    }
    %while3A_136 = arith.constant 1 : i32
    scf.for %while3A_513 = %while3A_134 to %while3A_130 step %while3A_136  : i32 {
      %mul3A_514 = arith.constant 16 : i32
      %mul3A_515 = arith.muli %while3A_513, %mul3A_514 : i32
      %get3A_516 = arith.index_cast %mul3A_515 : i32 to index
      %get3A_517 = tpu.vector_load %arg6[%get3A_516] {strides = array<i32>} : memref<8208xi32, #tpu.memory_space<vmem>>, vector<16xi32>,
      %mul3A_518 = arith.constant 16 : i32
      %mul3A_519 = arith.muli %while3A_513, %mul3A_518 : i32
      %add3A_520 = arith.constant 1 : i32
      %add3A_521 = arith.addi %mul3A_519, %add3A_520 : i32
      %get3A_522 = arith.index_cast %add3A_521 : i32 to index
      %get3A_523 = tpu.vector_load %arg6[%get3A_522] {strides = array<i32>} : memref<8208xi32, #tpu.memory_space<vmem>>, vector<16xi32>,
      %mul3A_524 = arith.constant 16 : i32
      %mul3A_525 = arith.muli %while3A_513, %mul3A_524 : i32
      %get3A_526 = arith.index_cast %mul3A_525 : i32 to index
      %get3A_527 = tpu.vector_load %arg7[%get3A_526] {strides = array<i32>} : memref<8208xf32, #tpu.memory_space<vmem>>, vector<16xf32>,
      %sub3A_528 = vector.broadcast %add3A_126 : i32 to vector<16xi32>
      %sub3A_529 = arith.subi %get3A_517, %sub3A_528 : vector<16xi32>
      %lt3A = arith.constant 32768 : i32
      %lt3A_530 = vector.broadcast %lt3A : i32 to vector<16xi32>
      %lt3A_531 = arith.cmpi ult, %sub3A_529, %lt3A_530 : vector<16xi32>
      %ne3A_532 = arith.cmpi ne, %get3A_517, %get3A_523 : vector<16xi32>
      %and3A_533 = arith.andi %lt3A_531, %ne3A_532 : vector<16xi1>
      %shift_right_logical3A = arith.constant 12 : i32
      %shift_right_logical3A_534 = vector.broadcast %shift_right_logical3A : i32 to vector<16xi32>
      %shift_right_logical3A_535 = arith.shrui %sub3A_529, %shift_right_logical3A_534 : vector<16xi32>
      %and3A_536 = arith.constant 4095 : i32
      %and3A_537 = vector.broadcast %and3A_536 : i32 to vector<16xi32>
      %and3A_538 = arith.andi %sub3A_529, %and3A_537 : vector<16xi32>
      tpu.vector_store_idx %arg9[%shift_right_logical3A_535, %and3A_538], %get3A_527 masked %and3A_533 : memref<8x4096xf32, #tpu.memory_space<vmem>>[vector<16xi32>, vector<16xi32>], vector<16xf32>, vector<16xi1>
    }
    %mul3A_137 = arith.constant 128 : i32
    %mul3A_138 = arith.muli %add3A, %mul3A_137 : i32
    %add3A_139 = arith.constant 24 : i32
    %add3A_140 = arith.addi %mul3A_138, %add3A_139 : i32
    %dma_start3A_141 = arith.constant 0 : i32
    %dma_start3A_142 = tpu.memref_slice %arg5[%add3A_140, %dma_start3A_141] : memref<4096x4096xf32, #tpu.memory_space<hbm>> -> memref<8x4096xf32, #tpu.memory_space<hbm>>
    %dma_start3A_143 = arith.constant 0 : i32
    %dma_start3A_144 = tpu.memref_slice %arg5[%add3A_140, %dma_start3A_143] : memref<4096x4096xf32, #tpu.memory_space<hbm>> -> memref<8x4096xf32, #tpu.memory_space<hbm>>
    tpu.enqueue_dma source(%arg9 : memref<8x4096xf32, #tpu.memory_space<vmem>>) target(%dma_start3A_144 : memref<8x4096xf32, #tpu.memory_space<hbm>>) target_semaphore(%arg12 : memref<!tpu.dma_semaphore, #tpu.memory_space<semaphore_mem>>)
    %dma_wait3A_145 = arith.constant 0 : i32
    %dma_wait3A_146 = tpu.memref_slice %arg5[%add3A_110, %dma_wait3A_145] : memref<4096x4096xf32, #tpu.memory_space<hbm>> -> memref<8x4096xf32, #tpu.memory_space<hbm>>
    %dma_wait3A_147 = arith.constant 0 : i32
    %dma_wait3A_148 = tpu.memref_slice %arg5[%add3A_110, %dma_wait3A_147] : memref<4096x4096xf32, #tpu.memory_space<hbm>> -> memref<8x4096xf32, #tpu.memory_space<hbm>>
    tpu.wait_dma2 semaphore(%arg12 : memref<!tpu.dma_semaphore, #tpu.memory_space<semaphore_mem>>) src(%arg8 : memref<8x4096xf32, #tpu.memory_space<vmem>>) dst(%dma_wait3A_148 : memref<8x4096xf32, #tpu.memory_space<hbm>>)
    %scan3A_149 = arith.constant 0 : i32
    %scan3A_150 = arith.constant 0 : i32
    %scan3A_151 = arith.constant 256 : i32
    %scan3A_152 = arith.addi %scan3A_150, %scan3A_151 : i32
    %scan3A_153 = arith.constant 1 : i32
    scf.for %scan3A_513 = %scan3A_150 to %scan3A_152 step %scan3A_153  : i32 {
      %jit3A_514 = arith.constant 32 : i32
      %div3A_515 = arith.divsi %scan3A_513, %jit3A_514 : i32
      %sign3A_516 = arith.constant 0 : i32
      %sign3A_517 = arith.cmpi sgt, %scan3A_513, %sign3A_516 : i32
      %sign3A_518 = arith.extui %sign3A_517 : i1 to i32
      %sign3A_519 = arith.constant 0 : i32
      %sign3A_520 = arith.cmpi slt, %scan3A_513, %sign3A_519 : i32
      %sign3A_521 = arith.extui %sign3A_520 : i1 to i32
      %sign3A_522 = arith.subi %sign3A_518, %sign3A_521 : i32
      %sign3A_523 = arith.constant 0 : i32
      %sign3A_524 = arith.cmpi sgt, %jit3A_514, %sign3A_523 : i32
      %sign3A_525 = arith.extui %sign3A_524 : i1 to i32
      %sign3A_526 = arith.constant 0 : i32
      %sign3A_527 = arith.cmpi slt, %jit3A_514, %sign3A_526 : i32
      %sign3A_528 = arith.extui %sign3A_527 : i1 to i32
      %sign3A_529 = arith.subi %sign3A_525, %sign3A_528 : i32
      %ne3A_530 = arith.cmpi ne, %sign3A_522, %sign3A_529 : i32
      %rem3A_531 = arith.remsi %scan3A_513, %jit3A_514 : i32
      %ne3A_532 = arith.constant 0 : i32
      %ne3A_533 = arith.cmpi ne, %rem3A_531, %ne3A_532 : i32
      %and3A_534 = arith.andi %ne3A_530, %ne3A_533 : i1
      %sub3A_535 = arith.constant 1 : i32
      %sub3A_536 = arith.subi %div3A_515, %sub3A_535 : i32
      %select_n3A_537 = arith.select %and3A_534, %sub3A_536, %div3A_515 : i32
      %jit3A_538 = arith.constant 32 : i32
      %eq3A = arith.constant 0 : i32
      %eq3A_539 = arith.cmpi eq, %jit3A_538, %eq3A : i32
      %jit3A_540 = arith.constant 1 : i32
      %select_n3A_541 = arith.select %eq3A_539, %jit3A_540, %jit3A_538 : i32
      %rem3A_542 = arith.remsi %scan3A_513, %select_n3A_541 : i32
      %ne3A_543 = arith.constant 0 : i32
      %ne3A_544 = arith.cmpi ne, %rem3A_542, %ne3A_543 : i32
      %lt3A = arith.constant 0 : i32
      %lt3A_545 = arith.cmpi slt, %rem3A_542, %lt3A : i32
      %lt3A_546 = arith.constant 0 : i32
      %lt3A_547 = arith.cmpi slt, %select_n3A_541, %lt3A_546 : i32
      %ne3A_548 = arith.xori %lt3A_545, %lt3A_547 : i1
      %and3A_549 = arith.andi %ne3A_548, %ne3A_544 : i1
      %add3A_550 = arith.addi %rem3A_542, %select_n3A_541 : i32
      %select_n3A_551 = arith.select %and3A_549, %add3A_550, %rem3A_542 : i32
      %mul3A_552 = arith.constant 8 : i32
      %mul3A_553 = arith.muli %select_n3A_551, %mul3A_552 : i32
      %add3A_554 = arith.constant 0 : i32
      %add3A_555 = arith.addi %mul3A_553, %add3A_554 : i32
      %mul3A_556 = arith.constant 16 : i32
      %mul3A_557 = arith.muli %add3A_555, %mul3A_556 : i32
      %swap3A = arith.index_cast %select_n3A_537 : i32 to index
      %swap3A_558 = arith.index_cast %mul3A_557 : i32 to index
      %swap3A_559 = tpu.vector_load %arg8[%swap3A, %swap3A_558] {strides = array<i32>} : memref<8x4096xf32, #tpu.memory_space<vmem>>, vector<16xf32>,
      tpu.vector_store %arg8[%swap3A, %swap3A_558], %broadcast_in_dim3A_3 {strides = array<i32>} : memref<8x4096xf32, #tpu.memory_space<vmem>>, vector<16xf32>,
      %mul3A_560 = arith.constant 8 : i32
      %mul3A_561 = arith.muli %select_n3A_551, %mul3A_560 : i32
      %add3A_562 = arith.constant 1 : i32
      %add3A_563 = arith.addi %mul3A_561, %add3A_562 : i32
      %mul3A_564 = arith.constant 16 : i32
      %mul3A_565 = arith.muli %add3A_563, %mul3A_564 : i32
      %swap3A_566 = arith.index_cast %select_n3A_537 : i32 to index
      %swap3A_567 = arith.index_cast %mul3A_565 : i32 to index
      %swap3A_568 = tpu.vector_load %arg8[%swap3A_566, %swap3A_567] {strides = array<i32>} : memref<8x4096xf32, #tpu.memory_space<vmem>>, vector<16xf32>,
      tpu.vector_store %arg8[%swap3A_566, %swap3A_567], %broadcast_in_dim3A_3 {strides = array<i32>} : memref<8x4096xf32, #tpu.memory_space<vmem>>, vector<16xf32>,
      %mul3A_569 = arith.constant 8 : i32
      %mul3A_570 = arith.muli %select_n3A_551, %mul3A_569 : i32
      %add3A_571 = arith.constant 2 : i32
      %add3A_572 = arith.addi %mul3A_570, %add3A_571 : i32
      %mul3A_573 = arith.constant 16 : i32
      %mul3A_574 = arith.muli %add3A_572, %mul3A_573 : i32
      %swap3A_575 = arith.index_cast %select_n3A_537 : i32 to index
      %swap3A_576 = arith.index_cast %mul3A_574 : i32 to index
      %swap3A_577 = tpu.vector_load %arg8[%swap3A_575, %swap3A_576] {strides = array<i32>} : memref<8x4096xf32, #tpu.memory_space<vmem>>, vector<16xf32>,
      tpu.vector_store %arg8[%swap3A_575, %swap3A_576], %broadcast_in_dim3A_3 {strides = array<i32>} : memref<8x4096xf32, #tpu.memory_space<vmem>>, vector<16xf32>,
      %mul3A_578 = arith.constant 8 : i32
      %mul3A_579 = arith.muli %select_n3A_551, %mul3A_578 : i32
      %add3A_580 = arith.constant 3 : i32
      %add3A_581 = arith.addi %mul3A_579, %add3A_580 : i32
      %mul3A_582 = arith.constant 16 : i32
      %mul3A_583 = arith.muli %add3A_581, %mul3A_582 : i32
      %swap3A_584 = arith.index_cast %select_n3A_537 : i32 to index
      %swap3A_585 = arith.index_cast %mul3A_583 : i32 to index
      %swap3A_586 = tpu.vector_load %arg8[%swap3A_584, %swap3A_585] {strides = array<i32>} : memref<8x4096xf32, #tpu.memory_space<vmem>>, vector<16xf32>,
      tpu.vector_store %arg8[%swap3A_584, %swap3A_585], %broadcast_in_dim3A_3 {strides = array<i32>} : memref<8x4096xf32, #tpu.memory_space<vmem>>, vector<16xf32>,
      %mul3A_587 = arith.constant 8 : i32
      %mul3A_588 = arith.muli %select_n3A_551, %mul3A_587 : i32
      %add3A_589 = arith.constant 4 : i32
      %add3A_590 = arith.addi %mul3A_588, %add3A_589 : i32
      %mul3A_591 = arith.constant 16 : i32
      %mul3A_592 = arith.muli %add3A_590, %mul3A_591 : i32
      %swap3A_593 = arith.index_cast %select_n3A_537 : i32 to index
      %swap3A_594 = arith.index_cast %mul3A_592 : i32 to index
      %swap3A_595 = tpu.vector_load %arg8[%swap3A_593, %swap3A_594] {strides = array<i32>} : memref<8x4096xf32, #tpu.memory_space<vmem>>, vector<16xf32>,
      tpu.vector_store %arg8[%swap3A_593, %swap3A_594], %broadcast_in_dim3A_3 {strides = array<i32>} : memref<8x4096xf32, #tpu.memory_space<vmem>>, vector<16xf32>,
      %mul3A_596 = arith.constant 8 : i32
      %mul3A_597 = arith.muli %select_n3A_551, %mul3A_596 : i32
      %add3A_598 = arith.constant 5 : i32
      %add3A_599 = arith.addi %mul3A_597, %add3A_598 : i32
      %mul3A_600 = arith.constant 16 : i32
      %mul3A_601 = arith.muli %add3A_599, %mul3A_600 : i32
      %swap3A_602 = arith.index_cast %select_n3A_537 : i32 to index
      %swap3A_603 = arith.index_cast %mul3A_601 : i32 to index
      %swap3A_604 = tpu.vector_load %arg8[%swap3A_602, %swap3A_603] {strides = array<i32>} : memref<8x4096xf32, #tpu.memory_space<vmem>>, vector<16xf32>,
      tpu.vector_store %arg8[%swap3A_602, %swap3A_603], %broadcast_in_dim3A_3 {strides = array<i32>} : memref<8x4096xf32, #tpu.memory_space<vmem>>, vector<16xf32>,
      %mul3A_605 = arith.constant 8 : i32
      %mul3A_606 = arith.muli %select_n3A_551, %mul3A_605 : i32
      %add3A_607 = arith.constant 6 : i32
      %add3A_608 = arith.addi %mul3A_606, %add3A_607 : i32
      %mul3A_609 = arith.constant 16 : i32
      %mul3A_610 = arith.muli %add3A_608, %mul3A_609 : i32
      %swap3A_611 = arith.index_cast %select_n3A_537 : i32 to index
      %swap3A_612 = arith.index_cast %mul3A_610 : i32 to index
      %swap3A_613 = tpu.vector_load %arg8[%swap3A_611, %swap3A_612] {strides = array<i32>} : memref<8x4096xf32, #tpu.memory_space<vmem>>, vector<16xf32>,
      tpu.vector_store %arg8[%swap3A_611, %swap3A_612], %broadcast_in_dim3A_3 {strides = array<i32>} : memref<8x4096xf32, #tpu.memory_space<vmem>>, vector<16xf32>,
      %mul3A_614 = arith.constant 8 : i32
      %mul3A_615 = arith.muli %select_n3A_551, %mul3A_614 : i32
      %add3A_616 = arith.constant 7 : i32
      %add3A_617 = arith.addi %mul3A_615, %add3A_616 : i32
      %mul3A_618 = arith.constant 16 : i32
      %mul3A_619 = arith.muli %add3A_617, %mul3A_618 : i32
      %swap3A_620 = arith.index_cast %select_n3A_537 : i32 to index
      %swap3A_621 = arith.index_cast %mul3A_619 : i32 to index
      %swap3A_622 = tpu.vector_load %arg8[%swap3A_620, %swap3A_621] {strides = array<i32>} : memref<8x4096xf32, #tpu.memory_space<vmem>>, vector<16xf32>,
      tpu.vector_store %arg8[%swap3A_620, %swap3A_621], %broadcast_in_dim3A_3 {strides = array<i32>} : memref<8x4096xf32, #tpu.memory_space<vmem>>, vector<16xf32>,
    }
    %scan3A_154 = arith.constant 256 : i32
    %add3A_155 = arith.constant 131072 : i32
    %add3A_156 = arith.addi %mul3A_2, %add3A_155 : i32
    %while3A_157 = arith.constant 0 : i32
    %while3A_158 = arith.constant 0 : i32
    %while3A_159 = arith.subi %min3A_28, %while3A_158 : i32
    %while3A_160 = arith.addi %while3A_158, %while3A_159 : i32
    %while3A_161 = arith.constant 1 : i32
    %while3A_162 = arith.divsi %while3A_159, %while3A_161 : i32
    %while3A_163 = arith.muli %while3A_162, %while3A_161 : i32
    %while3A_164 = arith.addi %while3A_158, %while3A_163 : i32
    %while3A_165 = arith.constant 1 : i32
    scf.for %while3A_513 = %while3A_158 to %while3A_164 step %while3A_165  : i32 {
      %mul3A_514 = arith.constant 16 : i32
      %mul3A_515 = arith.muli %while3A_513, %mul3A_514 : i32
      %get3A_516 = arith.index_cast %mul3A_515 : i32 to index
      %get3A_517 = tpu.vector_load %arg6[%get3A_516] {strides = array<i32>} : memref<8208xi32, #tpu.memory_space<vmem>>, vector<16xi32>,
      %mul3A_518 = arith.constant 16 : i32
      %mul3A_519 = arith.muli %while3A_513, %mul3A_518 : i32
      %add3A_520 = arith.constant 1 : i32
      %add3A_521 = arith.addi %mul3A_519, %add3A_520 : i32
      %get3A_522 = arith.index_cast %add3A_521 : i32 to index
      %get3A_523 = tpu.vector_load %arg6[%get3A_522] {strides = array<i32>} : memref<8208xi32, #tpu.memory_space<vmem>>, vector<16xi32>,
      %mul3A_524 = arith.constant 16 : i32
      %mul3A_525 = arith.muli %while3A_513, %mul3A_524 : i32
      %get3A_526 = arith.index_cast %mul3A_525 : i32 to index
      %get3A_527 = tpu.vector_load %arg7[%get3A_526] {strides = array<i32>} : memref<8208xf32, #tpu.memory_space<vmem>>, vector<16xf32>,
      %sub3A_528 = vector.broadcast %add3A_156 : i32 to vector<16xi32>
      %sub3A_529 = arith.subi %get3A_517, %sub3A_528 : vector<16xi32>
      %lt3A = arith.constant 32768 : i32
      %lt3A_530 = vector.broadcast %lt3A : i32 to vector<16xi32>
      %lt3A_531 = arith.cmpi ult, %sub3A_529, %lt3A_530 : vector<16xi32>
      %ne3A_532 = arith.cmpi ne, %get3A_517, %get3A_523 : vector<16xi32>
      %and3A_533 = arith.andi %lt3A_531, %ne3A_532 : vector<16xi1>
      %shift_right_logical3A = arith.constant 12 : i32
      %shift_right_logical3A_534 = vector.broadcast %shift_right_logical3A : i32 to vector<16xi32>
      %shift_right_logical3A_535 = arith.shrui %sub3A_529, %shift_right_logical3A_534 : vector<16xi32>
      %and3A_536 = arith.constant 4095 : i32
      %and3A_537 = vector.broadcast %and3A_536 : i32 to vector<16xi32>
      %and3A_538 = arith.andi %sub3A_529, %and3A_537 : vector<16xi32>
      tpu.vector_store_idx %arg8[%shift_right_logical3A_535, %and3A_538], %get3A_527 masked %and3A_533 : memref<8x4096xf32, #tpu.memory_space<vmem>>[vector<16xi32>, vector<16xi32>], vector<16xf32>, vector<16xi1>
    }
    %while3A_166 = arith.constant 1 : i32
    scf.for %while3A_513 = %while3A_164 to %while3A_160 step %while3A_166  : i32 {
      %mul3A_514 = arith.constant 16 : i32
      %mul3A_515 = arith.muli %while3A_513, %mul3A_514 : i32
      %get3A_516 = arith.index_cast %mul3A_515 : i32 to index
      %get3A_517 = tpu.vector_load %arg6[%get3A_516] {strides = array<i32>} : memref<8208xi32, #tpu.memory_space<vmem>>, vector<16xi32>,
      %mul3A_518 = arith.constant 16 : i32
      %mul3A_519 = arith.muli %while3A_513, %mul3A_518 : i32
      %add3A_520 = arith.constant 1 : i32
      %add3A_521 = arith.addi %mul3A_519, %add3A_520 : i32
      %get3A_522 = arith.index_cast %add3A_521 : i32 to index
      %get3A_523 = tpu.vector_load %arg6[%get3A_522] {strides = array<i32>} : memref<8208xi32, #tpu.memory_space<vmem>>, vector<16xi32>,
      %mul3A_524 = arith.constant 16 : i32
      %mul3A_525 = arith.muli %while3A_513, %mul3A_524 : i32
      %get3A_526 = arith.index_cast %mul3A_525 : i32 to index
      %get3A_527 = tpu.vector_load %arg7[%get3A_526] {strides = array<i32>} : memref<8208xf32, #tpu.memory_space<vmem>>, vector<16xf32>,
      %sub3A_528 = vector.broadcast %add3A_156 : i32 to vector<16xi32>
      %sub3A_529 = arith.subi %get3A_517, %sub3A_528 : vector<16xi32>
      %lt3A = arith.constant 32768 : i32
      %lt3A_530 = vector.broadcast %lt3A : i32 to vector<16xi32>
      %lt3A_531 = arith.cmpi ult, %sub3A_529, %lt3A_530 : vector<16xi32>
      %ne3A_532 = arith.cmpi ne, %get3A_517, %get3A_523 : vector<16xi32>
      %and3A_533 = arith.andi %lt3A_531, %ne3A_532 : vector<16xi1>
      %shift_right_logical3A = arith.constant 12 : i32
      %shift_right_logical3A_534 = vector.broadcast %shift_right_logical3A : i32 to vector<16xi32>
      %shift_right_logical3A_535 = arith.shrui %sub3A_529, %shift_right_logical3A_534 : vector<16xi32>
      %and3A_536 = arith.constant 4095 : i32
      %and3A_537 = vector.broadcast %and3A_536 : i32 to vector<16xi32>
      %and3A_538 = arith.andi %sub3A_529, %and3A_537 : vector<16xi32>
      tpu.vector_store_idx %arg8[%shift_right_logical3A_535, %and3A_538], %get3A_527 masked %and3A_533 : memref<8x4096xf32, #tpu.memory_space<vmem>>[vector<16xi32>, vector<16xi32>], vector<16xf32>, vector<16xi1>
    }
    %mul3A_167 = arith.constant 128 : i32
    %mul3A_168 = arith.muli %add3A, %mul3A_167 : i32
    %add3A_169 = arith.constant 32 : i32
    %add3A_170 = arith.addi %mul3A_168, %add3A_169 : i32
    %dma_start3A_171 = arith.constant 0 : i32
    %dma_start3A_172 = tpu.memref_slice %arg5[%add3A_170, %dma_start3A_171] : memref<4096x4096xf32, #tpu.memory_space<hbm>> -> memref<8x4096xf32, #tpu.memory_space<hbm>>
    %dma_start3A_173 = arith.constant 0 : i32
    %dma_start3A_174 = tpu.memref_slice %arg5[%add3A_170, %dma_start3A_173] : memref<4096x4096xf32, #tpu.memory_space<hbm>> -> memref<8x4096xf32, #tpu.memory_space<hbm>>
    tpu.enqueue_dma source(%arg8 : memref<8x4096xf32, #tpu.memory_space<vmem>>) target(%dma_start3A_174 : memref<8x4096xf32, #tpu.memory_space<hbm>>) target_semaphore(%arg12 : memref<!tpu.dma_semaphore, #tpu.memory_space<semaphore_mem>>)
    %dma_wait3A_175 = arith.constant 0 : i32
    %dma_wait3A_176 = tpu.memref_slice %arg5[%add3A_140, %dma_wait3A_175] : memref<4096x4096xf32, #tpu.memory_space<hbm>> -> memref<8x4096xf32, #tpu.memory_space<hbm>>
    %dma_wait3A_177 = arith.constant 0 : i32
    %dma_wait3A_178 = tpu.memref_slice %arg5[%add3A_140, %dma_wait3A_177] : memref<4096x4096xf32, #tpu.memory_space<hbm>> -> memref<8x4096xf32, #tpu.memory_space<hbm>>
    tpu.wait_dma2 semaphore(%arg12 : memref<!tpu.dma_semaphore, #tpu.memory_space<semaphore_mem>>) src(%arg9 : memref<8x4096xf32, #tpu.memory_space<vmem>>) dst(%dma_wait3A_178 : memref<8x4096xf32, #tpu.memory_space<hbm>>)
    %scan3A_179 = arith.constant 0 : i32
    %scan3A_180 = arith.constant 0 : i32
    %scan3A_181 = arith.constant 256 : i32
    %scan3A_182 = arith.addi %scan3A_180, %scan3A_181 : i32
    %scan3A_183 = arith.constant 1 : i32
    scf.for %scan3A_513 = %scan3A_180 to %scan3A_182 step %scan3A_183  : i32 {
      %jit3A_514 = arith.constant 32 : i32
      %div3A_515 = arith.divsi %scan3A_513, %jit3A_514 : i32
      %sign3A_516 = arith.constant 0 : i32
      %sign3A_517 = arith.cmpi sgt, %scan3A_513, %sign3A_516 : i32
      %sign3A_518 = arith.extui %sign3A_517 : i1 to i32
      %sign3A_519 = arith.constant 0 : i32
      %sign3A_520 = arith.cmpi slt, %scan3A_513, %sign3A_519 : i32
      %sign3A_521 = arith.extui %sign3A_520 : i1 to i32
      %sign3A_522 = arith.subi %sign3A_518, %sign3A_521 : i32
      %sign3A_523 = arith.constant 0 : i32
      %sign3A_524 = arith.cmpi sgt, %jit3A_514, %sign3A_523 : i32
      %sign3A_525 = arith.extui %sign3A_524 : i1 to i32
      %sign3A_526 = arith.constant 0 : i32
      %sign3A_527 = arith.cmpi slt, %jit3A_514, %sign3A_526 : i32
      %sign3A_528 = arith.extui %sign3A_527 : i1 to i32
      %sign3A_529 = arith.subi %sign3A_525, %sign3A_528 : i32
      %ne3A_530 = arith.cmpi ne, %sign3A_522, %sign3A_529 : i32
      %rem3A_531 = arith.remsi %scan3A_513, %jit3A_514 : i32
      %ne3A_532 = arith.constant 0 : i32
      %ne3A_533 = arith.cmpi ne, %rem3A_531, %ne3A_532 : i32
      %and3A_534 = arith.andi %ne3A_530, %ne3A_533 : i1
      %sub3A_535 = arith.constant 1 : i32
      %sub3A_536 = arith.subi %div3A_515, %sub3A_535 : i32
      %select_n3A_537 = arith.select %and3A_534, %sub3A_536, %div3A_515 : i32
      %jit3A_538 = arith.constant 32 : i32
      %eq3A = arith.constant 0 : i32
      %eq3A_539 = arith.cmpi eq, %jit3A_538, %eq3A : i32
      %jit3A_540 = arith.constant 1 : i32
      %select_n3A_541 = arith.select %eq3A_539, %jit3A_540, %jit3A_538 : i32
      %rem3A_542 = arith.remsi %scan3A_513, %select_n3A_541 : i32
      %ne3A_543 = arith.constant 0 : i32
      %ne3A_544 = arith.cmpi ne, %rem3A_542, %ne3A_543 : i32
      %lt3A = arith.constant 0 : i32
      %lt3A_545 = arith.cmpi slt, %rem3A_542, %lt3A : i32
      %lt3A_546 = arith.constant 0 : i32
      %lt3A_547 = arith.cmpi slt, %select_n3A_541, %lt3A_546 : i32
      %ne3A_548 = arith.xori %lt3A_545, %lt3A_547 : i1
      %and3A_549 = arith.andi %ne3A_548, %ne3A_544 : i1
      %add3A_550 = arith.addi %rem3A_542, %select_n3A_541 : i32
      %select_n3A_551 = arith.select %and3A_549, %add3A_550, %rem3A_542 : i32
      %mul3A_552 = arith.constant 8 : i32
      %mul3A_553 = arith.muli %select_n3A_551, %mul3A_552 : i32
      %add3A_554 = arith.constant 0 : i32
      %add3A_555 = arith.addi %mul3A_553, %add3A_554 : i32
      %mul3A_556 = arith.constant 16 : i32
      %mul3A_557 = arith.muli %add3A_555, %mul3A_556 : i32
      %swap3A = arith.index_cast %select_n3A_537 : i32 to index
      %swap3A_558 = arith.index_cast %mul3A_557 : i32 to index
      %swap3A_559 = tpu.vector_load %arg9[%swap3A, %swap3A_558] {strides = array<i32>} : memref<8x4096xf32, #tpu.memory_space<vmem>>, vector<16xf32>,
      tpu.vector_store %arg9[%swap3A, %swap3A_558], %broadcast_in_dim3A_3 {strides = array<i32>} : memref<8x4096xf32, #tpu.memory_space<vmem>>, vector<16xf32>,
      %mul3A_560 = arith.constant 8 : i32
      %mul3A_561 = arith.muli %select_n3A_551, %mul3A_560 : i32
      %add3A_562 = arith.constant 1 : i32
      %add3A_563 = arith.addi %mul3A_561, %add3A_562 : i32
      %mul3A_564 = arith.constant 16 : i32
      %mul3A_565 = arith.muli %add3A_563, %mul3A_564 : i32
      %swap3A_566 = arith.index_cast %select_n3A_537 : i32 to index
      %swap3A_567 = arith.index_cast %mul3A_565 : i32 to index
      %swap3A_568 = tpu.vector_load %arg9[%swap3A_566, %swap3A_567] {strides = array<i32>} : memref<8x4096xf32, #tpu.memory_space<vmem>>, vector<16xf32>,
      tpu.vector_store %arg9[%swap3A_566, %swap3A_567], %broadcast_in_dim3A_3 {strides = array<i32>} : memref<8x4096xf32, #tpu.memory_space<vmem>>, vector<16xf32>,
      %mul3A_569 = arith.constant 8 : i32
      %mul3A_570 = arith.muli %select_n3A_551, %mul3A_569 : i32
      %add3A_571 = arith.constant 2 : i32
      %add3A_572 = arith.addi %mul3A_570, %add3A_571 : i32
      %mul3A_573 = arith.constant 16 : i32
      %mul3A_574 = arith.muli %add3A_572, %mul3A_573 : i32
      %swap3A_575 = arith.index_cast %select_n3A_537 : i32 to index
      %swap3A_576 = arith.index_cast %mul3A_574 : i32 to index
      %swap3A_577 = tpu.vector_load %arg9[%swap3A_575, %swap3A_576] {strides = array<i32>} : memref<8x4096xf32, #tpu.memory_space<vmem>>, vector<16xf32>,
      tpu.vector_store %arg9[%swap3A_575, %swap3A_576], %broadcast_in_dim3A_3 {strides = array<i32>} : memref<8x4096xf32, #tpu.memory_space<vmem>>, vector<16xf32>,
      %mul3A_578 = arith.constant 8 : i32
      %mul3A_579 = arith.muli %select_n3A_551, %mul3A_578 : i32
      %add3A_580 = arith.constant 3 : i32
      %add3A_581 = arith.addi %mul3A_579, %add3A_580 : i32
      %mul3A_582 = arith.constant 16 : i32
      %mul3A_583 = arith.muli %add3A_581, %mul3A_582 : i32
      %swap3A_584 = arith.index_cast %select_n3A_537 : i32 to index
      %swap3A_585 = arith.index_cast %mul3A_583 : i32 to index
      %swap3A_586 = tpu.vector_load %arg9[%swap3A_584, %swap3A_585] {strides = array<i32>} : memref<8x4096xf32, #tpu.memory_space<vmem>>, vector<16xf32>,
      tpu.vector_store %arg9[%swap3A_584, %swap3A_585], %broadcast_in_dim3A_3 {strides = array<i32>} : memref<8x4096xf32, #tpu.memory_space<vmem>>, vector<16xf32>,
      %mul3A_587 = arith.constant 8 : i32
      %mul3A_588 = arith.muli %select_n3A_551, %mul3A_587 : i32
      %add3A_589 = arith.constant 4 : i32
      %add3A_590 = arith.addi %mul3A_588, %add3A_589 : i32
      %mul3A_591 = arith.constant 16 : i32
      %mul3A_592 = arith.muli %add3A_590, %mul3A_591 : i32
      %swap3A_593 = arith.index_cast %select_n3A_537 : i32 to index
      %swap3A_594 = arith.index_cast %mul3A_592 : i32 to index
      %swap3A_595 = tpu.vector_load %arg9[%swap3A_593, %swap3A_594] {strides = array<i32>} : memref<8x4096xf32, #tpu.memory_space<vmem>>, vector<16xf32>,
      tpu.vector_store %arg9[%swap3A_593, %swap3A_594], %broadcast_in_dim3A_3 {strides = array<i32>} : memref<8x4096xf32, #tpu.memory_space<vmem>>, vector<16xf32>,
      %mul3A_596 = arith.constant 8 : i32
      %mul3A_597 = arith.muli %select_n3A_551, %mul3A_596 : i32
      %add3A_598 = arith.constant 5 : i32
      %add3A_599 = arith.addi %mul3A_597, %add3A_598 : i32
      %mul3A_600 = arith.constant 16 : i32
      %mul3A_601 = arith.muli %add3A_599, %mul3A_600 : i32
      %swap3A_602 = arith.index_cast %select_n3A_537 : i32 to index
      %swap3A_603 = arith.index_cast %mul3A_601 : i32 to index
      %swap3A_604 = tpu.vector_load %arg9[%swap3A_602, %swap3A_603] {strides = array<i32>} : memref<8x4096xf32, #tpu.memory_space<vmem>>, vector<16xf32>,
      tpu.vector_store %arg9[%swap3A_602, %swap3A_603], %broadcast_in_dim3A_3 {strides = array<i32>} : memref<8x4096xf32, #tpu.memory_space<vmem>>, vector<16xf32>,
      %mul3A_605 = arith.constant 8 : i32
      %mul3A_606 = arith.muli %select_n3A_551, %mul3A_605 : i32
      %add3A_607 = arith.constant 6 : i32
      %add3A_608 = arith.addi %mul3A_606, %add3A_607 : i32
      %mul3A_609 = arith.constant 16 : i32
      %mul3A_610 = arith.muli %add3A_608, %mul3A_609 : i32
      %swap3A_611 = arith.index_cast %select_n3A_537 : i32 to index
      %swap3A_612 = arith.index_cast %mul3A_610 : i32 to index
      %swap3A_613 = tpu.vector_load %arg9[%swap3A_611, %swap3A_612] {strides = array<i32>} : memref<8x4096xf32, #tpu.memory_space<vmem>>, vector<16xf32>,
      tpu.vector_store %arg9[%swap3A_611, %swap3A_612], %broadcast_in_dim3A_3 {strides = array<i32>} : memref<8x4096xf32, #tpu.memory_space<vmem>>, vector<16xf32>,
      %mul3A_614 = arith.constant 8 : i32
      %mul3A_615 = arith.muli %select_n3A_551, %mul3A_614 : i32
      %add3A_616 = arith.constant 7 : i32
      %add3A_617 = arith.addi %mul3A_615, %add3A_616 : i32
      %mul3A_618 = arith.constant 16 : i32
      %mul3A_619 = arith.muli %add3A_617, %mul3A_618 : i32
      %swap3A_620 = arith.index_cast %select_n3A_537 : i32 to index
      %swap3A_621 = arith.index_cast %mul3A_619 : i32 to index
      %swap3A_622 = tpu.vector_load %arg9[%swap3A_620, %swap3A_621] {strides = array<i32>} : memref<8x4096xf32, #tpu.memory_space<vmem>>, vector<16xf32>,
      tpu.vector_store %arg9[%swap3A_620, %swap3A_621], %broadcast_in_dim3A_3 {strides = array<i32>} : memref<8x4096xf32, #tpu.memory_space<vmem>>, vector<16xf32>,
    }
    %scan3A_184 = arith.constant 256 : i32
    %add3A_185 = arith.constant 163840 : i32
    %add3A_186 = arith.addi %mul3A_2, %add3A_185 : i32
    %while3A_187 = arith.constant 0 : i32
    %while3A_188 = arith.constant 0 : i32
    %while3A_189 = arith.subi %min3A_28, %while3A_188 : i32
    %while3A_190 = arith.addi %while3A_188, %while3A_189 : i32
    %while3A_191 = arith.constant 1 : i32
    %while3A_192 = arith.divsi %while3A_189, %while3A_191 : i32
    %while3A_193 = arith.muli %while3A_192, %while3A_191 : i32
    %while3A_194 = arith.addi %while3A_188, %while3A_193 : i32
    %while3A_195 = arith.constant 1 : i32
    scf.for %while3A_513 = %while3A_188 to %while3A_194 step %while3A_195  : i32 {
      %mul3A_514 = arith.constant 16 : i32
      %mul3A_515 = arith.muli %while3A_513, %mul3A_514 : i32
      %get3A_516 = arith.index_cast %mul3A_515 : i32 to index
      %get3A_517 = tpu.vector_load %arg6[%get3A_516] {strides = array<i32>} : memref<8208xi32, #tpu.memory_space<vmem>>, vector<16xi32>,
      %mul3A_518 = arith.constant 16 : i32
      %mul3A_519 = arith.muli %while3A_513, %mul3A_518 : i32
      %add3A_520 = arith.constant 1 : i32
      %add3A_521 = arith.addi %mul3A_519, %add3A_520 : i32
      %get3A_522 = arith.index_cast %add3A_521 : i32 to index
      %get3A_523 = tpu.vector_load %arg6[%get3A_522] {strides = array<i32>} : memref<8208xi32, #tpu.memory_space<vmem>>, vector<16xi32>,
      %mul3A_524 = arith.constant 16 : i32
      %mul3A_525 = arith.muli %while3A_513, %mul3A_524 : i32
      %get3A_526 = arith.index_cast %mul3A_525 : i32 to index
      %get3A_527 = tpu.vector_load %arg7[%get3A_526] {strides = array<i32>} : memref<8208xf32, #tpu.memory_space<vmem>>, vector<16xf32>,
      %sub3A_528 = vector.broadcast %add3A_186 : i32 to vector<16xi32>
      %sub3A_529 = arith.subi %get3A_517, %sub3A_528 : vector<16xi32>
      %lt3A = arith.constant 32768 : i32
      %lt3A_530 = vector.broadcast %lt3A : i32 to vector<16xi32>
      %lt3A_531 = arith.cmpi ult, %sub3A_529, %lt3A_530 : vector<16xi32>
      %ne3A_532 = arith.cmpi ne, %get3A_517, %get3A_523 : vector<16xi32>
      %and3A_533 = arith.andi %lt3A_531, %ne3A_532 : vector<16xi1>
      %shift_right_logical3A = arith.constant 12 : i32
      %shift_right_logical3A_534 = vector.broadcast %shift_right_logical3A : i32 to vector<16xi32>
      %shift_right_logical3A_535 = arith.shrui %sub3A_529, %shift_right_logical3A_534 : vector<16xi32>
      %and3A_536 = arith.constant 4095 : i32
      %and3A_537 = vector.broadcast %and3A_536 : i32 to vector<16xi32>
      %and3A_538 = arith.andi %sub3A_529, %and3A_537 : vector<16xi32>
      tpu.vector_store_idx %arg9[%shift_right_logical3A_535, %and3A_538], %get3A_527 masked %and3A_533 : memref<8x4096xf32, #tpu.memory_space<vmem>>[vector<16xi32>, vector<16xi32>], vector<16xf32>, vector<16xi1>
    }
    %while3A_196 = arith.constant 1 : i32
    scf.for %while3A_513 = %while3A_194 to %while3A_190 step %while3A_196  : i32 {
      %mul3A_514 = arith.constant 16 : i32
      %mul3A_515 = arith.muli %while3A_513, %mul3A_514 : i32
      %get3A_516 = arith.index_cast %mul3A_515 : i32 to index
      %get3A_517 = tpu.vector_load %arg6[%get3A_516] {strides = array<i32>} : memref<8208xi32, #tpu.memory_space<vmem>>, vector<16xi32>,
      %mul3A_518 = arith.constant 16 : i32
      %mul3A_519 = arith.muli %while3A_513, %mul3A_518 : i32
      %add3A_520 = arith.constant 1 : i32
      %add3A_521 = arith.addi %mul3A_519, %add3A_520 : i32
      %get3A_522 = arith.index_cast %add3A_521 : i32 to index
      %get3A_523 = tpu.vector_load %arg6[%get3A_522] {strides = array<i32>} : memref<8208xi32, #tpu.memory_space<vmem>>, vector<16xi32>,
      %mul3A_524 = arith.constant 16 : i32
      %mul3A_525 = arith.muli %while3A_513, %mul3A_524 : i32
      %get3A_526 = arith.index_cast %mul3A_525 : i32 to index
      %get3A_527 = tpu.vector_load %arg7[%get3A_526] {strides = array<i32>} : memref<8208xf32, #tpu.memory_space<vmem>>, vector<16xf32>,
      %sub3A_528 = vector.broadcast %add3A_186 : i32 to vector<16xi32>
      %sub3A_529 = arith.subi %get3A_517, %sub3A_528 : vector<16xi32>
      %lt3A = arith.constant 32768 : i32
      %lt3A_530 = vector.broadcast %lt3A : i32 to vector<16xi32>
      %lt3A_531 = arith.cmpi ult, %sub3A_529, %lt3A_530 : vector<16xi32>
      %ne3A_532 = arith.cmpi ne, %get3A_517, %get3A_523 : vector<16xi32>
      %and3A_533 = arith.andi %lt3A_531, %ne3A_532 : vector<16xi1>
      %shift_right_logical3A = arith.constant 12 : i32
      %shift_right_logical3A_534 = vector.broadcast %shift_right_logical3A : i32 to vector<16xi32>
      %shift_right_logical3A_535 = arith.shrui %sub3A_529, %shift_right_logical3A_534 : vector<16xi32>
      %and3A_536 = arith.constant 4095 : i32
      %and3A_537 = vector.broadcast %and3A_536 : i32 to vector<16xi32>
      %and3A_538 = arith.andi %sub3A_529, %and3A_537 : vector<16xi32>
      tpu.vector_store_idx %arg9[%shift_right_logical3A_535, %and3A_538], %get3A_527 masked %and3A_533 : memref<8x4096xf32, #tpu.memory_space<vmem>>[vector<16xi32>, vector<16xi32>], vector<16xf32>, vector<16xi1>
    }
    %mul3A_197 = arith.constant 128 : i32
    %mul3A_198 = arith.muli %add3A, %mul3A_197 : i32
    %add3A_199 = arith.constant 40 : i32
    %add3A_200 = arith.addi %mul3A_198, %add3A_199 : i32
    %dma_start3A_201 = arith.constant 0 : i32
    %dma_start3A_202 = tpu.memref_slice %arg5[%add3A_200, %dma_start3A_201] : memref<4096x4096xf32, #tpu.memory_space<hbm>> -> memref<8x4096xf32, #tpu.memory_space<hbm>>
    %dma_start3A_203 = arith.constant 0 : i32
    %dma_start3A_204 = tpu.memref_slice %arg5[%add3A_200, %dma_start3A_203] : memref<4096x4096xf32, #tpu.memory_space<hbm>> -> memref<8x4096xf32, #tpu.memory_space<hbm>>
    tpu.enqueue_dma source(%arg9 : memref<8x4096xf32, #tpu.memory_space<vmem>>) target(%dma_start3A_204 : memref<8x4096xf32, #tpu.memory_space<hbm>>) target_semaphore(%arg12 : memref<!tpu.dma_semaphore, #tpu.memory_space<semaphore_mem>>)
    %dma_wait3A_205 = arith.constant 0 : i32
    %dma_wait3A_206 = tpu.memref_slice %arg5[%add3A_170, %dma_wait3A_205] : memref<4096x4096xf32, #tpu.memory_space<hbm>> -> memref<8x4096xf32, #tpu.memory_space<hbm>>
    %dma_wait3A_207 = arith.constant 0 : i32
    %dma_wait3A_208 = tpu.memref_slice %arg5[%add3A_170, %dma_wait3A_207] : memref<4096x4096xf32, #tpu.memory_space<hbm>> -> memref<8x4096xf32, #tpu.memory_space<hbm>>
    tpu.wait_dma2 semaphore(%arg12 : memref<!tpu.dma_semaphore, #tpu.memory_space<semaphore_mem>>) src(%arg8 : memref<8x4096xf32, #tpu.memory_space<vmem>>) dst(%dma_wait3A_208 : memref<8x4096xf32, #tpu.memory_space<hbm>>)
    %scan3A_209 = arith.constant 0 : i32
    %scan3A_210 = arith.constant 0 : i32
    %scan3A_211 = arith.constant 256 : i32
    %scan3A_212 = arith.addi %scan3A_210, %scan3A_211 : i32
    %scan3A_213 = arith.constant 1 : i32
    scf.for %scan3A_513 = %scan3A_210 to %scan3A_212 step %scan3A_213  : i32 {
      %jit3A_514 = arith.constant 32 : i32
      %div3A_515 = arith.divsi %scan3A_513, %jit3A_514 : i32
      %sign3A_516 = arith.constant 0 : i32
      %sign3A_517 = arith.cmpi sgt, %scan3A_513, %sign3A_516 : i32
      %sign3A_518 = arith.extui %sign3A_517 : i1 to i32
      %sign3A_519 = arith.constant 0 : i32
      %sign3A_520 = arith.cmpi slt, %scan3A_513, %sign3A_519 : i32
      %sign3A_521 = arith.extui %sign3A_520 : i1 to i32
      %sign3A_522 = arith.subi %sign3A_518, %sign3A_521 : i32
      %sign3A_523 = arith.constant 0 : i32
      %sign3A_524 = arith.cmpi sgt, %jit3A_514, %sign3A_523 : i32
      %sign3A_525 = arith.extui %sign3A_524 : i1 to i32
      %sign3A_526 = arith.constant 0 : i32
      %sign3A_527 = arith.cmpi slt, %jit3A_514, %sign3A_526 : i32
      %sign3A_528 = arith.extui %sign3A_527 : i1 to i32
      %sign3A_529 = arith.subi %sign3A_525, %sign3A_528 : i32
      %ne3A_530 = arith.cmpi ne, %sign3A_522, %sign3A_529 : i32
      %rem3A_531 = arith.remsi %scan3A_513, %jit3A_514 : i32
      %ne3A_532 = arith.constant 0 : i32
      %ne3A_533 = arith.cmpi ne, %rem3A_531, %ne3A_532 : i32
      %and3A_534 = arith.andi %ne3A_530, %ne3A_533 : i1
      %sub3A_535 = arith.constant 1 : i32
      %sub3A_536 = arith.subi %div3A_515, %sub3A_535 : i32
      %select_n3A_537 = arith.select %and3A_534, %sub3A_536, %div3A_515 : i32
      %jit3A_538 = arith.constant 32 : i32
      %eq3A = arith.constant 0 : i32
      %eq3A_539 = arith.cmpi eq, %jit3A_538, %eq3A : i32
      %jit3A_540 = arith.constant 1 : i32
      %select_n3A_541 = arith.select %eq3A_539, %jit3A_540, %jit3A_538 : i32
      %rem3A_542 = arith.remsi %scan3A_513, %select_n3A_541 : i32
      %ne3A_543 = arith.constant 0 : i32
      %ne3A_544 = arith.cmpi ne, %rem3A_542, %ne3A_543 : i32
      %lt3A = arith.constant 0 : i32
      %lt3A_545 = arith.cmpi slt, %rem3A_542, %lt3A : i32
      %lt3A_546 = arith.constant 0 : i32
      %lt3A_547 = arith.cmpi slt, %select_n3A_541, %lt3A_546 : i32
      %ne3A_548 = arith.xori %lt3A_545, %lt3A_547 : i1
      %and3A_549 = arith.andi %ne3A_548, %ne3A_544 : i1
      %add3A_550 = arith.addi %rem3A_542, %select_n3A_541 : i32
      %select_n3A_551 = arith.select %and3A_549, %add3A_550, %rem3A_542 : i32
      %mul3A_552 = arith.constant 8 : i32
      %mul3A_553 = arith.muli %select_n3A_551, %mul3A_552 : i32
      %add3A_554 = arith.constant 0 : i32
      %add3A_555 = arith.addi %mul3A_553, %add3A_554 : i32
      %mul3A_556 = arith.constant 16 : i32
      %mul3A_557 = arith.muli %add3A_555, %mul3A_556 : i32
      %swap3A = arith.index_cast %select_n3A_537 : i32 to index
      %swap3A_558 = arith.index_cast %mul3A_557 : i32 to index
      %swap3A_559 = tpu.vector_load %arg8[%swap3A, %swap3A_558] {strides = array<i32>} : memref<8x4096xf32, #tpu.memory_space<vmem>>, vector<16xf32>,
      tpu.vector_store %arg8[%swap3A, %swap3A_558], %broadcast_in_dim3A_3 {strides = array<i32>} : memref<8x4096xf32, #tpu.memory_space<vmem>>, vector<16xf32>,
      %mul3A_560 = arith.constant 8 : i32
      %mul3A_561 = arith.muli %select_n3A_551, %mul3A_560 : i32
      %add3A_562 = arith.constant 1 : i32
      %add3A_563 = arith.addi %mul3A_561, %add3A_562 : i32
      %mul3A_564 = arith.constant 16 : i32
      %mul3A_565 = arith.muli %add3A_563, %mul3A_564 : i32
      %swap3A_566 = arith.index_cast %select_n3A_537 : i32 to index
      %swap3A_567 = arith.index_cast %mul3A_565 : i32 to index
      %swap3A_568 = tpu.vector_load %arg8[%swap3A_566, %swap3A_567] {strides = array<i32>} : memref<8x4096xf32, #tpu.memory_space<vmem>>, vector<16xf32>,
      tpu.vector_store %arg8[%swap3A_566, %swap3A_567], %broadcast_in_dim3A_3 {strides = array<i32>} : memref<8x4096xf32, #tpu.memory_space<vmem>>, vector<16xf32>,
      %mul3A_569 = arith.constant 8 : i32
      %mul3A_570 = arith.muli %select_n3A_551, %mul3A_569 : i32
      %add3A_571 = arith.constant 2 : i32
      %add3A_572 = arith.addi %mul3A_570, %add3A_571 : i32
      %mul3A_573 = arith.constant 16 : i32
      %mul3A_574 = arith.muli %add3A_572, %mul3A_573 : i32
      %swap3A_575 = arith.index_cast %select_n3A_537 : i32 to index
      %swap3A_576 = arith.index_cast %mul3A_574 : i32 to index
      %swap3A_577 = tpu.vector_load %arg8[%swap3A_575, %swap3A_576] {strides = array<i32>} : memref<8x4096xf32, #tpu.memory_space<vmem>>, vector<16xf32>,
      tpu.vector_store %arg8[%swap3A_575, %swap3A_576], %broadcast_in_dim3A_3 {strides = array<i32>} : memref<8x4096xf32, #tpu.memory_space<vmem>>, vector<16xf32>,
      %mul3A_578 = arith.constant 8 : i32
      %mul3A_579 = arith.muli %select_n3A_551, %mul3A_578 : i32
      %add3A_580 = arith.constant 3 : i32
      %add3A_581 = arith.addi %mul3A_579, %add3A_580 : i32
      %mul3A_582 = arith.constant 16 : i32
      %mul3A_583 = arith.muli %add3A_581, %mul3A_582 : i32
      %swap3A_584 = arith.index_cast %select_n3A_537 : i32 to index
      %swap3A_585 = arith.index_cast %mul3A_583 : i32 to index
      %swap3A_586 = tpu.vector_load %arg8[%swap3A_584, %swap3A_585] {strides = array<i32>} : memref<8x4096xf32, #tpu.memory_space<vmem>>, vector<16xf32>,
      tpu.vector_store %arg8[%swap3A_584, %swap3A_585], %broadcast_in_dim3A_3 {strides = array<i32>} : memref<8x4096xf32, #tpu.memory_space<vmem>>, vector<16xf32>,
      %mul3A_587 = arith.constant 8 : i32
      %mul3A_588 = arith.muli %select_n3A_551, %mul3A_587 : i32
      %add3A_589 = arith.constant 4 : i32
      %add3A_590 = arith.addi %mul3A_588, %add3A_589 : i32
      %mul3A_591 = arith.constant 16 : i32
      %mul3A_592 = arith.muli %add3A_590, %mul3A_591 : i32
      %swap3A_593 = arith.index_cast %select_n3A_537 : i32 to index
      %swap3A_594 = arith.index_cast %mul3A_592 : i32 to index
      %swap3A_595 = tpu.vector_load %arg8[%swap3A_593, %swap3A_594] {strides = array<i32>} : memref<8x4096xf32, #tpu.memory_space<vmem>>, vector<16xf32>,
      tpu.vector_store %arg8[%swap3A_593, %swap3A_594], %broadcast_in_dim3A_3 {strides = array<i32>} : memref<8x4096xf32, #tpu.memory_space<vmem>>, vector<16xf32>,
      %mul3A_596 = arith.constant 8 : i32
      %mul3A_597 = arith.muli %select_n3A_551, %mul3A_596 : i32
      %add3A_598 = arith.constant 5 : i32
      %add3A_599 = arith.addi %mul3A_597, %add3A_598 : i32
      %mul3A_600 = arith.constant 16 : i32
      %mul3A_601 = arith.muli %add3A_599, %mul3A_600 : i32
      %swap3A_602 = arith.index_cast %select_n3A_537 : i32 to index
      %swap3A_603 = arith.index_cast %mul3A_601 : i32 to index
      %swap3A_604 = tpu.vector_load %arg8[%swap3A_602, %swap3A_603] {strides = array<i32>} : memref<8x4096xf32, #tpu.memory_space<vmem>>, vector<16xf32>,
      tpu.vector_store %arg8[%swap3A_602, %swap3A_603], %broadcast_in_dim3A_3 {strides = array<i32>} : memref<8x4096xf32, #tpu.memory_space<vmem>>, vector<16xf32>,
      %mul3A_605 = arith.constant 8 : i32
      %mul3A_606 = arith.muli %select_n3A_551, %mul3A_605 : i32
      %add3A_607 = arith.constant 6 : i32
      %add3A_608 = arith.addi %mul3A_606, %add3A_607 : i32
      %mul3A_609 = arith.constant 16 : i32
      %mul3A_610 = arith.muli %add3A_608, %mul3A_609 : i32
      %swap3A_611 = arith.index_cast %select_n3A_537 : i32 to index
      %swap3A_612 = arith.index_cast %mul3A_610 : i32 to index
      %swap3A_613 = tpu.vector_load %arg8[%swap3A_611, %swap3A_612] {strides = array<i32>} : memref<8x4096xf32, #tpu.memory_space<vmem>>, vector<16xf32>,
      tpu.vector_store %arg8[%swap3A_611, %swap3A_612], %broadcast_in_dim3A_3 {strides = array<i32>} : memref<8x4096xf32, #tpu.memory_space<vmem>>, vector<16xf32>,
      %mul3A_614 = arith.constant 8 : i32
      %mul3A_615 = arith.muli %select_n3A_551, %mul3A_614 : i32
      %add3A_616 = arith.constant 7 : i32
      %add3A_617 = arith.addi %mul3A_615, %add3A_616 : i32
      %mul3A_618 = arith.constant 16 : i32
      %mul3A_619 = arith.muli %add3A_617, %mul3A_618 : i32
      %swap3A_620 = arith.index_cast %select_n3A_537 : i32 to index
      %swap3A_621 = arith.index_cast %mul3A_619 : i32 to index
      %swap3A_622 = tpu.vector_load %arg8[%swap3A_620, %swap3A_621] {strides = array<i32>} : memref<8x4096xf32, #tpu.memory_space<vmem>>, vector<16xf32>,
      tpu.vector_store %arg8[%swap3A_620, %swap3A_621], %broadcast_in_dim3A_3 {strides = array<i32>} : memref<8x4096xf32, #tpu.memory_space<vmem>>, vector<16xf32>,
    }
    %scan3A_214 = arith.constant 256 : i32
    %add3A_215 = arith.constant 196608 : i32
    %add3A_216 = arith.addi %mul3A_2, %add3A_215 : i32
    %while3A_217 = arith.constant 0 : i32
    %while3A_218 = arith.constant 0 : i32
    %while3A_219 = arith.subi %min3A_28, %while3A_218 : i32
    %while3A_220 = arith.addi %while3A_218, %while3A_219 : i32
    %while3A_221 = arith.constant 1 : i32
    %while3A_222 = arith.divsi %while3A_219, %while3A_221 : i32
    %while3A_223 = arith.muli %while3A_222, %while3A_221 : i32
    %while3A_224 = arith.addi %while3A_218, %while3A_223 : i32
    %while3A_225 = arith.constant 1 : i32
    scf.for %while3A_513 = %while3A_218 to %while3A_224 step %while3A_225  : i32 {
      %mul3A_514 = arith.constant 16 : i32
      %mul3A_515 = arith.muli %while3A_513, %mul3A_514 : i32
      %get3A_516 = arith.index_cast %mul3A_515 : i32 to index
      %get3A_517 = tpu.vector_load %arg6[%get3A_516] {strides = array<i32>} : memref<8208xi32, #tpu.memory_space<vmem>>, vector<16xi32>,
      %mul3A_518 = arith.constant 16 : i32
      %mul3A_519 = arith.muli %while3A_513, %mul3A_518 : i32
      %add3A_520 = arith.constant 1 : i32
      %add3A_521 = arith.addi %mul3A_519, %add3A_520 : i32
      %get3A_522 = arith.index_cast %add3A_521 : i32 to index
      %get3A_523 = tpu.vector_load %arg6[%get3A_522] {strides = array<i32>} : memref<8208xi32, #tpu.memory_space<vmem>>, vector<16xi32>,
      %mul3A_524 = arith.constant 16 : i32
      %mul3A_525 = arith.muli %while3A_513, %mul3A_524 : i32
      %get3A_526 = arith.index_cast %mul3A_525 : i32 to index
      %get3A_527 = tpu.vector_load %arg7[%get3A_526] {strides = array<i32>} : memref<8208xf32, #tpu.memory_space<vmem>>, vector<16xf32>,
      %sub3A_528 = vector.broadcast %add3A_216 : i32 to vector<16xi32>
      %sub3A_529 = arith.subi %get3A_517, %sub3A_528 : vector<16xi32>
      %lt3A = arith.constant 32768 : i32
      %lt3A_530 = vector.broadcast %lt3A : i32 to vector<16xi32>
      %lt3A_531 = arith.cmpi ult, %sub3A_529, %lt3A_530 : vector<16xi32>
      %ne3A_532 = arith.cmpi ne, %get3A_517, %get3A_523 : vector<16xi32>
      %and3A_533 = arith.andi %lt3A_531, %ne3A_532 : vector<16xi1>
      %shift_right_logical3A = arith.constant 12 : i32
      %shift_right_logical3A_534 = vector.broadcast %shift_right_logical3A : i32 to vector<16xi32>
      %shift_right_logical3A_535 = arith.shrui %sub3A_529, %shift_right_logical3A_534 : vector<16xi32>
      %and3A_536 = arith.constant 4095 : i32
      %and3A_537 = vector.broadcast %and3A_536 : i32 to vector<16xi32>
      %and3A_538 = arith.andi %sub3A_529, %and3A_537 : vector<16xi32>
      tpu.vector_store_idx %arg8[%shift_right_logical3A_535, %and3A_538], %get3A_527 masked %and3A_533 : memref<8x4096xf32, #tpu.memory_space<vmem>>[vector<16xi32>, vector<16xi32>], vector<16xf32>, vector<16xi1>
    }
    %while3A_226 = arith.constant 1 : i32
    scf.for %while3A_513 = %while3A_224 to %while3A_220 step %while3A_226  : i32 {
      %mul3A_514 = arith.constant 16 : i32
      %mul3A_515 = arith.muli %while3A_513, %mul3A_514 : i32
      %get3A_516 = arith.index_cast %mul3A_515 : i32 to index
      %get3A_517 = tpu.vector_load %arg6[%get3A_516] {strides = array<i32>} : memref<8208xi32, #tpu.memory_space<vmem>>, vector<16xi32>,
      %mul3A_518 = arith.constant 16 : i32
      %mul3A_519 = arith.muli %while3A_513, %mul3A_518 : i32
      %add3A_520 = arith.constant 1 : i32
      %add3A_521 = arith.addi %mul3A_519, %add3A_520 : i32
      %get3A_522 = arith.index_cast %add3A_521 : i32 to index
      %get3A_523 = tpu.vector_load %arg6[%get3A_522] {strides = array<i32>} : memref<8208xi32, #tpu.memory_space<vmem>>, vector<16xi32>,
      %mul3A_524 = arith.constant 16 : i32
      %mul3A_525 = arith.muli %while3A_513, %mul3A_524 : i32
      %get3A_526 = arith.index_cast %mul3A_525 : i32 to index
      %get3A_527 = tpu.vector_load %arg7[%get3A_526] {strides = array<i32>} : memref<8208xf32, #tpu.memory_space<vmem>>, vector<16xf32>,
      %sub3A_528 = vector.broadcast %add3A_216 : i32 to vector<16xi32>
      %sub3A_529 = arith.subi %get3A_517, %sub3A_528 : vector<16xi32>
      %lt3A = arith.constant 32768 : i32
      %lt3A_530 = vector.broadcast %lt3A : i32 to vector<16xi32>
      %lt3A_531 = arith.cmpi ult, %sub3A_529, %lt3A_530 : vector<16xi32>
      %ne3A_532 = arith.cmpi ne, %get3A_517, %get3A_523 : vector<16xi32>
      %and3A_533 = arith.andi %lt3A_531, %ne3A_532 : vector<16xi1>
      %shift_right_logical3A = arith.constant 12 : i32
      %shift_right_logical3A_534 = vector.broadcast %shift_right_logical3A : i32 to vector<16xi32>
      %shift_right_logical3A_535 = arith.shrui %sub3A_529, %shift_right_logical3A_534 : vector<16xi32>
      %and3A_536 = arith.constant 4095 : i32
      %and3A_537 = vector.broadcast %and3A_536 : i32 to vector<16xi32>
      %and3A_538 = arith.andi %sub3A_529, %and3A_537 : vector<16xi32>
      tpu.vector_store_idx %arg8[%shift_right_logical3A_535, %and3A_538], %get3A_527 masked %and3A_533 : memref<8x4096xf32, #tpu.memory_space<vmem>>[vector<16xi32>, vector<16xi32>], vector<16xf32>, vector<16xi1>
    }
    %mul3A_227 = arith.constant 128 : i32
    %mul3A_228 = arith.muli %add3A, %mul3A_227 : i32
    %add3A_229 = arith.constant 48 : i32
    %add3A_230 = arith.addi %mul3A_228, %add3A_229 : i32
    %dma_start3A_231 = arith.constant 0 : i32
    %dma_start3A_232 = tpu.memref_slice %arg5[%add3A_230, %dma_start3A_231] : memref<4096x4096xf32, #tpu.memory_space<hbm>> -> memref<8x4096xf32, #tpu.memory_space<hbm>>
    %dma_start3A_233 = arith.constant 0 : i32
    %dma_start3A_234 = tpu.memref_slice %arg5[%add3A_230, %dma_start3A_233] : memref<4096x4096xf32, #tpu.memory_space<hbm>> -> memref<8x4096xf32, #tpu.memory_space<hbm>>
    tpu.enqueue_dma source(%arg8 : memref<8x4096xf32, #tpu.memory_space<vmem>>) target(%dma_start3A_234 : memref<8x4096xf32, #tpu.memory_space<hbm>>) target_semaphore(%arg12 : memref<!tpu.dma_semaphore, #tpu.memory_space<semaphore_mem>>)
    %dma_wait3A_235 = arith.constant 0 : i32
    %dma_wait3A_236 = tpu.memref_slice %arg5[%add3A_200, %dma_wait3A_235] : memref<4096x4096xf32, #tpu.memory_space<hbm>> -> memref<8x4096xf32, #tpu.memory_space<hbm>>
    %dma_wait3A_237 = arith.constant 0 : i32
    %dma_wait3A_238 = tpu.memref_slice %arg5[%add3A_200, %dma_wait3A_237] : memref<4096x4096xf32, #tpu.memory_space<hbm>> -> memref<8x4096xf32, #tpu.memory_space<hbm>>
    tpu.wait_dma2 semaphore(%arg12 : memref<!tpu.dma_semaphore, #tpu.memory_space<semaphore_mem>>) src(%arg9 : memref<8x4096xf32, #tpu.memory_space<vmem>>) dst(%dma_wait3A_238 : memref<8x4096xf32, #tpu.memory_space<hbm>>)
    %scan3A_239 = arith.constant 0 : i32
    %scan3A_240 = arith.constant 0 : i32
    %scan3A_241 = arith.constant 256 : i32
    %scan3A_242 = arith.addi %scan3A_240, %scan3A_241 : i32
    %scan3A_243 = arith.constant 1 : i32
    scf.for %scan3A_513 = %scan3A_240 to %scan3A_242 step %scan3A_243  : i32 {
      %jit3A_514 = arith.constant 32 : i32
      %div3A_515 = arith.divsi %scan3A_513, %jit3A_514 : i32
      %sign3A_516 = arith.constant 0 : i32
      %sign3A_517 = arith.cmpi sgt, %scan3A_513, %sign3A_516 : i32
      %sign3A_518 = arith.extui %sign3A_517 : i1 to i32
      %sign3A_519 = arith.constant 0 : i32
      %sign3A_520 = arith.cmpi slt, %scan3A_513, %sign3A_519 : i32
      %sign3A_521 = arith.extui %sign3A_520 : i1 to i32
      %sign3A_522 = arith.subi %sign3A_518, %sign3A_521 : i32
      %sign3A_523 = arith.constant 0 : i32
      %sign3A_524 = arith.cmpi sgt, %jit3A_514, %sign3A_523 : i32
      %sign3A_525 = arith.extui %sign3A_524 : i1 to i32
      %sign3A_526 = arith.constant 0 : i32
      %sign3A_527 = arith.cmpi slt, %jit3A_514, %sign3A_526 : i32
      %sign3A_528 = arith.extui %sign3A_527 : i1 to i32
      %sign3A_529 = arith.subi %sign3A_525, %sign3A_528 : i32
      %ne3A_530 = arith.cmpi ne, %sign3A_522, %sign3A_529 : i32
      %rem3A_531 = arith.remsi %scan3A_513, %jit3A_514 : i32
      %ne3A_532 = arith.constant 0 : i32
      %ne3A_533 = arith.cmpi ne, %rem3A_531, %ne3A_532 : i32
      %and3A_534 = arith.andi %ne3A_530, %ne3A_533 : i1
      %sub3A_535 = arith.constant 1 : i32
      %sub3A_536 = arith.subi %div3A_515, %sub3A_535 : i32
      %select_n3A_537 = arith.select %and3A_534, %sub3A_536, %div3A_515 : i32
      %jit3A_538 = arith.constant 32 : i32
      %eq3A = arith.constant 0 : i32
      %eq3A_539 = arith.cmpi eq, %jit3A_538, %eq3A : i32
      %jit3A_540 = arith.constant 1 : i32
      %select_n3A_541 = arith.select %eq3A_539, %jit3A_540, %jit3A_538 : i32
      %rem3A_542 = arith.remsi %scan3A_513, %select_n3A_541 : i32
      %ne3A_543 = arith.constant 0 : i32
      %ne3A_544 = arith.cmpi ne, %rem3A_542, %ne3A_543 : i32
      %lt3A = arith.constant 0 : i32
      %lt3A_545 = arith.cmpi slt, %rem3A_542, %lt3A : i32
      %lt3A_546 = arith.constant 0 : i32
      %lt3A_547 = arith.cmpi slt, %select_n3A_541, %lt3A_546 : i32
      %ne3A_548 = arith.xori %lt3A_545, %lt3A_547 : i1
      %and3A_549 = arith.andi %ne3A_548, %ne3A_544 : i1
      %add3A_550 = arith.addi %rem3A_542, %select_n3A_541 : i32
      %select_n3A_551 = arith.select %and3A_549, %add3A_550, %rem3A_542 : i32
      %mul3A_552 = arith.constant 8 : i32
      %mul3A_553 = arith.muli %select_n3A_551, %mul3A_552 : i32
      %add3A_554 = arith.constant 0 : i32
      %add3A_555 = arith.addi %mul3A_553, %add3A_554 : i32
      %mul3A_556 = arith.constant 16 : i32
      %mul3A_557 = arith.muli %add3A_555, %mul3A_556 : i32
      %swap3A = arith.index_cast %select_n3A_537 : i32 to index
      %swap3A_558 = arith.index_cast %mul3A_557 : i32 to index
      %swap3A_559 = tpu.vector_load %arg9[%swap3A, %swap3A_558] {strides = array<i32>} : memref<8x4096xf32, #tpu.memory_space<vmem>>, vector<16xf32>,
      tpu.vector_store %arg9[%swap3A, %swap3A_558], %broadcast_in_dim3A_3 {strides = array<i32>} : memref<8x4096xf32, #tpu.memory_space<vmem>>, vector<16xf32>,
      %mul3A_560 = arith.constant 8 : i32
      %mul3A_561 = arith.muli %select_n3A_551, %mul3A_560 : i32
      %add3A_562 = arith.constant 1 : i32
      %add3A_563 = arith.addi %mul3A_561, %add3A_562 : i32
      %mul3A_564 = arith.constant 16 : i32
      %mul3A_565 = arith.muli %add3A_563, %mul3A_564 : i32
      %swap3A_566 = arith.index_cast %select_n3A_537 : i32 to index
      %swap3A_567 = arith.index_cast %mul3A_565 : i32 to index
      %swap3A_568 = tpu.vector_load %arg9[%swap3A_566, %swap3A_567] {strides = array<i32>} : memref<8x4096xf32, #tpu.memory_space<vmem>>, vector<16xf32>,
      tpu.vector_store %arg9[%swap3A_566, %swap3A_567], %broadcast_in_dim3A_3 {strides = array<i32>} : memref<8x4096xf32, #tpu.memory_space<vmem>>, vector<16xf32>,
      %mul3A_569 = arith.constant 8 : i32
      %mul3A_570 = arith.muli %select_n3A_551, %mul3A_569 : i32
      %add3A_571 = arith.constant 2 : i32
      %add3A_572 = arith.addi %mul3A_570, %add3A_571 : i32
      %mul3A_573 = arith.constant 16 : i32
      %mul3A_574 = arith.muli %add3A_572, %mul3A_573 : i32
      %swap3A_575 = arith.index_cast %select_n3A_537 : i32 to index
      %swap3A_576 = arith.index_cast %mul3A_574 : i32 to index
      %swap3A_577 = tpu.vector_load %arg9[%swap3A_575, %swap3A_576] {strides = array<i32>} : memref<8x4096xf32, #tpu.memory_space<vmem>>, vector<16xf32>,
      tpu.vector_store %arg9[%swap3A_575, %swap3A_576], %broadcast_in_dim3A_3 {strides = array<i32>} : memref<8x4096xf32, #tpu.memory_space<vmem>>, vector<16xf32>,
      %mul3A_578 = arith.constant 8 : i32
      %mul3A_579 = arith.muli %select_n3A_551, %mul3A_578 : i32
      %add3A_580 = arith.constant 3 : i32
      %add3A_581 = arith.addi %mul3A_579, %add3A_580 : i32
      %mul3A_582 = arith.constant 16 : i32
      %mul3A_583 = arith.muli %add3A_581, %mul3A_582 : i32
      %swap3A_584 = arith.index_cast %select_n3A_537 : i32 to index
      %swap3A_585 = arith.index_cast %mul3A_583 : i32 to index
      %swap3A_586 = tpu.vector_load %arg9[%swap3A_584, %swap3A_585] {strides = array<i32>} : memref<8x4096xf32, #tpu.memory_space<vmem>>, vector<16xf32>,
      tpu.vector_store %arg9[%swap3A_584, %swap3A_585], %broadcast_in_dim3A_3 {strides = array<i32>} : memref<8x4096xf32, #tpu.memory_space<vmem>>, vector<16xf32>,
      %mul3A_587 = arith.constant 8 : i32
      %mul3A_588 = arith.muli %select_n3A_551, %mul3A_587 : i32
      %add3A_589 = arith.constant 4 : i32
      %add3A_590 = arith.addi %mul3A_588, %add3A_589 : i32
      %mul3A_591 = arith.constant 16 : i32
      %mul3A_592 = arith.muli %add3A_590, %mul3A_591 : i32
      %swap3A_593 = arith.index_cast %select_n3A_537 : i32 to index
      %swap3A_594 = arith.index_cast %mul3A_592 : i32 to index
      %swap3A_595 = tpu.vector_load %arg9[%swap3A_593, %swap3A_594] {strides = array<i32>} : memref<8x4096xf32, #tpu.memory_space<vmem>>, vector<16xf32>,
      tpu.vector_store %arg9[%swap3A_593, %swap3A_594], %broadcast_in_dim3A_3 {strides = array<i32>} : memref<8x4096xf32, #tpu.memory_space<vmem>>, vector<16xf32>,
      %mul3A_596 = arith.constant 8 : i32
      %mul3A_597 = arith.muli %select_n3A_551, %mul3A_596 : i32
      %add3A_598 = arith.constant 5 : i32
      %add3A_599 = arith.addi %mul3A_597, %add3A_598 : i32
      %mul3A_600 = arith.constant 16 : i32
      %mul3A_601 = arith.muli %add3A_599, %mul3A_600 : i32
      %swap3A_602 = arith.index_cast %select_n3A_537 : i32 to index
      %swap3A_603 = arith.index_cast %mul3A_601 : i32 to index
      %swap3A_604 = tpu.vector_load %arg9[%swap3A_602, %swap3A_603] {strides = array<i32>} : memref<8x4096xf32, #tpu.memory_space<vmem>>, vector<16xf32>,
      tpu.vector_store %arg9[%swap3A_602, %swap3A_603], %broadcast_in_dim3A_3 {strides = array<i32>} : memref<8x4096xf32, #tpu.memory_space<vmem>>, vector<16xf32>,
      %mul3A_605 = arith.constant 8 : i32
      %mul3A_606 = arith.muli %select_n3A_551, %mul3A_605 : i32
      %add3A_607 = arith.constant 6 : i32
      %add3A_608 = arith.addi %mul3A_606, %add3A_607 : i32
      %mul3A_609 = arith.constant 16 : i32
      %mul3A_610 = arith.muli %add3A_608, %mul3A_609 : i32
      %swap3A_611 = arith.index_cast %select_n3A_537 : i32 to index
      %swap3A_612 = arith.index_cast %mul3A_610 : i32 to index
      %swap3A_613 = tpu.vector_load %arg9[%swap3A_611, %swap3A_612] {strides = array<i32>} : memref<8x4096xf32, #tpu.memory_space<vmem>>, vector<16xf32>,
      tpu.vector_store %arg9[%swap3A_611, %swap3A_612], %broadcast_in_dim3A_3 {strides = array<i32>} : memref<8x4096xf32, #tpu.memory_space<vmem>>, vector<16xf32>,
      %mul3A_614 = arith.constant 8 : i32
      %mul3A_615 = arith.muli %select_n3A_551, %mul3A_614 : i32
      %add3A_616 = arith.constant 7 : i32
      %add3A_617 = arith.addi %mul3A_615, %add3A_616 : i32
      %mul3A_618 = arith.constant 16 : i32
      %mul3A_619 = arith.muli %add3A_617, %mul3A_618 : i32
      %swap3A_620 = arith.index_cast %select_n3A_537 : i32 to index
      %swap3A_621 = arith.index_cast %mul3A_619 : i32 to index
      %swap3A_622 = tpu.vector_load %arg9[%swap3A_620, %swap3A_621] {strides = array<i32>} : memref<8x4096xf32, #tpu.memory_space<vmem>>, vector<16xf32>,
      tpu.vector_store %arg9[%swap3A_620, %swap3A_621], %broadcast_in_dim3A_3 {strides = array<i32>} : memref<8x4096xf32, #tpu.memory_space<vmem>>, vector<16xf32>,
    }
    %scan3A_244 = arith.constant 256 : i32
    %add3A_245 = arith.constant 229376 : i32
    %add3A_246 = arith.addi %mul3A_2, %add3A_245 : i32
    %while3A_247 = arith.constant 0 : i32
    %while3A_248 = arith.constant 0 : i32
    %while3A_249 = arith.subi %min3A_28, %while3A_248 : i32
    %while3A_250 = arith.addi %while3A_248, %while3A_249 : i32
    %while3A_251 = arith.constant 1 : i32
    %while3A_252 = arith.divsi %while3A_249, %while3A_251 : i32
    %while3A_253 = arith.muli %while3A_252, %while3A_251 : i32
    %while3A_254 = arith.addi %while3A_248, %while3A_253 : i32
    %while3A_255 = arith.constant 1 : i32
    scf.for %while3A_513 = %while3A_248 to %while3A_254 step %while3A_255  : i32 {
      %mul3A_514 = arith.constant 16 : i32
      %mul3A_515 = arith.muli %while3A_513, %mul3A_514 : i32
      %get3A_516 = arith.index_cast %mul3A_515 : i32 to index
      %get3A_517 = tpu.vector_load %arg6[%get3A_516] {strides = array<i32>} : memref<8208xi32, #tpu.memory_space<vmem>>, vector<16xi32>,
      %mul3A_518 = arith.constant 16 : i32
      %mul3A_519 = arith.muli %while3A_513, %mul3A_518 : i32
      %add3A_520 = arith.constant 1 : i32
      %add3A_521 = arith.addi %mul3A_519, %add3A_520 : i32
      %get3A_522 = arith.index_cast %add3A_521 : i32 to index
      %get3A_523 = tpu.vector_load %arg6[%get3A_522] {strides = array<i32>} : memref<8208xi32, #tpu.memory_space<vmem>>, vector<16xi32>,
      %mul3A_524 = arith.constant 16 : i32
      %mul3A_525 = arith.muli %while3A_513, %mul3A_524 : i32
      %get3A_526 = arith.index_cast %mul3A_525 : i32 to index
      %get3A_527 = tpu.vector_load %arg7[%get3A_526] {strides = array<i32>} : memref<8208xf32, #tpu.memory_space<vmem>>, vector<16xf32>,
      %sub3A_528 = vector.broadcast %add3A_246 : i32 to vector<16xi32>
      %sub3A_529 = arith.subi %get3A_517, %sub3A_528 : vector<16xi32>
      %lt3A = arith.constant 32768 : i32
      %lt3A_530 = vector.broadcast %lt3A : i32 to vector<16xi32>
      %lt3A_531 = arith.cmpi ult, %sub3A_529, %lt3A_530 : vector<16xi32>
      %ne3A_532 = arith.cmpi ne, %get3A_517, %get3A_523 : vector<16xi32>
      %and3A_533 = arith.andi %lt3A_531, %ne3A_532 : vector<16xi1>
      %shift_right_logical3A = arith.constant 12 : i32
      %shift_right_logical3A_534 = vector.broadcast %shift_right_logical3A : i32 to vector<16xi32>
      %shift_right_logical3A_535 = arith.shrui %sub3A_529, %shift_right_logical3A_534 : vector<16xi32>
      %and3A_536 = arith.constant 4095 : i32
      %and3A_537 = vector.broadcast %and3A_536 : i32 to vector<16xi32>
      %and3A_538 = arith.andi %sub3A_529, %and3A_537 : vector<16xi32>
      tpu.vector_store_idx %arg9[%shift_right_logical3A_535, %and3A_538], %get3A_527 masked %and3A_533 : memref<8x4096xf32, #tpu.memory_space<vmem>>[vector<16xi32>, vector<16xi32>], vector<16xf32>, vector<16xi1>
    }
    %while3A_256 = arith.constant 1 : i32
    scf.for %while3A_513 = %while3A_254 to %while3A_250 step %while3A_256  : i32 {
      %mul3A_514 = arith.constant 16 : i32
      %mul3A_515 = arith.muli %while3A_513, %mul3A_514 : i32
      %get3A_516 = arith.index_cast %mul3A_515 : i32 to index
      %get3A_517 = tpu.vector_load %arg6[%get3A_516] {strides = array<i32>} : memref<8208xi32, #tpu.memory_space<vmem>>, vector<16xi32>,
      %mul3A_518 = arith.constant 16 : i32
      %mul3A_519 = arith.muli %while3A_513, %mul3A_518 : i32
      %add3A_520 = arith.constant 1 : i32
      %add3A_521 = arith.addi %mul3A_519, %add3A_520 : i32
      %get3A_522 = arith.index_cast %add3A_521 : i32 to index
      %get3A_523 = tpu.vector_load %arg6[%get3A_522] {strides = array<i32>} : memref<8208xi32, #tpu.memory_space<vmem>>, vector<16xi32>,
      %mul3A_524 = arith.constant 16 : i32
      %mul3A_525 = arith.muli %while3A_513, %mul3A_524 : i32
      %get3A_526 = arith.index_cast %mul3A_525 : i32 to index
      %get3A_527 = tpu.vector_load %arg7[%get3A_526] {strides = array<i32>} : memref<8208xf32, #tpu.memory_space<vmem>>, vector<16xf32>,
      %sub3A_528 = vector.broadcast %add3A_246 : i32 to vector<16xi32>
      %sub3A_529 = arith.subi %get3A_517, %sub3A_528 : vector<16xi32>
      %lt3A = arith.constant 32768 : i32
      %lt3A_530 = vector.broadcast %lt3A : i32 to vector<16xi32>
      %lt3A_531 = arith.cmpi ult, %sub3A_529, %lt3A_530 : vector<16xi32>
      %ne3A_532 = arith.cmpi ne, %get3A_517, %get3A_523 : vector<16xi32>
      %and3A_533 = arith.andi %lt3A_531, %ne3A_532 : vector<16xi1>
      %shift_right_logical3A = arith.constant 12 : i32
      %shift_right_logical3A_534 = vector.broadcast %shift_right_logical3A : i32 to vector<16xi32>
      %shift_right_logical3A_535 = arith.shrui %sub3A_529, %shift_right_logical3A_534 : vector<16xi32>
      %and3A_536 = arith.constant 4095 : i32
      %and3A_537 = vector.broadcast %and3A_536 : i32 to vector<16xi32>
      %and3A_538 = arith.andi %sub3A_529, %and3A_537 : vector<16xi32>
      tpu.vector_store_idx %arg9[%shift_right_logical3A_535, %and3A_538], %get3A_527 masked %and3A_533 : memref<8x4096xf32, #tpu.memory_space<vmem>>[vector<16xi32>, vector<16xi32>], vector<16xf32>, vector<16xi1>
    }
    %mul3A_257 = arith.constant 128 : i32
    %mul3A_258 = arith.muli %add3A, %mul3A_257 : i32
    %add3A_259 = arith.constant 56 : i32
    %add3A_260 = arith.addi %mul3A_258, %add3A_259 : i32
    %dma_start3A_261 = arith.constant 0 : i32
    %dma_start3A_262 = tpu.memref_slice %arg5[%add3A_260, %dma_start3A_261] : memref<4096x4096xf32, #tpu.memory_space<hbm>> -> memref<8x4096xf32, #tpu.memory_space<hbm>>
    %dma_start3A_263 = arith.constant 0 : i32
    %dma_start3A_264 = tpu.memref_slice %arg5[%add3A_260, %dma_start3A_263] : memref<4096x4096xf32, #tpu.memory_space<hbm>> -> memref<8x4096xf32, #tpu.memory_space<hbm>>
    tpu.enqueue_dma source(%arg9 : memref<8x4096xf32, #tpu.memory_space<vmem>>) target(%dma_start3A_264 : memref<8x4096xf32, #tpu.memory_space<hbm>>) target_semaphore(%arg12 : memref<!tpu.dma_semaphore, #tpu.memory_space<semaphore_mem>>)
    %dma_wait3A_265 = arith.constant 0 : i32
    %dma_wait3A_266 = tpu.memref_slice %arg5[%add3A_230, %dma_wait3A_265] : memref<4096x4096xf32, #tpu.memory_space<hbm>> -> memref<8x4096xf32, #tpu.memory_space<hbm>>
    %dma_wait3A_267 = arith.constant 0 : i32
    %dma_wait3A_268 = tpu.memref_slice %arg5[%add3A_230, %dma_wait3A_267] : memref<4096x4096xf32, #tpu.memory_space<hbm>> -> memref<8x4096xf32, #tpu.memory_space<hbm>>
    tpu.wait_dma2 semaphore(%arg12 : memref<!tpu.dma_semaphore, #tpu.memory_space<semaphore_mem>>) src(%arg8 : memref<8x4096xf32, #tpu.memory_space<vmem>>) dst(%dma_wait3A_268 : memref<8x4096xf32, #tpu.memory_space<hbm>>)
    %scan3A_269 = arith.constant 0 : i32
    %scan3A_270 = arith.constant 0 : i32
    %scan3A_271 = arith.constant 256 : i32
    %scan3A_272 = arith.addi %scan3A_270, %scan3A_271 : i32
    %scan3A_273 = arith.constant 1 : i32
    scf.for %scan3A_513 = %scan3A_270 to %scan3A_272 step %scan3A_273  : i32 {
      %jit3A_514 = arith.constant 32 : i32
      %div3A_515 = arith.divsi %scan3A_513, %jit3A_514 : i32
      %sign3A_516 = arith.constant 0 : i32
      %sign3A_517 = arith.cmpi sgt, %scan3A_513, %sign3A_516 : i32
      %sign3A_518 = arith.extui %sign3A_517 : i1 to i32
      %sign3A_519 = arith.constant 0 : i32
      %sign3A_520 = arith.cmpi slt, %scan3A_513, %sign3A_519 : i32
      %sign3A_521 = arith.extui %sign3A_520 : i1 to i32
      %sign3A_522 = arith.subi %sign3A_518, %sign3A_521 : i32
      %sign3A_523 = arith.constant 0 : i32
      %sign3A_524 = arith.cmpi sgt, %jit3A_514, %sign3A_523 : i32
      %sign3A_525 = arith.extui %sign3A_524 : i1 to i32
      %sign3A_526 = arith.constant 0 : i32
      %sign3A_527 = arith.cmpi slt, %jit3A_514, %sign3A_526 : i32
      %sign3A_528 = arith.extui %sign3A_527 : i1 to i32
      %sign3A_529 = arith.subi %sign3A_525, %sign3A_528 : i32
      %ne3A_530 = arith.cmpi ne, %sign3A_522, %sign3A_529 : i32
      %rem3A_531 = arith.remsi %scan3A_513, %jit3A_514 : i32
      %ne3A_532 = arith.constant 0 : i32
      %ne3A_533 = arith.cmpi ne, %rem3A_531, %ne3A_532 : i32
      %and3A_534 = arith.andi %ne3A_530, %ne3A_533 : i1
      %sub3A_535 = arith.constant 1 : i32
      %sub3A_536 = arith.subi %div3A_515, %sub3A_535 : i32
      %select_n3A_537 = arith.select %and3A_534, %sub3A_536, %div3A_515 : i32
      %jit3A_538 = arith.constant 32 : i32
      %eq3A = arith.constant 0 : i32
      %eq3A_539 = arith.cmpi eq, %jit3A_538, %eq3A : i32
      %jit3A_540 = arith.constant 1 : i32
      %select_n3A_541 = arith.select %eq3A_539, %jit3A_540, %jit3A_538 : i32
      %rem3A_542 = arith.remsi %scan3A_513, %select_n3A_541 : i32
      %ne3A_543 = arith.constant 0 : i32
      %ne3A_544 = arith.cmpi ne, %rem3A_542, %ne3A_543 : i32
      %lt3A = arith.constant 0 : i32
      %lt3A_545 = arith.cmpi slt, %rem3A_542, %lt3A : i32
      %lt3A_546 = arith.constant 0 : i32
      %lt3A_547 = arith.cmpi slt, %select_n3A_541, %lt3A_546 : i32
      %ne3A_548 = arith.xori %lt3A_545, %lt3A_547 : i1
      %and3A_549 = arith.andi %ne3A_548, %ne3A_544 : i1
      %add3A_550 = arith.addi %rem3A_542, %select_n3A_541 : i32
      %select_n3A_551 = arith.select %and3A_549, %add3A_550, %rem3A_542 : i32
      %mul3A_552 = arith.constant 8 : i32
      %mul3A_553 = arith.muli %select_n3A_551, %mul3A_552 : i32
      %add3A_554 = arith.constant 0 : i32
      %add3A_555 = arith.addi %mul3A_553, %add3A_554 : i32
      %mul3A_556 = arith.constant 16 : i32
      %mul3A_557 = arith.muli %add3A_555, %mul3A_556 : i32
      %swap3A = arith.index_cast %select_n3A_537 : i32 to index
      %swap3A_558 = arith.index_cast %mul3A_557 : i32 to index
      %swap3A_559 = tpu.vector_load %arg8[%swap3A, %swap3A_558] {strides = array<i32>} : memref<8x4096xf32, #tpu.memory_space<vmem>>, vector<16xf32>,
      tpu.vector_store %arg8[%swap3A, %swap3A_558], %broadcast_in_dim3A_3 {strides = array<i32>} : memref<8x4096xf32, #tpu.memory_space<vmem>>, vector<16xf32>,
      %mul3A_560 = arith.constant 8 : i32
      %mul3A_561 = arith.muli %select_n3A_551, %mul3A_560 : i32
      %add3A_562 = arith.constant 1 : i32
      %add3A_563 = arith.addi %mul3A_561, %add3A_562 : i32
      %mul3A_564 = arith.constant 16 : i32
      %mul3A_565 = arith.muli %add3A_563, %mul3A_564 : i32
      %swap3A_566 = arith.index_cast %select_n3A_537 : i32 to index
      %swap3A_567 = arith.index_cast %mul3A_565 : i32 to index
      %swap3A_568 = tpu.vector_load %arg8[%swap3A_566, %swap3A_567] {strides = array<i32>} : memref<8x4096xf32, #tpu.memory_space<vmem>>, vector<16xf32>,
      tpu.vector_store %arg8[%swap3A_566, %swap3A_567], %broadcast_in_dim3A_3 {strides = array<i32>} : memref<8x4096xf32, #tpu.memory_space<vmem>>, vector<16xf32>,
      %mul3A_569 = arith.constant 8 : i32
      %mul3A_570 = arith.muli %select_n3A_551, %mul3A_569 : i32
      %add3A_571 = arith.constant 2 : i32
      %add3A_572 = arith.addi %mul3A_570, %add3A_571 : i32
      %mul3A_573 = arith.constant 16 : i32
      %mul3A_574 = arith.muli %add3A_572, %mul3A_573 : i32
      %swap3A_575 = arith.index_cast %select_n3A_537 : i32 to index
      %swap3A_576 = arith.index_cast %mul3A_574 : i32 to index
      %swap3A_577 = tpu.vector_load %arg8[%swap3A_575, %swap3A_576] {strides = array<i32>} : memref<8x4096xf32, #tpu.memory_space<vmem>>, vector<16xf32>,
      tpu.vector_store %arg8[%swap3A_575, %swap3A_576], %broadcast_in_dim3A_3 {strides = array<i32>} : memref<8x4096xf32, #tpu.memory_space<vmem>>, vector<16xf32>,
      %mul3A_578 = arith.constant 8 : i32
      %mul3A_579 = arith.muli %select_n3A_551, %mul3A_578 : i32
      %add3A_580 = arith.constant 3 : i32
      %add3A_581 = arith.addi %mul3A_579, %add3A_580 : i32
      %mul3A_582 = arith.constant 16 : i32
      %mul3A_583 = arith.muli %add3A_581, %mul3A_582 : i32
      %swap3A_584 = arith.index_cast %select_n3A_537 : i32 to index
      %swap3A_585 = arith.index_cast %mul3A_583 : i32 to index
      %swap3A_586 = tpu.vector_load %arg8[%swap3A_584, %swap3A_585] {strides = array<i32>} : memref<8x4096xf32, #tpu.memory_space<vmem>>, vector<16xf32>,
      tpu.vector_store %arg8[%swap3A_584, %swap3A_585], %broadcast_in_dim3A_3 {strides = array<i32>} : memref<8x4096xf32, #tpu.memory_space<vmem>>, vector<16xf32>,
      %mul3A_587 = arith.constant 8 : i32
      %mul3A_588 = arith.muli %select_n3A_551, %mul3A_587 : i32
      %add3A_589 = arith.constant 4 : i32
      %add3A_590 = arith.addi %mul3A_588, %add3A_589 : i32
      %mul3A_591 = arith.constant 16 : i32
      %mul3A_592 = arith.muli %add3A_590, %mul3A_591 : i32
      %swap3A_593 = arith.index_cast %select_n3A_537 : i32 to index
      %swap3A_594 = arith.index_cast %mul3A_592 : i32 to index
      %swap3A_595 = tpu.vector_load %arg8[%swap3A_593, %swap3A_594] {strides = array<i32>} : memref<8x4096xf32, #tpu.memory_space<vmem>>, vector<16xf32>,
      tpu.vector_store %arg8[%swap3A_593, %swap3A_594], %broadcast_in_dim3A_3 {strides = array<i32>} : memref<8x4096xf32, #tpu.memory_space<vmem>>, vector<16xf32>,
      %mul3A_596 = arith.constant 8 : i32
      %mul3A_597 = arith.muli %select_n3A_551, %mul3A_596 : i32
      %add3A_598 = arith.constant 5 : i32
      %add3A_599 = arith.addi %mul3A_597, %add3A_598 : i32
      %mul3A_600 = arith.constant 16 : i32
      %mul3A_601 = arith.muli %add3A_599, %mul3A_600 : i32
      %swap3A_602 = arith.index_cast %select_n3A_537 : i32 to index
      %swap3A_603 = arith.index_cast %mul3A_601 : i32 to index
      %swap3A_604 = tpu.vector_load %arg8[%swap3A_602, %swap3A_603] {strides = array<i32>} : memref<8x4096xf32, #tpu.memory_space<vmem>>, vector<16xf32>,
      tpu.vector_store %arg8[%swap3A_602, %swap3A_603], %broadcast_in_dim3A_3 {strides = array<i32>} : memref<8x4096xf32, #tpu.memory_space<vmem>>, vector<16xf32>,
      %mul3A_605 = arith.constant 8 : i32
      %mul3A_606 = arith.muli %select_n3A_551, %mul3A_605 : i32
      %add3A_607 = arith.constant 6 : i32
      %add3A_608 = arith.addi %mul3A_606, %add3A_607 : i32
      %mul3A_609 = arith.constant 16 : i32
      %mul3A_610 = arith.muli %add3A_608, %mul3A_609 : i32
      %swap3A_611 = arith.index_cast %select_n3A_537 : i32 to index
      %swap3A_612 = arith.index_cast %mul3A_610 : i32 to index
      %swap3A_613 = tpu.vector_load %arg8[%swap3A_611, %swap3A_612] {strides = array<i32>} : memref<8x4096xf32, #tpu.memory_space<vmem>>, vector<16xf32>,
      tpu.vector_store %arg8[%swap3A_611, %swap3A_612], %broadcast_in_dim3A_3 {strides = array<i32>} : memref<8x4096xf32, #tpu.memory_space<vmem>>, vector<16xf32>,
      %mul3A_614 = arith.constant 8 : i32
      %mul3A_615 = arith.muli %select_n3A_551, %mul3A_614 : i32
      %add3A_616 = arith.constant 7 : i32
      %add3A_617 = arith.addi %mul3A_615, %add3A_616 : i32
      %mul3A_618 = arith.constant 16 : i32
      %mul3A_619 = arith.muli %add3A_617, %mul3A_618 : i32
      %swap3A_620 = arith.index_cast %select_n3A_537 : i32 to index
      %swap3A_621 = arith.index_cast %mul3A_619 : i32 to index
      %swap3A_622 = tpu.vector_load %arg8[%swap3A_620, %swap3A_621] {strides = array<i32>} : memref<8x4096xf32, #tpu.memory_space<vmem>>, vector<16xf32>,
      tpu.vector_store %arg8[%swap3A_620, %swap3A_621], %broadcast_in_dim3A_3 {strides = array<i32>} : memref<8x4096xf32, #tpu.memory_space<vmem>>, vector<16xf32>,
    }
    %scan3A_274 = arith.constant 256 : i32
    %add3A_275 = arith.constant 262144 : i32
    %add3A_276 = arith.addi %mul3A_2, %add3A_275 : i32
    %while3A_277 = arith.constant 0 : i32
    %while3A_278 = arith.constant 0 : i32
    %while3A_279 = arith.subi %min3A_28, %while3A_278 : i32
    %while3A_280 = arith.addi %while3A_278, %while3A_279 : i32
    %while3A_281 = arith.constant 1 : i32
    %while3A_282 = arith.divsi %while3A_279, %while3A_281 : i32
    %while3A_283 = arith.muli %while3A_282, %while3A_281 : i32
    %while3A_284 = arith.addi %while3A_278, %while3A_283 : i32
    %while3A_285 = arith.constant 1 : i32
    scf.for %while3A_513 = %while3A_278 to %while3A_284 step %while3A_285  : i32 {
      %mul3A_514 = arith.constant 16 : i32
      %mul3A_515 = arith.muli %while3A_513, %mul3A_514 : i32
      %get3A_516 = arith.index_cast %mul3A_515 : i32 to index
      %get3A_517 = tpu.vector_load %arg6[%get3A_516] {strides = array<i32>} : memref<8208xi32, #tpu.memory_space<vmem>>, vector<16xi32>,
      %mul3A_518 = arith.constant 16 : i32
      %mul3A_519 = arith.muli %while3A_513, %mul3A_518 : i32
      %add3A_520 = arith.constant 1 : i32
      %add3A_521 = arith.addi %mul3A_519, %add3A_520 : i32
      %get3A_522 = arith.index_cast %add3A_521 : i32 to index
      %get3A_523 = tpu.vector_load %arg6[%get3A_522] {strides = array<i32>} : memref<8208xi32, #tpu.memory_space<vmem>>, vector<16xi32>,
      %mul3A_524 = arith.constant 16 : i32
      %mul3A_525 = arith.muli %while3A_513, %mul3A_524 : i32
      %get3A_526 = arith.index_cast %mul3A_525 : i32 to index
      %get3A_527 = tpu.vector_load %arg7[%get3A_526] {strides = array<i32>} : memref<8208xf32, #tpu.memory_space<vmem>>, vector<16xf32>,
      %sub3A_528 = vector.broadcast %add3A_276 : i32 to vector<16xi32>
      %sub3A_529 = arith.subi %get3A_517, %sub3A_528 : vector<16xi32>
      %lt3A = arith.constant 32768 : i32
      %lt3A_530 = vector.broadcast %lt3A : i32 to vector<16xi32>
      %lt3A_531 = arith.cmpi ult, %sub3A_529, %lt3A_530 : vector<16xi32>
      %ne3A_532 = arith.cmpi ne, %get3A_517, %get3A_523 : vector<16xi32>
      %and3A_533 = arith.andi %lt3A_531, %ne3A_532 : vector<16xi1>
      %shift_right_logical3A = arith.constant 12 : i32
      %shift_right_logical3A_534 = vector.broadcast %shift_right_logical3A : i32 to vector<16xi32>
      %shift_right_logical3A_535 = arith.shrui %sub3A_529, %shift_right_logical3A_534 : vector<16xi32>
      %and3A_536 = arith.constant 4095 : i32
      %and3A_537 = vector.broadcast %and3A_536 : i32 to vector<16xi32>
      %and3A_538 = arith.andi %sub3A_529, %and3A_537 : vector<16xi32>
      tpu.vector_store_idx %arg8[%shift_right_logical3A_535, %and3A_538], %get3A_527 masked %and3A_533 : memref<8x4096xf32, #tpu.memory_space<vmem>>[vector<16xi32>, vector<16xi32>], vector<16xf32>, vector<16xi1>
    }
    %while3A_286 = arith.constant 1 : i32
    scf.for %while3A_513 = %while3A_284 to %while3A_280 step %while3A_286  : i32 {
      %mul3A_514 = arith.constant 16 : i32
      %mul3A_515 = arith.muli %while3A_513, %mul3A_514 : i32
      %get3A_516 = arith.index_cast %mul3A_515 : i32 to index
      %get3A_517 = tpu.vector_load %arg6[%get3A_516] {strides = array<i32>} : memref<8208xi32, #tpu.memory_space<vmem>>, vector<16xi32>,
      %mul3A_518 = arith.constant 16 : i32
      %mul3A_519 = arith.muli %while3A_513, %mul3A_518 : i32
      %add3A_520 = arith.constant 1 : i32
      %add3A_521 = arith.addi %mul3A_519, %add3A_520 : i32
      %get3A_522 = arith.index_cast %add3A_521 : i32 to index
      %get3A_523 = tpu.vector_load %arg6[%get3A_522] {strides = array<i32>} : memref<8208xi32, #tpu.memory_space<vmem>>, vector<16xi32>,
      %mul3A_524 = arith.constant 16 : i32
      %mul3A_525 = arith.muli %while3A_513, %mul3A_524 : i32
      %get3A_526 = arith.index_cast %mul3A_525 : i32 to index
      %get3A_527 = tpu.vector_load %arg7[%get3A_526] {strides = array<i32>} : memref<8208xf32, #tpu.memory_space<vmem>>, vector<16xf32>,
      %sub3A_528 = vector.broadcast %add3A_276 : i32 to vector<16xi32>
      %sub3A_529 = arith.subi %get3A_517, %sub3A_528 : vector<16xi32>
      %lt3A = arith.constant 32768 : i32
      %lt3A_530 = vector.broadcast %lt3A : i32 to vector<16xi32>
      %lt3A_531 = arith.cmpi ult, %sub3A_529, %lt3A_530 : vector<16xi32>
      %ne3A_532 = arith.cmpi ne, %get3A_517, %get3A_523 : vector<16xi32>
      %and3A_533 = arith.andi %lt3A_531, %ne3A_532 : vector<16xi1>
      %shift_right_logical3A = arith.constant 12 : i32
      %shift_right_logical3A_534 = vector.broadcast %shift_right_logical3A : i32 to vector<16xi32>
      %shift_right_logical3A_535 = arith.shrui %sub3A_529, %shift_right_logical3A_534 : vector<16xi32>
      %and3A_536 = arith.constant 4095 : i32
      %and3A_537 = vector.broadcast %and3A_536 : i32 to vector<16xi32>
      %and3A_538 = arith.andi %sub3A_529, %and3A_537 : vector<16xi32>
      tpu.vector_store_idx %arg8[%shift_right_logical3A_535, %and3A_538], %get3A_527 masked %and3A_533 : memref<8x4096xf32, #tpu.memory_space<vmem>>[vector<16xi32>, vector<16xi32>], vector<16xf32>, vector<16xi1>
    }
    %mul3A_287 = arith.constant 128 : i32
    %mul3A_288 = arith.muli %add3A, %mul3A_287 : i32
    %add3A_289 = arith.constant 64 : i32
    %add3A_290 = arith.addi %mul3A_288, %add3A_289 : i32
    %dma_start3A_291 = arith.constant 0 : i32
    %dma_start3A_292 = tpu.memref_slice %arg5[%add3A_290, %dma_start3A_291] : memref<4096x4096xf32, #tpu.memory_space<hbm>> -> memref<8x4096xf32, #tpu.memory_space<hbm>>
    %dma_start3A_293 = arith.constant 0 : i32
    %dma_start3A_294 = tpu.memref_slice %arg5[%add3A_290, %dma_start3A_293] : memref<4096x4096xf32, #tpu.memory_space<hbm>> -> memref<8x4096xf32, #tpu.memory_space<hbm>>
    tpu.enqueue_dma source(%arg8 : memref<8x4096xf32, #tpu.memory_space<vmem>>) target(%dma_start3A_294 : memref<8x4096xf32, #tpu.memory_space<hbm>>) target_semaphore(%arg12 : memref<!tpu.dma_semaphore, #tpu.memory_space<semaphore_mem>>)
    %dma_wait3A_295 = arith.constant 0 : i32
    %dma_wait3A_296 = tpu.memref_slice %arg5[%add3A_260, %dma_wait3A_295] : memref<4096x4096xf32, #tpu.memory_space<hbm>> -> memref<8x4096xf32, #tpu.memory_space<hbm>>
    %dma_wait3A_297 = arith.constant 0 : i32
    %dma_wait3A_298 = tpu.memref_slice %arg5[%add3A_260, %dma_wait3A_297] : memref<4096x4096xf32, #tpu.memory_space<hbm>> -> memref<8x4096xf32, #tpu.memory_space<hbm>>
    tpu.wait_dma2 semaphore(%arg12 : memref<!tpu.dma_semaphore, #tpu.memory_space<semaphore_mem>>) src(%arg9 : memref<8x4096xf32, #tpu.memory_space<vmem>>) dst(%dma_wait3A_298 : memref<8x4096xf32, #tpu.memory_space<hbm>>)
    %scan3A_299 = arith.constant 0 : i32
    %scan3A_300 = arith.constant 0 : i32
    %scan3A_301 = arith.constant 256 : i32
    %scan3A_302 = arith.addi %scan3A_300, %scan3A_301 : i32
    %scan3A_303 = arith.constant 1 : i32
    scf.for %scan3A_513 = %scan3A_300 to %scan3A_302 step %scan3A_303  : i32 {
      %jit3A_514 = arith.constant 32 : i32
      %div3A_515 = arith.divsi %scan3A_513, %jit3A_514 : i32
      %sign3A_516 = arith.constant 0 : i32
      %sign3A_517 = arith.cmpi sgt, %scan3A_513, %sign3A_516 : i32
      %sign3A_518 = arith.extui %sign3A_517 : i1 to i32
      %sign3A_519 = arith.constant 0 : i32
      %sign3A_520 = arith.cmpi slt, %scan3A_513, %sign3A_519 : i32
      %sign3A_521 = arith.extui %sign3A_520 : i1 to i32
      %sign3A_522 = arith.subi %sign3A_518, %sign3A_521 : i32
      %sign3A_523 = arith.constant 0 : i32
      %sign3A_524 = arith.cmpi sgt, %jit3A_514, %sign3A_523 : i32
      %sign3A_525 = arith.extui %sign3A_524 : i1 to i32
      %sign3A_526 = arith.constant 0 : i32
      %sign3A_527 = arith.cmpi slt, %jit3A_514, %sign3A_526 : i32
      %sign3A_528 = arith.extui %sign3A_527 : i1 to i32
      %sign3A_529 = arith.subi %sign3A_525, %sign3A_528 : i32
      %ne3A_530 = arith.cmpi ne, %sign3A_522, %sign3A_529 : i32
      %rem3A_531 = arith.remsi %scan3A_513, %jit3A_514 : i32
      %ne3A_532 = arith.constant 0 : i32
      %ne3A_533 = arith.cmpi ne, %rem3A_531, %ne3A_532 : i32
      %and3A_534 = arith.andi %ne3A_530, %ne3A_533 : i1
      %sub3A_535 = arith.constant 1 : i32
      %sub3A_536 = arith.subi %div3A_515, %sub3A_535 : i32
      %select_n3A_537 = arith.select %and3A_534, %sub3A_536, %div3A_515 : i32
      %jit3A_538 = arith.constant 32 : i32
      %eq3A = arith.constant 0 : i32
      %eq3A_539 = arith.cmpi eq, %jit3A_538, %eq3A : i32
      %jit3A_540 = arith.constant 1 : i32
      %select_n3A_541 = arith.select %eq3A_539, %jit3A_540, %jit3A_538 : i32
      %rem3A_542 = arith.remsi %scan3A_513, %select_n3A_541 : i32
      %ne3A_543 = arith.constant 0 : i32
      %ne3A_544 = arith.cmpi ne, %rem3A_542, %ne3A_543 : i32
      %lt3A = arith.constant 0 : i32
      %lt3A_545 = arith.cmpi slt, %rem3A_542, %lt3A : i32
      %lt3A_546 = arith.constant 0 : i32
      %lt3A_547 = arith.cmpi slt, %select_n3A_541, %lt3A_546 : i32
      %ne3A_548 = arith.xori %lt3A_545, %lt3A_547 : i1
      %and3A_549 = arith.andi %ne3A_548, %ne3A_544 : i1
      %add3A_550 = arith.addi %rem3A_542, %select_n3A_541 : i32
      %select_n3A_551 = arith.select %and3A_549, %add3A_550, %rem3A_542 : i32
      %mul3A_552 = arith.constant 8 : i32
      %mul3A_553 = arith.muli %select_n3A_551, %mul3A_552 : i32
      %add3A_554 = arith.constant 0 : i32
      %add3A_555 = arith.addi %mul3A_553, %add3A_554 : i32
      %mul3A_556 = arith.constant 16 : i32
      %mul3A_557 = arith.muli %add3A_555, %mul3A_556 : i32
      %swap3A = arith.index_cast %select_n3A_537 : i32 to index
      %swap3A_558 = arith.index_cast %mul3A_557 : i32 to index
      %swap3A_559 = tpu.vector_load %arg9[%swap3A, %swap3A_558] {strides = array<i32>} : memref<8x4096xf32, #tpu.memory_space<vmem>>, vector<16xf32>,
      tpu.vector_store %arg9[%swap3A, %swap3A_558], %broadcast_in_dim3A_3 {strides = array<i32>} : memref<8x4096xf32, #tpu.memory_space<vmem>>, vector<16xf32>,
      %mul3A_560 = arith.constant 8 : i32
      %mul3A_561 = arith.muli %select_n3A_551, %mul3A_560 : i32
      %add3A_562 = arith.constant 1 : i32
      %add3A_563 = arith.addi %mul3A_561, %add3A_562 : i32
      %mul3A_564 = arith.constant 16 : i32
      %mul3A_565 = arith.muli %add3A_563, %mul3A_564 : i32
      %swap3A_566 = arith.index_cast %select_n3A_537 : i32 to index
      %swap3A_567 = arith.index_cast %mul3A_565 : i32 to index
      %swap3A_568 = tpu.vector_load %arg9[%swap3A_566, %swap3A_567] {strides = array<i32>} : memref<8x4096xf32, #tpu.memory_space<vmem>>, vector<16xf32>,
      tpu.vector_store %arg9[%swap3A_566, %swap3A_567], %broadcast_in_dim3A_3 {strides = array<i32>} : memref<8x4096xf32, #tpu.memory_space<vmem>>, vector<16xf32>,
      %mul3A_569 = arith.constant 8 : i32
      %mul3A_570 = arith.muli %select_n3A_551, %mul3A_569 : i32
      %add3A_571 = arith.constant 2 : i32
      %add3A_572 = arith.addi %mul3A_570, %add3A_571 : i32
      %mul3A_573 = arith.constant 16 : i32
      %mul3A_574 = arith.muli %add3A_572, %mul3A_573 : i32
      %swap3A_575 = arith.index_cast %select_n3A_537 : i32 to index
      %swap3A_576 = arith.index_cast %mul3A_574 : i32 to index
      %swap3A_577 = tpu.vector_load %arg9[%swap3A_575, %swap3A_576] {strides = array<i32>} : memref<8x4096xf32, #tpu.memory_space<vmem>>, vector<16xf32>,
      tpu.vector_store %arg9[%swap3A_575, %swap3A_576], %broadcast_in_dim3A_3 {strides = array<i32>} : memref<8x4096xf32, #tpu.memory_space<vmem>>, vector<16xf32>,
      %mul3A_578 = arith.constant 8 : i32
      %mul3A_579 = arith.muli %select_n3A_551, %mul3A_578 : i32
      %add3A_580 = arith.constant 3 : i32
      %add3A_581 = arith.addi %mul3A_579, %add3A_580 : i32
      %mul3A_582 = arith.constant 16 : i32
      %mul3A_583 = arith.muli %add3A_581, %mul3A_582 : i32
      %swap3A_584 = arith.index_cast %select_n3A_537 : i32 to index
      %swap3A_585 = arith.index_cast %mul3A_583 : i32 to index
      %swap3A_586 = tpu.vector_load %arg9[%swap3A_584, %swap3A_585] {strides = array<i32>} : memref<8x4096xf32, #tpu.memory_space<vmem>>, vector<16xf32>,
      tpu.vector_store %arg9[%swap3A_584, %swap3A_585], %broadcast_in_dim3A_3 {strides = array<i32>} : memref<8x4096xf32, #tpu.memory_space<vmem>>, vector<16xf32>,
      %mul3A_587 = arith.constant 8 : i32
      %mul3A_588 = arith.muli %select_n3A_551, %mul3A_587 : i32
      %add3A_589 = arith.constant 4 : i32
      %add3A_590 = arith.addi %mul3A_588, %add3A_589 : i32
      %mul3A_591 = arith.constant 16 : i32
      %mul3A_592 = arith.muli %add3A_590, %mul3A_591 : i32
      %swap3A_593 = arith.index_cast %select_n3A_537 : i32 to index
      %swap3A_594 = arith.index_cast %mul3A_592 : i32 to index
      %swap3A_595 = tpu.vector_load %arg9[%swap3A_593, %swap3A_594] {strides = array<i32>} : memref<8x4096xf32, #tpu.memory_space<vmem>>, vector<16xf32>,
      tpu.vector_store %arg9[%swap3A_593, %swap3A_594], %broadcast_in_dim3A_3 {strides = array<i32>} : memref<8x4096xf32, #tpu.memory_space<vmem>>, vector<16xf32>,
      %mul3A_596 = arith.constant 8 : i32
      %mul3A_597 = arith.muli %select_n3A_551, %mul3A_596 : i32
      %add3A_598 = arith.constant 5 : i32
      %add3A_599 = arith.addi %mul3A_597, %add3A_598 : i32
      %mul3A_600 = arith.constant 16 : i32
      %mul3A_601 = arith.muli %add3A_599, %mul3A_600 : i32
      %swap3A_602 = arith.index_cast %select_n3A_537 : i32 to index
      %swap3A_603 = arith.index_cast %mul3A_601 : i32 to index
      %swap3A_604 = tpu.vector_load %arg9[%swap3A_602, %swap3A_603] {strides = array<i32>} : memref<8x4096xf32, #tpu.memory_space<vmem>>, vector<16xf32>,
      tpu.vector_store %arg9[%swap3A_602, %swap3A_603], %broadcast_in_dim3A_3 {strides = array<i32>} : memref<8x4096xf32, #tpu.memory_space<vmem>>, vector<16xf32>,
      %mul3A_605 = arith.constant 8 : i32
      %mul3A_606 = arith.muli %select_n3A_551, %mul3A_605 : i32
      %add3A_607 = arith.constant 6 : i32
      %add3A_608 = arith.addi %mul3A_606, %add3A_607 : i32
      %mul3A_609 = arith.constant 16 : i32
      %mul3A_610 = arith.muli %add3A_608, %mul3A_609 : i32
      %swap3A_611 = arith.index_cast %select_n3A_537 : i32 to index
      %swap3A_612 = arith.index_cast %mul3A_610 : i32 to index
      %swap3A_613 = tpu.vector_load %arg9[%swap3A_611, %swap3A_612] {strides = array<i32>} : memref<8x4096xf32, #tpu.memory_space<vmem>>, vector<16xf32>,
      tpu.vector_store %arg9[%swap3A_611, %swap3A_612], %broadcast_in_dim3A_3 {strides = array<i32>} : memref<8x4096xf32, #tpu.memory_space<vmem>>, vector<16xf32>,
      %mul3A_614 = arith.constant 8 : i32
      %mul3A_615 = arith.muli %select_n3A_551, %mul3A_614 : i32
      %add3A_616 = arith.constant 7 : i32
      %add3A_617 = arith.addi %mul3A_615, %add3A_616 : i32
      %mul3A_618 = arith.constant 16 : i32
      %mul3A_619 = arith.muli %add3A_617, %mul3A_618 : i32
      %swap3A_620 = arith.index_cast %select_n3A_537 : i32 to index
      %swap3A_621 = arith.index_cast %mul3A_619 : i32 to index
      %swap3A_622 = tpu.vector_load %arg9[%swap3A_620, %swap3A_621] {strides = array<i32>} : memref<8x4096xf32, #tpu.memory_space<vmem>>, vector<16xf32>,
      tpu.vector_store %arg9[%swap3A_620, %swap3A_621], %broadcast_in_dim3A_3 {strides = array<i32>} : memref<8x4096xf32, #tpu.memory_space<vmem>>, vector<16xf32>,
    }
    %scan3A_304 = arith.constant 256 : i32
    %add3A_305 = arith.constant 294912 : i32
    %add3A_306 = arith.addi %mul3A_2, %add3A_305 : i32
    %while3A_307 = arith.constant 0 : i32
    %while3A_308 = arith.constant 0 : i32
    %while3A_309 = arith.subi %min3A_28, %while3A_308 : i32
    %while3A_310 = arith.addi %while3A_308, %while3A_309 : i32
    %while3A_311 = arith.constant 1 : i32
    %while3A_312 = arith.divsi %while3A_309, %while3A_311 : i32
    %while3A_313 = arith.muli %while3A_312, %while3A_311 : i32
    %while3A_314 = arith.addi %while3A_308, %while3A_313 : i32
    %while3A_315 = arith.constant 1 : i32
    scf.for %while3A_513 = %while3A_308 to %while3A_314 step %while3A_315  : i32 {
      %mul3A_514 = arith.constant 16 : i32
      %mul3A_515 = arith.muli %while3A_513, %mul3A_514 : i32
      %get3A_516 = arith.index_cast %mul3A_515 : i32 to index
      %get3A_517 = tpu.vector_load %arg6[%get3A_516] {strides = array<i32>} : memref<8208xi32, #tpu.memory_space<vmem>>, vector<16xi32>,
      %mul3A_518 = arith.constant 16 : i32
      %mul3A_519 = arith.muli %while3A_513, %mul3A_518 : i32
      %add3A_520 = arith.constant 1 : i32
      %add3A_521 = arith.addi %mul3A_519, %add3A_520 : i32
      %get3A_522 = arith.index_cast %add3A_521 : i32 to index
      %get3A_523 = tpu.vector_load %arg6[%get3A_522] {strides = array<i32>} : memref<8208xi32, #tpu.memory_space<vmem>>, vector<16xi32>,
      %mul3A_524 = arith.constant 16 : i32
      %mul3A_525 = arith.muli %while3A_513, %mul3A_524 : i32
      %get3A_526 = arith.index_cast %mul3A_525 : i32 to index
      %get3A_527 = tpu.vector_load %arg7[%get3A_526] {strides = array<i32>} : memref<8208xf32, #tpu.memory_space<vmem>>, vector<16xf32>,
      %sub3A_528 = vector.broadcast %add3A_306 : i32 to vector<16xi32>
      %sub3A_529 = arith.subi %get3A_517, %sub3A_528 : vector<16xi32>
      %lt3A = arith.constant 32768 : i32
      %lt3A_530 = vector.broadcast %lt3A : i32 to vector<16xi32>
      %lt3A_531 = arith.cmpi ult, %sub3A_529, %lt3A_530 : vector<16xi32>
      %ne3A_532 = arith.cmpi ne, %get3A_517, %get3A_523 : vector<16xi32>
      %and3A_533 = arith.andi %lt3A_531, %ne3A_532 : vector<16xi1>
      %shift_right_logical3A = arith.constant 12 : i32
      %shift_right_logical3A_534 = vector.broadcast %shift_right_logical3A : i32 to vector<16xi32>
      %shift_right_logical3A_535 = arith.shrui %sub3A_529, %shift_right_logical3A_534 : vector<16xi32>
      %and3A_536 = arith.constant 4095 : i32
      %and3A_537 = vector.broadcast %and3A_536 : i32 to vector<16xi32>
      %and3A_538 = arith.andi %sub3A_529, %and3A_537 : vector<16xi32>
      tpu.vector_store_idx %arg9[%shift_right_logical3A_535, %and3A_538], %get3A_527 masked %and3A_533 : memref<8x4096xf32, #tpu.memory_space<vmem>>[vector<16xi32>, vector<16xi32>], vector<16xf32>, vector<16xi1>
    }
    %while3A_316 = arith.constant 1 : i32
    scf.for %while3A_513 = %while3A_314 to %while3A_310 step %while3A_316  : i32 {
      %mul3A_514 = arith.constant 16 : i32
      %mul3A_515 = arith.muli %while3A_513, %mul3A_514 : i32
      %get3A_516 = arith.index_cast %mul3A_515 : i32 to index
      %get3A_517 = tpu.vector_load %arg6[%get3A_516] {strides = array<i32>} : memref<8208xi32, #tpu.memory_space<vmem>>, vector<16xi32>,
      %mul3A_518 = arith.constant 16 : i32
      %mul3A_519 = arith.muli %while3A_513, %mul3A_518 : i32
      %add3A_520 = arith.constant 1 : i32
      %add3A_521 = arith.addi %mul3A_519, %add3A_520 : i32
      %get3A_522 = arith.index_cast %add3A_521 : i32 to index
      %get3A_523 = tpu.vector_load %arg6[%get3A_522] {strides = array<i32>} : memref<8208xi32, #tpu.memory_space<vmem>>, vector<16xi32>,
      %mul3A_524 = arith.constant 16 : i32
      %mul3A_525 = arith.muli %while3A_513, %mul3A_524 : i32
      %get3A_526 = arith.index_cast %mul3A_525 : i32 to index
      %get3A_527 = tpu.vector_load %arg7[%get3A_526] {strides = array<i32>} : memref<8208xf32, #tpu.memory_space<vmem>>, vector<16xf32>,
      %sub3A_528 = vector.broadcast %add3A_306 : i32 to vector<16xi32>
      %sub3A_529 = arith.subi %get3A_517, %sub3A_528 : vector<16xi32>
      %lt3A = arith.constant 32768 : i32
      %lt3A_530 = vector.broadcast %lt3A : i32 to vector<16xi32>
      %lt3A_531 = arith.cmpi ult, %sub3A_529, %lt3A_530 : vector<16xi32>
      %ne3A_532 = arith.cmpi ne, %get3A_517, %get3A_523 : vector<16xi32>
      %and3A_533 = arith.andi %lt3A_531, %ne3A_532 : vector<16xi1>
      %shift_right_logical3A = arith.constant 12 : i32
      %shift_right_logical3A_534 = vector.broadcast %shift_right_logical3A : i32 to vector<16xi32>
      %shift_right_logical3A_535 = arith.shrui %sub3A_529, %shift_right_logical3A_534 : vector<16xi32>
      %and3A_536 = arith.constant 4095 : i32
      %and3A_537 = vector.broadcast %and3A_536 : i32 to vector<16xi32>
      %and3A_538 = arith.andi %sub3A_529, %and3A_537 : vector<16xi32>
      tpu.vector_store_idx %arg9[%shift_right_logical3A_535, %and3A_538], %get3A_527 masked %and3A_533 : memref<8x4096xf32, #tpu.memory_space<vmem>>[vector<16xi32>, vector<16xi32>], vector<16xf32>, vector<16xi1>
    }
    %mul3A_317 = arith.constant 128 : i32
    %mul3A_318 = arith.muli %add3A, %mul3A_317 : i32
    %add3A_319 = arith.constant 72 : i32
    %add3A_320 = arith.addi %mul3A_318, %add3A_319 : i32
    %dma_start3A_321 = arith.constant 0 : i32
    %dma_start3A_322 = tpu.memref_slice %arg5[%add3A_320, %dma_start3A_321] : memref<4096x4096xf32, #tpu.memory_space<hbm>> -> memref<8x4096xf32, #tpu.memory_space<hbm>>
    %dma_start3A_323 = arith.constant 0 : i32
    %dma_start3A_324 = tpu.memref_slice %arg5[%add3A_320, %dma_start3A_323] : memref<4096x4096xf32, #tpu.memory_space<hbm>> -> memref<8x4096xf32, #tpu.memory_space<hbm>>
    tpu.enqueue_dma source(%arg9 : memref<8x4096xf32, #tpu.memory_space<vmem>>) target(%dma_start3A_324 : memref<8x4096xf32, #tpu.memory_space<hbm>>) target_semaphore(%arg12 : memref<!tpu.dma_semaphore, #tpu.memory_space<semaphore_mem>>)
    %dma_wait3A_325 = arith.constant 0 : i32
    %dma_wait3A_326 = tpu.memref_slice %arg5[%add3A_290, %dma_wait3A_325] : memref<4096x4096xf32, #tpu.memory_space<hbm>> -> memref<8x4096xf32, #tpu.memory_space<hbm>>
    %dma_wait3A_327 = arith.constant 0 : i32
    %dma_wait3A_328 = tpu.memref_slice %arg5[%add3A_290, %dma_wait3A_327] : memref<4096x4096xf32, #tpu.memory_space<hbm>> -> memref<8x4096xf32, #tpu.memory_space<hbm>>
    tpu.wait_dma2 semaphore(%arg12 : memref<!tpu.dma_semaphore, #tpu.memory_space<semaphore_mem>>) src(%arg8 : memref<8x4096xf32, #tpu.memory_space<vmem>>) dst(%dma_wait3A_328 : memref<8x4096xf32, #tpu.memory_space<hbm>>)
    %scan3A_329 = arith.constant 0 : i32
    %scan3A_330 = arith.constant 0 : i32
    %scan3A_331 = arith.constant 256 : i32
    %scan3A_332 = arith.addi %scan3A_330, %scan3A_331 : i32
    %scan3A_333 = arith.constant 1 : i32
    scf.for %scan3A_513 = %scan3A_330 to %scan3A_332 step %scan3A_333  : i32 {
      %jit3A_514 = arith.constant 32 : i32
      %div3A_515 = arith.divsi %scan3A_513, %jit3A_514 : i32
      %sign3A_516 = arith.constant 0 : i32
      %sign3A_517 = arith.cmpi sgt, %scan3A_513, %sign3A_516 : i32
      %sign3A_518 = arith.extui %sign3A_517 : i1 to i32
      %sign3A_519 = arith.constant 0 : i32
      %sign3A_520 = arith.cmpi slt, %scan3A_513, %sign3A_519 : i32
      %sign3A_521 = arith.extui %sign3A_520 : i1 to i32
      %sign3A_522 = arith.subi %sign3A_518, %sign3A_521 : i32
      %sign3A_523 = arith.constant 0 : i32
      %sign3A_524 = arith.cmpi sgt, %jit3A_514, %sign3A_523 : i32
      %sign3A_525 = arith.extui %sign3A_524 : i1 to i32
      %sign3A_526 = arith.constant 0 : i32
      %sign3A_527 = arith.cmpi slt, %jit3A_514, %sign3A_526 : i32
      %sign3A_528 = arith.extui %sign3A_527 : i1 to i32
      %sign3A_529 = arith.subi %sign3A_525, %sign3A_528 : i32
      %ne3A_530 = arith.cmpi ne, %sign3A_522, %sign3A_529 : i32
      %rem3A_531 = arith.remsi %scan3A_513, %jit3A_514 : i32
      %ne3A_532 = arith.constant 0 : i32
      %ne3A_533 = arith.cmpi ne, %rem3A_531, %ne3A_532 : i32
      %and3A_534 = arith.andi %ne3A_530, %ne3A_533 : i1
      %sub3A_535 = arith.constant 1 : i32
      %sub3A_536 = arith.subi %div3A_515, %sub3A_535 : i32
      %select_n3A_537 = arith.select %and3A_534, %sub3A_536, %div3A_515 : i32
      %jit3A_538 = arith.constant 32 : i32
      %eq3A = arith.constant 0 : i32
      %eq3A_539 = arith.cmpi eq, %jit3A_538, %eq3A : i32
      %jit3A_540 = arith.constant 1 : i32
      %select_n3A_541 = arith.select %eq3A_539, %jit3A_540, %jit3A_538 : i32
      %rem3A_542 = arith.remsi %scan3A_513, %select_n3A_541 : i32
      %ne3A_543 = arith.constant 0 : i32
      %ne3A_544 = arith.cmpi ne, %rem3A_542, %ne3A_543 : i32
      %lt3A = arith.constant 0 : i32
      %lt3A_545 = arith.cmpi slt, %rem3A_542, %lt3A : i32
      %lt3A_546 = arith.constant 0 : i32
      %lt3A_547 = arith.cmpi slt, %select_n3A_541, %lt3A_546 : i32
      %ne3A_548 = arith.xori %lt3A_545, %lt3A_547 : i1
      %and3A_549 = arith.andi %ne3A_548, %ne3A_544 : i1
      %add3A_550 = arith.addi %rem3A_542, %select_n3A_541 : i32
      %select_n3A_551 = arith.select %and3A_549, %add3A_550, %rem3A_542 : i32
      %mul3A_552 = arith.constant 8 : i32
      %mul3A_553 = arith.muli %select_n3A_551, %mul3A_552 : i32
      %add3A_554 = arith.constant 0 : i32
      %add3A_555 = arith.addi %mul3A_553, %add3A_554 : i32
      %mul3A_556 = arith.constant 16 : i32
      %mul3A_557 = arith.muli %add3A_555, %mul3A_556 : i32
      %swap3A = arith.index_cast %select_n3A_537 : i32 to index
      %swap3A_558 = arith.index_cast %mul3A_557 : i32 to index
      %swap3A_559 = tpu.vector_load %arg8[%swap3A, %swap3A_558] {strides = array<i32>} : memref<8x4096xf32, #tpu.memory_space<vmem>>, vector<16xf32>,
      tpu.vector_store %arg8[%swap3A, %swap3A_558], %broadcast_in_dim3A_3 {strides = array<i32>} : memref<8x4096xf32, #tpu.memory_space<vmem>>, vector<16xf32>,
      %mul3A_560 = arith.constant 8 : i32
      %mul3A_561 = arith.muli %select_n3A_551, %mul3A_560 : i32
      %add3A_562 = arith.constant 1 : i32
      %add3A_563 = arith.addi %mul3A_561, %add3A_562 : i32
      %mul3A_564 = arith.constant 16 : i32
      %mul3A_565 = arith.muli %add3A_563, %mul3A_564 : i32
      %swap3A_566 = arith.index_cast %select_n3A_537 : i32 to index
      %swap3A_567 = arith.index_cast %mul3A_565 : i32 to index
      %swap3A_568 = tpu.vector_load %arg8[%swap3A_566, %swap3A_567] {strides = array<i32>} : memref<8x4096xf32, #tpu.memory_space<vmem>>, vector<16xf32>,
      tpu.vector_store %arg8[%swap3A_566, %swap3A_567], %broadcast_in_dim3A_3 {strides = array<i32>} : memref<8x4096xf32, #tpu.memory_space<vmem>>, vector<16xf32>,
      %mul3A_569 = arith.constant 8 : i32
      %mul3A_570 = arith.muli %select_n3A_551, %mul3A_569 : i32
      %add3A_571 = arith.constant 2 : i32
      %add3A_572 = arith.addi %mul3A_570, %add3A_571 : i32
      %mul3A_573 = arith.constant 16 : i32
      %mul3A_574 = arith.muli %add3A_572, %mul3A_573 : i32
      %swap3A_575 = arith.index_cast %select_n3A_537 : i32 to index
      %swap3A_576 = arith.index_cast %mul3A_574 : i32 to index
      %swap3A_577 = tpu.vector_load %arg8[%swap3A_575, %swap3A_576] {strides = array<i32>} : memref<8x4096xf32, #tpu.memory_space<vmem>>, vector<16xf32>,
      tpu.vector_store %arg8[%swap3A_575, %swap3A_576], %broadcast_in_dim3A_3 {strides = array<i32>} : memref<8x4096xf32, #tpu.memory_space<vmem>>, vector<16xf32>,
      %mul3A_578 = arith.constant 8 : i32
      %mul3A_579 = arith.muli %select_n3A_551, %mul3A_578 : i32
      %add3A_580 = arith.constant 3 : i32
      %add3A_581 = arith.addi %mul3A_579, %add3A_580 : i32
      %mul3A_582 = arith.constant 16 : i32
      %mul3A_583 = arith.muli %add3A_581, %mul3A_582 : i32
      %swap3A_584 = arith.index_cast %select_n3A_537 : i32 to index
      %swap3A_585 = arith.index_cast %mul3A_583 : i32 to index
      %swap3A_586 = tpu.vector_load %arg8[%swap3A_584, %swap3A_585] {strides = array<i32>} : memref<8x4096xf32, #tpu.memory_space<vmem>>, vector<16xf32>,
      tpu.vector_store %arg8[%swap3A_584, %swap3A_585], %broadcast_in_dim3A_3 {strides = array<i32>} : memref<8x4096xf32, #tpu.memory_space<vmem>>, vector<16xf32>,
      %mul3A_587 = arith.constant 8 : i32
      %mul3A_588 = arith.muli %select_n3A_551, %mul3A_587 : i32
      %add3A_589 = arith.constant 4 : i32
      %add3A_590 = arith.addi %mul3A_588, %add3A_589 : i32
      %mul3A_591 = arith.constant 16 : i32
      %mul3A_592 = arith.muli %add3A_590, %mul3A_591 : i32
      %swap3A_593 = arith.index_cast %select_n3A_537 : i32 to index
      %swap3A_594 = arith.index_cast %mul3A_592 : i32 to index
      %swap3A_595 = tpu.vector_load %arg8[%swap3A_593, %swap3A_594] {strides = array<i32>} : memref<8x4096xf32, #tpu.memory_space<vmem>>, vector<16xf32>,
      tpu.vector_store %arg8[%swap3A_593, %swap3A_594], %broadcast_in_dim3A_3 {strides = array<i32>} : memref<8x4096xf32, #tpu.memory_space<vmem>>, vector<16xf32>,
      %mul3A_596 = arith.constant 8 : i32
      %mul3A_597 = arith.muli %select_n3A_551, %mul3A_596 : i32
      %add3A_598 = arith.constant 5 : i32
      %add3A_599 = arith.addi %mul3A_597, %add3A_598 : i32
      %mul3A_600 = arith.constant 16 : i32
      %mul3A_601 = arith.muli %add3A_599, %mul3A_600 : i32
      %swap3A_602 = arith.index_cast %select_n3A_537 : i32 to index
      %swap3A_603 = arith.index_cast %mul3A_601 : i32 to index
      %swap3A_604 = tpu.vector_load %arg8[%swap3A_602, %swap3A_603] {strides = array<i32>} : memref<8x4096xf32, #tpu.memory_space<vmem>>, vector<16xf32>,
      tpu.vector_store %arg8[%swap3A_602, %swap3A_603], %broadcast_in_dim3A_3 {strides = array<i32>} : memref<8x4096xf32, #tpu.memory_space<vmem>>, vector<16xf32>,
      %mul3A_605 = arith.constant 8 : i32
      %mul3A_606 = arith.muli %select_n3A_551, %mul3A_605 : i32
      %add3A_607 = arith.constant 6 : i32
      %add3A_608 = arith.addi %mul3A_606, %add3A_607 : i32
      %mul3A_609 = arith.constant 16 : i32
      %mul3A_610 = arith.muli %add3A_608, %mul3A_609 : i32
      %swap3A_611 = arith.index_cast %select_n3A_537 : i32 to index
      %swap3A_612 = arith.index_cast %mul3A_610 : i32 to index
      %swap3A_613 = tpu.vector_load %arg8[%swap3A_611, %swap3A_612] {strides = array<i32>} : memref<8x4096xf32, #tpu.memory_space<vmem>>, vector<16xf32>,
      tpu.vector_store %arg8[%swap3A_611, %swap3A_612], %broadcast_in_dim3A_3 {strides = array<i32>} : memref<8x4096xf32, #tpu.memory_space<vmem>>, vector<16xf32>,
      %mul3A_614 = arith.constant 8 : i32
      %mul3A_615 = arith.muli %select_n3A_551, %mul3A_614 : i32
      %add3A_616 = arith.constant 7 : i32
      %add3A_617 = arith.addi %mul3A_615, %add3A_616 : i32
      %mul3A_618 = arith.constant 16 : i32
      %mul3A_619 = arith.muli %add3A_617, %mul3A_618 : i32
      %swap3A_620 = arith.index_cast %select_n3A_537 : i32 to index
      %swap3A_621 = arith.index_cast %mul3A_619 : i32 to index
      %swap3A_622 = tpu.vector_load %arg8[%swap3A_620, %swap3A_621] {strides = array<i32>} : memref<8x4096xf32, #tpu.memory_space<vmem>>, vector<16xf32>,
      tpu.vector_store %arg8[%swap3A_620, %swap3A_621], %broadcast_in_dim3A_3 {strides = array<i32>} : memref<8x4096xf32, #tpu.memory_space<vmem>>, vector<16xf32>,
    }
    %scan3A_334 = arith.constant 256 : i32
    %add3A_335 = arith.constant 327680 : i32
    %add3A_336 = arith.addi %mul3A_2, %add3A_335 : i32
    %while3A_337 = arith.constant 0 : i32
    %while3A_338 = arith.constant 0 : i32
    %while3A_339 = arith.subi %min3A_28, %while3A_338 : i32
    %while3A_340 = arith.addi %while3A_338, %while3A_339 : i32
    %while3A_341 = arith.constant 1 : i32
    %while3A_342 = arith.divsi %while3A_339, %while3A_341 : i32
    %while3A_343 = arith.muli %while3A_342, %while3A_341 : i32
    %while3A_344 = arith.addi %while3A_338, %while3A_343 : i32
    %while3A_345 = arith.constant 1 : i32
    scf.for %while3A_513 = %while3A_338 to %while3A_344 step %while3A_345  : i32 {
      %mul3A_514 = arith.constant 16 : i32
      %mul3A_515 = arith.muli %while3A_513, %mul3A_514 : i32
      %get3A_516 = arith.index_cast %mul3A_515 : i32 to index
      %get3A_517 = tpu.vector_load %arg6[%get3A_516] {strides = array<i32>} : memref<8208xi32, #tpu.memory_space<vmem>>, vector<16xi32>,
      %mul3A_518 = arith.constant 16 : i32
      %mul3A_519 = arith.muli %while3A_513, %mul3A_518 : i32
      %add3A_520 = arith.constant 1 : i32
      %add3A_521 = arith.addi %mul3A_519, %add3A_520 : i32
      %get3A_522 = arith.index_cast %add3A_521 : i32 to index
      %get3A_523 = tpu.vector_load %arg6[%get3A_522] {strides = array<i32>} : memref<8208xi32, #tpu.memory_space<vmem>>, vector<16xi32>,
      %mul3A_524 = arith.constant 16 : i32
      %mul3A_525 = arith.muli %while3A_513, %mul3A_524 : i32
      %get3A_526 = arith.index_cast %mul3A_525 : i32 to index
      %get3A_527 = tpu.vector_load %arg7[%get3A_526] {strides = array<i32>} : memref<8208xf32, #tpu.memory_space<vmem>>, vector<16xf32>,
      %sub3A_528 = vector.broadcast %add3A_336 : i32 to vector<16xi32>
      %sub3A_529 = arith.subi %get3A_517, %sub3A_528 : vector<16xi32>
      %lt3A = arith.constant 32768 : i32
      %lt3A_530 = vector.broadcast %lt3A : i32 to vector<16xi32>
      %lt3A_531 = arith.cmpi ult, %sub3A_529, %lt3A_530 : vector<16xi32>
      %ne3A_532 = arith.cmpi ne, %get3A_517, %get3A_523 : vector<16xi32>
      %and3A_533 = arith.andi %lt3A_531, %ne3A_532 : vector<16xi1>
      %shift_right_logical3A = arith.constant 12 : i32
      %shift_right_logical3A_534 = vector.broadcast %shift_right_logical3A : i32 to vector<16xi32>
      %shift_right_logical3A_535 = arith.shrui %sub3A_529, %shift_right_logical3A_534 : vector<16xi32>
      %and3A_536 = arith.constant 4095 : i32
      %and3A_537 = vector.broadcast %and3A_536 : i32 to vector<16xi32>
      %and3A_538 = arith.andi %sub3A_529, %and3A_537 : vector<16xi32>
      tpu.vector_store_idx %arg8[%shift_right_logical3A_535, %and3A_538], %get3A_527 masked %and3A_533 : memref<8x4096xf32, #tpu.memory_space<vmem>>[vector<16xi32>, vector<16xi32>], vector<16xf32>, vector<16xi1>
    }
    %while3A_346 = arith.constant 1 : i32
    scf.for %while3A_513 = %while3A_344 to %while3A_340 step %while3A_346  : i32 {
      %mul3A_514 = arith.constant 16 : i32
      %mul3A_515 = arith.muli %while3A_513, %mul3A_514 : i32
      %get3A_516 = arith.index_cast %mul3A_515 : i32 to index
      %get3A_517 = tpu.vector_load %arg6[%get3A_516] {strides = array<i32>} : memref<8208xi32, #tpu.memory_space<vmem>>, vector<16xi32>,
      %mul3A_518 = arith.constant 16 : i32
      %mul3A_519 = arith.muli %while3A_513, %mul3A_518 : i32
      %add3A_520 = arith.constant 1 : i32
      %add3A_521 = arith.addi %mul3A_519, %add3A_520 : i32
      %get3A_522 = arith.index_cast %add3A_521 : i32 to index
      %get3A_523 = tpu.vector_load %arg6[%get3A_522] {strides = array<i32>} : memref<8208xi32, #tpu.memory_space<vmem>>, vector<16xi32>,
      %mul3A_524 = arith.constant 16 : i32
      %mul3A_525 = arith.muli %while3A_513, %mul3A_524 : i32
      %get3A_526 = arith.index_cast %mul3A_525 : i32 to index
      %get3A_527 = tpu.vector_load %arg7[%get3A_526] {strides = array<i32>} : memref<8208xf32, #tpu.memory_space<vmem>>, vector<16xf32>,
      %sub3A_528 = vector.broadcast %add3A_336 : i32 to vector<16xi32>
      %sub3A_529 = arith.subi %get3A_517, %sub3A_528 : vector<16xi32>
      %lt3A = arith.constant 32768 : i32
      %lt3A_530 = vector.broadcast %lt3A : i32 to vector<16xi32>
      %lt3A_531 = arith.cmpi ult, %sub3A_529, %lt3A_530 : vector<16xi32>
      %ne3A_532 = arith.cmpi ne, %get3A_517, %get3A_523 : vector<16xi32>
      %and3A_533 = arith.andi %lt3A_531, %ne3A_532 : vector<16xi1>
      %shift_right_logical3A = arith.constant 12 : i32
      %shift_right_logical3A_534 = vector.broadcast %shift_right_logical3A : i32 to vector<16xi32>
      %shift_right_logical3A_535 = arith.shrui %sub3A_529, %shift_right_logical3A_534 : vector<16xi32>
      %and3A_536 = arith.constant 4095 : i32
      %and3A_537 = vector.broadcast %and3A_536 : i32 to vector<16xi32>
      %and3A_538 = arith.andi %sub3A_529, %and3A_537 : vector<16xi32>
      tpu.vector_store_idx %arg8[%shift_right_logical3A_535, %and3A_538], %get3A_527 masked %and3A_533 : memref<8x4096xf32, #tpu.memory_space<vmem>>[vector<16xi32>, vector<16xi32>], vector<16xf32>, vector<16xi1>
    }
    %mul3A_347 = arith.constant 128 : i32
    %mul3A_348 = arith.muli %add3A, %mul3A_347 : i32
    %add3A_349 = arith.constant 80 : i32
    %add3A_350 = arith.addi %mul3A_348, %add3A_349 : i32
    %dma_start3A_351 = arith.constant 0 : i32
    %dma_start3A_352 = tpu.memref_slice %arg5[%add3A_350, %dma_start3A_351] : memref<4096x4096xf32, #tpu.memory_space<hbm>> -> memref<8x4096xf32, #tpu.memory_space<hbm>>
    %dma_start3A_353 = arith.constant 0 : i32
    %dma_start3A_354 = tpu.memref_slice %arg5[%add3A_350, %dma_start3A_353] : memref<4096x4096xf32, #tpu.memory_space<hbm>> -> memref<8x4096xf32, #tpu.memory_space<hbm>>
    tpu.enqueue_dma source(%arg8 : memref<8x4096xf32, #tpu.memory_space<vmem>>) target(%dma_start3A_354 : memref<8x4096xf32, #tpu.memory_space<hbm>>) target_semaphore(%arg12 : memref<!tpu.dma_semaphore, #tpu.memory_space<semaphore_mem>>)
    %dma_wait3A_355 = arith.constant 0 : i32
    %dma_wait3A_356 = tpu.memref_slice %arg5[%add3A_320, %dma_wait3A_355] : memref<4096x4096xf32, #tpu.memory_space<hbm>> -> memref<8x4096xf32, #tpu.memory_space<hbm>>
    %dma_wait3A_357 = arith.constant 0 : i32
    %dma_wait3A_358 = tpu.memref_slice %arg5[%add3A_320, %dma_wait3A_357] : memref<4096x4096xf32, #tpu.memory_space<hbm>> -> memref<8x4096xf32, #tpu.memory_space<hbm>>
    tpu.wait_dma2 semaphore(%arg12 : memref<!tpu.dma_semaphore, #tpu.memory_space<semaphore_mem>>) src(%arg9 : memref<8x4096xf32, #tpu.memory_space<vmem>>) dst(%dma_wait3A_358 : memref<8x4096xf32, #tpu.memory_space<hbm>>)
    %scan3A_359 = arith.constant 0 : i32
    %scan3A_360 = arith.constant 0 : i32
    %scan3A_361 = arith.constant 256 : i32
    %scan3A_362 = arith.addi %scan3A_360, %scan3A_361 : i32
    %scan3A_363 = arith.constant 1 : i32
    scf.for %scan3A_513 = %scan3A_360 to %scan3A_362 step %scan3A_363  : i32 {
      %jit3A_514 = arith.constant 32 : i32
      %div3A_515 = arith.divsi %scan3A_513, %jit3A_514 : i32
      %sign3A_516 = arith.constant 0 : i32
      %sign3A_517 = arith.cmpi sgt, %scan3A_513, %sign3A_516 : i32
      %sign3A_518 = arith.extui %sign3A_517 : i1 to i32
      %sign3A_519 = arith.constant 0 : i32
      %sign3A_520 = arith.cmpi slt, %scan3A_513, %sign3A_519 : i32
      %sign3A_521 = arith.extui %sign3A_520 : i1 to i32
      %sign3A_522 = arith.subi %sign3A_518, %sign3A_521 : i32
      %sign3A_523 = arith.constant 0 : i32
      %sign3A_524 = arith.cmpi sgt, %jit3A_514, %sign3A_523 : i32
      %sign3A_525 = arith.extui %sign3A_524 : i1 to i32
      %sign3A_526 = arith.constant 0 : i32
      %sign3A_527 = arith.cmpi slt, %jit3A_514, %sign3A_526 : i32
      %sign3A_528 = arith.extui %sign3A_527 : i1 to i32
      %sign3A_529 = arith.subi %sign3A_525, %sign3A_528 : i32
      %ne3A_530 = arith.cmpi ne, %sign3A_522, %sign3A_529 : i32
      %rem3A_531 = arith.remsi %scan3A_513, %jit3A_514 : i32
      %ne3A_532 = arith.constant 0 : i32
      %ne3A_533 = arith.cmpi ne, %rem3A_531, %ne3A_532 : i32
      %and3A_534 = arith.andi %ne3A_530, %ne3A_533 : i1
      %sub3A_535 = arith.constant 1 : i32
      %sub3A_536 = arith.subi %div3A_515, %sub3A_535 : i32
      %select_n3A_537 = arith.select %and3A_534, %sub3A_536, %div3A_515 : i32
      %jit3A_538 = arith.constant 32 : i32
      %eq3A = arith.constant 0 : i32
      %eq3A_539 = arith.cmpi eq, %jit3A_538, %eq3A : i32
      %jit3A_540 = arith.constant 1 : i32
      %select_n3A_541 = arith.select %eq3A_539, %jit3A_540, %jit3A_538 : i32
      %rem3A_542 = arith.remsi %scan3A_513, %select_n3A_541 : i32
      %ne3A_543 = arith.constant 0 : i32
      %ne3A_544 = arith.cmpi ne, %rem3A_542, %ne3A_543 : i32
      %lt3A = arith.constant 0 : i32
      %lt3A_545 = arith.cmpi slt, %rem3A_542, %lt3A : i32
      %lt3A_546 = arith.constant 0 : i32
      %lt3A_547 = arith.cmpi slt, %select_n3A_541, %lt3A_546 : i32
      %ne3A_548 = arith.xori %lt3A_545, %lt3A_547 : i1
      %and3A_549 = arith.andi %ne3A_548, %ne3A_544 : i1
      %add3A_550 = arith.addi %rem3A_542, %select_n3A_541 : i32
      %select_n3A_551 = arith.select %and3A_549, %add3A_550, %rem3A_542 : i32
      %mul3A_552 = arith.constant 8 : i32
      %mul3A_553 = arith.muli %select_n3A_551, %mul3A_552 : i32
      %add3A_554 = arith.constant 0 : i32
      %add3A_555 = arith.addi %mul3A_553, %add3A_554 : i32
      %mul3A_556 = arith.constant 16 : i32
      %mul3A_557 = arith.muli %add3A_555, %mul3A_556 : i32
      %swap3A = arith.index_cast %select_n3A_537 : i32 to index
      %swap3A_558 = arith.index_cast %mul3A_557 : i32 to index
      %swap3A_559 = tpu.vector_load %arg9[%swap3A, %swap3A_558] {strides = array<i32>} : memref<8x4096xf32, #tpu.memory_space<vmem>>, vector<16xf32>,
      tpu.vector_store %arg9[%swap3A, %swap3A_558], %broadcast_in_dim3A_3 {strides = array<i32>} : memref<8x4096xf32, #tpu.memory_space<vmem>>, vector<16xf32>,
      %mul3A_560 = arith.constant 8 : i32
      %mul3A_561 = arith.muli %select_n3A_551, %mul3A_560 : i32
      %add3A_562 = arith.constant 1 : i32
      %add3A_563 = arith.addi %mul3A_561, %add3A_562 : i32
      %mul3A_564 = arith.constant 16 : i32
      %mul3A_565 = arith.muli %add3A_563, %mul3A_564 : i32
      %swap3A_566 = arith.index_cast %select_n3A_537 : i32 to index
      %swap3A_567 = arith.index_cast %mul3A_565 : i32 to index
      %swap3A_568 = tpu.vector_load %arg9[%swap3A_566, %swap3A_567] {strides = array<i32>} : memref<8x4096xf32, #tpu.memory_space<vmem>>, vector<16xf32>,
      tpu.vector_store %arg9[%swap3A_566, %swap3A_567], %broadcast_in_dim3A_3 {strides = array<i32>} : memref<8x4096xf32, #tpu.memory_space<vmem>>, vector<16xf32>,
      %mul3A_569 = arith.constant 8 : i32
      %mul3A_570 = arith.muli %select_n3A_551, %mul3A_569 : i32
      %add3A_571 = arith.constant 2 : i32
      %add3A_572 = arith.addi %mul3A_570, %add3A_571 : i32
      %mul3A_573 = arith.constant 16 : i32
      %mul3A_574 = arith.muli %add3A_572, %mul3A_573 : i32
      %swap3A_575 = arith.index_cast %select_n3A_537 : i32 to index
      %swap3A_576 = arith.index_cast %mul3A_574 : i32 to index
      %swap3A_577 = tpu.vector_load %arg9[%swap3A_575, %swap3A_576] {strides = array<i32>} : memref<8x4096xf32, #tpu.memory_space<vmem>>, vector<16xf32>,
      tpu.vector_store %arg9[%swap3A_575, %swap3A_576], %broadcast_in_dim3A_3 {strides = array<i32>} : memref<8x4096xf32, #tpu.memory_space<vmem>>, vector<16xf32>,
      %mul3A_578 = arith.constant 8 : i32
      %mul3A_579 = arith.muli %select_n3A_551, %mul3A_578 : i32
      %add3A_580 = arith.constant 3 : i32
      %add3A_581 = arith.addi %mul3A_579, %add3A_580 : i32
      %mul3A_582 = arith.constant 16 : i32
      %mul3A_583 = arith.muli %add3A_581, %mul3A_582 : i32
      %swap3A_584 = arith.index_cast %select_n3A_537 : i32 to index
      %swap3A_585 = arith.index_cast %mul3A_583 : i32 to index
      %swap3A_586 = tpu.vector_load %arg9[%swap3A_584, %swap3A_585] {strides = array<i32>} : memref<8x4096xf32, #tpu.memory_space<vmem>>, vector<16xf32>,
      tpu.vector_store %arg9[%swap3A_584, %swap3A_585], %broadcast_in_dim3A_3 {strides = array<i32>} : memref<8x4096xf32, #tpu.memory_space<vmem>>, vector<16xf32>,
      %mul3A_587 = arith.constant 8 : i32
      %mul3A_588 = arith.muli %select_n3A_551, %mul3A_587 : i32
      %add3A_589 = arith.constant 4 : i32
      %add3A_590 = arith.addi %mul3A_588, %add3A_589 : i32
      %mul3A_591 = arith.constant 16 : i32
      %mul3A_592 = arith.muli %add3A_590, %mul3A_591 : i32
      %swap3A_593 = arith.index_cast %select_n3A_537 : i32 to index
      %swap3A_594 = arith.index_cast %mul3A_592 : i32 to index
      %swap3A_595 = tpu.vector_load %arg9[%swap3A_593, %swap3A_594] {strides = array<i32>} : memref<8x4096xf32, #tpu.memory_space<vmem>>, vector<16xf32>,
      tpu.vector_store %arg9[%swap3A_593, %swap3A_594], %broadcast_in_dim3A_3 {strides = array<i32>} : memref<8x4096xf32, #tpu.memory_space<vmem>>, vector<16xf32>,
      %mul3A_596 = arith.constant 8 : i32
      %mul3A_597 = arith.muli %select_n3A_551, %mul3A_596 : i32
      %add3A_598 = arith.constant 5 : i32
      %add3A_599 = arith.addi %mul3A_597, %add3A_598 : i32
      %mul3A_600 = arith.constant 16 : i32
      %mul3A_601 = arith.muli %add3A_599, %mul3A_600 : i32
      %swap3A_602 = arith.index_cast %select_n3A_537 : i32 to index
      %swap3A_603 = arith.index_cast %mul3A_601 : i32 to index
      %swap3A_604 = tpu.vector_load %arg9[%swap3A_602, %swap3A_603] {strides = array<i32>} : memref<8x4096xf32, #tpu.memory_space<vmem>>, vector<16xf32>,
      tpu.vector_store %arg9[%swap3A_602, %swap3A_603], %broadcast_in_dim3A_3 {strides = array<i32>} : memref<8x4096xf32, #tpu.memory_space<vmem>>, vector<16xf32>,
      %mul3A_605 = arith.constant 8 : i32
      %mul3A_606 = arith.muli %select_n3A_551, %mul3A_605 : i32
      %add3A_607 = arith.constant 6 : i32
      %add3A_608 = arith.addi %mul3A_606, %add3A_607 : i32
      %mul3A_609 = arith.constant 16 : i32
      %mul3A_610 = arith.muli %add3A_608, %mul3A_609 : i32
      %swap3A_611 = arith.index_cast %select_n3A_537 : i32 to index
      %swap3A_612 = arith.index_cast %mul3A_610 : i32 to index
      %swap3A_613 = tpu.vector_load %arg9[%swap3A_611, %swap3A_612] {strides = array<i32>} : memref<8x4096xf32, #tpu.memory_space<vmem>>, vector<16xf32>,
      tpu.vector_store %arg9[%swap3A_611, %swap3A_612], %broadcast_in_dim3A_3 {strides = array<i32>} : memref<8x4096xf32, #tpu.memory_space<vmem>>, vector<16xf32>,
      %mul3A_614 = arith.constant 8 : i32
      %mul3A_615 = arith.muli %select_n3A_551, %mul3A_614 : i32
      %add3A_616 = arith.constant 7 : i32
      %add3A_617 = arith.addi %mul3A_615, %add3A_616 : i32
      %mul3A_618 = arith.constant 16 : i32
      %mul3A_619 = arith.muli %add3A_617, %mul3A_618 : i32
      %swap3A_620 = arith.index_cast %select_n3A_537 : i32 to index
      %swap3A_621 = arith.index_cast %mul3A_619 : i32 to index
      %swap3A_622 = tpu.vector_load %arg9[%swap3A_620, %swap3A_621] {strides = array<i32>} : memref<8x4096xf32, #tpu.memory_space<vmem>>, vector<16xf32>,
      tpu.vector_store %arg9[%swap3A_620, %swap3A_621], %broadcast_in_dim3A_3 {strides = array<i32>} : memref<8x4096xf32, #tpu.memory_space<vmem>>, vector<16xf32>,
    }
    %scan3A_364 = arith.constant 256 : i32
    %add3A_365 = arith.constant 360448 : i32
    %add3A_366 = arith.addi %mul3A_2, %add3A_365 : i32
    %while3A_367 = arith.constant 0 : i32
    %while3A_368 = arith.constant 0 : i32
    %while3A_369 = arith.subi %min3A_28, %while3A_368 : i32
    %while3A_370 = arith.addi %while3A_368, %while3A_369 : i32
    %while3A_371 = arith.constant 1 : i32
    %while3A_372 = arith.divsi %while3A_369, %while3A_371 : i32
    %while3A_373 = arith.muli %while3A_372, %while3A_371 : i32
    %while3A_374 = arith.addi %while3A_368, %while3A_373 : i32
    %while3A_375 = arith.constant 1 : i32
    scf.for %while3A_513 = %while3A_368 to %while3A_374 step %while3A_375  : i32 {
      %mul3A_514 = arith.constant 16 : i32
      %mul3A_515 = arith.muli %while3A_513, %mul3A_514 : i32
      %get3A_516 = arith.index_cast %mul3A_515 : i32 to index
      %get3A_517 = tpu.vector_load %arg6[%get3A_516] {strides = array<i32>} : memref<8208xi32, #tpu.memory_space<vmem>>, vector<16xi32>,
      %mul3A_518 = arith.constant 16 : i32
      %mul3A_519 = arith.muli %while3A_513, %mul3A_518 : i32
      %add3A_520 = arith.constant 1 : i32
      %add3A_521 = arith.addi %mul3A_519, %add3A_520 : i32
      %get3A_522 = arith.index_cast %add3A_521 : i32 to index
      %get3A_523 = tpu.vector_load %arg6[%get3A_522] {strides = array<i32>} : memref<8208xi32, #tpu.memory_space<vmem>>, vector<16xi32>,
      %mul3A_524 = arith.constant 16 : i32
      %mul3A_525 = arith.muli %while3A_513, %mul3A_524 : i32
      %get3A_526 = arith.index_cast %mul3A_525 : i32 to index
      %get3A_527 = tpu.vector_load %arg7[%get3A_526] {strides = array<i32>} : memref<8208xf32, #tpu.memory_space<vmem>>, vector<16xf32>,
      %sub3A_528 = vector.broadcast %add3A_366 : i32 to vector<16xi32>
      %sub3A_529 = arith.subi %get3A_517, %sub3A_528 : vector<16xi32>
      %lt3A = arith.constant 32768 : i32
      %lt3A_530 = vector.broadcast %lt3A : i32 to vector<16xi32>
      %lt3A_531 = arith.cmpi ult, %sub3A_529, %lt3A_530 : vector<16xi32>
      %ne3A_532 = arith.cmpi ne, %get3A_517, %get3A_523 : vector<16xi32>
      %and3A_533 = arith.andi %lt3A_531, %ne3A_532 : vector<16xi1>
      %shift_right_logical3A = arith.constant 12 : i32
      %shift_right_logical3A_534 = vector.broadcast %shift_right_logical3A : i32 to vector<16xi32>
      %shift_right_logical3A_535 = arith.shrui %sub3A_529, %shift_right_logical3A_534 : vector<16xi32>
      %and3A_536 = arith.constant 4095 : i32
      %and3A_537 = vector.broadcast %and3A_536 : i32 to vector<16xi32>
      %and3A_538 = arith.andi %sub3A_529, %and3A_537 : vector<16xi32>
      tpu.vector_store_idx %arg9[%shift_right_logical3A_535, %and3A_538], %get3A_527 masked %and3A_533 : memref<8x4096xf32, #tpu.memory_space<vmem>>[vector<16xi32>, vector<16xi32>], vector<16xf32>, vector<16xi1>
    }
    %while3A_376 = arith.constant 1 : i32
    scf.for %while3A_513 = %while3A_374 to %while3A_370 step %while3A_376  : i32 {
      %mul3A_514 = arith.constant 16 : i32
      %mul3A_515 = arith.muli %while3A_513, %mul3A_514 : i32
      %get3A_516 = arith.index_cast %mul3A_515 : i32 to index
      %get3A_517 = tpu.vector_load %arg6[%get3A_516] {strides = array<i32>} : memref<8208xi32, #tpu.memory_space<vmem>>, vector<16xi32>,
      %mul3A_518 = arith.constant 16 : i32
      %mul3A_519 = arith.muli %while3A_513, %mul3A_518 : i32
      %add3A_520 = arith.constant 1 : i32
      %add3A_521 = arith.addi %mul3A_519, %add3A_520 : i32
      %get3A_522 = arith.index_cast %add3A_521 : i32 to index
      %get3A_523 = tpu.vector_load %arg6[%get3A_522] {strides = array<i32>} : memref<8208xi32, #tpu.memory_space<vmem>>, vector<16xi32>,
      %mul3A_524 = arith.constant 16 : i32
      %mul3A_525 = arith.muli %while3A_513, %mul3A_524 : i32
      %get3A_526 = arith.index_cast %mul3A_525 : i32 to index
      %get3A_527 = tpu.vector_load %arg7[%get3A_526] {strides = array<i32>} : memref<8208xf32, #tpu.memory_space<vmem>>, vector<16xf32>,
      %sub3A_528 = vector.broadcast %add3A_366 : i32 to vector<16xi32>
      %sub3A_529 = arith.subi %get3A_517, %sub3A_528 : vector<16xi32>
      %lt3A = arith.constant 32768 : i32
      %lt3A_530 = vector.broadcast %lt3A : i32 to vector<16xi32>
      %lt3A_531 = arith.cmpi ult, %sub3A_529, %lt3A_530 : vector<16xi32>
      %ne3A_532 = arith.cmpi ne, %get3A_517, %get3A_523 : vector<16xi32>
      %and3A_533 = arith.andi %lt3A_531, %ne3A_532 : vector<16xi1>
      %shift_right_logical3A = arith.constant 12 : i32
      %shift_right_logical3A_534 = vector.broadcast %shift_right_logical3A : i32 to vector<16xi32>
      %shift_right_logical3A_535 = arith.shrui %sub3A_529, %shift_right_logical3A_534 : vector<16xi32>
      %and3A_536 = arith.constant 4095 : i32
      %and3A_537 = vector.broadcast %and3A_536 : i32 to vector<16xi32>
      %and3A_538 = arith.andi %sub3A_529, %and3A_537 : vector<16xi32>
      tpu.vector_store_idx %arg9[%shift_right_logical3A_535, %and3A_538], %get3A_527 masked %and3A_533 : memref<8x4096xf32, #tpu.memory_space<vmem>>[vector<16xi32>, vector<16xi32>], vector<16xf32>, vector<16xi1>
    }
    %mul3A_377 = arith.constant 128 : i32
    %mul3A_378 = arith.muli %add3A, %mul3A_377 : i32
    %add3A_379 = arith.constant 88 : i32
    %add3A_380 = arith.addi %mul3A_378, %add3A_379 : i32
    %dma_start3A_381 = arith.constant 0 : i32
    %dma_start3A_382 = tpu.memref_slice %arg5[%add3A_380, %dma_start3A_381] : memref<4096x4096xf32, #tpu.memory_space<hbm>> -> memref<8x4096xf32, #tpu.memory_space<hbm>>
    %dma_start3A_383 = arith.constant 0 : i32
    %dma_start3A_384 = tpu.memref_slice %arg5[%add3A_380, %dma_start3A_383] : memref<4096x4096xf32, #tpu.memory_space<hbm>> -> memref<8x4096xf32, #tpu.memory_space<hbm>>
    tpu.enqueue_dma source(%arg9 : memref<8x4096xf32, #tpu.memory_space<vmem>>) target(%dma_start3A_384 : memref<8x4096xf32, #tpu.memory_space<hbm>>) target_semaphore(%arg12 : memref<!tpu.dma_semaphore, #tpu.memory_space<semaphore_mem>>)
    %dma_wait3A_385 = arith.constant 0 : i32
    %dma_wait3A_386 = tpu.memref_slice %arg5[%add3A_350, %dma_wait3A_385] : memref<4096x4096xf32, #tpu.memory_space<hbm>> -> memref<8x4096xf32, #tpu.memory_space<hbm>>
    %dma_wait3A_387 = arith.constant 0 : i32
    %dma_wait3A_388 = tpu.memref_slice %arg5[%add3A_350, %dma_wait3A_387] : memref<4096x4096xf32, #tpu.memory_space<hbm>> -> memref<8x4096xf32, #tpu.memory_space<hbm>>
    tpu.wait_dma2 semaphore(%arg12 : memref<!tpu.dma_semaphore, #tpu.memory_space<semaphore_mem>>) src(%arg8 : memref<8x4096xf32, #tpu.memory_space<vmem>>) dst(%dma_wait3A_388 : memref<8x4096xf32, #tpu.memory_space<hbm>>)
    %scan3A_389 = arith.constant 0 : i32
    %scan3A_390 = arith.constant 0 : i32
    %scan3A_391 = arith.constant 256 : i32
    %scan3A_392 = arith.addi %scan3A_390, %scan3A_391 : i32
    %scan3A_393 = arith.constant 1 : i32
    scf.for %scan3A_513 = %scan3A_390 to %scan3A_392 step %scan3A_393  : i32 {
      %jit3A_514 = arith.constant 32 : i32
      %div3A_515 = arith.divsi %scan3A_513, %jit3A_514 : i32
      %sign3A_516 = arith.constant 0 : i32
      %sign3A_517 = arith.cmpi sgt, %scan3A_513, %sign3A_516 : i32
      %sign3A_518 = arith.extui %sign3A_517 : i1 to i32
      %sign3A_519 = arith.constant 0 : i32
      %sign3A_520 = arith.cmpi slt, %scan3A_513, %sign3A_519 : i32
      %sign3A_521 = arith.extui %sign3A_520 : i1 to i32
      %sign3A_522 = arith.subi %sign3A_518, %sign3A_521 : i32
      %sign3A_523 = arith.constant 0 : i32
      %sign3A_524 = arith.cmpi sgt, %jit3A_514, %sign3A_523 : i32
      %sign3A_525 = arith.extui %sign3A_524 : i1 to i32
      %sign3A_526 = arith.constant 0 : i32
      %sign3A_527 = arith.cmpi slt, %jit3A_514, %sign3A_526 : i32
      %sign3A_528 = arith.extui %sign3A_527 : i1 to i32
      %sign3A_529 = arith.subi %sign3A_525, %sign3A_528 : i32
      %ne3A_530 = arith.cmpi ne, %sign3A_522, %sign3A_529 : i32
      %rem3A_531 = arith.remsi %scan3A_513, %jit3A_514 : i32
      %ne3A_532 = arith.constant 0 : i32
      %ne3A_533 = arith.cmpi ne, %rem3A_531, %ne3A_532 : i32
      %and3A_534 = arith.andi %ne3A_530, %ne3A_533 : i1
      %sub3A_535 = arith.constant 1 : i32
      %sub3A_536 = arith.subi %div3A_515, %sub3A_535 : i32
      %select_n3A_537 = arith.select %and3A_534, %sub3A_536, %div3A_515 : i32
      %jit3A_538 = arith.constant 32 : i32
      %eq3A = arith.constant 0 : i32
      %eq3A_539 = arith.cmpi eq, %jit3A_538, %eq3A : i32
      %jit3A_540 = arith.constant 1 : i32
      %select_n3A_541 = arith.select %eq3A_539, %jit3A_540, %jit3A_538 : i32
      %rem3A_542 = arith.remsi %scan3A_513, %select_n3A_541 : i32
      %ne3A_543 = arith.constant 0 : i32
      %ne3A_544 = arith.cmpi ne, %rem3A_542, %ne3A_543 : i32
      %lt3A = arith.constant 0 : i32
      %lt3A_545 = arith.cmpi slt, %rem3A_542, %lt3A : i32
      %lt3A_546 = arith.constant 0 : i32
      %lt3A_547 = arith.cmpi slt, %select_n3A_541, %lt3A_546 : i32
      %ne3A_548 = arith.xori %lt3A_545, %lt3A_547 : i1
      %and3A_549 = arith.andi %ne3A_548, %ne3A_544 : i1
      %add3A_550 = arith.addi %rem3A_542, %select_n3A_541 : i32
      %select_n3A_551 = arith.select %and3A_549, %add3A_550, %rem3A_542 : i32
      %mul3A_552 = arith.constant 8 : i32
      %mul3A_553 = arith.muli %select_n3A_551, %mul3A_552 : i32
      %add3A_554 = arith.constant 0 : i32
      %add3A_555 = arith.addi %mul3A_553, %add3A_554 : i32
      %mul3A_556 = arith.constant 16 : i32
      %mul3A_557 = arith.muli %add3A_555, %mul3A_556 : i32
      %swap3A = arith.index_cast %select_n3A_537 : i32 to index
      %swap3A_558 = arith.index_cast %mul3A_557 : i32 to index
      %swap3A_559 = tpu.vector_load %arg8[%swap3A, %swap3A_558] {strides = array<i32>} : memref<8x4096xf32, #tpu.memory_space<vmem>>, vector<16xf32>,
      tpu.vector_store %arg8[%swap3A, %swap3A_558], %broadcast_in_dim3A_3 {strides = array<i32>} : memref<8x4096xf32, #tpu.memory_space<vmem>>, vector<16xf32>,
      %mul3A_560 = arith.constant 8 : i32
      %mul3A_561 = arith.muli %select_n3A_551, %mul3A_560 : i32
      %add3A_562 = arith.constant 1 : i32
      %add3A_563 = arith.addi %mul3A_561, %add3A_562 : i32
      %mul3A_564 = arith.constant 16 : i32
      %mul3A_565 = arith.muli %add3A_563, %mul3A_564 : i32
      %swap3A_566 = arith.index_cast %select_n3A_537 : i32 to index
      %swap3A_567 = arith.index_cast %mul3A_565 : i32 to index
      %swap3A_568 = tpu.vector_load %arg8[%swap3A_566, %swap3A_567] {strides = array<i32>} : memref<8x4096xf32, #tpu.memory_space<vmem>>, vector<16xf32>,
      tpu.vector_store %arg8[%swap3A_566, %swap3A_567], %broadcast_in_dim3A_3 {strides = array<i32>} : memref<8x4096xf32, #tpu.memory_space<vmem>>, vector<16xf32>,
      %mul3A_569 = arith.constant 8 : i32
      %mul3A_570 = arith.muli %select_n3A_551, %mul3A_569 : i32
      %add3A_571 = arith.constant 2 : i32
      %add3A_572 = arith.addi %mul3A_570, %add3A_571 : i32
      %mul3A_573 = arith.constant 16 : i32
      %mul3A_574 = arith.muli %add3A_572, %mul3A_573 : i32
      %swap3A_575 = arith.index_cast %select_n3A_537 : i32 to index
      %swap3A_576 = arith.index_cast %mul3A_574 : i32 to index
      %swap3A_577 = tpu.vector_load %arg8[%swap3A_575, %swap3A_576] {strides = array<i32>} : memref<8x4096xf32, #tpu.memory_space<vmem>>, vector<16xf32>,
      tpu.vector_store %arg8[%swap3A_575, %swap3A_576], %broadcast_in_dim3A_3 {strides = array<i32>} : memref<8x4096xf32, #tpu.memory_space<vmem>>, vector<16xf32>,
      %mul3A_578 = arith.constant 8 : i32
      %mul3A_579 = arith.muli %select_n3A_551, %mul3A_578 : i32
      %add3A_580 = arith.constant 3 : i32
      %add3A_581 = arith.addi %mul3A_579, %add3A_580 : i32
      %mul3A_582 = arith.constant 16 : i32
      %mul3A_583 = arith.muli %add3A_581, %mul3A_582 : i32
      %swap3A_584 = arith.index_cast %select_n3A_537 : i32 to index
      %swap3A_585 = arith.index_cast %mul3A_583 : i32 to index
      %swap3A_586 = tpu.vector_load %arg8[%swap3A_584, %swap3A_585] {strides = array<i32>} : memref<8x4096xf32, #tpu.memory_space<vmem>>, vector<16xf32>,
      tpu.vector_store %arg8[%swap3A_584, %swap3A_585], %broadcast_in_dim3A_3 {strides = array<i32>} : memref<8x4096xf32, #tpu.memory_space<vmem>>, vector<16xf32>,
      %mul3A_587 = arith.constant 8 : i32
      %mul3A_588 = arith.muli %select_n3A_551, %mul3A_587 : i32
      %add3A_589 = arith.constant 4 : i32
      %add3A_590 = arith.addi %mul3A_588, %add3A_589 : i32
      %mul3A_591 = arith.constant 16 : i32
      %mul3A_592 = arith.muli %add3A_590, %mul3A_591 : i32
      %swap3A_593 = arith.index_cast %select_n3A_537 : i32 to index
      %swap3A_594 = arith.index_cast %mul3A_592 : i32 to index
      %swap3A_595 = tpu.vector_load %arg8[%swap3A_593, %swap3A_594] {strides = array<i32>} : memref<8x4096xf32, #tpu.memory_space<vmem>>, vector<16xf32>,
      tpu.vector_store %arg8[%swap3A_593, %swap3A_594], %broadcast_in_dim3A_3 {strides = array<i32>} : memref<8x4096xf32, #tpu.memory_space<vmem>>, vector<16xf32>,
      %mul3A_596 = arith.constant 8 : i32
      %mul3A_597 = arith.muli %select_n3A_551, %mul3A_596 : i32
      %add3A_598 = arith.constant 5 : i32
      %add3A_599 = arith.addi %mul3A_597, %add3A_598 : i32
      %mul3A_600 = arith.constant 16 : i32
      %mul3A_601 = arith.muli %add3A_599, %mul3A_600 : i32
      %swap3A_602 = arith.index_cast %select_n3A_537 : i32 to index
      %swap3A_603 = arith.index_cast %mul3A_601 : i32 to index
      %swap3A_604 = tpu.vector_load %arg8[%swap3A_602, %swap3A_603] {strides = array<i32>} : memref<8x4096xf32, #tpu.memory_space<vmem>>, vector<16xf32>,
      tpu.vector_store %arg8[%swap3A_602, %swap3A_603], %broadcast_in_dim3A_3 {strides = array<i32>} : memref<8x4096xf32, #tpu.memory_space<vmem>>, vector<16xf32>,
      %mul3A_605 = arith.constant 8 : i32
      %mul3A_606 = arith.muli %select_n3A_551, %mul3A_605 : i32
      %add3A_607 = arith.constant 6 : i32
      %add3A_608 = arith.addi %mul3A_606, %add3A_607 : i32
      %mul3A_609 = arith.constant 16 : i32
      %mul3A_610 = arith.muli %add3A_608, %mul3A_609 : i32
      %swap3A_611 = arith.index_cast %select_n3A_537 : i32 to index
      %swap3A_612 = arith.index_cast %mul3A_610 : i32 to index
      %swap3A_613 = tpu.vector_load %arg8[%swap3A_611, %swap3A_612] {strides = array<i32>} : memref<8x4096xf32, #tpu.memory_space<vmem>>, vector<16xf32>,
      tpu.vector_store %arg8[%swap3A_611, %swap3A_612], %broadcast_in_dim3A_3 {strides = array<i32>} : memref<8x4096xf32, #tpu.memory_space<vmem>>, vector<16xf32>,
      %mul3A_614 = arith.constant 8 : i32
      %mul3A_615 = arith.muli %select_n3A_551, %mul3A_614 : i32
      %add3A_616 = arith.constant 7 : i32
      %add3A_617 = arith.addi %mul3A_615, %add3A_616 : i32
      %mul3A_618 = arith.constant 16 : i32
      %mul3A_619 = arith.muli %add3A_617, %mul3A_618 : i32
      %swap3A_620 = arith.index_cast %select_n3A_537 : i32 to index
      %swap3A_621 = arith.index_cast %mul3A_619 : i32 to index
      %swap3A_622 = tpu.vector_load %arg8[%swap3A_620, %swap3A_621] {strides = array<i32>} : memref<8x4096xf32, #tpu.memory_space<vmem>>, vector<16xf32>,
      tpu.vector_store %arg8[%swap3A_620, %swap3A_621], %broadcast_in_dim3A_3 {strides = array<i32>} : memref<8x4096xf32, #tpu.memory_space<vmem>>, vector<16xf32>,
    }
    %scan3A_394 = arith.constant 256 : i32
    %add3A_395 = arith.constant 393216 : i32
    %add3A_396 = arith.addi %mul3A_2, %add3A_395 : i32
    %while3A_397 = arith.constant 0 : i32
    %while3A_398 = arith.constant 0 : i32
    %while3A_399 = arith.subi %min3A_28, %while3A_398 : i32
    %while3A_400 = arith.addi %while3A_398, %while3A_399 : i32
    %while3A_401 = arith.constant 1 : i32
    %while3A_402 = arith.divsi %while3A_399, %while3A_401 : i32
    %while3A_403 = arith.muli %while3A_402, %while3A_401 : i32
    %while3A_404 = arith.addi %while3A_398, %while3A_403 : i32
    %while3A_405 = arith.constant 1 : i32
    scf.for %while3A_513 = %while3A_398 to %while3A_404 step %while3A_405  : i32 {
      %mul3A_514 = arith.constant 16 : i32
      %mul3A_515 = arith.muli %while3A_513, %mul3A_514 : i32
      %get3A_516 = arith.index_cast %mul3A_515 : i32 to index
      %get3A_517 = tpu.vector_load %arg6[%get3A_516] {strides = array<i32>} : memref<8208xi32, #tpu.memory_space<vmem>>, vector<16xi32>,
      %mul3A_518 = arith.constant 16 : i32
      %mul3A_519 = arith.muli %while3A_513, %mul3A_518 : i32
      %add3A_520 = arith.constant 1 : i32
      %add3A_521 = arith.addi %mul3A_519, %add3A_520 : i32
      %get3A_522 = arith.index_cast %add3A_521 : i32 to index
      %get3A_523 = tpu.vector_load %arg6[%get3A_522] {strides = array<i32>} : memref<8208xi32, #tpu.memory_space<vmem>>, vector<16xi32>,
      %mul3A_524 = arith.constant 16 : i32
      %mul3A_525 = arith.muli %while3A_513, %mul3A_524 : i32
      %get3A_526 = arith.index_cast %mul3A_525 : i32 to index
      %get3A_527 = tpu.vector_load %arg7[%get3A_526] {strides = array<i32>} : memref<8208xf32, #tpu.memory_space<vmem>>, vector<16xf32>,
      %sub3A_528 = vector.broadcast %add3A_396 : i32 to vector<16xi32>
      %sub3A_529 = arith.subi %get3A_517, %sub3A_528 : vector<16xi32>
      %lt3A = arith.constant 32768 : i32
      %lt3A_530 = vector.broadcast %lt3A : i32 to vector<16xi32>
      %lt3A_531 = arith.cmpi ult, %sub3A_529, %lt3A_530 : vector<16xi32>
      %ne3A_532 = arith.cmpi ne, %get3A_517, %get3A_523 : vector<16xi32>
      %and3A_533 = arith.andi %lt3A_531, %ne3A_532 : vector<16xi1>
      %shift_right_logical3A = arith.constant 12 : i32
      %shift_right_logical3A_534 = vector.broadcast %shift_right_logical3A : i32 to vector<16xi32>
      %shift_right_logical3A_535 = arith.shrui %sub3A_529, %shift_right_logical3A_534 : vector<16xi32>
      %and3A_536 = arith.constant 4095 : i32
      %and3A_537 = vector.broadcast %and3A_536 : i32 to vector<16xi32>
      %and3A_538 = arith.andi %sub3A_529, %and3A_537 : vector<16xi32>
      tpu.vector_store_idx %arg8[%shift_right_logical3A_535, %and3A_538], %get3A_527 masked %and3A_533 : memref<8x4096xf32, #tpu.memory_space<vmem>>[vector<16xi32>, vector<16xi32>], vector<16xf32>, vector<16xi1>
    }
    %while3A_406 = arith.constant 1 : i32
    scf.for %while3A_513 = %while3A_404 to %while3A_400 step %while3A_406  : i32 {
      %mul3A_514 = arith.constant 16 : i32
      %mul3A_515 = arith.muli %while3A_513, %mul3A_514 : i32
      %get3A_516 = arith.index_cast %mul3A_515 : i32 to index
      %get3A_517 = tpu.vector_load %arg6[%get3A_516] {strides = array<i32>} : memref<8208xi32, #tpu.memory_space<vmem>>, vector<16xi32>,
      %mul3A_518 = arith.constant 16 : i32
      %mul3A_519 = arith.muli %while3A_513, %mul3A_518 : i32
      %add3A_520 = arith.constant 1 : i32
      %add3A_521 = arith.addi %mul3A_519, %add3A_520 : i32
      %get3A_522 = arith.index_cast %add3A_521 : i32 to index
      %get3A_523 = tpu.vector_load %arg6[%get3A_522] {strides = array<i32>} : memref<8208xi32, #tpu.memory_space<vmem>>, vector<16xi32>,
      %mul3A_524 = arith.constant 16 : i32
      %mul3A_525 = arith.muli %while3A_513, %mul3A_524 : i32
      %get3A_526 = arith.index_cast %mul3A_525 : i32 to index
      %get3A_527 = tpu.vector_load %arg7[%get3A_526] {strides = array<i32>} : memref<8208xf32, #tpu.memory_space<vmem>>, vector<16xf32>,
      %sub3A_528 = vector.broadcast %add3A_396 : i32 to vector<16xi32>
      %sub3A_529 = arith.subi %get3A_517, %sub3A_528 : vector<16xi32>
      %lt3A = arith.constant 32768 : i32
      %lt3A_530 = vector.broadcast %lt3A : i32 to vector<16xi32>
      %lt3A_531 = arith.cmpi ult, %sub3A_529, %lt3A_530 : vector<16xi32>
      %ne3A_532 = arith.cmpi ne, %get3A_517, %get3A_523 : vector<16xi32>
      %and3A_533 = arith.andi %lt3A_531, %ne3A_532 : vector<16xi1>
      %shift_right_logical3A = arith.constant 12 : i32
      %shift_right_logical3A_534 = vector.broadcast %shift_right_logical3A : i32 to vector<16xi32>
      %shift_right_logical3A_535 = arith.shrui %sub3A_529, %shift_right_logical3A_534 : vector<16xi32>
      %and3A_536 = arith.constant 4095 : i32
      %and3A_537 = vector.broadcast %and3A_536 : i32 to vector<16xi32>
      %and3A_538 = arith.andi %sub3A_529, %and3A_537 : vector<16xi32>
      tpu.vector_store_idx %arg8[%shift_right_logical3A_535, %and3A_538], %get3A_527 masked %and3A_533 : memref<8x4096xf32, #tpu.memory_space<vmem>>[vector<16xi32>, vector<16xi32>], vector<16xf32>, vector<16xi1>
    }
    %mul3A_407 = arith.constant 128 : i32
    %mul3A_408 = arith.muli %add3A, %mul3A_407 : i32
    %add3A_409 = arith.constant 96 : i32
    %add3A_410 = arith.addi %mul3A_408, %add3A_409 : i32
    %dma_start3A_411 = arith.constant 0 : i32
    %dma_start3A_412 = tpu.memref_slice %arg5[%add3A_410, %dma_start3A_411] : memref<4096x4096xf32, #tpu.memory_space<hbm>> -> memref<8x4096xf32, #tpu.memory_space<hbm>>
    %dma_start3A_413 = arith.constant 0 : i32
    %dma_start3A_414 = tpu.memref_slice %arg5[%add3A_410, %dma_start3A_413] : memref<4096x4096xf32, #tpu.memory_space<hbm>> -> memref<8x4096xf32, #tpu.memory_space<hbm>>
    tpu.enqueue_dma source(%arg8 : memref<8x4096xf32, #tpu.memory_space<vmem>>) target(%dma_start3A_414 : memref<8x4096xf32, #tpu.memory_space<hbm>>) target_semaphore(%arg12 : memref<!tpu.dma_semaphore, #tpu.memory_space<semaphore_mem>>)
    %dma_wait3A_415 = arith.constant 0 : i32
    %dma_wait3A_416 = tpu.memref_slice %arg5[%add3A_380, %dma_wait3A_415] : memref<4096x4096xf32, #tpu.memory_space<hbm>> -> memref<8x4096xf32, #tpu.memory_space<hbm>>
    %dma_wait3A_417 = arith.constant 0 : i32
    %dma_wait3A_418 = tpu.memref_slice %arg5[%add3A_380, %dma_wait3A_417] : memref<4096x4096xf32, #tpu.memory_space<hbm>> -> memref<8x4096xf32, #tpu.memory_space<hbm>>
    tpu.wait_dma2 semaphore(%arg12 : memref<!tpu.dma_semaphore, #tpu.memory_space<semaphore_mem>>) src(%arg9 : memref<8x4096xf32, #tpu.memory_space<vmem>>) dst(%dma_wait3A_418 : memref<8x4096xf32, #tpu.memory_space<hbm>>)
    %scan3A_419 = arith.constant 0 : i32
    %scan3A_420 = arith.constant 0 : i32
    %scan3A_421 = arith.constant 256 : i32
    %scan3A_422 = arith.addi %scan3A_420, %scan3A_421 : i32
    %scan3A_423 = arith.constant 1 : i32
    scf.for %scan3A_513 = %scan3A_420 to %scan3A_422 step %scan3A_423  : i32 {
      %jit3A_514 = arith.constant 32 : i32
      %div3A_515 = arith.divsi %scan3A_513, %jit3A_514 : i32
      %sign3A_516 = arith.constant 0 : i32
      %sign3A_517 = arith.cmpi sgt, %scan3A_513, %sign3A_516 : i32
      %sign3A_518 = arith.extui %sign3A_517 : i1 to i32
      %sign3A_519 = arith.constant 0 : i32
      %sign3A_520 = arith.cmpi slt, %scan3A_513, %sign3A_519 : i32
      %sign3A_521 = arith.extui %sign3A_520 : i1 to i32
      %sign3A_522 = arith.subi %sign3A_518, %sign3A_521 : i32
      %sign3A_523 = arith.constant 0 : i32
      %sign3A_524 = arith.cmpi sgt, %jit3A_514, %sign3A_523 : i32
      %sign3A_525 = arith.extui %sign3A_524 : i1 to i32
      %sign3A_526 = arith.constant 0 : i32
      %sign3A_527 = arith.cmpi slt, %jit3A_514, %sign3A_526 : i32
      %sign3A_528 = arith.extui %sign3A_527 : i1 to i32
      %sign3A_529 = arith.subi %sign3A_525, %sign3A_528 : i32
      %ne3A_530 = arith.cmpi ne, %sign3A_522, %sign3A_529 : i32
      %rem3A_531 = arith.remsi %scan3A_513, %jit3A_514 : i32
      %ne3A_532 = arith.constant 0 : i32
      %ne3A_533 = arith.cmpi ne, %rem3A_531, %ne3A_532 : i32
      %and3A_534 = arith.andi %ne3A_530, %ne3A_533 : i1
      %sub3A_535 = arith.constant 1 : i32
      %sub3A_536 = arith.subi %div3A_515, %sub3A_535 : i32
      %select_n3A_537 = arith.select %and3A_534, %sub3A_536, %div3A_515 : i32
      %jit3A_538 = arith.constant 32 : i32
      %eq3A = arith.constant 0 : i32
      %eq3A_539 = arith.cmpi eq, %jit3A_538, %eq3A : i32
      %jit3A_540 = arith.constant 1 : i32
      %select_n3A_541 = arith.select %eq3A_539, %jit3A_540, %jit3A_538 : i32
      %rem3A_542 = arith.remsi %scan3A_513, %select_n3A_541 : i32
      %ne3A_543 = arith.constant 0 : i32
      %ne3A_544 = arith.cmpi ne, %rem3A_542, %ne3A_543 : i32
      %lt3A = arith.constant 0 : i32
      %lt3A_545 = arith.cmpi slt, %rem3A_542, %lt3A : i32
      %lt3A_546 = arith.constant 0 : i32
      %lt3A_547 = arith.cmpi slt, %select_n3A_541, %lt3A_546 : i32
      %ne3A_548 = arith.xori %lt3A_545, %lt3A_547 : i1
      %and3A_549 = arith.andi %ne3A_548, %ne3A_544 : i1
      %add3A_550 = arith.addi %rem3A_542, %select_n3A_541 : i32
      %select_n3A_551 = arith.select %and3A_549, %add3A_550, %rem3A_542 : i32
      %mul3A_552 = arith.constant 8 : i32
      %mul3A_553 = arith.muli %select_n3A_551, %mul3A_552 : i32
      %add3A_554 = arith.constant 0 : i32
      %add3A_555 = arith.addi %mul3A_553, %add3A_554 : i32
      %mul3A_556 = arith.constant 16 : i32
      %mul3A_557 = arith.muli %add3A_555, %mul3A_556 : i32
      %swap3A = arith.index_cast %select_n3A_537 : i32 to index
      %swap3A_558 = arith.index_cast %mul3A_557 : i32 to index
      %swap3A_559 = tpu.vector_load %arg9[%swap3A, %swap3A_558] {strides = array<i32>} : memref<8x4096xf32, #tpu.memory_space<vmem>>, vector<16xf32>,
      tpu.vector_store %arg9[%swap3A, %swap3A_558], %broadcast_in_dim3A_3 {strides = array<i32>} : memref<8x4096xf32, #tpu.memory_space<vmem>>, vector<16xf32>,
      %mul3A_560 = arith.constant 8 : i32
      %mul3A_561 = arith.muli %select_n3A_551, %mul3A_560 : i32
      %add3A_562 = arith.constant 1 : i32
      %add3A_563 = arith.addi %mul3A_561, %add3A_562 : i32
      %mul3A_564 = arith.constant 16 : i32
      %mul3A_565 = arith.muli %add3A_563, %mul3A_564 : i32
      %swap3A_566 = arith.index_cast %select_n3A_537 : i32 to index
      %swap3A_567 = arith.index_cast %mul3A_565 : i32 to index
      %swap3A_568 = tpu.vector_load %arg9[%swap3A_566, %swap3A_567] {strides = array<i32>} : memref<8x4096xf32, #tpu.memory_space<vmem>>, vector<16xf32>,
      tpu.vector_store %arg9[%swap3A_566, %swap3A_567], %broadcast_in_dim3A_3 {strides = array<i32>} : memref<8x4096xf32, #tpu.memory_space<vmem>>, vector<16xf32>,
      %mul3A_569 = arith.constant 8 : i32
      %mul3A_570 = arith.muli %select_n3A_551, %mul3A_569 : i32
      %add3A_571 = arith.constant 2 : i32
      %add3A_572 = arith.addi %mul3A_570, %add3A_571 : i32
      %mul3A_573 = arith.constant 16 : i32
      %mul3A_574 = arith.muli %add3A_572, %mul3A_573 : i32
      %swap3A_575 = arith.index_cast %select_n3A_537 : i32 to index
      %swap3A_576 = arith.index_cast %mul3A_574 : i32 to index
      %swap3A_577 = tpu.vector_load %arg9[%swap3A_575, %swap3A_576] {strides = array<i32>} : memref<8x4096xf32, #tpu.memory_space<vmem>>, vector<16xf32>,
      tpu.vector_store %arg9[%swap3A_575, %swap3A_576], %broadcast_in_dim3A_3 {strides = array<i32>} : memref<8x4096xf32, #tpu.memory_space<vmem>>, vector<16xf32>,
      %mul3A_578 = arith.constant 8 : i32
      %mul3A_579 = arith.muli %select_n3A_551, %mul3A_578 : i32
      %add3A_580 = arith.constant 3 : i32
      %add3A_581 = arith.addi %mul3A_579, %add3A_580 : i32
      %mul3A_582 = arith.constant 16 : i32
      %mul3A_583 = arith.muli %add3A_581, %mul3A_582 : i32
      %swap3A_584 = arith.index_cast %select_n3A_537 : i32 to index
      %swap3A_585 = arith.index_cast %mul3A_583 : i32 to index
      %swap3A_586 = tpu.vector_load %arg9[%swap3A_584, %swap3A_585] {strides = array<i32>} : memref<8x4096xf32, #tpu.memory_space<vmem>>, vector<16xf32>,
      tpu.vector_store %arg9[%swap3A_584, %swap3A_585], %broadcast_in_dim3A_3 {strides = array<i32>} : memref<8x4096xf32, #tpu.memory_space<vmem>>, vector<16xf32>,
      %mul3A_587 = arith.constant 8 : i32
      %mul3A_588 = arith.muli %select_n3A_551, %mul3A_587 : i32
      %add3A_589 = arith.constant 4 : i32
      %add3A_590 = arith.addi %mul3A_588, %add3A_589 : i32
      %mul3A_591 = arith.constant 16 : i32
      %mul3A_592 = arith.muli %add3A_590, %mul3A_591 : i32
      %swap3A_593 = arith.index_cast %select_n3A_537 : i32 to index
      %swap3A_594 = arith.index_cast %mul3A_592 : i32 to index
      %swap3A_595 = tpu.vector_load %arg9[%swap3A_593, %swap3A_594] {strides = array<i32>} : memref<8x4096xf32, #tpu.memory_space<vmem>>, vector<16xf32>,
      tpu.vector_store %arg9[%swap3A_593, %swap3A_594], %broadcast_in_dim3A_3 {strides = array<i32>} : memref<8x4096xf32, #tpu.memory_space<vmem>>, vector<16xf32>,
      %mul3A_596 = arith.constant 8 : i32
      %mul3A_597 = arith.muli %select_n3A_551, %mul3A_596 : i32
      %add3A_598 = arith.constant 5 : i32
      %add3A_599 = arith.addi %mul3A_597, %add3A_598 : i32
      %mul3A_600 = arith.constant 16 : i32
      %mul3A_601 = arith.muli %add3A_599, %mul3A_600 : i32
      %swap3A_602 = arith.index_cast %select_n3A_537 : i32 to index
      %swap3A_603 = arith.index_cast %mul3A_601 : i32 to index
      %swap3A_604 = tpu.vector_load %arg9[%swap3A_602, %swap3A_603] {strides = array<i32>} : memref<8x4096xf32, #tpu.memory_space<vmem>>, vector<16xf32>,
      tpu.vector_store %arg9[%swap3A_602, %swap3A_603], %broadcast_in_dim3A_3 {strides = array<i32>} : memref<8x4096xf32, #tpu.memory_space<vmem>>, vector<16xf32>,
      %mul3A_605 = arith.constant 8 : i32
      %mul3A_606 = arith.muli %select_n3A_551, %mul3A_605 : i32
      %add3A_607 = arith.constant 6 : i32
      %add3A_608 = arith.addi %mul3A_606, %add3A_607 : i32
      %mul3A_609 = arith.constant 16 : i32
      %mul3A_610 = arith.muli %add3A_608, %mul3A_609 : i32
      %swap3A_611 = arith.index_cast %select_n3A_537 : i32 to index
      %swap3A_612 = arith.index_cast %mul3A_610 : i32 to index
      %swap3A_613 = tpu.vector_load %arg9[%swap3A_611, %swap3A_612] {strides = array<i32>} : memref<8x4096xf32, #tpu.memory_space<vmem>>, vector<16xf32>,
      tpu.vector_store %arg9[%swap3A_611, %swap3A_612], %broadcast_in_dim3A_3 {strides = array<i32>} : memref<8x4096xf32, #tpu.memory_space<vmem>>, vector<16xf32>,
      %mul3A_614 = arith.constant 8 : i32
      %mul3A_615 = arith.muli %select_n3A_551, %mul3A_614 : i32
      %add3A_616 = arith.constant 7 : i32
      %add3A_617 = arith.addi %mul3A_615, %add3A_616 : i32
      %mul3A_618 = arith.constant 16 : i32
      %mul3A_619 = arith.muli %add3A_617, %mul3A_618 : i32
      %swap3A_620 = arith.index_cast %select_n3A_537 : i32 to index
      %swap3A_621 = arith.index_cast %mul3A_619 : i32 to index
      %swap3A_622 = tpu.vector_load %arg9[%swap3A_620, %swap3A_621] {strides = array<i32>} : memref<8x4096xf32, #tpu.memory_space<vmem>>, vector<16xf32>,
      tpu.vector_store %arg9[%swap3A_620, %swap3A_621], %broadcast_in_dim3A_3 {strides = array<i32>} : memref<8x4096xf32, #tpu.memory_space<vmem>>, vector<16xf32>,
    }
    %scan3A_424 = arith.constant 256 : i32
    %add3A_425 = arith.constant 425984 : i32
    %add3A_426 = arith.addi %mul3A_2, %add3A_425 : i32
    %while3A_427 = arith.constant 0 : i32
    %while3A_428 = arith.constant 0 : i32
    %while3A_429 = arith.subi %min3A_28, %while3A_428 : i32
    %while3A_430 = arith.addi %while3A_428, %while3A_429 : i32
    %while3A_431 = arith.constant 1 : i32
    %while3A_432 = arith.divsi %while3A_429, %while3A_431 : i32
    %while3A_433 = arith.muli %while3A_432, %while3A_431 : i32
    %while3A_434 = arith.addi %while3A_428, %while3A_433 : i32
    %while3A_435 = arith.constant 1 : i32
    scf.for %while3A_513 = %while3A_428 to %while3A_434 step %while3A_435  : i32 {
      %mul3A_514 = arith.constant 16 : i32
      %mul3A_515 = arith.muli %while3A_513, %mul3A_514 : i32
      %get3A_516 = arith.index_cast %mul3A_515 : i32 to index
      %get3A_517 = tpu.vector_load %arg6[%get3A_516] {strides = array<i32>} : memref<8208xi32, #tpu.memory_space<vmem>>, vector<16xi32>,
      %mul3A_518 = arith.constant 16 : i32
      %mul3A_519 = arith.muli %while3A_513, %mul3A_518 : i32
      %add3A_520 = arith.constant 1 : i32
      %add3A_521 = arith.addi %mul3A_519, %add3A_520 : i32
      %get3A_522 = arith.index_cast %add3A_521 : i32 to index
      %get3A_523 = tpu.vector_load %arg6[%get3A_522] {strides = array<i32>} : memref<8208xi32, #tpu.memory_space<vmem>>, vector<16xi32>,
      %mul3A_524 = arith.constant 16 : i32
      %mul3A_525 = arith.muli %while3A_513, %mul3A_524 : i32
      %get3A_526 = arith.index_cast %mul3A_525 : i32 to index
      %get3A_527 = tpu.vector_load %arg7[%get3A_526] {strides = array<i32>} : memref<8208xf32, #tpu.memory_space<vmem>>, vector<16xf32>,
      %sub3A_528 = vector.broadcast %add3A_426 : i32 to vector<16xi32>
      %sub3A_529 = arith.subi %get3A_517, %sub3A_528 : vector<16xi32>
      %lt3A = arith.constant 32768 : i32
      %lt3A_530 = vector.broadcast %lt3A : i32 to vector<16xi32>
      %lt3A_531 = arith.cmpi ult, %sub3A_529, %lt3A_530 : vector<16xi32>
      %ne3A_532 = arith.cmpi ne, %get3A_517, %get3A_523 : vector<16xi32>
      %and3A_533 = arith.andi %lt3A_531, %ne3A_532 : vector<16xi1>
      %shift_right_logical3A = arith.constant 12 : i32
      %shift_right_logical3A_534 = vector.broadcast %shift_right_logical3A : i32 to vector<16xi32>
      %shift_right_logical3A_535 = arith.shrui %sub3A_529, %shift_right_logical3A_534 : vector<16xi32>
      %and3A_536 = arith.constant 4095 : i32
      %and3A_537 = vector.broadcast %and3A_536 : i32 to vector<16xi32>
      %and3A_538 = arith.andi %sub3A_529, %and3A_537 : vector<16xi32>
      tpu.vector_store_idx %arg9[%shift_right_logical3A_535, %and3A_538], %get3A_527 masked %and3A_533 : memref<8x4096xf32, #tpu.memory_space<vmem>>[vector<16xi32>, vector<16xi32>], vector<16xf32>, vector<16xi1>
    }
    %while3A_436 = arith.constant 1 : i32
    scf.for %while3A_513 = %while3A_434 to %while3A_430 step %while3A_436  : i32 {
      %mul3A_514 = arith.constant 16 : i32
      %mul3A_515 = arith.muli %while3A_513, %mul3A_514 : i32
      %get3A_516 = arith.index_cast %mul3A_515 : i32 to index
      %get3A_517 = tpu.vector_load %arg6[%get3A_516] {strides = array<i32>} : memref<8208xi32, #tpu.memory_space<vmem>>, vector<16xi32>,
      %mul3A_518 = arith.constant 16 : i32
      %mul3A_519 = arith.muli %while3A_513, %mul3A_518 : i32
      %add3A_520 = arith.constant 1 : i32
      %add3A_521 = arith.addi %mul3A_519, %add3A_520 : i32
      %get3A_522 = arith.index_cast %add3A_521 : i32 to index
      %get3A_523 = tpu.vector_load %arg6[%get3A_522] {strides = array<i32>} : memref<8208xi32, #tpu.memory_space<vmem>>, vector<16xi32>,
      %mul3A_524 = arith.constant 16 : i32
      %mul3A_525 = arith.muli %while3A_513, %mul3A_524 : i32
      %get3A_526 = arith.index_cast %mul3A_525 : i32 to index
      %get3A_527 = tpu.vector_load %arg7[%get3A_526] {strides = array<i32>} : memref<8208xf32, #tpu.memory_space<vmem>>, vector<16xf32>,
      %sub3A_528 = vector.broadcast %add3A_426 : i32 to vector<16xi32>
      %sub3A_529 = arith.subi %get3A_517, %sub3A_528 : vector<16xi32>
      %lt3A = arith.constant 32768 : i32
      %lt3A_530 = vector.broadcast %lt3A : i32 to vector<16xi32>
      %lt3A_531 = arith.cmpi ult, %sub3A_529, %lt3A_530 : vector<16xi32>
      %ne3A_532 = arith.cmpi ne, %get3A_517, %get3A_523 : vector<16xi32>
      %and3A_533 = arith.andi %lt3A_531, %ne3A_532 : vector<16xi1>
      %shift_right_logical3A = arith.constant 12 : i32
      %shift_right_logical3A_534 = vector.broadcast %shift_right_logical3A : i32 to vector<16xi32>
      %shift_right_logical3A_535 = arith.shrui %sub3A_529, %shift_right_logical3A_534 : vector<16xi32>
      %and3A_536 = arith.constant 4095 : i32
      %and3A_537 = vector.broadcast %and3A_536 : i32 to vector<16xi32>
      %and3A_538 = arith.andi %sub3A_529, %and3A_537 : vector<16xi32>
      tpu.vector_store_idx %arg9[%shift_right_logical3A_535, %and3A_538], %get3A_527 masked %and3A_533 : memref<8x4096xf32, #tpu.memory_space<vmem>>[vector<16xi32>, vector<16xi32>], vector<16xf32>, vector<16xi1>
    }
    %mul3A_437 = arith.constant 128 : i32
    %mul3A_438 = arith.muli %add3A, %mul3A_437 : i32
    %add3A_439 = arith.constant 104 : i32
    %add3A_440 = arith.addi %mul3A_438, %add3A_439 : i32
    %dma_start3A_441 = arith.constant 0 : i32
    %dma_start3A_442 = tpu.memref_slice %arg5[%add3A_440, %dma_start3A_441] : memref<4096x4096xf32, #tpu.memory_space<hbm>> -> memref<8x4096xf32, #tpu.memory_space<hbm>>
    %dma_start3A_443 = arith.constant 0 : i32
    %dma_start3A_444 = tpu.memref_slice %arg5[%add3A_440, %dma_start3A_443] : memref<4096x4096xf32, #tpu.memory_space<hbm>> -> memref<8x4096xf32, #tpu.memory_space<hbm>>
    tpu.enqueue_dma source(%arg9 : memref<8x4096xf32, #tpu.memory_space<vmem>>) target(%dma_start3A_444 : memref<8x4096xf32, #tpu.memory_space<hbm>>) target_semaphore(%arg12 : memref<!tpu.dma_semaphore, #tpu.memory_space<semaphore_mem>>)
    %dma_wait3A_445 = arith.constant 0 : i32
    %dma_wait3A_446 = tpu.memref_slice %arg5[%add3A_410, %dma_wait3A_445] : memref<4096x4096xf32, #tpu.memory_space<hbm>> -> memref<8x4096xf32, #tpu.memory_space<hbm>>
    %dma_wait3A_447 = arith.constant 0 : i32
    %dma_wait3A_448 = tpu.memref_slice %arg5[%add3A_410, %dma_wait3A_447] : memref<4096x4096xf32, #tpu.memory_space<hbm>> -> memref<8x4096xf32, #tpu.memory_space<hbm>>
    tpu.wait_dma2 semaphore(%arg12 : memref<!tpu.dma_semaphore, #tpu.memory_space<semaphore_mem>>) src(%arg8 : memref<8x4096xf32, #tpu.memory_space<vmem>>) dst(%dma_wait3A_448 : memref<8x4096xf32, #tpu.memory_space<hbm>>)
    %scan3A_449 = arith.constant 0 : i32
    %scan3A_450 = arith.constant 0 : i32
    %scan3A_451 = arith.constant 256 : i32
    %scan3A_452 = arith.addi %scan3A_450, %scan3A_451 : i32
    %scan3A_453 = arith.constant 1 : i32
    scf.for %scan3A_513 = %scan3A_450 to %scan3A_452 step %scan3A_453  : i32 {
      %jit3A_514 = arith.constant 32 : i32
      %div3A_515 = arith.divsi %scan3A_513, %jit3A_514 : i32
      %sign3A_516 = arith.constant 0 : i32
      %sign3A_517 = arith.cmpi sgt, %scan3A_513, %sign3A_516 : i32
      %sign3A_518 = arith.extui %sign3A_517 : i1 to i32
      %sign3A_519 = arith.constant 0 : i32
      %sign3A_520 = arith.cmpi slt, %scan3A_513, %sign3A_519 : i32
      %sign3A_521 = arith.extui %sign3A_520 : i1 to i32
      %sign3A_522 = arith.subi %sign3A_518, %sign3A_521 : i32
      %sign3A_523 = arith.constant 0 : i32
      %sign3A_524 = arith.cmpi sgt, %jit3A_514, %sign3A_523 : i32
      %sign3A_525 = arith.extui %sign3A_524 : i1 to i32
      %sign3A_526 = arith.constant 0 : i32
      %sign3A_527 = arith.cmpi slt, %jit3A_514, %sign3A_526 : i32
      %sign3A_528 = arith.extui %sign3A_527 : i1 to i32
      %sign3A_529 = arith.subi %sign3A_525, %sign3A_528 : i32
      %ne3A_530 = arith.cmpi ne, %sign3A_522, %sign3A_529 : i32
      %rem3A_531 = arith.remsi %scan3A_513, %jit3A_514 : i32
      %ne3A_532 = arith.constant 0 : i32
      %ne3A_533 = arith.cmpi ne, %rem3A_531, %ne3A_532 : i32
      %and3A_534 = arith.andi %ne3A_530, %ne3A_533 : i1
      %sub3A_535 = arith.constant 1 : i32
      %sub3A_536 = arith.subi %div3A_515, %sub3A_535 : i32
      %select_n3A_537 = arith.select %and3A_534, %sub3A_536, %div3A_515 : i32
      %jit3A_538 = arith.constant 32 : i32
      %eq3A = arith.constant 0 : i32
      %eq3A_539 = arith.cmpi eq, %jit3A_538, %eq3A : i32
      %jit3A_540 = arith.constant 1 : i32
      %select_n3A_541 = arith.select %eq3A_539, %jit3A_540, %jit3A_538 : i32
      %rem3A_542 = arith.remsi %scan3A_513, %select_n3A_541 : i32
      %ne3A_543 = arith.constant 0 : i32
      %ne3A_544 = arith.cmpi ne, %rem3A_542, %ne3A_543 : i32
      %lt3A = arith.constant 0 : i32
      %lt3A_545 = arith.cmpi slt, %rem3A_542, %lt3A : i32
      %lt3A_546 = arith.constant 0 : i32
      %lt3A_547 = arith.cmpi slt, %select_n3A_541, %lt3A_546 : i32
      %ne3A_548 = arith.xori %lt3A_545, %lt3A_547 : i1
      %and3A_549 = arith.andi %ne3A_548, %ne3A_544 : i1
      %add3A_550 = arith.addi %rem3A_542, %select_n3A_541 : i32
      %select_n3A_551 = arith.select %and3A_549, %add3A_550, %rem3A_542 : i32
      %mul3A_552 = arith.constant 8 : i32
      %mul3A_553 = arith.muli %select_n3A_551, %mul3A_552 : i32
      %add3A_554 = arith.constant 0 : i32
      %add3A_555 = arith.addi %mul3A_553, %add3A_554 : i32
      %mul3A_556 = arith.constant 16 : i32
      %mul3A_557 = arith.muli %add3A_555, %mul3A_556 : i32
      %swap3A = arith.index_cast %select_n3A_537 : i32 to index
      %swap3A_558 = arith.index_cast %mul3A_557 : i32 to index
      %swap3A_559 = tpu.vector_load %arg8[%swap3A, %swap3A_558] {strides = array<i32>} : memref<8x4096xf32, #tpu.memory_space<vmem>>, vector<16xf32>,
      tpu.vector_store %arg8[%swap3A, %swap3A_558], %broadcast_in_dim3A_3 {strides = array<i32>} : memref<8x4096xf32, #tpu.memory_space<vmem>>, vector<16xf32>,
      %mul3A_560 = arith.constant 8 : i32
      %mul3A_561 = arith.muli %select_n3A_551, %mul3A_560 : i32
      %add3A_562 = arith.constant 1 : i32
      %add3A_563 = arith.addi %mul3A_561, %add3A_562 : i32
      %mul3A_564 = arith.constant 16 : i32
      %mul3A_565 = arith.muli %add3A_563, %mul3A_564 : i32
      %swap3A_566 = arith.index_cast %select_n3A_537 : i32 to index
      %swap3A_567 = arith.index_cast %mul3A_565 : i32 to index
      %swap3A_568 = tpu.vector_load %arg8[%swap3A_566, %swap3A_567] {strides = array<i32>} : memref<8x4096xf32, #tpu.memory_space<vmem>>, vector<16xf32>,
      tpu.vector_store %arg8[%swap3A_566, %swap3A_567], %broadcast_in_dim3A_3 {strides = array<i32>} : memref<8x4096xf32, #tpu.memory_space<vmem>>, vector<16xf32>,
      %mul3A_569 = arith.constant 8 : i32
      %mul3A_570 = arith.muli %select_n3A_551, %mul3A_569 : i32
      %add3A_571 = arith.constant 2 : i32
      %add3A_572 = arith.addi %mul3A_570, %add3A_571 : i32
      %mul3A_573 = arith.constant 16 : i32
      %mul3A_574 = arith.muli %add3A_572, %mul3A_573 : i32
      %swap3A_575 = arith.index_cast %select_n3A_537 : i32 to index
      %swap3A_576 = arith.index_cast %mul3A_574 : i32 to index
      %swap3A_577 = tpu.vector_load %arg8[%swap3A_575, %swap3A_576] {strides = array<i32>} : memref<8x4096xf32, #tpu.memory_space<vmem>>, vector<16xf32>,
      tpu.vector_store %arg8[%swap3A_575, %swap3A_576], %broadcast_in_dim3A_3 {strides = array<i32>} : memref<8x4096xf32, #tpu.memory_space<vmem>>, vector<16xf32>,
      %mul3A_578 = arith.constant 8 : i32
      %mul3A_579 = arith.muli %select_n3A_551, %mul3A_578 : i32
      %add3A_580 = arith.constant 3 : i32
      %add3A_581 = arith.addi %mul3A_579, %add3A_580 : i32
      %mul3A_582 = arith.constant 16 : i32
      %mul3A_583 = arith.muli %add3A_581, %mul3A_582 : i32
      %swap3A_584 = arith.index_cast %select_n3A_537 : i32 to index
      %swap3A_585 = arith.index_cast %mul3A_583 : i32 to index
      %swap3A_586 = tpu.vector_load %arg8[%swap3A_584, %swap3A_585] {strides = array<i32>} : memref<8x4096xf32, #tpu.memory_space<vmem>>, vector<16xf32>,
      tpu.vector_store %arg8[%swap3A_584, %swap3A_585], %broadcast_in_dim3A_3 {strides = array<i32>} : memref<8x4096xf32, #tpu.memory_space<vmem>>, vector<16xf32>,
      %mul3A_587 = arith.constant 8 : i32
      %mul3A_588 = arith.muli %select_n3A_551, %mul3A_587 : i32
      %add3A_589 = arith.constant 4 : i32
      %add3A_590 = arith.addi %mul3A_588, %add3A_589 : i32
      %mul3A_591 = arith.constant 16 : i32
      %mul3A_592 = arith.muli %add3A_590, %mul3A_591 : i32
      %swap3A_593 = arith.index_cast %select_n3A_537 : i32 to index
      %swap3A_594 = arith.index_cast %mul3A_592 : i32 to index
      %swap3A_595 = tpu.vector_load %arg8[%swap3A_593, %swap3A_594] {strides = array<i32>} : memref<8x4096xf32, #tpu.memory_space<vmem>>, vector<16xf32>,
      tpu.vector_store %arg8[%swap3A_593, %swap3A_594], %broadcast_in_dim3A_3 {strides = array<i32>} : memref<8x4096xf32, #tpu.memory_space<vmem>>, vector<16xf32>,
      %mul3A_596 = arith.constant 8 : i32
      %mul3A_597 = arith.muli %select_n3A_551, %mul3A_596 : i32
      %add3A_598 = arith.constant 5 : i32
      %add3A_599 = arith.addi %mul3A_597, %add3A_598 : i32
      %mul3A_600 = arith.constant 16 : i32
      %mul3A_601 = arith.muli %add3A_599, %mul3A_600 : i32
      %swap3A_602 = arith.index_cast %select_n3A_537 : i32 to index
      %swap3A_603 = arith.index_cast %mul3A_601 : i32 to index
      %swap3A_604 = tpu.vector_load %arg8[%swap3A_602, %swap3A_603] {strides = array<i32>} : memref<8x4096xf32, #tpu.memory_space<vmem>>, vector<16xf32>,
      tpu.vector_store %arg8[%swap3A_602, %swap3A_603], %broadcast_in_dim3A_3 {strides = array<i32>} : memref<8x4096xf32, #tpu.memory_space<vmem>>, vector<16xf32>,
      %mul3A_605 = arith.constant 8 : i32
      %mul3A_606 = arith.muli %select_n3A_551, %mul3A_605 : i32
      %add3A_607 = arith.constant 6 : i32
      %add3A_608 = arith.addi %mul3A_606, %add3A_607 : i32
      %mul3A_609 = arith.constant 16 : i32
      %mul3A_610 = arith.muli %add3A_608, %mul3A_609 : i32
      %swap3A_611 = arith.index_cast %select_n3A_537 : i32 to index
      %swap3A_612 = arith.index_cast %mul3A_610 : i32 to index
      %swap3A_613 = tpu.vector_load %arg8[%swap3A_611, %swap3A_612] {strides = array<i32>} : memref<8x4096xf32, #tpu.memory_space<vmem>>, vector<16xf32>,
      tpu.vector_store %arg8[%swap3A_611, %swap3A_612], %broadcast_in_dim3A_3 {strides = array<i32>} : memref<8x4096xf32, #tpu.memory_space<vmem>>, vector<16xf32>,
      %mul3A_614 = arith.constant 8 : i32
      %mul3A_615 = arith.muli %select_n3A_551, %mul3A_614 : i32
      %add3A_616 = arith.constant 7 : i32
      %add3A_617 = arith.addi %mul3A_615, %add3A_616 : i32
      %mul3A_618 = arith.constant 16 : i32
      %mul3A_619 = arith.muli %add3A_617, %mul3A_618 : i32
      %swap3A_620 = arith.index_cast %select_n3A_537 : i32 to index
      %swap3A_621 = arith.index_cast %mul3A_619 : i32 to index
      %swap3A_622 = tpu.vector_load %arg8[%swap3A_620, %swap3A_621] {strides = array<i32>} : memref<8x4096xf32, #tpu.memory_space<vmem>>, vector<16xf32>,
      tpu.vector_store %arg8[%swap3A_620, %swap3A_621], %broadcast_in_dim3A_3 {strides = array<i32>} : memref<8x4096xf32, #tpu.memory_space<vmem>>, vector<16xf32>,
    }
    %scan3A_454 = arith.constant 256 : i32
    %add3A_455 = arith.constant 458752 : i32
    %add3A_456 = arith.addi %mul3A_2, %add3A_455 : i32
    %while3A_457 = arith.constant 0 : i32
    %while3A_458 = arith.constant 0 : i32
    %while3A_459 = arith.subi %min3A_28, %while3A_458 : i32
    %while3A_460 = arith.addi %while3A_458, %while3A_459 : i32
    %while3A_461 = arith.constant 1 : i32
    %while3A_462 = arith.divsi %while3A_459, %while3A_461 : i32
    %while3A_463 = arith.muli %while3A_462, %while3A_461 : i32
    %while3A_464 = arith.addi %while3A_458, %while3A_463 : i32
    %while3A_465 = arith.constant 1 : i32
    scf.for %while3A_513 = %while3A_458 to %while3A_464 step %while3A_465  : i32 {
      %mul3A_514 = arith.constant 16 : i32
      %mul3A_515 = arith.muli %while3A_513, %mul3A_514 : i32
      %get3A_516 = arith.index_cast %mul3A_515 : i32 to index
      %get3A_517 = tpu.vector_load %arg6[%get3A_516] {strides = array<i32>} : memref<8208xi32, #tpu.memory_space<vmem>>, vector<16xi32>,
      %mul3A_518 = arith.constant 16 : i32
      %mul3A_519 = arith.muli %while3A_513, %mul3A_518 : i32
      %add3A_520 = arith.constant 1 : i32
      %add3A_521 = arith.addi %mul3A_519, %add3A_520 : i32
      %get3A_522 = arith.index_cast %add3A_521 : i32 to index
      %get3A_523 = tpu.vector_load %arg6[%get3A_522] {strides = array<i32>} : memref<8208xi32, #tpu.memory_space<vmem>>, vector<16xi32>,
      %mul3A_524 = arith.constant 16 : i32
      %mul3A_525 = arith.muli %while3A_513, %mul3A_524 : i32
      %get3A_526 = arith.index_cast %mul3A_525 : i32 to index
      %get3A_527 = tpu.vector_load %arg7[%get3A_526] {strides = array<i32>} : memref<8208xf32, #tpu.memory_space<vmem>>, vector<16xf32>,
      %sub3A_528 = vector.broadcast %add3A_456 : i32 to vector<16xi32>
      %sub3A_529 = arith.subi %get3A_517, %sub3A_528 : vector<16xi32>
      %lt3A = arith.constant 32768 : i32
      %lt3A_530 = vector.broadcast %lt3A : i32 to vector<16xi32>
      %lt3A_531 = arith.cmpi ult, %sub3A_529, %lt3A_530 : vector<16xi32>
      %ne3A_532 = arith.cmpi ne, %get3A_517, %get3A_523 : vector<16xi32>
      %and3A_533 = arith.andi %lt3A_531, %ne3A_532 : vector<16xi1>
      %shift_right_logical3A = arith.constant 12 : i32
      %shift_right_logical3A_534 = vector.broadcast %shift_right_logical3A : i32 to vector<16xi32>
      %shift_right_logical3A_535 = arith.shrui %sub3A_529, %shift_right_logical3A_534 : vector<16xi32>
      %and3A_536 = arith.constant 4095 : i32
      %and3A_537 = vector.broadcast %and3A_536 : i32 to vector<16xi32>
      %and3A_538 = arith.andi %sub3A_529, %and3A_537 : vector<16xi32>
      tpu.vector_store_idx %arg8[%shift_right_logical3A_535, %and3A_538], %get3A_527 masked %and3A_533 : memref<8x4096xf32, #tpu.memory_space<vmem>>[vector<16xi32>, vector<16xi32>], vector<16xf32>, vector<16xi1>
    }
    %while3A_466 = arith.constant 1 : i32
    scf.for %while3A_513 = %while3A_464 to %while3A_460 step %while3A_466  : i32 {
      %mul3A_514 = arith.constant 16 : i32
      %mul3A_515 = arith.muli %while3A_513, %mul3A_514 : i32
      %get3A_516 = arith.index_cast %mul3A_515 : i32 to index
      %get3A_517 = tpu.vector_load %arg6[%get3A_516] {strides = array<i32>} : memref<8208xi32, #tpu.memory_space<vmem>>, vector<16xi32>,
      %mul3A_518 = arith.constant 16 : i32
      %mul3A_519 = arith.muli %while3A_513, %mul3A_518 : i32
      %add3A_520 = arith.constant 1 : i32
      %add3A_521 = arith.addi %mul3A_519, %add3A_520 : i32
      %get3A_522 = arith.index_cast %add3A_521 : i32 to index
      %get3A_523 = tpu.vector_load %arg6[%get3A_522] {strides = array<i32>} : memref<8208xi32, #tpu.memory_space<vmem>>, vector<16xi32>,
      %mul3A_524 = arith.constant 16 : i32
      %mul3A_525 = arith.muli %while3A_513, %mul3A_524 : i32
      %get3A_526 = arith.index_cast %mul3A_525 : i32 to index
      %get3A_527 = tpu.vector_load %arg7[%get3A_526] {strides = array<i32>} : memref<8208xf32, #tpu.memory_space<vmem>>, vector<16xf32>,
      %sub3A_528 = vector.broadcast %add3A_456 : i32 to vector<16xi32>
      %sub3A_529 = arith.subi %get3A_517, %sub3A_528 : vector<16xi32>
      %lt3A = arith.constant 32768 : i32
      %lt3A_530 = vector.broadcast %lt3A : i32 to vector<16xi32>
      %lt3A_531 = arith.cmpi ult, %sub3A_529, %lt3A_530 : vector<16xi32>
      %ne3A_532 = arith.cmpi ne, %get3A_517, %get3A_523 : vector<16xi32>
      %and3A_533 = arith.andi %lt3A_531, %ne3A_532 : vector<16xi1>
      %shift_right_logical3A = arith.constant 12 : i32
      %shift_right_logical3A_534 = vector.broadcast %shift_right_logical3A : i32 to vector<16xi32>
      %shift_right_logical3A_535 = arith.shrui %sub3A_529, %shift_right_logical3A_534 : vector<16xi32>
      %and3A_536 = arith.constant 4095 : i32
      %and3A_537 = vector.broadcast %and3A_536 : i32 to vector<16xi32>
      %and3A_538 = arith.andi %sub3A_529, %and3A_537 : vector<16xi32>
      tpu.vector_store_idx %arg8[%shift_right_logical3A_535, %and3A_538], %get3A_527 masked %and3A_533 : memref<8x4096xf32, #tpu.memory_space<vmem>>[vector<16xi32>, vector<16xi32>], vector<16xf32>, vector<16xi1>
    }
    %mul3A_467 = arith.constant 128 : i32
    %mul3A_468 = arith.muli %add3A, %mul3A_467 : i32
    %add3A_469 = arith.constant 112 : i32
    %add3A_470 = arith.addi %mul3A_468, %add3A_469 : i32
    %dma_start3A_471 = arith.constant 0 : i32
    %dma_start3A_472 = tpu.memref_slice %arg5[%add3A_470, %dma_start3A_471] : memref<4096x4096xf32, #tpu.memory_space<hbm>> -> memref<8x4096xf32, #tpu.memory_space<hbm>>
    %dma_start3A_473 = arith.constant 0 : i32
    %dma_start3A_474 = tpu.memref_slice %arg5[%add3A_470, %dma_start3A_473] : memref<4096x4096xf32, #tpu.memory_space<hbm>> -> memref<8x4096xf32, #tpu.memory_space<hbm>>
    tpu.enqueue_dma source(%arg8 : memref<8x4096xf32, #tpu.memory_space<vmem>>) target(%dma_start3A_474 : memref<8x4096xf32, #tpu.memory_space<hbm>>) target_semaphore(%arg12 : memref<!tpu.dma_semaphore, #tpu.memory_space<semaphore_mem>>)
    %dma_wait3A_475 = arith.constant 0 : i32
    %dma_wait3A_476 = tpu.memref_slice %arg5[%add3A_440, %dma_wait3A_475] : memref<4096x4096xf32, #tpu.memory_space<hbm>> -> memref<8x4096xf32, #tpu.memory_space<hbm>>
    %dma_wait3A_477 = arith.constant 0 : i32
    %dma_wait3A_478 = tpu.memref_slice %arg5[%add3A_440, %dma_wait3A_477] : memref<4096x4096xf32, #tpu.memory_space<hbm>> -> memref<8x4096xf32, #tpu.memory_space<hbm>>
    tpu.wait_dma2 semaphore(%arg12 : memref<!tpu.dma_semaphore, #tpu.memory_space<semaphore_mem>>) src(%arg9 : memref<8x4096xf32, #tpu.memory_space<vmem>>) dst(%dma_wait3A_478 : memref<8x4096xf32, #tpu.memory_space<hbm>>)
    %scan3A_479 = arith.constant 0 : i32
    %scan3A_480 = arith.constant 0 : i32
    %scan3A_481 = arith.constant 256 : i32
    %scan3A_482 = arith.addi %scan3A_480, %scan3A_481 : i32
    %scan3A_483 = arith.constant 1 : i32
    scf.for %scan3A_513 = %scan3A_480 to %scan3A_482 step %scan3A_483  : i32 {
      %jit3A_514 = arith.constant 32 : i32
      %div3A_515 = arith.divsi %scan3A_513, %jit3A_514 : i32
      %sign3A_516 = arith.constant 0 : i32
      %sign3A_517 = arith.cmpi sgt, %scan3A_513, %sign3A_516 : i32
      %sign3A_518 = arith.extui %sign3A_517 : i1 to i32
      %sign3A_519 = arith.constant 0 : i32
      %sign3A_520 = arith.cmpi slt, %scan3A_513, %sign3A_519 : i32
      %sign3A_521 = arith.extui %sign3A_520 : i1 to i32
      %sign3A_522 = arith.subi %sign3A_518, %sign3A_521 : i32
      %sign3A_523 = arith.constant 0 : i32
      %sign3A_524 = arith.cmpi sgt, %jit3A_514, %sign3A_523 : i32
      %sign3A_525 = arith.extui %sign3A_524 : i1 to i32
      %sign3A_526 = arith.constant 0 : i32
      %sign3A_527 = arith.cmpi slt, %jit3A_514, %sign3A_526 : i32
      %sign3A_528 = arith.extui %sign3A_527 : i1 to i32
      %sign3A_529 = arith.subi %sign3A_525, %sign3A_528 : i32
      %ne3A_530 = arith.cmpi ne, %sign3A_522, %sign3A_529 : i32
      %rem3A_531 = arith.remsi %scan3A_513, %jit3A_514 : i32
      %ne3A_532 = arith.constant 0 : i32
      %ne3A_533 = arith.cmpi ne, %rem3A_531, %ne3A_532 : i32
      %and3A_534 = arith.andi %ne3A_530, %ne3A_533 : i1
      %sub3A_535 = arith.constant 1 : i32
      %sub3A_536 = arith.subi %div3A_515, %sub3A_535 : i32
      %select_n3A_537 = arith.select %and3A_534, %sub3A_536, %div3A_515 : i32
      %jit3A_538 = arith.constant 32 : i32
      %eq3A = arith.constant 0 : i32
      %eq3A_539 = arith.cmpi eq, %jit3A_538, %eq3A : i32
      %jit3A_540 = arith.constant 1 : i32
      %select_n3A_541 = arith.select %eq3A_539, %jit3A_540, %jit3A_538 : i32
      %rem3A_542 = arith.remsi %scan3A_513, %select_n3A_541 : i32
      %ne3A_543 = arith.constant 0 : i32
      %ne3A_544 = arith.cmpi ne, %rem3A_542, %ne3A_543 : i32
      %lt3A = arith.constant 0 : i32
      %lt3A_545 = arith.cmpi slt, %rem3A_542, %lt3A : i32
      %lt3A_546 = arith.constant 0 : i32
      %lt3A_547 = arith.cmpi slt, %select_n3A_541, %lt3A_546 : i32
      %ne3A_548 = arith.xori %lt3A_545, %lt3A_547 : i1
      %and3A_549 = arith.andi %ne3A_548, %ne3A_544 : i1
      %add3A_550 = arith.addi %rem3A_542, %select_n3A_541 : i32
      %select_n3A_551 = arith.select %and3A_549, %add3A_550, %rem3A_542 : i32
      %mul3A_552 = arith.constant 8 : i32
      %mul3A_553 = arith.muli %select_n3A_551, %mul3A_552 : i32
      %add3A_554 = arith.constant 0 : i32
      %add3A_555 = arith.addi %mul3A_553, %add3A_554 : i32
      %mul3A_556 = arith.constant 16 : i32
      %mul3A_557 = arith.muli %add3A_555, %mul3A_556 : i32
      %swap3A = arith.index_cast %select_n3A_537 : i32 to index
      %swap3A_558 = arith.index_cast %mul3A_557 : i32 to index
      %swap3A_559 = tpu.vector_load %arg9[%swap3A, %swap3A_558] {strides = array<i32>} : memref<8x4096xf32, #tpu.memory_space<vmem>>, vector<16xf32>,
      tpu.vector_store %arg9[%swap3A, %swap3A_558], %broadcast_in_dim3A_3 {strides = array<i32>} : memref<8x4096xf32, #tpu.memory_space<vmem>>, vector<16xf32>,
      %mul3A_560 = arith.constant 8 : i32
      %mul3A_561 = arith.muli %select_n3A_551, %mul3A_560 : i32
      %add3A_562 = arith.constant 1 : i32
      %add3A_563 = arith.addi %mul3A_561, %add3A_562 : i32
      %mul3A_564 = arith.constant 16 : i32
      %mul3A_565 = arith.muli %add3A_563, %mul3A_564 : i32
      %swap3A_566 = arith.index_cast %select_n3A_537 : i32 to index
      %swap3A_567 = arith.index_cast %mul3A_565 : i32 to index
      %swap3A_568 = tpu.vector_load %arg9[%swap3A_566, %swap3A_567] {strides = array<i32>} : memref<8x4096xf32, #tpu.memory_space<vmem>>, vector<16xf32>,
      tpu.vector_store %arg9[%swap3A_566, %swap3A_567], %broadcast_in_dim3A_3 {strides = array<i32>} : memref<8x4096xf32, #tpu.memory_space<vmem>>, vector<16xf32>,
      %mul3A_569 = arith.constant 8 : i32
      %mul3A_570 = arith.muli %select_n3A_551, %mul3A_569 : i32
      %add3A_571 = arith.constant 2 : i32
      %add3A_572 = arith.addi %mul3A_570, %add3A_571 : i32
      %mul3A_573 = arith.constant 16 : i32
      %mul3A_574 = arith.muli %add3A_572, %mul3A_573 : i32
      %swap3A_575 = arith.index_cast %select_n3A_537 : i32 to index
      %swap3A_576 = arith.index_cast %mul3A_574 : i32 to index
      %swap3A_577 = tpu.vector_load %arg9[%swap3A_575, %swap3A_576] {strides = array<i32>} : memref<8x4096xf32, #tpu.memory_space<vmem>>, vector<16xf32>,
      tpu.vector_store %arg9[%swap3A_575, %swap3A_576], %broadcast_in_dim3A_3 {strides = array<i32>} : memref<8x4096xf32, #tpu.memory_space<vmem>>, vector<16xf32>,
      %mul3A_578 = arith.constant 8 : i32
      %mul3A_579 = arith.muli %select_n3A_551, %mul3A_578 : i32
      %add3A_580 = arith.constant 3 : i32
      %add3A_581 = arith.addi %mul3A_579, %add3A_580 : i32
      %mul3A_582 = arith.constant 16 : i32
      %mul3A_583 = arith.muli %add3A_581, %mul3A_582 : i32
      %swap3A_584 = arith.index_cast %select_n3A_537 : i32 to index
      %swap3A_585 = arith.index_cast %mul3A_583 : i32 to index
      %swap3A_586 = tpu.vector_load %arg9[%swap3A_584, %swap3A_585] {strides = array<i32>} : memref<8x4096xf32, #tpu.memory_space<vmem>>, vector<16xf32>,
      tpu.vector_store %arg9[%swap3A_584, %swap3A_585], %broadcast_in_dim3A_3 {strides = array<i32>} : memref<8x4096xf32, #tpu.memory_space<vmem>>, vector<16xf32>,
      %mul3A_587 = arith.constant 8 : i32
      %mul3A_588 = arith.muli %select_n3A_551, %mul3A_587 : i32
      %add3A_589 = arith.constant 4 : i32
      %add3A_590 = arith.addi %mul3A_588, %add3A_589 : i32
      %mul3A_591 = arith.constant 16 : i32
      %mul3A_592 = arith.muli %add3A_590, %mul3A_591 : i32
      %swap3A_593 = arith.index_cast %select_n3A_537 : i32 to index
      %swap3A_594 = arith.index_cast %mul3A_592 : i32 to index
      %swap3A_595 = tpu.vector_load %arg9[%swap3A_593, %swap3A_594] {strides = array<i32>} : memref<8x4096xf32, #tpu.memory_space<vmem>>, vector<16xf32>,
      tpu.vector_store %arg9[%swap3A_593, %swap3A_594], %broadcast_in_dim3A_3 {strides = array<i32>} : memref<8x4096xf32, #tpu.memory_space<vmem>>, vector<16xf32>,
      %mul3A_596 = arith.constant 8 : i32
      %mul3A_597 = arith.muli %select_n3A_551, %mul3A_596 : i32
      %add3A_598 = arith.constant 5 : i32
      %add3A_599 = arith.addi %mul3A_597, %add3A_598 : i32
      %mul3A_600 = arith.constant 16 : i32
      %mul3A_601 = arith.muli %add3A_599, %mul3A_600 : i32
      %swap3A_602 = arith.index_cast %select_n3A_537 : i32 to index
      %swap3A_603 = arith.index_cast %mul3A_601 : i32 to index
      %swap3A_604 = tpu.vector_load %arg9[%swap3A_602, %swap3A_603] {strides = array<i32>} : memref<8x4096xf32, #tpu.memory_space<vmem>>, vector<16xf32>,
      tpu.vector_store %arg9[%swap3A_602, %swap3A_603], %broadcast_in_dim3A_3 {strides = array<i32>} : memref<8x4096xf32, #tpu.memory_space<vmem>>, vector<16xf32>,
      %mul3A_605 = arith.constant 8 : i32
      %mul3A_606 = arith.muli %select_n3A_551, %mul3A_605 : i32
      %add3A_607 = arith.constant 6 : i32
      %add3A_608 = arith.addi %mul3A_606, %add3A_607 : i32
      %mul3A_609 = arith.constant 16 : i32
      %mul3A_610 = arith.muli %add3A_608, %mul3A_609 : i32
      %swap3A_611 = arith.index_cast %select_n3A_537 : i32 to index
      %swap3A_612 = arith.index_cast %mul3A_610 : i32 to index
      %swap3A_613 = tpu.vector_load %arg9[%swap3A_611, %swap3A_612] {strides = array<i32>} : memref<8x4096xf32, #tpu.memory_space<vmem>>, vector<16xf32>,
      tpu.vector_store %arg9[%swap3A_611, %swap3A_612], %broadcast_in_dim3A_3 {strides = array<i32>} : memref<8x4096xf32, #tpu.memory_space<vmem>>, vector<16xf32>,
      %mul3A_614 = arith.constant 8 : i32
      %mul3A_615 = arith.muli %select_n3A_551, %mul3A_614 : i32
      %add3A_616 = arith.constant 7 : i32
      %add3A_617 = arith.addi %mul3A_615, %add3A_616 : i32
      %mul3A_618 = arith.constant 16 : i32
      %mul3A_619 = arith.muli %add3A_617, %mul3A_618 : i32
      %swap3A_620 = arith.index_cast %select_n3A_537 : i32 to index
      %swap3A_621 = arith.index_cast %mul3A_619 : i32 to index
      %swap3A_622 = tpu.vector_load %arg9[%swap3A_620, %swap3A_621] {strides = array<i32>} : memref<8x4096xf32, #tpu.memory_space<vmem>>, vector<16xf32>,
      tpu.vector_store %arg9[%swap3A_620, %swap3A_621], %broadcast_in_dim3A_3 {strides = array<i32>} : memref<8x4096xf32, #tpu.memory_space<vmem>>, vector<16xf32>,
    }
    %scan3A_484 = arith.constant 256 : i32
    %add3A_485 = arith.constant 491520 : i32
    %add3A_486 = arith.addi %mul3A_2, %add3A_485 : i32
    %while3A_487 = arith.constant 0 : i32
    %while3A_488 = arith.constant 0 : i32
    %while3A_489 = arith.subi %min3A_28, %while3A_488 : i32
    %while3A_490 = arith.addi %while3A_488, %while3A_489 : i32
    %while3A_491 = arith.constant 1 : i32
    %while3A_492 = arith.divsi %while3A_489, %while3A_491 : i32
    %while3A_493 = arith.muli %while3A_492, %while3A_491 : i32
    %while3A_494 = arith.addi %while3A_488, %while3A_493 : i32
    %while3A_495 = arith.constant 1 : i32
    scf.for %while3A_513 = %while3A_488 to %while3A_494 step %while3A_495  : i32 {
      %mul3A_514 = arith.constant 16 : i32
      %mul3A_515 = arith.muli %while3A_513, %mul3A_514 : i32
      %get3A_516 = arith.index_cast %mul3A_515 : i32 to index
      %get3A_517 = tpu.vector_load %arg6[%get3A_516] {strides = array<i32>} : memref<8208xi32, #tpu.memory_space<vmem>>, vector<16xi32>,
      %mul3A_518 = arith.constant 16 : i32
      %mul3A_519 = arith.muli %while3A_513, %mul3A_518 : i32
      %add3A_520 = arith.constant 1 : i32
      %add3A_521 = arith.addi %mul3A_519, %add3A_520 : i32
      %get3A_522 = arith.index_cast %add3A_521 : i32 to index
      %get3A_523 = tpu.vector_load %arg6[%get3A_522] {strides = array<i32>} : memref<8208xi32, #tpu.memory_space<vmem>>, vector<16xi32>,
      %mul3A_524 = arith.constant 16 : i32
      %mul3A_525 = arith.muli %while3A_513, %mul3A_524 : i32
      %get3A_526 = arith.index_cast %mul3A_525 : i32 to index
      %get3A_527 = tpu.vector_load %arg7[%get3A_526] {strides = array<i32>} : memref<8208xf32, #tpu.memory_space<vmem>>, vector<16xf32>,
      %sub3A_528 = vector.broadcast %add3A_486 : i32 to vector<16xi32>
      %sub3A_529 = arith.subi %get3A_517, %sub3A_528 : vector<16xi32>
      %lt3A = arith.constant 32768 : i32
      %lt3A_530 = vector.broadcast %lt3A : i32 to vector<16xi32>
      %lt3A_531 = arith.cmpi ult, %sub3A_529, %lt3A_530 : vector<16xi32>
      %ne3A_532 = arith.cmpi ne, %get3A_517, %get3A_523 : vector<16xi32>
      %and3A_533 = arith.andi %lt3A_531, %ne3A_532 : vector<16xi1>
      %shift_right_logical3A = arith.constant 12 : i32
      %shift_right_logical3A_534 = vector.broadcast %shift_right_logical3A : i32 to vector<16xi32>
      %shift_right_logical3A_535 = arith.shrui %sub3A_529, %shift_right_logical3A_534 : vector<16xi32>
      %and3A_536 = arith.constant 4095 : i32
      %and3A_537 = vector.broadcast %and3A_536 : i32 to vector<16xi32>
      %and3A_538 = arith.andi %sub3A_529, %and3A_537 : vector<16xi32>
      tpu.vector_store_idx %arg9[%shift_right_logical3A_535, %and3A_538], %get3A_527 masked %and3A_533 : memref<8x4096xf32, #tpu.memory_space<vmem>>[vector<16xi32>, vector<16xi32>], vector<16xf32>, vector<16xi1>
    }
    %while3A_496 = arith.constant 1 : i32
    scf.for %while3A_513 = %while3A_494 to %while3A_490 step %while3A_496  : i32 {
      %mul3A_514 = arith.constant 16 : i32
      %mul3A_515 = arith.muli %while3A_513, %mul3A_514 : i32
      %get3A_516 = arith.index_cast %mul3A_515 : i32 to index
      %get3A_517 = tpu.vector_load %arg6[%get3A_516] {strides = array<i32>} : memref<8208xi32, #tpu.memory_space<vmem>>, vector<16xi32>,
      %mul3A_518 = arith.constant 16 : i32
      %mul3A_519 = arith.muli %while3A_513, %mul3A_518 : i32
      %add3A_520 = arith.constant 1 : i32
      %add3A_521 = arith.addi %mul3A_519, %add3A_520 : i32
      %get3A_522 = arith.index_cast %add3A_521 : i32 to index
      %get3A_523 = tpu.vector_load %arg6[%get3A_522] {strides = array<i32>} : memref<8208xi32, #tpu.memory_space<vmem>>, vector<16xi32>,
      %mul3A_524 = arith.constant 16 : i32
      %mul3A_525 = arith.muli %while3A_513, %mul3A_524 : i32
      %get3A_526 = arith.index_cast %mul3A_525 : i32 to index
      %get3A_527 = tpu.vector_load %arg7[%get3A_526] {strides = array<i32>} : memref<8208xf32, #tpu.memory_space<vmem>>, vector<16xf32>,
      %sub3A_528 = vector.broadcast %add3A_486 : i32 to vector<16xi32>
      %sub3A_529 = arith.subi %get3A_517, %sub3A_528 : vector<16xi32>
      %lt3A = arith.constant 32768 : i32
      %lt3A_530 = vector.broadcast %lt3A : i32 to vector<16xi32>
      %lt3A_531 = arith.cmpi ult, %sub3A_529, %lt3A_530 : vector<16xi32>
      %ne3A_532 = arith.cmpi ne, %get3A_517, %get3A_523 : vector<16xi32>
      %and3A_533 = arith.andi %lt3A_531, %ne3A_532 : vector<16xi1>
      %shift_right_logical3A = arith.constant 12 : i32
      %shift_right_logical3A_534 = vector.broadcast %shift_right_logical3A : i32 to vector<16xi32>
      %shift_right_logical3A_535 = arith.shrui %sub3A_529, %shift_right_logical3A_534 : vector<16xi32>
      %and3A_536 = arith.constant 4095 : i32
      %and3A_537 = vector.broadcast %and3A_536 : i32 to vector<16xi32>
      %and3A_538 = arith.andi %sub3A_529, %and3A_537 : vector<16xi32>
      tpu.vector_store_idx %arg9[%shift_right_logical3A_535, %and3A_538], %get3A_527 masked %and3A_533 : memref<8x4096xf32, #tpu.memory_space<vmem>>[vector<16xi32>, vector<16xi32>], vector<16xf32>, vector<16xi1>
    }
    %mul3A_497 = arith.constant 128 : i32
    %mul3A_498 = arith.muli %add3A, %mul3A_497 : i32
    %add3A_499 = arith.constant 120 : i32
    %add3A_500 = arith.addi %mul3A_498, %add3A_499 : i32
    %dma_start3A_501 = arith.constant 0 : i32
    %dma_start3A_502 = tpu.memref_slice %arg5[%add3A_500, %dma_start3A_501] : memref<4096x4096xf32, #tpu.memory_space<hbm>> -> memref<8x4096xf32, #tpu.memory_space<hbm>>
    %dma_start3A_503 = arith.constant 0 : i32
    %dma_start3A_504 = tpu.memref_slice %arg5[%add3A_500, %dma_start3A_503] : memref<4096x4096xf32, #tpu.memory_space<hbm>> -> memref<8x4096xf32, #tpu.memory_space<hbm>>
    tpu.enqueue_dma source(%arg9 : memref<8x4096xf32, #tpu.memory_space<vmem>>) target(%dma_start3A_504 : memref<8x4096xf32, #tpu.memory_space<hbm>>) target_semaphore(%arg12 : memref<!tpu.dma_semaphore, #tpu.memory_space<semaphore_mem>>)
    %dma_wait3A_505 = arith.constant 0 : i32
    %dma_wait3A_506 = tpu.memref_slice %arg5[%add3A_470, %dma_wait3A_505] : memref<4096x4096xf32, #tpu.memory_space<hbm>> -> memref<8x4096xf32, #tpu.memory_space<hbm>>
    %dma_wait3A_507 = arith.constant 0 : i32
    %dma_wait3A_508 = tpu.memref_slice %arg5[%add3A_470, %dma_wait3A_507] : memref<4096x4096xf32, #tpu.memory_space<hbm>> -> memref<8x4096xf32, #tpu.memory_space<hbm>>
    tpu.wait_dma2 semaphore(%arg12 : memref<!tpu.dma_semaphore, #tpu.memory_space<semaphore_mem>>) src(%arg8 : memref<8x4096xf32, #tpu.memory_space<vmem>>) dst(%dma_wait3A_508 : memref<8x4096xf32, #tpu.memory_space<hbm>>)
    %dma_wait3A_509 = arith.constant 0 : i32
    %dma_wait3A_510 = tpu.memref_slice %arg5[%add3A_500, %dma_wait3A_509] : memref<4096x4096xf32, #tpu.memory_space<hbm>> -> memref<8x4096xf32, #tpu.memory_space<hbm>>
    %dma_wait3A_511 = arith.constant 0 : i32
    %dma_wait3A_512 = tpu.memref_slice %arg5[%add3A_500, %dma_wait3A_511] : memref<4096x4096xf32, #tpu.memory_space<hbm>> -> memref<8x4096xf32, #tpu.memory_space<hbm>>
    tpu.wait_dma2 semaphore(%arg12 : memref<!tpu.dma_semaphore, #tpu.memory_space<semaphore_mem>>) src(%arg9 : memref<8x4096xf32, #tpu.memory_space<vmem>>) dst(%dma_wait3A_512 : memref<8x4096xf32, #tpu.memory_space<hbm>>)
    return
  }
}

</mosaic_0001>

<sc_bundles>
// kernel: _to_dense.3.cloned.1.call-start
scs
__scs_entry_jumppad:
0x0: {  	(pc) =	sbr.rel $0x88, $3  }
0x1: {  	(tag) =	ssettag $0x0;
	lr =	simm.s32 $0x1  }
0x2: {  	[smem:$0x3F9E] =	sst lr;
	_ =	strace $0xD0000000  }
0x3: {  	_ = 	snop  }
0x4: {  	_ = 	snop  }
0x5: {  	_ = 	snop  }
0x6: {  	_ = 	snop  }
0x7: {  	_ = 	snop  }
__scs_overlays_trampoline_lowered:
0x8: {  	[smem:$0x3FAD] =	sst s0  }
0x9: {  	[smem:$0x3FAE] =	sst s1  }
0xa: {  	[smem:$0x3FAF] =	sst s2  }
0xb: {  	[smem:$0x3FB0] =	sst s3  }
0xc: {  	[smem:$0x3FB1] =	sst s4  }
0xd: {  	[smem:$0x3FB2] =	sst s5  }
0xe: {  	[smem:$0x3FB3] =	sst s6  }
0xf: {  	[smem:$0x3FB4] =	sst s7  }
0x10: {  	[smem:$0x3FB5] =	sst s8  }
0x11: {  	[smem:$0x3FB6] =	sst s9;
	s0 =	simm.s32 @!p0 $0x0  }
0x12: {  	s1 =	sld [smem:$0x3F9C];
	s0 =	simm.s32 @p0 $0x1  }
0x13: {  	[smem:$0x3FB7] =	sst s0;
	s0 =	simm.s32 @!p1 $0x0  }
0x14: {  	s2 =	sld [smem:$0x3F9B];
	s0 =	simm.s32 @p1 $0x1  }
0x15: {  	[smem:$0x3FB8] =	sst s0;
	s0 =	simm.s32 @!p2 $0x0  }
0x16: {  	s3 =	sld [smem:$0x3FDB];
	s0 =	simm.s32 @p2 $0x1  }
0x17: {  	s4 =	simm.s32 $0x1BF5;
	[smem:$0x3FBA] =	sst s0  }
0x18: {  	s0 =	sld [smem:$0x3F9D];
	_ =	swait.ge [sflag:s4], $0x0  }
0x19: {  	s7 =	sld [smem:$0x3F9E]  }
0x1a: {  	s8 =	sadd.s32 $0xFFFFE003, lr  }
0x1b: {  	s9 =	sadd.s32 $0xFFFFFEF7, lr;
	s5 =	simm.s32 $0xFFFFFFFF;
	p2 =	slt.u32 s8, $0xFFFFF086  }
0x1c: {  	p1 =	slt.u32 s9, $0xF7A;
	s5 =	simm.s32 @!p2 $0x0  }
0x1d: {  	s5 =	simm.s32 @p1 $0x1;
	p0 =	seq.s32 s7, s2  }
0x1e: {  	s7 =	smul.u32 @!p0 $0xF7A, s2;
	p2 =	seq.s32 @!p0 s5, $0x0  }
0x1f: {  	s9 =	smul.u32 $0xF7A, s1;
	s8 =	simm.s32 @!p0 $0x1BF5;
	p2 =	por !p2, p0  }
0x20: {  	[sflag:s8] =	ssyncset.s32 @!p0 $0xFFFFF086;
	s6 =	sadd.s32 @!p0 s3, s7;
	s7 =	simm.s32 @!p0 $0x108  }
0x21: {  	s3 =	sadd.s32 s3, s9;
	s6 =	sadd.s32 @!p0 $0x88, s6;
	s7 =	simm.s32 @p2 $0x1082  }
0x22: {  	[simem:s7], [sflag:s8] =	dma.local @!p0 [hbm:s6], $0xF7A  }
0x23: {  	s9 =	sor.u32 $0xD0000000, s2;
	s6 =	simm.s32 $0x108;
	_ =	swait.ge @!p0 [sflag:s8], $0x0  }
0x24: {  	s3 =	sadd.s32 $0x88, s3;
	s6 =	simm.s32 @!p1 $0x1082;
	[sflag:s4] =	ssyncset.s32 $0xFFFFF086  }
0x25: {  	[simem:s6], [sflag:s4] =	dma.local [hbm:s3], $0xF7A  }
0x26: {  	[smem:$0x3F9E] =	sst s1;
	(tag) =	ssettag s2;
	_ =	strace s9  }
0x27: {  	s1 =	sld [smem:$0x3FAE]  }
0x28: {  	s2 =	sld [smem:$0x3FAF]  }
0x29: {  	s4 =	sld [smem:$0x3FB1]  }
0x2a: {  	p0 =	seq.s32 s5, $0x0;
	s5 =	sld [smem:$0x3FB2]  }
0x2b: {  	s6 =	sld [smem:$0x3FB3]  }
0x2c: {  	s7 =	sld [smem:$0x3FB4]  }
0x2d: {  	s3 =	simm.s32 $0x108;
	s8 =	sld [smem:$0x3FB5]  }
0x2e: {  	s3 =	simm.s32 @!p0 $0x1082;
	s9 =	sld [smem:$0x3FB6]  }
0x2f: {  	lr =	sadd.s32 s0, s3;
	s0 =	sld [smem:$0x3FAD]  }
0x30: {  	s3 =	sld [smem:$0x3FB0]  }
0x31: {  	[smem:$0x3FB9] =	sst s10  }
0x32: {  	s10 =	sld [smem:$0x3FB7];
	_ =	sdelay $0x3  }
0x33: {  	p0 =	seq.s32 s10, $0x1;
	s10 =	sld [smem:$0x3FB9];
	_ =	sdelay $0x3  }
0x34: {  	[smem:$0x3FB9] =	sst s10  }
0x35: {  	s10 =	sld [smem:$0x3FB8];
	_ =	sdelay $0x3  }
0x36: {  	p1 =	seq.s32 s10, $0x1;
	s10 =	sld [smem:$0x3FB9];
	_ =	sdelay $0x3  }
0x37: {  	[smem:$0x3FB9] =	sst s10  }
0x38: {  	s10 =	sld [smem:$0x3FBA]  }
0x39: {  	_ = 	snop;
	(pc) =	sbr.ind lr, $3  }
0x3a: {  	_ = 	snop  }
0x3b: {  	_ = 	snop  }
0x3c: {  	p2 =	seq.s32 s10, $0x1;
	s10 =	sld [smem:$0x3FB9]  }
0x3d: {  	_ =	shalt  }
0x3e: {  	_ =	shalt  }
0x3f: {  	_ =	shalt  }
0x40: {  	_ =	shalt  }
0x41: {  	_ =	shalt  }
0x42: {  	_ =	shalt  }
0x43: {  	_ =	shalt  }
0x44: {  	_ =	shalt  }
0x45: {  	_ =	shalt  }
0x46: {  	_ =	shalt  }
0x47: {  	_ =	shalt  }
0x48: {  	_ =	shalt  }
0x49: {  	_ =	shalt  }
0x4a: {  	_ =	shalt  }
0x4b: {  	_ =	shalt  }
0x4c: {  	_ =	shalt  }
0x4d: {  	_ =	shalt  }
0x4e: {  	_ =	shalt  }
0x4f: {  	_ =	shalt  }
0x50: {  	_ =	shalt  }
0x51: {  	_ =	shalt  }
0x52: {  	_ =	shalt  }
0x53: {  	_ =	shalt  }
0x54: {  	_ =	shalt  }
0x55: {  	_ =	shalt  }
0x56: {  	_ =	shalt  }
0x57: {  	_ =	shalt  }
0x58: {  	_ =	shalt  }
0x59: {  	_ =	shalt  }
0x5a: {  	_ =	shalt  }
0x5b: {  	_ =	shalt  }
0x5c: {  	_ =	shalt  }
0x5d: {  	_ =	shalt  }
0x5e: {  	_ =	shalt  }
0x5f: {  	_ =	shalt  }
0x60: {  	_ =	shalt  }
0x61: {  	_ =	shalt  }
0x62: {  	_ =	shalt  }
0x63: {  	_ =	shalt  }
0x64: {  	_ =	shalt  }
0x65: {  	_ =	shalt  }
0x66: {  	_ =	shalt  }
0x67: {  	_ =	shalt  }
0x68: {  	_ =	shalt  }
0x69: {  	_ =	shalt  }
0x6a: {  	_ =	shalt  }
0x6b: {  	_ =	shalt  }
0x6c: {  	_ =	shalt  }
0x6d: {  	_ =	shalt  }
0x6e: {  	_ =	shalt  }
0x6f: {  	_ =	shalt  }
0x70: {  	_ =	shalt  }
0x71: {  	_ =	shalt  }
0x72: {  	_ =	shalt  }
0x73: {  	_ =	shalt  }
0x74: {  	_ =	shalt  }
0x75: {  	_ =	shalt  }
0x76: {  	_ =	shalt  }
0x77: {  	_ =	shalt  }
0x78: {  	_ =	shalt  }
0x79: {  	_ =	shalt  }
0x7a: {  	_ =	shalt  }
0x7b: {  	_ =	shalt  }
0x7c: {  	_ =	shalt  }
0x7d: {  	_ =	shalt  }
0x7e: {  	_ =	shalt  }
0x7f: {  	_ =	shalt  }
0x80: {  	_ =	shalt  }
0x81: {  	_ =	shalt  }
0x82: {  	_ =	shalt  }
0x83: {  	_ =	shalt  }
0x84: {  	_ =	shalt  }
0x85: {  	_ =	shalt  }
0x86: {  	_ =	shalt  }
0x87: {  	_ =	shalt  }
.Lfunc_end0:
.L_simem_size_0:
called_computation_lowered:
.L_overlay_start_0:
0x88: {  	s2 =	sld [smem:$0x3FD9]  }
0x89: {  	s3 =	sld [smem:$0x3FFE];
	_ =	sdelay $0x1  }
0x8a: {  	s1 =	srdreg.scid  }
0x8b: {  	s0 =	sand.u32 $0x1, s1  }
0x8c: {  	s18 =	sshll.u32 s0, $0xA;
	s2 =	sadd.s32 s3, s2  }
0x8d: {  	s2 =	sadd.s32 s2, s18  }
0x8e: {  	[smem:$0x3FC5] =	sst s2  }
0x8f: {  	_ = 	snop  }
0x90: {  	s2 =	sld [smem:$0x3FC9]  }
0x91: {  	s19 =	sld [smem:$0x3FC8]  }
0x92: {  	s4 =	sld [smem:$0x3FC7]  }
0x93: {  	s5 =	sld [smem:$0x3FD0];
	(tm) =	ssettm $0x1  }
0x94: {  	s6 =	sld [smem:$0x3FFB];
	_ =	sdelay $0x3  }
0x95: {  	_ =	strace s6  }
0x96: {  	s6 =	sld [smem:$0x3FFC];
	_ =	sdelay $0x3  }
0x97: {  	_ =	strace s6  }
0x98: {  	s6 =	sld [smem:$0x3FFD];
	_ =	sdelay $0x3  }
0x99: {  	_ =	strace s6  }
0x9a: {  	_ =	strace $0x8FFFFFFF  }
0x9b: {  	s20 =	sld [smem:$0x3FDB];
	_ =	sdelay $0x1  }
0x9c: {  	s7 =	simm.s32 $_scs_section_size  }
0x9d: {  	s8 =	simm.s32 $_size__tile_overlayer_lowered;
	s9 =	simm.s32 $_tile_overlayer_lowered  }
0x9e: {  	s23 =	simm.s32 $0x1BFF;
	s22 =	sshll.u32 s9, $0x1;
	s6 =	sadd.s32 s7, s20  }
0x9f: {  	s10 =	simm.s32 $0x0;
	s21 =	sshll.u32 s8, $0x1;
	s8 =	sadd.s32 s22, s6  }
0xa0: {  	[timem:s10], [sflag:s23] =	dma.local [hbm:s8], s21  }
0xa1: {  	_ =	swait.ge [sflag:s23], s21  }
0xa2: {  	s7 =	ssub.s32 $0x0, s21;
	[sflag:s23] =	ssyncset.done $0x0  }
0xa3: {  	[sflag:s23] =	ssyncadd.s32 s7;
	_ =	sdelay $0x1  }
0xa4: {  	s24 =	simm.s32 $0x1B8B  }
0xa5: {  	_ =	swait.ge [sflag:s24], $0x1  }
0xa6: {  	[sflag:s24] =	ssyncset.done $0x0  }
0xa7: {  	s25 =	simm.s32 $0x1B8E;
	[sflag:s24] =	ssyncadd.s32 $0xFFFFFFFF  }
0xa8: {  	s26 =	simm.s32 $execute0_lowered;
	[smem:$0x3FD2] =	sst s25  }
0xa9: {  	s7 =	sshll.u32 s26, $0x1;
	_ =	strace $0x80000046;
	[dreg:$0x1] =	wrdreg $0xFFFFFFFF  }
0xaa: {  	s28 =	simm.s32 $_size_execute0_lowered;
	s6 =	sadd.s32 s6, s7;
	[dreg:$0x0] =	wrdreg $0x0  }
0xab: {  	s7 =	sshll.u32 s28, $0x1;
	[dreg:$0x2] =	wrdreg s6  }
0xac: {  	[dreg:$0x3] =	wrdreg s7  }
0xad: {  	[dreg:$0x4] =	wrdreg $0xC0  }
0xae: {  	_ =	task [dreg:s10], $0x5FFFF  }
0xaf: {  	[dreg:$0x1] =	wrdreg $0xFFFFFFFF  }
0xb0: {  	[dreg:$0x0] =	wrdreg $0x60  }
0xb1: {  	[dreg:$0x2] =	wrdreg s2  }
0xb2: {  	[dreg:$0x3] =	wrdreg s19  }
0xb3: {  	[dreg:$0x4] =	wrdreg s4  }
0xb4: {  	[dreg:$0x5] =	wrdreg s5  }
0xb5: {  	[dreg:$0x6] =	wrdreg $0x9  }
0xb6: {  	_ =	task.clear_ibuf [dreg:s10], $0x7FFFF;
	_ =	strace $0x90000046  }
0xb7: {  	s29 =	simm.s32 $0x9;
	_ =	strace $0x80000048  }
0xb8: {  	_ =	swait.ge [sflag:s29], $0x1  }
0xb9: {  	[sflag:s29] =	ssyncadd.s32 $0xFFFFFFFF  }
0xba: {  	_ =	strace $0x90000048  }
0xbb: {  	_ =	sfence  }
0xbc: {  	s30 =	sld [smem:$0x0];
	_ =	sdelay $0x2  }
0xbd: {  	s31 =	sshll.u32 s1, $0xD;
	s1 =	sshrl.u32 s1, $0x2  }
0xbe: {  	s3 =	sand.u32 $0x4000, s31;
	s1 =	sadd.s32 s1, s30  }
0xbf: {  	s0 =	sor.u32 s3, s0;
	s1 =	sshll.u32 s1, $0x11  }
0xc0: {  	s0 =	sor.u32 s1, s0  }
0xc1: {  	s0 =	sadd.s32 $0x8F2B, s0  }
0xc2: {  	[sflag:s0] =	ssyncadd.remote.s32 $0x1  }
0xc3: {  	_ =	sfence.sel $0xFFFF  }
0xc4: {  	[dreg:$0x0] =	wrdreg $0xFFFFFFFF;
	(pc) =	sbr.abs _section_cstart, $3  }
0xc5: {  	[dreg:$0x1] =	wrdreg $0xFFFFFFFF  }
0xc6: {  	_ =	task.clear_ibuf [dreg:s10], $0x2FFFF;
	_ =	strace $0x9FFFFFFF  }
0xc7: {  	(tm) =	ssettm $0x7FFFFFFF  }
tec
execute0_lowered:
.L_overlay_start_1:
0x0: {  	(tag) =	ssettag $0x1  }
0x1: {  	s0 =	rddreg [dreg:$0x3]  }
0x2: {  	s1 =	srdreg.scid;
	s2 =	stileid.u32;
	s5 =	simm.s32 $0x0  }
0x3: {  	s28 =	simm.s32 $0x4100;
	s1 =	sand.u32 $0x1, s1;
	s2 =	sshll.u32 s2, $0x1  }
0x4: {  	s31 =	simm.s32 $0x0;
	[smem:$0x7FF] =	sst s5;
	s6 =	sor.u32 s1, s2  }
0x5: {  	_ =	strace $0x80000047;
	s1 =	ssub.s32 $0x2, s1;
	s2 =	sshll.u32 s6, $0x10  }
0x6: {  	s3 =	sshrl.u32 s1, $0x1;
	s4 =	sshll.u32 s6, $0x13;
	s7 =	sadd.s32 s0, s2  }
0x7: {  	s14 =	ssub.s32 s1, s3;
	s15 =	sor.u32 $0x8000, s4;
	s17 =	sor.u32 $0x10000, s4  }
0x8: {  	s18 =	sor.u32 $0x18000, s4;
	s16 =	sor.u32 $0x20000, s4;
	s19 =	sor.u32 $0x28000, s4  }
0x9: {  	s20 =	sor.u32 $0x30000, s4;
	s21 =	sor.u32 $0x38000, s4;
	s22 =	sor.u32 $0x40000, s4  }
0xa: {  	s23 =	sor.u32 $0x48000, s4;
	s24 =	sor.u32 $0x50000, s4;
	s25 =	sor.u32 $0x58000, s4  }
0xb: {  	s26 =	sor.u32 $0x60000, s4;
	s0 =	sor.u32 $0x68000, s4;
	s29 =	sor.u32 $0x70000, s4  }
0xc: {  	s30 =	sor.u32 $0x78000, s4;
	s8 =	sadd.s32 $0x1000, s7;
	s9 =	sadd.s32 $0x2000, s7  }
0xd: {  	v16 =	vimm.f32 $0.0e+00;
	v0 =	vmov s4;
	s10 =	sadd.s32 $0x3000, s7;
	s11 =	sadd.s32 $0x4000, s7;
	s12 =	smax.u32 s14, $0x1  }
.Ltmp0:
0xe: {  	v1 =	vmov s15;
	s13 =	sadd.s32 $0x5000, s7;
	s14 =	sadd.s32 $0x6000, s7;
	v2 =	vmov s17;
	v3 =	vmov s18;
	(pc) =	sbr.rel .LBB2_1-.Ltmp0, $4  }
0xf: {  	s15 =	sadd.s32 $0x7000, s7;
	v4 =	vmov s16;
	s16 =	sadd.s32 $0x8000, s7;
	s17 =	sadd.s32 $0x9000, s7;
	v5 =	vmov s19;
	v6 =	vmov s20  }
0x10: {  	s18 =	sadd.s32 $0xA000, s7;
	v7 =	vmov s21;
	s19 =	sadd.s32 $0xB000, s7;
	s20 =	sadd.s32 $0xC000, s7;
	v8 =	vmov s22;
	v9 =	vmov s23  }
0x11: {  	s21 =	sadd.s32 $0xD000, s7;
	v10 =	vmov s24;
	s22 =	sadd.s32 $0xE000, s7;
	s23 =	sadd.s32 $0xF000, s7;
	v11 =	vmov s25;
	v12 =	vmov s26  }
0x12: {  	v13 =	vmov s0;
	s25 =	simm.s32 $0x1;
	v14 =	vmov s29;
	v15 =	vmov s30;
	s29 =	simm.s32 $0xC100;
	s30 =	simm.s32 $0x2  }
.LBB2_96:
0x13: {  	_ =	sdelay $0x4  }
0x14: {  	[tilespmem:v18+s29+$0x0] =	vst.idx.msk vm0, v17  }
.LBB2_97:
0x15: {  	[hbm4b:s23+s5] =	stream.linear.scatter [tilespmem:s29], [sflag:$0x2], $0x8000, $0x38;
	[tilespmem:$0x14180] =	vst v63  }
0x16: {  	s31 =	sadd.s32 $0x1, s31  }
0x17: {  	_ =	swait.ge [sflag:s30], $0x8000;
	p0 =	sne.s32 s31, s12  }
.Ltmp1:
0x18: {  	[sflag:s30] =	ssyncset.done $0x0;
	(pc) =	sbr.rel @!p0 .LBB2_98-.Ltmp1, $4  }
0x19: {  	[sflag:s30] =	ssyncadd.s32 $0xFFFF8000  }
0x1a: {  	_ =	swait.ge [sflag:s30], $0x8000  }
0x1b: {  	[sflag:s30] =	ssyncset.done $0x0  }
0x1c: {  	[sflag:s30] =	ssyncadd.s32 $0xFFFF8000  }
.LBB2_1:
0x1d: {  	s0 =	rddreg [dreg:$0x2];
	s1 =	simm.s32 $0x14100  }
0x1e: {  	[tilespmem:s1], [sflag:$0x1] =	stream.linear.gather [hbm4b:s0+s5], $0x80, $0x38;
	[tilespmem:$0x14180] =	vst v63  }
0x1f: {  	_ =	swait.ge [sflag:s25], $0x80  }
0x20: {  	[sflag:s25] =	ssyncset.done $0x0  }
0x21: {  	[sflag:s25] =	ssyncadd.s32 $0xFFFFFF80  }
0x22: {  	v17 =	vld [tilespmem:s6+$0x14100];
	_ =	sdelay $0x4  }
0x23: {  	(v2sf) =	vpush v17, $0x0;
	_ =	sdelay $0xe  }
0x24: {  	s0 =	spop (v2sf)  }
0x25: {  	s2 =	rddreg [dreg:$0x0];
	s24 =	sshrl.u32 s0, $0x3  }
0x26: {  	s26 =	rddreg [dreg:$0x1];
	s2 =	sadd.s32 s2, s24  }
0x27: {  	[tilespmem:s5], [sflag:$0x1] =	stream.linear.gather [hbm4b:s2+s5], $0x2010, $0x38;
	[tilespmem:$0x14180] =	vst v63  }
0x28: {  	s3 =	simm.s32 $0x2080;
	s1 =	sadd.s32 s26, s24  }
0x29: {  	[tilespmem:s3], [sflag:$0x1] =	stream.linear.gather [hbm4b:s1+s5], $0x2010, $0x38;
	[tilespmem:$0x14180] =	vst v63  }
0x2a: {  	_ =	swait.ge [sflag:s25], $0x2010  }
0x2b: {  	[sflag:s25] =	ssyncset.done $0x0  }
0x2c: {  	[sflag:s25] =	ssyncadd.s32 $0xFFFFDFF0  }
0x2d: {  	s4 =	sand.u32 $0x1F000, s5;
	_ =	swait.ge [sflag:s25], $0x2010  }
0x2e: {  	s24 =	sand.u32 $0x380, s5;
	s1 =	sshrl.u32 s4, $0x2;
	[sflag:s25] =	ssyncset.done $0x0  }
0x2f: {  	s1 =	sor.u32 s24, s1;
	[sflag:s25] =	ssyncadd.s32 $0xFFFFDFF0  }
0x30: {  	[tilespmem:s1+$0x4170] =	vst v16  }
0x31: {  	[tilespmem:s1+$0x4100] =	vst v16  }
0x32: {  	[tilespmem:s1+$0x4110] =	vst v16  }
0x33: {  	[tilespmem:s1+$0x4120] =	vst v16  }
0x34: {  	s26 =	simm.s32 $0x1000;
	[tilespmem:s1+$0x4130] =	vst v16  }
0x35: {  	s2 =	simm.s32 $0x2000;
	s4 =	sand.u32 $0x1F000, s26;
	s3 =	simm.s32 $0x4;
	[tilespmem:s1+$0x4140] =	vst v16  }
.LBB2_2:
0x36: {  	p0 =	seq.s32 s2, $0xFF000;
	s24 =	sand.u32 $0x380, s3;
	s4 =	sshrl.u32 s4, $0x2;
	[tilespmem:s1+$0x4150] =	vst v16  }
0x37: {  	[tilespmem:s1+$0x4160] =	vst v16;
	s1 =	sor.u32 s24, s4  }
0x38: {  	[tilespmem:s1+$0x4170] =	vst v16  }
.Ltmp2:
0x39: {  	[tilespmem:s1+$0x4100] =	vst v16;
	(pc) =	sbr.rel @!p0 .LBB2_2-.Ltmp2, $4  }
0x3a: {  	[tilespmem:s1+$0x4110] =	vst v16  }
0x3b: {  	[tilespmem:s1+$0x4120] =	vst v16  }
0x3c: {  	[tilespmem:s1+$0x4130] =	vst v16  }
0x3d: {  	s3 =	sadd.s32 $0x4, s3;
	s4 =	sand.u32 $0x1F000, s2;
	s2 =	sadd.s32 $0x1000, s2;
	[tilespmem:s1+$0x4140] =	vst v16  }
0x3e: {  	(v2sf) =	vpush v17, $0x1;
	_ =	sdelay $0xe  }
0x3f: {  	s26 =	sshrl.u32 s4, $0x2;
	s0 =	sand.u32 $0xFFFFFFF8, s0;
	s4 =	spop (v2sf)  }
0x40: {  	s0 =	ssub.s32 s4, s0  }
0x41: {  	s2 =	sand.u32 $0x380, s3;
	s0 =	sadd.s32 $0xF, s0  }
0x42: {  	s2 =	sor.u32 s2, s26;
	s24 =	sand.u32 $0xF, s0  }
0x43: {  	[tilespmem:s1+$0x4150] =	vst v16;
	s26 =	sshra.s32 s0, $0x1F;
	p1 =	slt.s32 s0, $0x1;
	p0 =	sne.s32 s24, $0x0  }
0x44: {  	[tilespmem:s1+$0x4160] =	vst v16;
	s1 =	sshrl.u32 s26, $0x1C;
	p0 =	por !p1, !p0  }
0x45: {  	s0 =	sadd.s32 s1, s0;
	s1 =	simm.s32 $0x1;
	p0 =	por !p0, !p0  }
0x46: {  	[tilespmem:s2+$0x4170] =	vst v16;
	s0 =	sshra.s32 s0, $0x4;
	s1 =	simm.s32 @!p0 $0x0  }
0x47: {  	[tilespmem:s2+$0x4100] =	vst v16;
	s0 =	ssub.s32 s0, s1  }
0x48: {  	[tilespmem:s2+$0x4110] =	vst v16;
	p1 =	sgt.s32 s0, $0x0  }
.Ltmp3:
0x49: {  	[tilespmem:s2+$0x4120] =	vst v16;
	(pc) =	sbr.rel @!p1 .LBB2_7-.Ltmp3, $4  }
0x4a: {  	[tilespmem:s2+$0x4130] =	vst v16  }
0x4b: {  	[tilespmem:s2+$0x4140] =	vst v16  }
0x4c: {  	[tilespmem:s2+$0x4150] =	vst v16;
	p0 =	slt.s32 s0, $0x200;
	s3 =	smov.u32 s0  }
0x4d: {  	[tilespmem:s2+$0x4160] =	vst v16;
	s3 =	simm.s32 @!p0 $0x200  }
0x4e: {  	s1 =	simm.s32 $0x1  }
0x4f: {  	v17 =	vld [tilespmem:s1+$0xFFFFFFFF]  }
0x50: {  	v18 =	vld [tilespmem:s1+$0x0];
	_ =	sdelay $0x2  }
0x51: {  	p0 =	sne.s32 s3, $0x1  }
.Ltmp4:
0x52: {  	v19 =	vsub.s32 v17, v0;
	v20 =	vshll.u32 v17, $0x3;
	v21 =	vshrl.u32 v17, $0x5;
	(pc) =	sbr.rel @!p0 .LBB2_6-.Ltmp4, $4  }
0x53: {  	v22 =	vand.u32 $0x7F, v17;
	vm1 =	vne.s32 v17, v18;
	v20 =	vand.u32 $0x7C00, v20  }
0x54: {  	vm0 =	vlt.u32 v19, $0x8000;
	v19 =	vand.u32 $0xFFFF8000, v19;
	v20 =	vor.u32 v22, v20  }
0x55: {  	s2 =	simm.s32 $0x2080;
	v18 =	vand.u32 $0x380, v21;
	vm0 =	vmand vm0, vm1;
	v19 =	vor.u32 v19, v20  }
0x56: {  	s4 =	sadd.s32 $0xFFFFFFFF, s3;
	v17 =	vld [tilespmem:s2+$0x0];
	v18 =	vor.u32 v18, v19  }
.LBB2_5:
0x57: {  	_ =	sdelay $0x3  }
0x58: {  	p0 =	sne.s32 s4, $0x1;
	s1 =	sadd.s32 $0x10, s1;
	s2 =	sadd.s32 $0x10, s2;
	[tilespmem:v18+s28+$0x0] =	vst.idx.msk vm0, v17  }
0x59: {  	s4 =	sadd.s32 $0xFFFFFFFF, s4;
	v17 =	vld [tilespmem:s1+$0xFFFFFFFF];
	_ =	sdelay $0x1  }
0x5a: {  	v18 =	vld [tilespmem:s1+$0x0];
	_ =	sdelay $0x2  }
.Ltmp5:
0x5b: {  	v19 =	vsub.s32 v17, v0;
	v20 =	vshll.u32 v17, $0x3;
	v21 =	vshrl.u32 v17, $0x5;
	(pc) =	sbr.rel @p0 .LBB2_5-.Ltmp5, $4  }
0x5c: {  	v22 =	vand.u32 $0x7F, v17;
	vm0 =	vlt.u32 v19, $0x8000;
	v20 =	vand.u32 $0x7C00, v20  }
0x5d: {  	vm1 =	vne.s32 v17, v18;
	v17 =	vand.u32 $0xFFFF8000, v19;
	v18 =	vor.u32 v22, v20  }
0x5e: {  	v19 =	vand.u32 $0x380, v21;
	vm0 =	vmand vm0, vm1;
	v18 =	vor.u32 v17, v18  }
0x5f: {  	v17 =	vld [tilespmem:s2+$0x0];
	v18 =	vor.u32 v19, v18  }
.LBB2_6:
0x60: {  	_ =	sdelay $0x4  }
0x61: {  	[tilespmem:v18+s28+$0x0] =	vst.idx.msk vm0, v17  }
.LBB2_7:
0x62: {  	s1 =	simm.s32 $0x0  }
0x63: {  	[hbm4b:s7+s1] =	stream.linear.scatter [tilespmem:s28], [sflag:$0x2], $0x8000, $0x38;
	[tilespmem:$0x14180] =	vst v63  }
0x64: {  	s2 =	sand.u32 $0x1F000, s1  }
0x65: {  	s1 =	sand.u32 $0x380, s1;
	s2 =	sshrl.u32 s2, $0x2  }
0x66: {  	s1 =	sor.u32 s1, s2  }
0x67: {  	[tilespmem:s1+$0xC170] =	vst v16  }
0x68: {  	[tilespmem:s1+$0xC100] =	vst v16  }
0x69: {  	[tilespmem:s1+$0xC110] =	vst v16  }
0x6a: {  	[tilespmem:s1+$0xC120] =	vst v16  }
0x6b: {  	s26 =	simm.s32 $0x1000;
	[tilespmem:s1+$0xC130] =	vst v16  }
0x6c: {  	s4 =	simm.s32 $0x4;
	s24 =	sand.u32 $0x1F000, s26;
	s2 =	simm.s32 $0x2000;
	[tilespmem:s1+$0xC140] =	vst v16  }
.LBB2_8:
0x6d: {  	p0 =	sne.s32 s2, $0xFF000;
	s26 =	sand.u32 $0x380, s4;
	s24 =	sshrl.u32 s24, $0x2;
	[tilespmem:s1+$0xC150] =	vst v16  }
0x6e: {  	[tilespmem:s1+$0xC160] =	vst v16;
	s1 =	sor.u32 s26, s24  }
0x6f: {  	[tilespmem:s1+$0xC170] =	vst v16  }
.Ltmp6:
0x70: {  	[tilespmem:s1+$0xC100] =	vst v16;
	(pc) =	sbr.rel @p0 .LBB2_8-.Ltmp6, $4  }
0x71: {  	[tilespmem:s1+$0xC110] =	vst v16  }
0x72: {  	[tilespmem:s1+$0xC120] =	vst v16  }
0x73: {  	[tilespmem:s1+$0xC130] =	vst v16  }
0x74: {  	s4 =	sadd.s32 $0x4, s4;
	s24 =	sand.u32 $0x1F000, s2;
	s2 =	sadd.s32 $0x1000, s2;
	[tilespmem:s1+$0xC140] =	vst v16  }
0x75: {  	s2 =	sand.u32 $0x380, s4;
	s26 =	sshrl.u32 s24, $0x2;
	[tilespmem:s1+$0xC150] =	vst v16  }
0x76: {  	[tilespmem:s1+$0xC160] =	vst v16;
	s2 =	sor.u32 s2, s26  }
0x77: {  	[tilespmem:s2+$0xC170] =	vst v16  }
0x78: {  	[tilespmem:s2+$0xC100] =	vst v16  }
0x79: {  	p0 =	slt.s32 s0, $0x1;
	[tilespmem:s2+$0xC110] =	vst v16  }
.Ltmp7:
0x7a: {  	[tilespmem:s2+$0xC120] =	vst v16;
	(pc) =	sbr.rel @p0 .LBB2_13-.Ltmp7, $4  }
0x7b: {  	[tilespmem:s2+$0xC130] =	vst v16  }
0x7c: {  	[tilespmem:s2+$0xC140] =	vst v16  }
0x7d: {  	[tilespmem:s2+$0xC150] =	vst v16  }
0x7e: {  	[tilespmem:s2+$0xC160] =	vst v16  }
0x7f: {  	s0 =	simm.s32 $0x1  }
0x80: {  	v17 =	vld [tilespmem:s0+$0xFFFFFFFF]  }
0x81: {  	v18 =	vld [tilespmem:s0+$0x0];
	_ =	sdelay $0x2  }
0x82: {  	p1 =	sne.s32 s3, $0x1  }
.Ltmp8:
0x83: {  	v19 =	vsub.s32 v17, v1;
	v20 =	vshll.u32 v17, $0x3;
	v21 =	vshrl.u32 v17, $0x5;
	(pc) =	sbr.rel @!p1 .LBB2_12-.Ltmp8, $4  }
0x84: {  	v22 =	vand.u32 $0x7F, v17;
	vm1 =	vne.s32 v17, v18;
	v20 =	vand.u32 $0x7C00, v20  }
0x85: {  	vm0 =	vlt.u32 v19, $0x8000;
	v19 =	vand.u32 $0xFFFF8000, v19;
	v20 =	vor.u32 v22, v20  }
0x86: {  	s1 =	simm.s32 $0x2080;
	v18 =	vand.u32 $0x380, v21;
	vm0 =	vmand vm0, vm1;
	v19 =	vor.u32 v19, v20  }
0x87: {  	s2 =	sadd.s32 $0xFFFFFFFF, s3;
	v17 =	vld [tilespmem:s1+$0x0];
	v18 =	vor.u32 v18, v19  }
.LBB2_11:
0x88: {  	_ =	sdelay $0x3  }
0x89: {  	p1 =	sne.s32 s2, $0x1;
	s0 =	sadd.s32 $0x10, s0;
	s1 =	sadd.s32 $0x10, s1;
	[tilespmem:v18+s29+$0x0] =	vst.idx.msk vm0, v17  }
0x8a: {  	s2 =	sadd.s32 $0xFFFFFFFF, s2;
	v17 =	vld [tilespmem:s0+$0xFFFFFFFF];
	_ =	sdelay $0x1  }
0x8b: {  	v18 =	vld [tilespmem:s0+$0x0];
	_ =	sdelay $0x2  }
.Ltmp9:
0x8c: {  	v19 =	vsub.s32 v17, v1;
	v20 =	vshll.u32 v17, $0x3;
	v21 =	vshrl.u32 v17, $0x5;
	(pc) =	sbr.rel @p1 .LBB2_11-.Ltmp9, $4  }
0x8d: {  	v22 =	vand.u32 $0x7F, v17;
	vm0 =	vlt.u32 v19, $0x8000;
	v20 =	vand.u32 $0x7C00, v20  }
0x8e: {  	vm1 =	vne.s32 v17, v18;
	v17 =	vand.u32 $0xFFFF8000, v19;
	v18 =	vor.u32 v22, v20  }
0x8f: {  	v19 =	vand.u32 $0x380, v21;
	vm0 =	vmand vm0, vm1;
	v18 =	vor.u32 v17, v18  }
0x90: {  	v17 =	vld [tilespmem:s1+$0x0];
	v18 =	vor.u32 v19, v18  }
.LBB2_12:
0x91: {  	_ =	sdelay $0x4  }
0x92: {  	[tilespmem:v18+s29+$0x0] =	vst.idx.msk vm0, v17  }
.LBB2_13:
0x93: {  	s0 =	simm.s32 $0x0  }
0x94: {  	[hbm4b:s8+s0] =	stream.linear.scatter [tilespmem:s29], [sflag:$0x2], $0x8000, $0x38;
	[tilespmem:$0x14180] =	vst v63  }
0x95: {  	s1 =	sand.u32 $0x1F000, s0;
	_ =	swait.ge [sflag:s30], $0x8000  }
0x96: {  	s0 =	sand.u32 $0x380, s0;
	s1 =	sshrl.u32 s1, $0x2;
	[sflag:s30] =	ssyncset.done $0x0  }
0x97: {  	s0 =	sor.u32 s0, s1;
	[sflag:s30] =	ssyncadd.s32 $0xFFFF8000  }
0x98: {  	[tilespmem:s0+$0x4170] =	vst v16  }
0x99: {  	[tilespmem:s0+$0x4100] =	vst v16  }
0x9a: {  	[tilespmem:s0+$0x4110] =	vst v16  }
0x9b: {  	[tilespmem:s0+$0x4120] =	vst v16  }
0x9c: {  	s26 =	simm.s32 $0x1000;
	[tilespmem:s0+$0x4130] =	vst v16  }
0x9d: {  	s2 =	simm.s32 $0x4;
	s4 =	sand.u32 $0x1F000, s26;
	s1 =	simm.s32 $0x2000;
	[tilespmem:s0+$0x4140] =	vst v16  }
.LBB2_14:
0x9e: {  	p1 =	sne.s32 s1, $0xFF000;
	s24 =	sand.u32 $0x380, s2;
	s4 =	sshrl.u32 s4, $0x2;
	[tilespmem:s0+$0x4150] =	vst v16  }
0x9f: {  	[tilespmem:s0+$0x4160] =	vst v16;
	s0 =	sor.u32 s24, s4  }
0xa0: {  	[tilespmem:s0+$0x4170] =	vst v16  }
.Ltmp10:
0xa1: {  	[tilespmem:s0+$0x4100] =	vst v16;
	(pc) =	sbr.rel @p1 .LBB2_14-.Ltmp10, $4  }
0xa2: {  	[tilespmem:s0+$0x4110] =	vst v16  }
0xa3: {  	[tilespmem:s0+$0x4120] =	vst v16  }
0xa4: {  	[tilespmem:s0+$0x4130] =	vst v16  }
0xa5: {  	s2 =	sadd.s32 $0x4, s2;
	s4 =	sand.u32 $0x1F000, s1;
	s1 =	sadd.s32 $0x1000, s1;
	[tilespmem:s0+$0x4140] =	vst v16  }
0xa6: {  	s1 =	sand.u32 $0x380, s2;
	s26 =	sshrl.u32 s4, $0x2;
	[tilespmem:s0+$0x4150] =	vst v16  }
0xa7: {  	[tilespmem:s0+$0x4160] =	vst v16;
	s1 =	sor.u32 s1, s26  }
0xa8: {  	[tilespmem:s1+$0x4170] =	vst v16  }
0xa9: {  	[tilespmem:s1+$0x4100] =	vst v16  }
0xaa: {  	[tilespmem:s1+$0x4110] =	vst v16  }
.Ltmp11:
0xab: {  	[tilespmem:s1+$0x4120] =	vst v16;
	(pc) =	sbr.rel @p0 .LBB2_19-.Ltmp11, $4  }
0xac: {  	[tilespmem:s1+$0x4130] =	vst v16  }
0xad: {  	[tilespmem:s1+$0x4140] =	vst v16  }
0xae: {  	[tilespmem:s1+$0x4150] =	vst v16  }
0xaf: {  	[tilespmem:s1+$0x4160] =	vst v16  }
0xb0: {  	s0 =	simm.s32 $0x1  }
0xb1: {  	v17 =	vld [tilespmem:s0+$0xFFFFFFFF]  }
0xb2: {  	v18 =	vld [tilespmem:s0+$0x0];
	_ =	sdelay $0x2  }
0xb3: {  	p1 =	sne.s32 s3, $0x1  }
.Ltmp12:
0xb4: {  	v19 =	vsub.s32 v17, v2;
	v20 =	vshll.u32 v17, $0x3;
	v21 =	vshrl.u32 v17, $0x5;
	(pc) =	sbr.rel @!p1 .LBB2_18-.Ltmp12, $4  }
0xb5: {  	v22 =	vand.u32 $0x7F, v17;
	vm1 =	vne.s32 v17, v18;
	v20 =	vand.u32 $0x7C00, v20  }
0xb6: {  	vm0 =	vlt.u32 v19, $0x8000;
	v19 =	vand.u32 $0xFFFF8000, v19;
	v20 =	vor.u32 v22, v20  }
0xb7: {  	s1 =	simm.s32 $0x2080;
	v18 =	vand.u32 $0x380, v21;
	vm0 =	vmand vm0, vm1;
	v19 =	vor.u32 v19, v20  }
0xb8: {  	s2 =	sadd.s32 $0xFFFFFFFF, s3;
	v17 =	vld [tilespmem:s1+$0x0];
	v18 =	vor.u32 v18, v19  }
.LBB2_17:
0xb9: {  	_ =	sdelay $0x3  }
0xba: {  	p1 =	sne.s32 s2, $0x1;
	s0 =	sadd.s32 $0x10, s0;
	s1 =	sadd.s32 $0x10, s1;
	[tilespmem:v18+s28+$0x0] =	vst.idx.msk vm0, v17  }
0xbb: {  	s2 =	sadd.s32 $0xFFFFFFFF, s2;
	v17 =	vld [tilespmem:s0+$0xFFFFFFFF];
	_ =	sdelay $0x1  }
0xbc: {  	v18 =	vld [tilespmem:s0+$0x0];
	_ =	sdelay $0x2  }
.Ltmp13:
0xbd: {  	v19 =	vsub.s32 v17, v2;
	v20 =	vshll.u32 v17, $0x3;
	v21 =	vshrl.u32 v17, $0x5;
	(pc) =	sbr.rel @p1 .LBB2_17-.Ltmp13, $4  }
0xbe: {  	v22 =	vand.u32 $0x7F, v17;
	vm0 =	vlt.u32 v19, $0x8000;
	v20 =	vand.u32 $0x7C00, v20  }
0xbf: {  	vm1 =	vne.s32 v17, v18;
	v17 =	vand.u32 $0xFFFF8000, v19;
	v18 =	vor.u32 v22, v20  }
0xc0: {  	v19 =	vand.u32 $0x380, v21;
	vm0 =	vmand vm0, vm1;
	v18 =	vor.u32 v17, v18  }
0xc1: {  	v17 =	vld [tilespmem:s1+$0x0];
	v18 =	vor.u32 v19, v18  }
.LBB2_18:
0xc2: {  	_ =	sdelay $0x4  }
0xc3: {  	[tilespmem:v18+s28+$0x0] =	vst.idx.msk vm0, v17  }
.LBB2_19:
0xc4: {  	s0 =	simm.s32 $0x0  }
0xc5: {  	[hbm4b:s9+s0] =	stream.linear.scatter [tilespmem:s28], [sflag:$0x2], $0x8000, $0x38;
	[tilespmem:$0x14180] =	vst v63  }
0xc6: {  	s1 =	sand.u32 $0x1F000, s0;
	_ =	swait.ge [sflag:s30], $0x8000  }
0xc7: {  	s0 =	sand.u32 $0x380, s0;
	s1 =	sshrl.u32 s1, $0x2;
	[sflag:s30] =	ssyncset.done $0x0  }
0xc8: {  	s0 =	sor.u32 s0, s1;
	[sflag:s30] =	ssyncadd.s32 $0xFFFF8000  }
0xc9: {  	[tilespmem:s0+$0xC170] =	vst v16  }
0xca: {  	[tilespmem:s0+$0xC100] =	vst v16  }
0xcb: {  	[tilespmem:s0+$0xC110] =	vst v16  }
0xcc: {  	[tilespmem:s0+$0xC120] =	vst v16  }
0xcd: {  	s26 =	simm.s32 $0x1000;
	[tilespmem:s0+$0xC130] =	vst v16  }
0xce: {  	s2 =	simm.s32 $0x4;
	s4 =	sand.u32 $0x1F000, s26;
	s1 =	simm.s32 $0x2000;
	[tilespmem:s0+$0xC140] =	vst v16  }
.LBB2_20:
0xcf: {  	p1 =	sne.s32 s1, $0xFF000;
	s24 =	sand.u32 $0x380, s2;
	s4 =	sshrl.u32 s4, $0x2;
	[tilespmem:s0+$0xC150] =	vst v16  }
0xd0: {  	[tilespmem:s0+$0xC160] =	vst v16;
	s0 =	sor.u32 s24, s4  }
0xd1: {  	[tilespmem:s0+$0xC170] =	vst v16  }
.Ltmp14:
0xd2: {  	[tilespmem:s0+$0xC100] =	vst v16;
	(pc) =	sbr.rel @p1 .LBB2_20-.Ltmp14, $4  }
0xd3: {  	[tilespmem:s0+$0xC110] =	vst v16  }
0xd4: {  	[tilespmem:s0+$0xC120] =	vst v16  }
0xd5: {  	[tilespmem:s0+$0xC130] =	vst v16  }
0xd6: {  	s2 =	sadd.s32 $0x4, s2;
	s4 =	sand.u32 $0x1F000, s1;
	s1 =	sadd.s32 $0x1000, s1;
	[tilespmem:s0+$0xC140] =	vst v16  }
0xd7: {  	s1 =	sand.u32 $0x380, s2;
	s26 =	sshrl.u32 s4, $0x2;
	[tilespmem:s0+$0xC150] =	vst v16  }
0xd8: {  	[tilespmem:s0+$0xC160] =	vst v16;
	s1 =	sor.u32 s1, s26  }
0xd9: {  	[tilespmem:s1+$0xC170] =	vst v16  }
0xda: {  	[tilespmem:s1+$0xC100] =	vst v16  }
0xdb: {  	[tilespmem:s1+$0xC110] =	vst v16  }
.Ltmp15:
0xdc: {  	[tilespmem:s1+$0xC120] =	vst v16;
	(pc) =	sbr.rel @p0 .LBB2_25-.Ltmp15, $4  }
0xdd: {  	[tilespmem:s1+$0xC130] =	vst v16  }
0xde: {  	[tilespmem:s1+$0xC140] =	vst v16  }
0xdf: {  	[tilespmem:s1+$0xC150] =	vst v16  }
0xe0: {  	[tilespmem:s1+$0xC160] =	vst v16  }
0xe1: {  	s0 =	simm.s32 $0x1  }
0xe2: {  	v17 =	vld [tilespmem:s0+$0xFFFFFFFF]  }
0xe3: {  	v18 =	vld [tilespmem:s0+$0x0];
	_ =	sdelay $0x2  }
0xe4: {  	p1 =	sne.s32 s3, $0x1  }
.Ltmp16:
0xe5: {  	v19 =	vsub.s32 v17, v3;
	v20 =	vshll.u32 v17, $0x3;
	v21 =	vshrl.u32 v17, $0x5;
	(pc) =	sbr.rel @!p1 .LBB2_24-.Ltmp16, $4  }
0xe6: {  	v22 =	vand.u32 $0x7F, v17;
	vm1 =	vne.s32 v17, v18;
	v20 =	vand.u32 $0x7C00, v20  }
0xe7: {  	vm0 =	vlt.u32 v19, $0x8000;
	v19 =	vand.u32 $0xFFFF8000, v19;
	v20 =	vor.u32 v22, v20  }
0xe8: {  	s1 =	simm.s32 $0x2080;
	v18 =	vand.u32 $0x380, v21;
	vm0 =	vmand vm0, vm1;
	v19 =	vor.u32 v19, v20  }
0xe9: {  	s2 =	sadd.s32 $0xFFFFFFFF, s3;
	v17 =	vld [tilespmem:s1+$0x0];
	v18 =	vor.u32 v18, v19  }
.LBB2_23:
0xea: {  	_ =	sdelay $0x3  }
0xeb: {  	p1 =	sne.s32 s2, $0x1;
	s0 =	sadd.s32 $0x10, s0;
	s1 =	sadd.s32 $0x10, s1;
	[tilespmem:v18+s29+$0x0] =	vst.idx.msk vm0, v17  }
0xec: {  	s2 =	sadd.s32 $0xFFFFFFFF, s2;
	v17 =	vld [tilespmem:s0+$0xFFFFFFFF];
	_ =	sdelay $0x1  }
0xed: {  	v18 =	vld [tilespmem:s0+$0x0];
	_ =	sdelay $0x2  }
.Ltmp17:
0xee: {  	v19 =	vsub.s32 v17, v3;
	v20 =	vshll.u32 v17, $0x3;
	v21 =	vshrl.u32 v17, $0x5;
	(pc) =	sbr.rel @p1 .LBB2_23-.Ltmp17, $4  }
0xef: {  	v22 =	vand.u32 $0x7F, v17;
	vm0 =	vlt.u32 v19, $0x8000;
	v20 =	vand.u32 $0x7C00, v20  }
0xf0: {  	vm1 =	vne.s32 v17, v18;
	v17 =	vand.u32 $0xFFFF8000, v19;
	v18 =	vor.u32 v22, v20  }
0xf1: {  	v19 =	vand.u32 $0x380, v21;
	vm0 =	vmand vm0, vm1;
	v18 =	vor.u32 v17, v18  }
0xf2: {  	v17 =	vld [tilespmem:s1+$0x0];
	v18 =	vor.u32 v19, v18  }
.LBB2_24:
0xf3: {  	_ =	sdelay $0x4  }
0xf4: {  	[tilespmem:v18+s29+$0x0] =	vst.idx.msk vm0, v17  }
.LBB2_25:
0xf5: {  	s0 =	simm.s32 $0x0  }
0xf6: {  	[hbm4b:s10+s0] =	stream.linear.scatter [tilespmem:s29], [sflag:$0x2], $0x8000, $0x38;
	[tilespmem:$0x14180] =	vst v63  }
0xf7: {  	s1 =	sand.u32 $0x1F000, s0;
	_ =	swait.ge [sflag:s30], $0x8000  }
0xf8: {  	s0 =	sand.u32 $0x380, s0;
	s1 =	sshrl.u32 s1, $0x2;
	[sflag:s30] =	ssyncset.done $0x0  }
0xf9: {  	s0 =	sor.u32 s0, s1;
	[sflag:s30] =	ssyncadd.s32 $0xFFFF8000  }
0xfa: {  	[tilespmem:s0+$0x4170] =	vst v16  }
0xfb: {  	[tilespmem:s0+$0x4100] =	vst v16  }
0xfc: {  	[tilespmem:s0+$0x4110] =	vst v16  }
0xfd: {  	[tilespmem:s0+$0x4120] =	vst v16  }
0xfe: {  	s26 =	simm.s32 $0x1000;
	[tilespmem:s0+$0x4130] =	vst v16  }
0xff: {  	s2 =	simm.s32 $0x4;
	s4 =	sand.u32 $0x1F000, s26;
	s1 =	simm.s32 $0x2000;
	[tilespmem:s0+$0x4140] =	vst v16  }
.LBB2_26:
0x100: {  	p1 =	sne.s32 s1, $0xFF000;
	s24 =	sand.u32 $0x380, s2;
	s4 =	sshrl.u32 s4, $0x2;
	[tilespmem:s0+$0x4150] =	vst v16  }
0x101: {  	[tilespmem:s0+$0x4160] =	vst v16;
	s0 =	sor.u32 s24, s4  }
0x102: {  	[tilespmem:s0+$0x4170] =	vst v16  }
.Ltmp18:
0x103: {  	[tilespmem:s0+$0x4100] =	vst v16;
	(pc) =	sbr.rel @p1 .LBB2_26-.Ltmp18, $4  }
0x104: {  	[tilespmem:s0+$0x4110] =	vst v16  }
0x105: {  	[tilespmem:s0+$0x4120] =	vst v16  }
0x106: {  	[tilespmem:s0+$0x4130] =	vst v16  }
0x107: {  	s2 =	sadd.s32 $0x4, s2;
	s4 =	sand.u32 $0x1F000, s1;
	s1 =	sadd.s32 $0x1000, s1;
	[tilespmem:s0+$0x4140] =	vst v16  }
0x108: {  	s1 =	sand.u32 $0x380, s2;
	s26 =	sshrl.u32 s4, $0x2;
	[tilespmem:s0+$0x4150] =	vst v16  }
0x109: {  	[tilespmem:s0+$0x4160] =	vst v16;
	s1 =	sor.u32 s1, s26  }
0x10a: {  	[tilespmem:s1+$0x4170] =	vst v16  }
0x10b: {  	[tilespmem:s1+$0x4100] =	vst v16  }
0x10c: {  	[tilespmem:s1+$0x4110] =	vst v16  }
.Ltmp19:
0x10d: {  	[tilespmem:s1+$0x4120] =	vst v16;
	(pc) =	sbr.rel @p0 .LBB2_31-.Ltmp19, $4  }
0x10e: {  	[tilespmem:s1+$0x4130] =	vst v16  }
0x10f: {  	[tilespmem:s1+$0x4140] =	vst v16  }
0x110: {  	[tilespmem:s1+$0x4150] =	vst v16  }
0x111: {  	[tilespmem:s1+$0x4160] =	vst v16  }
0x112: {  	s0 =	simm.s32 $0x1  }
0x113: {  	v17 =	vld [tilespmem:s0+$0xFFFFFFFF]  }
0x114: {  	v18 =	vld [tilespmem:s0+$0x0];
	_ =	sdelay $0x2  }
0x115: {  	p1 =	sne.s32 s3, $0x1  }
.Ltmp20:
0x116: {  	v19 =	vsub.s32 v17, v4;
	v20 =	vshll.u32 v17, $0x3;
	v21 =	vshrl.u32 v17, $0x5;
	(pc) =	sbr.rel @!p1 .LBB2_30-.Ltmp20, $4  }
0x117: {  	v22 =	vand.u32 $0x7F, v17;
	vm1 =	vne.s32 v17, v18;
	v20 =	vand.u32 $0x7C00, v20  }
0x118: {  	vm0 =	vlt.u32 v19, $0x8000;
	v19 =	vand.u32 $0xFFFF8000, v19;
	v20 =	vor.u32 v22, v20  }
0x119: {  	s1 =	simm.s32 $0x2080;
	v18 =	vand.u32 $0x380, v21;
	vm0 =	vmand vm0, vm1;
	v19 =	vor.u32 v19, v20  }
0x11a: {  	s2 =	sadd.s32 $0xFFFFFFFF, s3;
	v17 =	vld [tilespmem:s1+$0x0];
	v18 =	vor.u32 v18, v19  }
.LBB2_29:
0x11b: {  	_ =	sdelay $0x3  }
0x11c: {  	p1 =	sne.s32 s2, $0x1;
	s0 =	sadd.s32 $0x10, s0;
	s1 =	sadd.s32 $0x10, s1;
	[tilespmem:v18+s28+$0x0] =	vst.idx.msk vm0, v17  }
0x11d: {  	s2 =	sadd.s32 $0xFFFFFFFF, s2;
	v17 =	vld [tilespmem:s0+$0xFFFFFFFF];
	_ =	sdelay $0x1  }
0x11e: {  	v18 =	vld [tilespmem:s0+$0x0];
	_ =	sdelay $0x2  }
.Ltmp21:
0x11f: {  	v19 =	vsub.s32 v17, v4;
	v20 =	vshll.u32 v17, $0x3;
	v21 =	vshrl.u32 v17, $0x5;
	(pc) =	sbr.rel @p1 .LBB2_29-.Ltmp21, $4  }
0x120: {  	v22 =	vand.u32 $0x7F, v17;
	vm0 =	vlt.u32 v19, $0x8000;
	v20 =	vand.u32 $0x7C00, v20  }
0x121: {  	vm1 =	vne.s32 v17, v18;
	v17 =	vand.u32 $0xFFFF8000, v19;
	v18 =	vor.u32 v22, v20  }
0x122: {  	v19 =	vand.u32 $0x380, v21;
	vm0 =	vmand vm0, vm1;
	v18 =	vor.u32 v17, v18  }
0x123: {  	v17 =	vld [tilespmem:s1+$0x0];
	v18 =	vor.u32 v19, v18  }
.LBB2_30:
0x124: {  	_ =	sdelay $0x4  }
0x125: {  	[tilespmem:v18+s28+$0x0] =	vst.idx.msk vm0, v17  }
.LBB2_31:
0x126: {  	s0 =	simm.s32 $0x0  }
0x127: {  	[hbm4b:s11+s0] =	stream.linear.scatter [tilespmem:s28], [sflag:$0x2], $0x8000, $0x38;
	[tilespmem:$0x14180] =	vst v63  }
0x128: {  	s1 =	sand.u32 $0x1F000, s0;
	_ =	swait.ge [sflag:s30], $0x8000  }
0x129: {  	s0 =	sand.u32 $0x380, s0;
	s1 =	sshrl.u32 s1, $0x2;
	[sflag:s30] =	ssyncset.done $0x0  }
0x12a: {  	s0 =	sor.u32 s0, s1;
	[sflag:s30] =	ssyncadd.s32 $0xFFFF8000  }
0x12b: {  	[tilespmem:s0+$0xC170] =	vst v16  }
0x12c: {  	[tilespmem:s0+$0xC100] =	vst v16  }
0x12d: {  	[tilespmem:s0+$0xC110] =	vst v16  }
0x12e: {  	[tilespmem:s0+$0xC120] =	vst v16  }
0x12f: {  	s26 =	simm.s32 $0x1000;
	[tilespmem:s0+$0xC130] =	vst v16  }
0x130: {  	s2 =	simm.s32 $0x4;
	s4 =	sand.u32 $0x1F000, s26;
	s1 =	simm.s32 $0x2000;
	[tilespmem:s0+$0xC140] =	vst v16  }
.LBB2_32:
0x131: {  	p1 =	sne.s32 s1, $0xFF000;
	s24 =	sand.u32 $0x380, s2;
	s4 =	sshrl.u32 s4, $0x2;
	[tilespmem:s0+$0xC150] =	vst v16  }
0x132: {  	[tilespmem:s0+$0xC160] =	vst v16;
	s0 =	sor.u32 s24, s4  }
0x133: {  	[tilespmem:s0+$0xC170] =	vst v16  }
.Ltmp22:
0x134: {  	[tilespmem:s0+$0xC100] =	vst v16;
	(pc) =	sbr.rel @p1 .LBB2_32-.Ltmp22, $4  }
0x135: {  	[tilespmem:s0+$0xC110] =	vst v16  }
0x136: {  	[tilespmem:s0+$0xC120] =	vst v16  }
0x137: {  	[tilespmem:s0+$0xC130] =	vst v16  }
0x138: {  	s2 =	sadd.s32 $0x4, s2;
	s4 =	sand.u32 $0x1F000, s1;
	s1 =	sadd.s32 $0x1000, s1;
	[tilespmem:s0+$0xC140] =	vst v16  }
0x139: {  	s1 =	sand.u32 $0x380, s2;
	s26 =	sshrl.u32 s4, $0x2;
	[tilespmem:s0+$0xC150] =	vst v16  }
0x13a: {  	[tilespmem:s0+$0xC160] =	vst v16;
	s1 =	sor.u32 s1, s26  }
0x13b: {  	[tilespmem:s1+$0xC170] =	vst v16  }
0x13c: {  	[tilespmem:s1+$0xC100] =	vst v16  }
0x13d: {  	[tilespmem:s1+$0xC110] =	vst v16  }
.Ltmp23:
0x13e: {  	[tilespmem:s1+$0xC120] =	vst v16;
	(pc) =	sbr.rel @p0 .LBB2_37-.Ltmp23, $4  }
0x13f: {  	[tilespmem:s1+$0xC130] =	vst v16  }
0x140: {  	[tilespmem:s1+$0xC140] =	vst v16  }
0x141: {  	[tilespmem:s1+$0xC150] =	vst v16  }
0x142: {  	[tilespmem:s1+$0xC160] =	vst v16  }
0x143: {  	s0 =	simm.s32 $0x1  }
0x144: {  	v17 =	vld [tilespmem:s0+$0xFFFFFFFF]  }
0x145: {  	v18 =	vld [tilespmem:s0+$0x0];
	_ =	sdelay $0x2  }
0x146: {  	p1 =	sne.s32 s3, $0x1  }
.Ltmp24:
0x147: {  	v19 =	vsub.s32 v17, v5;
	v20 =	vshll.u32 v17, $0x3;
	v21 =	vshrl.u32 v17, $0x5;
	(pc) =	sbr.rel @!p1 .LBB2_36-.Ltmp24, $4  }
0x148: {  	v22 =	vand.u32 $0x7F, v17;
	vm1 =	vne.s32 v17, v18;
	v20 =	vand.u32 $0x7C00, v20  }
0x149: {  	vm0 =	vlt.u32 v19, $0x8000;
	v19 =	vand.u32 $0xFFFF8000, v19;
	v20 =	vor.u32 v22, v20  }
0x14a: {  	s1 =	simm.s32 $0x2080;
	v18 =	vand.u32 $0x380, v21;
	vm0 =	vmand vm0, vm1;
	v19 =	vor.u32 v19, v20  }
0x14b: {  	s2 =	sadd.s32 $0xFFFFFFFF, s3;
	v17 =	vld [tilespmem:s1+$0x0];
	v18 =	vor.u32 v18, v19  }
.LBB2_35:
0x14c: {  	_ =	sdelay $0x3  }
0x14d: {  	p1 =	sne.s32 s2, $0x1;
	s0 =	sadd.s32 $0x10, s0;
	s1 =	sadd.s32 $0x10, s1;
	[tilespmem:v18+s29+$0x0] =	vst.idx.msk vm0, v17  }
0x14e: {  	s2 =	sadd.s32 $0xFFFFFFFF, s2;
	v17 =	vld [tilespmem:s0+$0xFFFFFFFF];
	_ =	sdelay $0x1  }
0x14f: {  	v18 =	vld [tilespmem:s0+$0x0];
	_ =	sdelay $0x2  }
.Ltmp25:
0x150: {  	v19 =	vsub.s32 v17, v5;
	v20 =	vshll.u32 v17, $0x3;
	v21 =	vshrl.u32 v17, $0x5;
	(pc) =	sbr.rel @p1 .LBB2_35-.Ltmp25, $4  }
0x151: {  	v22 =	vand.u32 $0x7F, v17;
	vm0 =	vlt.u32 v19, $0x8000;
	v20 =	vand.u32 $0x7C00, v20  }
0x152: {  	vm1 =	vne.s32 v17, v18;
	v17 =	vand.u32 $0xFFFF8000, v19;
	v18 =	vor.u32 v22, v20  }
0x153: {  	v19 =	vand.u32 $0x380, v21;
	vm0 =	vmand vm0, vm1;
	v18 =	vor.u32 v17, v18  }
0x154: {  	v17 =	vld [tilespmem:s1+$0x0];
	v18 =	vor.u32 v19, v18  }
.LBB2_36:
0x155: {  	_ =	sdelay $0x4  }
0x156: {  	[tilespmem:v18+s29+$0x0] =	vst.idx.msk vm0, v17  }
.LBB2_37:
0x157: {  	s0 =	simm.s32 $0x0  }
0x158: {  	[hbm4b:s13+s0] =	stream.linear.scatter [tilespmem:s29], [sflag:$0x2], $0x8000, $0x38;
	[tilespmem:$0x14180] =	vst v63  }
0x159: {  	s1 =	sand.u32 $0x1F000, s0;
	_ =	swait.ge [sflag:s30], $0x8000  }
0x15a: {  	s0 =	sand.u32 $0x380, s0;
	s1 =	sshrl.u32 s1, $0x2;
	[sflag:s30] =	ssyncset.done $0x0  }
0x15b: {  	s0 =	sor.u32 s0, s1;
	[sflag:s30] =	ssyncadd.s32 $0xFFFF8000  }
0x15c: {  	[tilespmem:s0+$0x4170] =	vst v16  }
0x15d: {  	[tilespmem:s0+$0x4100] =	vst v16  }
0x15e: {  	[tilespmem:s0+$0x4110] =	vst v16  }
0x15f: {  	[tilespmem:s0+$0x4120] =	vst v16  }
0x160: {  	s26 =	simm.s32 $0x1000;
	[tilespmem:s0+$0x4130] =	vst v16  }
0x161: {  	s2 =	simm.s32 $0x4;
	s4 =	sand.u32 $0x1F000, s26;
	s1 =	simm.s32 $0x2000;
	[tilespmem:s0+$0x4140] =	vst v16  }
.LBB2_38:
0x162: {  	p1 =	sne.s32 s1, $0xFF000;
	s24 =	sand.u32 $0x380, s2;
	s4 =	sshrl.u32 s4, $0x2;
	[tilespmem:s0+$0x4150] =	vst v16  }
0x163: {  	[tilespmem:s0+$0x4160] =	vst v16;
	s0 =	sor.u32 s24, s4  }
0x164: {  	[tilespmem:s0+$0x4170] =	vst v16  }
.Ltmp26:
0x165: {  	[tilespmem:s0+$0x4100] =	vst v16;
	(pc) =	sbr.rel @p1 .LBB2_38-.Ltmp26, $4  }
0x166: {  	[tilespmem:s0+$0x4110] =	vst v16  }
0x167: {  	[tilespmem:s0+$0x4120] =	vst v16  }
0x168: {  	[tilespmem:s0+$0x4130] =	vst v16  }
0x169: {  	s2 =	sadd.s32 $0x4, s2;
	s4 =	sand.u32 $0x1F000, s1;
	s1 =	sadd.s32 $0x1000, s1;
	[tilespmem:s0+$0x4140] =	vst v16  }
0x16a: {  	s1 =	sand.u32 $0x380, s2;
	s26 =	sshrl.u32 s4, $0x2;
	[tilespmem:s0+$0x4150] =	vst v16  }
0x16b: {  	[tilespmem:s0+$0x4160] =	vst v16;
	s1 =	sor.u32 s1, s26  }
0x16c: {  	[tilespmem:s1+$0x4170] =	vst v16  }
0x16d: {  	[tilespmem:s1+$0x4100] =	vst v16  }
0x16e: {  	[tilespmem:s1+$0x4110] =	vst v16  }
.Ltmp27:
0x16f: {  	[tilespmem:s1+$0x4120] =	vst v16;
	(pc) =	sbr.rel @p0 .LBB2_43-.Ltmp27, $4  }
0x170: {  	[tilespmem:s1+$0x4130] =	vst v16  }
0x171: {  	[tilespmem:s1+$0x4140] =	vst v16  }
0x172: {  	[tilespmem:s1+$0x4150] =	vst v16  }
0x173: {  	[tilespmem:s1+$0x4160] =	vst v16  }
0x174: {  	s0 =	simm.s32 $0x1  }
0x175: {  	v17 =	vld [tilespmem:s0+$0xFFFFFFFF]  }
0x176: {  	v18 =	vld [tilespmem:s0+$0x0];
	_ =	sdelay $0x2  }
0x177: {  	p1 =	sne.s32 s3, $0x1  }
.Ltmp28:
0x178: {  	v19 =	vsub.s32 v17, v6;
	v20 =	vshll.u32 v17, $0x3;
	v21 =	vshrl.u32 v17, $0x5;
	(pc) =	sbr.rel @!p1 .LBB2_42-.Ltmp28, $4  }
0x179: {  	v22 =	vand.u32 $0x7F, v17;
	vm1 =	vne.s32 v17, v18;
	v20 =	vand.u32 $0x7C00, v20  }
0x17a: {  	vm0 =	vlt.u32 v19, $0x8000;
	v19 =	vand.u32 $0xFFFF8000, v19;
	v20 =	vor.u32 v22, v20  }
0x17b: {  	s1 =	simm.s32 $0x2080;
	v18 =	vand.u32 $0x380, v21;
	vm0 =	vmand vm0, vm1;
	v19 =	vor.u32 v19, v20  }
0x17c: {  	s2 =	sadd.s32 $0xFFFFFFFF, s3;
	v17 =	vld [tilespmem:s1+$0x0];
	v18 =	vor.u32 v18, v19  }
.LBB2_41:
0x17d: {  	_ =	sdelay $0x3  }
0x17e: {  	p1 =	sne.s32 s2, $0x1;
	s0 =	sadd.s32 $0x10, s0;
	s1 =	sadd.s32 $0x10, s1;
	[tilespmem:v18+s28+$0x0] =	vst.idx.msk vm0, v17  }
0x17f: {  	s2 =	sadd.s32 $0xFFFFFFFF, s2;
	v17 =	vld [tilespmem:s0+$0xFFFFFFFF];
	_ =	sdelay $0x1  }
0x180: {  	v18 =	vld [tilespmem:s0+$0x0];
	_ =	sdelay $0x2  }
.Ltmp29:
0x181: {  	v19 =	vsub.s32 v17, v6;
	v20 =	vshll.u32 v17, $0x3;
	v21 =	vshrl.u32 v17, $0x5;
	(pc) =	sbr.rel @p1 .LBB2_41-.Ltmp29, $4  }
0x182: {  	v22 =	vand.u32 $0x7F, v17;
	vm0 =	vlt.u32 v19, $0x8000;
	v20 =	vand.u32 $0x7C00, v20  }
0x183: {  	vm1 =	vne.s32 v17, v18;
	v17 =	vand.u32 $0xFFFF8000, v19;
	v18 =	vor.u32 v22, v20  }
0x184: {  	v19 =	vand.u32 $0x380, v21;
	vm0 =	vmand vm0, vm1;
	v18 =	vor.u32 v17, v18  }
0x185: {  	v17 =	vld [tilespmem:s1+$0x0];
	v18 =	vor.u32 v19, v18  }
.LBB2_42:
0x186: {  	_ =	sdelay $0x4  }
0x187: {  	[tilespmem:v18+s28+$0x0] =	vst.idx.msk vm0, v17  }
.LBB2_43:
0x188: {  	s0 =	simm.s32 $0x0  }
0x189: {  	[hbm4b:s14+s0] =	stream.linear.scatter [tilespmem:s28], [sflag:$0x2], $0x8000, $0x38;
	[tilespmem:$0x14180] =	vst v63  }
0x18a: {  	s1 =	sand.u32 $0x1F000, s0;
	_ =	swait.ge [sflag:s30], $0x8000  }
0x18b: {  	s0 =	sand.u32 $0x380, s0;
	s1 =	sshrl.u32 s1, $0x2;
	[sflag:s30] =	ssyncset.done $0x0  }
0x18c: {  	s0 =	sor.u32 s0, s1;
	[sflag:s30] =	ssyncadd.s32 $0xFFFF8000  }
0x18d: {  	[tilespmem:s0+$0xC170] =	vst v16  }
0x18e: {  	[tilespmem:s0+$0xC100] =	vst v16  }
0x18f: {  	[tilespmem:s0+$0xC110] =	vst v16  }
0x190: {  	[tilespmem:s0+$0xC120] =	vst v16  }
0x191: {  	s26 =	simm.s32 $0x1000;
	[tilespmem:s0+$0xC130] =	vst v16  }
0x192: {  	s2 =	simm.s32 $0x4;
	s4 =	sand.u32 $0x1F000, s26;
	s1 =	simm.s32 $0x2000;
	[tilespmem:s0+$0xC140] =	vst v16  }
.LBB2_44:
0x193: {  	p1 =	sne.s32 s1, $0xFF000;
	s24 =	sand.u32 $0x380, s2;
	s4 =	sshrl.u32 s4, $0x2;
	[tilespmem:s0+$0xC150] =	vst v16  }
0x194: {  	[tilespmem:s0+$0xC160] =	vst v16;
	s0 =	sor.u32 s24, s4  }
0x195: {  	[tilespmem:s0+$0xC170] =	vst v16  }
.Ltmp30:
0x196: {  	[tilespmem:s0+$0xC100] =	vst v16;
	(pc) =	sbr.rel @p1 .LBB2_44-.Ltmp30, $4  }
0x197: {  	[tilespmem:s0+$0xC110] =	vst v16  }
0x198: {  	[tilespmem:s0+$0xC120] =	vst v16  }
0x199: {  	[tilespmem:s0+$0xC130] =	vst v16  }
0x19a: {  	s2 =	sadd.s32 $0x4, s2;
	s4 =	sand.u32 $0x1F000, s1;
	s1 =	sadd.s32 $0x1000, s1;
	[tilespmem:s0+$0xC140] =	vst v16  }
0x19b: {  	s1 =	sand.u32 $0x380, s2;
	s26 =	sshrl.u32 s4, $0x2;
	[tilespmem:s0+$0xC150] =	vst v16  }
0x19c: {  	[tilespmem:s0+$0xC160] =	vst v16;
	s1 =	sor.u32 s1, s26  }
0x19d: {  	[tilespmem:s1+$0xC170] =	vst v16  }
0x19e: {  	[tilespmem:s1+$0xC100] =	vst v16  }
0x19f: {  	[tilespmem:s1+$0xC110] =	vst v16  }
.Ltmp31:
0x1a0: {  	[tilespmem:s1+$0xC120] =	vst v16;
	(pc) =	sbr.rel @p0 .LBB2_49-.Ltmp31, $4  }
0x1a1: {  	[tilespmem:s1+$0xC130] =	vst v16  }
0x1a2: {  	[tilespmem:s1+$0xC140] =	vst v16  }
0x1a3: {  	[tilespmem:s1+$0xC150] =	vst v16  }
0x1a4: {  	[tilespmem:s1+$0xC160] =	vst v16  }
0x1a5: {  	s0 =	simm.s32 $0x1  }
0x1a6: {  	v17 =	vld [tilespmem:s0+$0xFFFFFFFF]  }
0x1a7: {  	v18 =	vld [tilespmem:s0+$0x0];
	_ =	sdelay $0x2  }
0x1a8: {  	p1 =	sne.s32 s3, $0x1  }
.Ltmp32:
0x1a9: {  	v19 =	vsub.s32 v17, v7;
	v20 =	vshll.u32 v17, $0x3;
	v21 =	vshrl.u32 v17, $0x5;
	(pc) =	sbr.rel @!p1 .LBB2_48-.Ltmp32, $4  }
0x1aa: {  	v22 =	vand.u32 $0x7F, v17;
	vm1 =	vne.s32 v17, v18;
	v20 =	vand.u32 $0x7C00, v20  }
0x1ab: {  	vm0 =	vlt.u32 v19, $0x8000;
	v19 =	vand.u32 $0xFFFF8000, v19;
	v20 =	vor.u32 v22, v20  }
0x1ac: {  	s1 =	simm.s32 $0x2080;
	v18 =	vand.u32 $0x380, v21;
	vm0 =	vmand vm0, vm1;
	v19 =	vor.u32 v19, v20  }
0x1ad: {  	s2 =	sadd.s32 $0xFFFFFFFF, s3;
	v17 =	vld [tilespmem:s1+$0x0];
	v18 =	vor.u32 v18, v19  }
.LBB2_47:
0x1ae: {  	_ =	sdelay $0x3  }
0x1af: {  	p1 =	sne.s32 s2, $0x1;
	s0 =	sadd.s32 $0x10, s0;
	s1 =	sadd.s32 $0x10, s1;
	[tilespmem:v18+s29+$0x0] =	vst.idx.msk vm0, v17  }
0x1b0: {  	s2 =	sadd.s32 $0xFFFFFFFF, s2;
	v17 =	vld [tilespmem:s0+$0xFFFFFFFF];
	_ =	sdelay $0x1  }
0x1b1: {  	v18 =	vld [tilespmem:s0+$0x0];
	_ =	sdelay $0x2  }
.Ltmp33:
0x1b2: {  	v19 =	vsub.s32 v17, v7;
	v20 =	vshll.u32 v17, $0x3;
	v21 =	vshrl.u32 v17, $0x5;
	(pc) =	sbr.rel @p1 .LBB2_47-.Ltmp33, $4  }
0x1b3: {  	v22 =	vand.u32 $0x7F, v17;
	vm0 =	vlt.u32 v19, $0x8000;
	v20 =	vand.u32 $0x7C00, v20  }
0x1b4: {  	vm1 =	vne.s32 v17, v18;
	v17 =	vand.u32 $0xFFFF8000, v19;
	v18 =	vor.u32 v22, v20  }
0x1b5: {  	v19 =	vand.u32 $0x380, v21;
	vm0 =	vmand vm0, vm1;
	v18 =	vor.u32 v17, v18  }
0x1b6: {  	v17 =	vld [tilespmem:s1+$0x0];
	v18 =	vor.u32 v19, v18  }
.LBB2_48:
0x1b7: {  	_ =	sdelay $0x4  }
0x1b8: {  	[tilespmem:v18+s29+$0x0] =	vst.idx.msk vm0, v17  }
.LBB2_49:
0x1b9: {  	s0 =	simm.s32 $0x0  }
0x1ba: {  	[hbm4b:s15+s0] =	stream.linear.scatter [tilespmem:s29], [sflag:$0x2], $0x8000, $0x38;
	[tilespmem:$0x14180] =	vst v63  }
0x1bb: {  	s1 =	sand.u32 $0x1F000, s0;
	_ =	swait.ge [sflag:s30], $0x8000  }
0x1bc: {  	s0 =	sand.u32 $0x380, s0;
	s1 =	sshrl.u32 s1, $0x2;
	[sflag:s30] =	ssyncset.done $0x0  }
0x1bd: {  	s0 =	sor.u32 s0, s1;
	[sflag:s30] =	ssyncadd.s32 $0xFFFF8000  }
0x1be: {  	[tilespmem:s0+$0x4170] =	vst v16  }
0x1bf: {  	[tilespmem:s0+$0x4100] =	vst v16  }
0x1c0: {  	[tilespmem:s0+$0x4110] =	vst v16  }
0x1c1: {  	[tilespmem:s0+$0x4120] =	vst v16  }
0x1c2: {  	s26 =	simm.s32 $0x1000;
	[tilespmem:s0+$0x4130] =	vst v16  }
0x1c3: {  	s2 =	simm.s32 $0x4;
	s4 =	sand.u32 $0x1F000, s26;
	s1 =	simm.s32 $0x2000;
	[tilespmem:s0+$0x4140] =	vst v16  }
.LBB2_50:
0x1c4: {  	p1 =	sne.s32 s1, $0xFF000;
	s24 =	sand.u32 $0x380, s2;
	s4 =	sshrl.u32 s4, $0x2;
	[tilespmem:s0+$0x4150] =	vst v16  }
0x1c5: {  	[tilespmem:s0+$0x4160] =	vst v16;
	s0 =	sor.u32 s24, s4  }
0x1c6: {  	[tilespmem:s0+$0x4170] =	vst v16  }
.Ltmp34:
0x1c7: {  	[tilespmem:s0+$0x4100] =	vst v16;
	(pc) =	sbr.rel @p1 .LBB2_50-.Ltmp34, $4  }
0x1c8: {  	[tilespmem:s0+$0x4110] =	vst v16  }
0x1c9: {  	[tilespmem:s0+$0x4120] =	vst v16  }
0x1ca: {  	[tilespmem:s0+$0x4130] =	vst v16  }
0x1cb: {  	s2 =	sadd.s32 $0x4, s2;
	s4 =	sand.u32 $0x1F000, s1;
	s1 =	sadd.s32 $0x1000, s1;
	[tilespmem:s0+$0x4140] =	vst v16  }
0x1cc: {  	s1 =	sand.u32 $0x380, s2;
	s26 =	sshrl.u32 s4, $0x2;
	[tilespmem:s0+$0x4150] =	vst v16  }
0x1cd: {  	[tilespmem:s0+$0x4160] =	vst v16;
	s1 =	sor.u32 s1, s26  }
0x1ce: {  	[tilespmem:s1+$0x4170] =	vst v16  }
0x1cf: {  	[tilespmem:s1+$0x4100] =	vst v16  }
0x1d0: {  	[tilespmem:s1+$0x4110] =	vst v16  }
.Ltmp35:
0x1d1: {  	[tilespmem:s1+$0x4120] =	vst v16;
	(pc) =	sbr.rel @p0 .LBB2_55-.Ltmp35, $4  }
0x1d2: {  	[tilespmem:s1+$0x4130] =	vst v16  }
0x1d3: {  	[tilespmem:s1+$0x4140] =	vst v16  }
0x1d4: {  	[tilespmem:s1+$0x4150] =	vst v16  }
0x1d5: {  	[tilespmem:s1+$0x4160] =	vst v16  }
0x1d6: {  	s0 =	simm.s32 $0x1  }
0x1d7: {  	v17 =	vld [tilespmem:s0+$0xFFFFFFFF]  }
0x1d8: {  	v18 =	vld [tilespmem:s0+$0x0];
	_ =	sdelay $0x2  }
0x1d9: {  	p1 =	sne.s32 s3, $0x1  }
.Ltmp36:
0x1da: {  	v19 =	vsub.s32 v17, v8;
	v20 =	vshll.u32 v17, $0x3;
	v21 =	vshrl.u32 v17, $0x5;
	(pc) =	sbr.rel @!p1 .LBB2_54-.Ltmp36, $4  }
0x1db: {  	v22 =	vand.u32 $0x7F, v17;
	vm1 =	vne.s32 v17, v18;
	v20 =	vand.u32 $0x7C00, v20  }
0x1dc: {  	vm0 =	vlt.u32 v19, $0x8000;
	v19 =	vand.u32 $0xFFFF8000, v19;
	v20 =	vor.u32 v22, v20  }
0x1dd: {  	s1 =	simm.s32 $0x2080;
	v18 =	vand.u32 $0x380, v21;
	vm0 =	vmand vm0, vm1;
	v19 =	vor.u32 v19, v20  }
0x1de: {  	s2 =	sadd.s32 $0xFFFFFFFF, s3;
	v17 =	vld [tilespmem:s1+$0x0];
	v18 =	vor.u32 v18, v19  }
.LBB2_53:
0x1df: {  	_ =	sdelay $0x3  }
0x1e0: {  	p1 =	sne.s32 s2, $0x1;
	s0 =	sadd.s32 $0x10, s0;
	s1 =	sadd.s32 $0x10, s1;
	[tilespmem:v18+s28+$0x0] =	vst.idx.msk vm0, v17  }
0x1e1: {  	s2 =	sadd.s32 $0xFFFFFFFF, s2;
	v17 =	vld [tilespmem:s0+$0xFFFFFFFF];
	_ =	sdelay $0x1  }
0x1e2: {  	v18 =	vld [tilespmem:s0+$0x0];
	_ =	sdelay $0x2  }
.Ltmp37:
0x1e3: {  	v19 =	vsub.s32 v17, v8;
	v20 =	vshll.u32 v17, $0x3;
	v21 =	vshrl.u32 v17, $0x5;
	(pc) =	sbr.rel @p1 .LBB2_53-.Ltmp37, $4  }
0x1e4: {  	v22 =	vand.u32 $0x7F, v17;
	vm0 =	vlt.u32 v19, $0x8000;
	v20 =	vand.u32 $0x7C00, v20  }
0x1e5: {  	vm1 =	vne.s32 v17, v18;
	v17 =	vand.u32 $0xFFFF8000, v19;
	v18 =	vor.u32 v22, v20  }
0x1e6: {  	v19 =	vand.u32 $0x380, v21;
	vm0 =	vmand vm0, vm1;
	v18 =	vor.u32 v17, v18  }
0x1e7: {  	v17 =	vld [tilespmem:s1+$0x0];
	v18 =	vor.u32 v19, v18  }
.LBB2_54:
0x1e8: {  	_ =	sdelay $0x4  }
0x1e9: {  	[tilespmem:v18+s28+$0x0] =	vst.idx.msk vm0, v17  }
.LBB2_55:
0x1ea: {  	s0 =	simm.s32 $0x0  }
0x1eb: {  	[hbm4b:s16+s0] =	stream.linear.scatter [tilespmem:s28], [sflag:$0x2], $0x8000, $0x38;
	[tilespmem:$0x14180] =	vst v63  }
0x1ec: {  	s1 =	sand.u32 $0x1F000, s0;
	_ =	swait.ge [sflag:s30], $0x8000  }
0x1ed: {  	s0 =	sand.u32 $0x380, s0;
	s1 =	sshrl.u32 s1, $0x2;
	[sflag:s30] =	ssyncset.done $0x0  }
0x1ee: {  	s0 =	sor.u32 s0, s1;
	[sflag:s30] =	ssyncadd.s32 $0xFFFF8000  }
0x1ef: {  	[tilespmem:s0+$0xC170] =	vst v16  }
0x1f0: {  	[tilespmem:s0+$0xC100] =	vst v16  }
0x1f1: {  	[tilespmem:s0+$0xC110] =	vst v16  }
0x1f2: {  	[tilespmem:s0+$0xC120] =	vst v16  }
0x1f3: {  	s26 =	simm.s32 $0x1000;
	[tilespmem:s0+$0xC130] =	vst v16  }
0x1f4: {  	s2 =	simm.s32 $0x4;
	s4 =	sand.u32 $0x1F000, s26;
	s1 =	simm.s32 $0x2000;
	[tilespmem:s0+$0xC140] =	vst v16  }
.LBB2_56:
0x1f5: {  	p1 =	sne.s32 s1, $0xFF000;
	s24 =	sand.u32 $0x380, s2;
	s4 =	sshrl.u32 s4, $0x2;
	[tilespmem:s0+$0xC150] =	vst v16  }
0x1f6: {  	[tilespmem:s0+$0xC160] =	vst v16;
	s0 =	sor.u32 s24, s4  }
0x1f7: {  	[tilespmem:s0+$0xC170] =	vst v16  }
.Ltmp38:
0x1f8: {  	[tilespmem:s0+$0xC100] =	vst v16;
	(pc) =	sbr.rel @p1 .LBB2_56-.Ltmp38, $4  }
0x1f9: {  	[tilespmem:s0+$0xC110] =	vst v16  }
0x1fa: {  	[tilespmem:s0+$0xC120] =	vst v16  }
0x1fb: {  	[tilespmem:s0+$0xC130] =	vst v16  }
0x1fc: {  	s2 =	sadd.s32 $0x4, s2;
	s4 =	sand.u32 $0x1F000, s1;
	s1 =	sadd.s32 $0x1000, s1;
	[tilespmem:s0+$0xC140] =	vst v16  }
0x1fd: {  	s1 =	sand.u32 $0x380, s2;
	s26 =	sshrl.u32 s4, $0x2;
	[tilespmem:s0+$0xC150] =	vst v16  }
0x1fe: {  	[tilespmem:s0+$0xC160] =	vst v16;
	s1 =	sor.u32 s1, s26  }
0x1ff: {  	[tilespmem:s1+$0xC170] =	vst v16  }
0x200: {  	[tilespmem:s1+$0xC100] =	vst v16  }
0x201: {  	[tilespmem:s1+$0xC110] =	vst v16  }
.Ltmp39:
0x202: {  	[tilespmem:s1+$0xC120] =	vst v16;
	(pc) =	sbr.rel @p0 .LBB2_61-.Ltmp39, $4  }
0x203: {  	[tilespmem:s1+$0xC130] =	vst v16  }
0x204: {  	[tilespmem:s1+$0xC140] =	vst v16  }
0x205: {  	[tilespmem:s1+$0xC150] =	vst v16  }
0x206: {  	[tilespmem:s1+$0xC160] =	vst v16  }
0x207: {  	s0 =	simm.s32 $0x1  }
0x208: {  	v17 =	vld [tilespmem:s0+$0xFFFFFFFF]  }
0x209: {  	v18 =	vld [tilespmem:s0+$0x0];
	_ =	sdelay $0x2  }
0x20a: {  	p1 =	sne.s32 s3, $0x1  }
.Ltmp40:
0x20b: {  	v19 =	vsub.s32 v17, v9;
	v20 =	vshll.u32 v17, $0x3;
	v21 =	vshrl.u32 v17, $0x5;
	(pc) =	sbr.rel @!p1 .LBB2_60-.Ltmp40, $4  }
0x20c: {  	v22 =	vand.u32 $0x7F, v17;
	vm1 =	vne.s32 v17, v18;
	v20 =	vand.u32 $0x7C00, v20  }
0x20d: {  	vm0 =	vlt.u32 v19, $0x8000;
	v19 =	vand.u32 $0xFFFF8000, v19;
	v20 =	vor.u32 v22, v20  }
0x20e: {  	s1 =	simm.s32 $0x2080;
	v18 =	vand.u32 $0x380, v21;
	vm0 =	vmand vm0, vm1;
	v19 =	vor.u32 v19, v20  }
0x20f: {  	s2 =	sadd.s32 $0xFFFFFFFF, s3;
	v17 =	vld [tilespmem:s1+$0x0];
	v18 =	vor.u32 v18, v19  }
.LBB2_59:
0x210: {  	_ =	sdelay $0x3  }
0x211: {  	p1 =	sne.s32 s2, $0x1;
	s0 =	sadd.s32 $0x10, s0;
	s1 =	sadd.s32 $0x10, s1;
	[tilespmem:v18+s29+$0x0] =	vst.idx.msk vm0, v17  }
0x212: {  	s2 =	sadd.s32 $0xFFFFFFFF, s2;
	v17 =	vld [tilespmem:s0+$0xFFFFFFFF];
	_ =	sdelay $0x1  }
0x213: {  	v18 =	vld [tilespmem:s0+$0x0];
	_ =	sdelay $0x2  }
.Ltmp41:
0x214: {  	v19 =	vsub.s32 v17, v9;
	v20 =	vshll.u32 v17, $0x3;
	v21 =	vshrl.u32 v17, $0x5;
	(pc) =	sbr.rel @p1 .LBB2_59-.Ltmp41, $4  }
0x215: {  	v22 =	vand.u32 $0x7F, v17;
	vm0 =	vlt.u32 v19, $0x8000;
	v20 =	vand.u32 $0x7C00, v20  }
0x216: {  	vm1 =	vne.s32 v17, v18;
	v17 =	vand.u32 $0xFFFF8000, v19;
	v18 =	vor.u32 v22, v20  }
0x217: {  	v19 =	vand.u32 $0x380, v21;
	vm0 =	vmand vm0, vm1;
	v18 =	vor.u32 v17, v18  }
0x218: {  	v17 =	vld [tilespmem:s1+$0x0];
	v18 =	vor.u32 v19, v18  }
.LBB2_60:
0x219: {  	_ =	sdelay $0x4  }
0x21a: {  	[tilespmem:v18+s29+$0x0] =	vst.idx.msk vm0, v17  }
.LBB2_61:
0x21b: {  	s0 =	simm.s32 $0x0  }
0x21c: {  	[hbm4b:s17+s0] =	stream.linear.scatter [tilespmem:s29], [sflag:$0x2], $0x8000, $0x38;
	[tilespmem:$0x14180] =	vst v63  }
0x21d: {  	s1 =	sand.u32 $0x1F000, s0;
	_ =	swait.ge [sflag:s30], $0x8000  }
0x21e: {  	s0 =	sand.u32 $0x380, s0;
	s1 =	sshrl.u32 s1, $0x2;
	[sflag:s30] =	ssyncset.done $0x0  }
0x21f: {  	s0 =	sor.u32 s0, s1;
	[sflag:s30] =	ssyncadd.s32 $0xFFFF8000  }
0x220: {  	[tilespmem:s0+$0x4170] =	vst v16  }
0x221: {  	[tilespmem:s0+$0x4100] =	vst v16  }
0x222: {  	[tilespmem:s0+$0x4110] =	vst v16  }
0x223: {  	[tilespmem:s0+$0x4120] =	vst v16  }
0x224: {  	s26 =	simm.s32 $0x1000;
	[tilespmem:s0+$0x4130] =	vst v16  }
0x225: {  	s2 =	simm.s32 $0x4;
	s4 =	sand.u32 $0x1F000, s26;
	s1 =	simm.s32 $0x2000;
	[tilespmem:s0+$0x4140] =	vst v16  }
.LBB2_62:
0x226: {  	p1 =	sne.s32 s1, $0xFF000;
	s24 =	sand.u32 $0x380, s2;
	s4 =	sshrl.u32 s4, $0x2;
	[tilespmem:s0+$0x4150] =	vst v16  }
0x227: {  	[tilespmem:s0+$0x4160] =	vst v16;
	s0 =	sor.u32 s24, s4  }
0x228: {  	[tilespmem:s0+$0x4170] =	vst v16  }
.Ltmp42:
0x229: {  	[tilespmem:s0+$0x4100] =	vst v16;
	(pc) =	sbr.rel @p1 .LBB2_62-.Ltmp42, $4  }
0x22a: {  	[tilespmem:s0+$0x4110] =	vst v16  }
0x22b: {  	[tilespmem:s0+$0x4120] =	vst v16  }
0x22c: {  	[tilespmem:s0+$0x4130] =	vst v16  }
0x22d: {  	s2 =	sadd.s32 $0x4, s2;
	s4 =	sand.u32 $0x1F000, s1;
	s1 =	sadd.s32 $0x1000, s1;
	[tilespmem:s0+$0x4140] =	vst v16  }
0x22e: {  	s1 =	sand.u32 $0x380, s2;
	s26 =	sshrl.u32 s4, $0x2;
	[tilespmem:s0+$0x4150] =	vst v16  }
0x22f: {  	[tilespmem:s0+$0x4160] =	vst v16;
	s1 =	sor.u32 s1, s26  }
0x230: {  	[tilespmem:s1+$0x4170] =	vst v16  }
0x231: {  	[tilespmem:s1+$0x4100] =	vst v16  }
0x232: {  	[tilespmem:s1+$0x4110] =	vst v16  }
.Ltmp43:
0x233: {  	[tilespmem:s1+$0x4120] =	vst v16;
	(pc) =	sbr.rel @p0 .LBB2_67-.Ltmp43, $4  }
0x234: {  	[tilespmem:s1+$0x4130] =	vst v16  }
0x235: {  	[tilespmem:s1+$0x4140] =	vst v16  }
0x236: {  	[tilespmem:s1+$0x4150] =	vst v16  }
0x237: {  	[tilespmem:s1+$0x4160] =	vst v16  }
0x238: {  	s0 =	simm.s32 $0x1  }
0x239: {  	v17 =	vld [tilespmem:s0+$0xFFFFFFFF]  }
0x23a: {  	v18 =	vld [tilespmem:s0+$0x0];
	_ =	sdelay $0x2  }
0x23b: {  	p1 =	sne.s32 s3, $0x1  }
.Ltmp44:
0x23c: {  	v19 =	vsub.s32 v17, v10;
	v20 =	vshll.u32 v17, $0x3;
	v21 =	vshrl.u32 v17, $0x5;
	(pc) =	sbr.rel @!p1 .LBB2_66-.Ltmp44, $4  }
0x23d: {  	v22 =	vand.u32 $0x7F, v17;
	vm1 =	vne.s32 v17, v18;
	v20 =	vand.u32 $0x7C00, v20  }
0x23e: {  	vm0 =	vlt.u32 v19, $0x8000;
	v19 =	vand.u32 $0xFFFF8000, v19;
	v20 =	vor.u32 v22, v20  }
0x23f: {  	s1 =	simm.s32 $0x2080;
	v18 =	vand.u32 $0x380, v21;
	vm0 =	vmand vm0, vm1;
	v19 =	vor.u32 v19, v20  }
0x240: {  	s2 =	sadd.s32 $0xFFFFFFFF, s3;
	v17 =	vld [tilespmem:s1+$0x0];
	v18 =	vor.u32 v18, v19  }
.LBB2_65:
0x241: {  	_ =	sdelay $0x3  }
0x242: {  	p1 =	sne.s32 s2, $0x1;
	s0 =	sadd.s32 $0x10, s0;
	s1 =	sadd.s32 $0x10, s1;
	[tilespmem:v18+s28+$0x0] =	vst.idx.msk vm0, v17  }
0x243: {  	s2 =	sadd.s32 $0xFFFFFFFF, s2;
	v17 =	vld [tilespmem:s0+$0xFFFFFFFF];
	_ =	sdelay $0x1  }
0x244: {  	v18 =	vld [tilespmem:s0+$0x0];
	_ =	sdelay $0x2  }
.Ltmp45:
0x245: {  	v19 =	vsub.s32 v17, v10;
	v20 =	vshll.u32 v17, $0x3;
	v21 =	vshrl.u32 v17, $0x5;
	(pc) =	sbr.rel @p1 .LBB2_65-.Ltmp45, $4  }
0x246: {  	v22 =	vand.u32 $0x7F, v17;
	vm0 =	vlt.u32 v19, $0x8000;
	v20 =	vand.u32 $0x7C00, v20  }
0x247: {  	vm1 =	vne.s32 v17, v18;
	v17 =	vand.u32 $0xFFFF8000, v19;
	v18 =	vor.u32 v22, v20  }
0x248: {  	v19 =	vand.u32 $0x380, v21;
	vm0 =	vmand vm0, vm1;
	v18 =	vor.u32 v17, v18  }
0x249: {  	v17 =	vld [tilespmem:s1+$0x0];
	v18 =	vor.u32 v19, v18  }
.LBB2_66:
0x24a: {  	_ =	sdelay $0x4  }
0x24b: {  	[tilespmem:v18+s28+$0x0] =	vst.idx.msk vm0, v17  }
.LBB2_67:
0x24c: {  	s0 =	simm.s32 $0x0  }
0x24d: {  	[hbm4b:s18+s0] =	stream.linear.scatter [tilespmem:s28], [sflag:$0x2], $0x8000, $0x38;
	[tilespmem:$0x14180] =	vst v63  }
0x24e: {  	s1 =	sand.u32 $0x1F000, s0;
	_ =	swait.ge [sflag:s30], $0x8000  }
0x24f: {  	s0 =	sand.u32 $0x380, s0;
	s1 =	sshrl.u32 s1, $0x2;
	[sflag:s30] =	ssyncset.done $0x0  }
0x250: {  	s0 =	sor.u32 s0, s1;
	[sflag:s30] =	ssyncadd.s32 $0xFFFF8000  }
0x251: {  	[tilespmem:s0+$0xC170] =	vst v16  }
0x252: {  	[tilespmem:s0+$0xC100] =	vst v16  }
0x253: {  	[tilespmem:s0+$0xC110] =	vst v16  }
0x254: {  	[tilespmem:s0+$0xC120] =	vst v16  }
0x255: {  	s26 =	simm.s32 $0x1000;
	[tilespmem:s0+$0xC130] =	vst v16  }
0x256: {  	s2 =	simm.s32 $0x4;
	s4 =	sand.u32 $0x1F000, s26;
	s1 =	simm.s32 $0x2000;
	[tilespmem:s0+$0xC140] =	vst v16  }
.LBB2_68:
0x257: {  	p1 =	sne.s32 s1, $0xFF000;
	s24 =	sand.u32 $0x380, s2;
	s4 =	sshrl.u32 s4, $0x2;
	[tilespmem:s0+$0xC150] =	vst v16  }
0x258: {  	[tilespmem:s0+$0xC160] =	vst v16;
	s0 =	sor.u32 s24, s4  }
0x259: {  	[tilespmem:s0+$0xC170] =	vst v16  }
.Ltmp46:
0x25a: {  	[tilespmem:s0+$0xC100] =	vst v16;
	(pc) =	sbr.rel @p1 .LBB2_68-.Ltmp46, $4  }
0x25b: {  	[tilespmem:s0+$0xC110] =	vst v16  }
0x25c: {  	[tilespmem:s0+$0xC120] =	vst v16  }
0x25d: {  	[tilespmem:s0+$0xC130] =	vst v16  }
0x25e: {  	s2 =	sadd.s32 $0x4, s2;
	s4 =	sand.u32 $0x1F000, s1;
	s1 =	sadd.s32 $0x1000, s1;
	[tilespmem:s0+$0xC140] =	vst v16  }
0x25f: {  	s1 =	sand.u32 $0x380, s2;
	s26 =	sshrl.u32 s4, $0x2;
	[tilespmem:s0+$0xC150] =	vst v16  }
0x260: {  	[tilespmem:s0+$0xC160] =	vst v16;
	s1 =	sor.u32 s1, s26  }
0x261: {  	[tilespmem:s1+$0xC170] =	vst v16  }
0x262: {  	[tilespmem:s1+$0xC100] =	vst v16  }
0x263: {  	[tilespmem:s1+$0xC110] =	vst v16  }
.Ltmp47:
0x264: {  	[tilespmem:s1+$0xC120] =	vst v16;
	(pc) =	sbr.rel @p0 .LBB2_73-.Ltmp47, $4  }
0x265: {  	[tilespmem:s1+$0xC130] =	vst v16  }
0x266: {  	[tilespmem:s1+$0xC140] =	vst v16  }
0x267: {  	[tilespmem:s1+$0xC150] =	vst v16  }
0x268: {  	[tilespmem:s1+$0xC160] =	vst v16  }
0x269: {  	s0 =	simm.s32 $0x1  }
0x26a: {  	v17 =	vld [tilespmem:s0+$0xFFFFFFFF]  }
0x26b: {  	v18 =	vld [tilespmem:s0+$0x0];
	_ =	sdelay $0x2  }
0x26c: {  	p1 =	sne.s32 s3, $0x1  }
.Ltmp48:
0x26d: {  	v19 =	vsub.s32 v17, v11;
	v20 =	vshll.u32 v17, $0x3;
	v21 =	vshrl.u32 v17, $0x5;
	(pc) =	sbr.rel @!p1 .LBB2_72-.Ltmp48, $4  }
0x26e: {  	v22 =	vand.u32 $0x7F, v17;
	vm1 =	vne.s32 v17, v18;
	v20 =	vand.u32 $0x7C00, v20  }
0x26f: {  	vm0 =	vlt.u32 v19, $0x8000;
	v19 =	vand.u32 $0xFFFF8000, v19;
	v20 =	vor.u32 v22, v20  }
0x270: {  	s1 =	simm.s32 $0x2080;
	v18 =	vand.u32 $0x380, v21;
	vm0 =	vmand vm0, vm1;
	v19 =	vor.u32 v19, v20  }
0x271: {  	s2 =	sadd.s32 $0xFFFFFFFF, s3;
	v17 =	vld [tilespmem:s1+$0x0];
	v18 =	vor.u32 v18, v19  }
.LBB2_71:
0x272: {  	_ =	sdelay $0x3  }
0x273: {  	p1 =	sne.s32 s2, $0x1;
	s0 =	sadd.s32 $0x10, s0;
	s1 =	sadd.s32 $0x10, s1;
	[tilespmem:v18+s29+$0x0] =	vst.idx.msk vm0, v17  }
0x274: {  	s2 =	sadd.s32 $0xFFFFFFFF, s2;
	v17 =	vld [tilespmem:s0+$0xFFFFFFFF];
	_ =	sdelay $0x1  }
0x275: {  	v18 =	vld [tilespmem:s0+$0x0];
	_ =	sdelay $0x2  }
.Ltmp49:
0x276: {  	v19 =	vsub.s32 v17, v11;
	v20 =	vshll.u32 v17, $0x3;
	v21 =	vshrl.u32 v17, $0x5;
	(pc) =	sbr.rel @p1 .LBB2_71-.Ltmp49, $4  }
0x277: {  	v22 =	vand.u32 $0x7F, v17;
	vm0 =	vlt.u32 v19, $0x8000;
	v20 =	vand.u32 $0x7C00, v20  }
0x278: {  	vm1 =	vne.s32 v17, v18;
	v17 =	vand.u32 $0xFFFF8000, v19;
	v18 =	vor.u32 v22, v20  }
0x279: {  	v19 =	vand.u32 $0x380, v21;
	vm0 =	vmand vm0, vm1;
	v18 =	vor.u32 v17, v18  }
0x27a: {  	v17 =	vld [tilespmem:s1+$0x0];
	v18 =	vor.u32 v19, v18  }
.LBB2_72:
0x27b: {  	_ =	sdelay $0x4  }
0x27c: {  	[tilespmem:v18+s29+$0x0] =	vst.idx.msk vm0, v17  }
.LBB2_73:
0x27d: {  	s0 =	simm.s32 $0x0  }
0x27e: {  	[hbm4b:s19+s0] =	stream.linear.scatter [tilespmem:s29], [sflag:$0x2], $0x8000, $0x38;
	[tilespmem:$0x14180] =	vst v63  }
0x27f: {  	s1 =	sand.u32 $0x1F000, s0;
	_ =	swait.ge [sflag:s30], $0x8000  }
0x280: {  	s0 =	sand.u32 $0x380, s0;
	s1 =	sshrl.u32 s1, $0x2;
	[sflag:s30] =	ssyncset.done $0x0  }
0x281: {  	s0 =	sor.u32 s0, s1;
	[sflag:s30] =	ssyncadd.s32 $0xFFFF8000  }
0x282: {  	[tilespmem:s0+$0x4170] =	vst v16  }
0x283: {  	[tilespmem:s0+$0x4100] =	vst v16  }
0x284: {  	[tilespmem:s0+$0x4110] =	vst v16  }
0x285: {  	[tilespmem:s0+$0x4120] =	vst v16  }
0x286: {  	s26 =	simm.s32 $0x1000;
	[tilespmem:s0+$0x4130] =	vst v16  }
0x287: {  	s2 =	simm.s32 $0x4;
	s4 =	sand.u32 $0x1F000, s26;
	s1 =	simm.s32 $0x2000;
	[tilespmem:s0+$0x4140] =	vst v16  }
.LBB2_74:
0x288: {  	p1 =	sne.s32 s1, $0xFF000;
	s24 =	sand.u32 $0x380, s2;
	s4 =	sshrl.u32 s4, $0x2;
	[tilespmem:s0+$0x4150] =	vst v16  }
0x289: {  	[tilespmem:s0+$0x4160] =	vst v16;
	s0 =	sor.u32 s24, s4  }
0x28a: {  	[tilespmem:s0+$0x4170] =	vst v16  }
.Ltmp50:
0x28b: {  	[tilespmem:s0+$0x4100] =	vst v16;
	(pc) =	sbr.rel @p1 .LBB2_74-.Ltmp50, $4  }
0x28c: {  	[tilespmem:s0+$0x4110] =	vst v16  }
0x28d: {  	[tilespmem:s0+$0x4120] =	vst v16  }
0x28e: {  	[tilespmem:s0+$0x4130] =	vst v16  }
0x28f: {  	s2 =	sadd.s32 $0x4, s2;
	s4 =	sand.u32 $0x1F000, s1;
	s1 =	sadd.s32 $0x1000, s1;
	[tilespmem:s0+$0x4140] =	vst v16  }
0x290: {  	s1 =	sand.u32 $0x380, s2;
	s26 =	sshrl.u32 s4, $0x2;
	[tilespmem:s0+$0x4150] =	vst v16  }
0x291: {  	[tilespmem:s0+$0x4160] =	vst v16;
	s1 =	sor.u32 s1, s26  }
0x292: {  	[tilespmem:s1+$0x4170] =	vst v16  }
0x293: {  	[tilespmem:s1+$0x4100] =	vst v16  }
0x294: {  	[tilespmem:s1+$0x4110] =	vst v16  }
.Ltmp51:
0x295: {  	[tilespmem:s1+$0x4120] =	vst v16;
	(pc) =	sbr.rel @p0 .LBB2_79-.Ltmp51, $4  }
0x296: {  	[tilespmem:s1+$0x4130] =	vst v16  }
0x297: {  	[tilespmem:s1+$0x4140] =	vst v16  }
0x298: {  	[tilespmem:s1+$0x4150] =	vst v16  }
0x299: {  	[tilespmem:s1+$0x4160] =	vst v16  }
0x29a: {  	s0 =	simm.s32 $0x1  }
0x29b: {  	v17 =	vld [tilespmem:s0+$0xFFFFFFFF]  }
0x29c: {  	v18 =	vld [tilespmem:s0+$0x0];
	_ =	sdelay $0x2  }
0x29d: {  	p1 =	sne.s32 s3, $0x1  }
.Ltmp52:
0x29e: {  	v19 =	vsub.s32 v17, v12;
	v20 =	vshll.u32 v17, $0x3;
	v21 =	vshrl.u32 v17, $0x5;
	(pc) =	sbr.rel @!p1 .LBB2_78-.Ltmp52, $4  }
0x29f: {  	v22 =	vand.u32 $0x7F, v17;
	vm1 =	vne.s32 v17, v18;
	v20 =	vand.u32 $0x7C00, v20  }
0x2a0: {  	vm0 =	vlt.u32 v19, $0x8000;
	v19 =	vand.u32 $0xFFFF8000, v19;
	v20 =	vor.u32 v22, v20  }
0x2a1: {  	s1 =	simm.s32 $0x2080;
	v18 =	vand.u32 $0x380, v21;
	vm0 =	vmand vm0, vm1;
	v19 =	vor.u32 v19, v20  }
0x2a2: {  	s2 =	sadd.s32 $0xFFFFFFFF, s3;
	v17 =	vld [tilespmem:s1+$0x0];
	v18 =	vor.u32 v18, v19  }
.LBB2_77:
0x2a3: {  	_ =	sdelay $0x3  }
0x2a4: {  	p1 =	sne.s32 s2, $0x1;
	s0 =	sadd.s32 $0x10, s0;
	s1 =	sadd.s32 $0x10, s1;
	[tilespmem:v18+s28+$0x0] =	vst.idx.msk vm0, v17  }
0x2a5: {  	s2 =	sadd.s32 $0xFFFFFFFF, s2;
	v17 =	vld [tilespmem:s0+$0xFFFFFFFF];
	_ =	sdelay $0x1  }
0x2a6: {  	v18 =	vld [tilespmem:s0+$0x0];
	_ =	sdelay $0x2  }
.Ltmp53:
0x2a7: {  	v19 =	vsub.s32 v17, v12;
	v20 =	vshll.u32 v17, $0x3;
	v21 =	vshrl.u32 v17, $0x5;
	(pc) =	sbr.rel @p1 .LBB2_77-.Ltmp53, $4  }
0x2a8: {  	v22 =	vand.u32 $0x7F, v17;
	vm0 =	vlt.u32 v19, $0x8000;
	v20 =	vand.u32 $0x7C00, v20  }
0x2a9: {  	vm1 =	vne.s32 v17, v18;
	v17 =	vand.u32 $0xFFFF8000, v19;
	v18 =	vor.u32 v22, v20  }
0x2aa: {  	v19 =	vand.u32 $0x380, v21;
	vm0 =	vmand vm0, vm1;
	v18 =	vor.u32 v17, v18  }
0x2ab: {  	v17 =	vld [tilespmem:s1+$0x0];
	v18 =	vor.u32 v19, v18  }
.LBB2_78:
0x2ac: {  	_ =	sdelay $0x4  }
0x2ad: {  	[tilespmem:v18+s28+$0x0] =	vst.idx.msk vm0, v17  }
.LBB2_79:
0x2ae: {  	s0 =	simm.s32 $0x0  }
0x2af: {  	[hbm4b:s20+s0] =	stream.linear.scatter [tilespmem:s28], [sflag:$0x2], $0x8000, $0x38;
	[tilespmem:$0x14180] =	vst v63  }
0x2b0: {  	s1 =	sand.u32 $0x1F000, s0;
	_ =	swait.ge [sflag:s30], $0x8000  }
0x2b1: {  	s0 =	sand.u32 $0x380, s0;
	s1 =	sshrl.u32 s1, $0x2;
	[sflag:s30] =	ssyncset.done $0x0  }
0x2b2: {  	s0 =	sor.u32 s0, s1;
	[sflag:s30] =	ssyncadd.s32 $0xFFFF8000  }
0x2b3: {  	[tilespmem:s0+$0xC170] =	vst v16  }
0x2b4: {  	[tilespmem:s0+$0xC100] =	vst v16  }
0x2b5: {  	[tilespmem:s0+$0xC110] =	vst v16  }
0x2b6: {  	[tilespmem:s0+$0xC120] =	vst v16  }
0x2b7: {  	s26 =	simm.s32 $0x1000;
	[tilespmem:s0+$0xC130] =	vst v16  }
0x2b8: {  	s2 =	simm.s32 $0x4;
	s4 =	sand.u32 $0x1F000, s26;
	s1 =	simm.s32 $0x2000;
	[tilespmem:s0+$0xC140] =	vst v16  }
.LBB2_80:
0x2b9: {  	p1 =	sne.s32 s1, $0xFF000;
	s24 =	sand.u32 $0x380, s2;
	s4 =	sshrl.u32 s4, $0x2;
	[tilespmem:s0+$0xC150] =	vst v16  }
0x2ba: {  	[tilespmem:s0+$0xC160] =	vst v16;
	s0 =	sor.u32 s24, s4  }
0x2bb: {  	[tilespmem:s0+$0xC170] =	vst v16  }
.Ltmp54:
0x2bc: {  	[tilespmem:s0+$0xC100] =	vst v16;
	(pc) =	sbr.rel @p1 .LBB2_80-.Ltmp54, $4  }
0x2bd: {  	[tilespmem:s0+$0xC110] =	vst v16  }
0x2be: {  	[tilespmem:s0+$0xC120] =	vst v16  }
0x2bf: {  	[tilespmem:s0+$0xC130] =	vst v16  }
0x2c0: {  	s2 =	sadd.s32 $0x4, s2;
	s4 =	sand.u32 $0x1F000, s1;
	s1 =	sadd.s32 $0x1000, s1;
	[tilespmem:s0+$0xC140] =	vst v16  }
0x2c1: {  	s1 =	sand.u32 $0x380, s2;
	s26 =	sshrl.u32 s4, $0x2;
	[tilespmem:s0+$0xC150] =	vst v16  }
0x2c2: {  	[tilespmem:s0+$0xC160] =	vst v16;
	s1 =	sor.u32 s1, s26  }
0x2c3: {  	[tilespmem:s1+$0xC170] =	vst v16  }
0x2c4: {  	[tilespmem:s1+$0xC100] =	vst v16  }
0x2c5: {  	[tilespmem:s1+$0xC110] =	vst v16  }
.Ltmp55:
0x2c6: {  	[tilespmem:s1+$0xC120] =	vst v16;
	(pc) =	sbr.rel @p0 .LBB2_85-.Ltmp55, $4  }
0x2c7: {  	[tilespmem:s1+$0xC130] =	vst v16  }
0x2c8: {  	[tilespmem:s1+$0xC140] =	vst v16  }
0x2c9: {  	[tilespmem:s1+$0xC150] =	vst v16  }
0x2ca: {  	[tilespmem:s1+$0xC160] =	vst v16  }
0x2cb: {  	s0 =	simm.s32 $0x1  }
0x2cc: {  	v17 =	vld [tilespmem:s0+$0xFFFFFFFF]  }
0x2cd: {  	v18 =	vld [tilespmem:s0+$0x0];
	_ =	sdelay $0x2  }
0x2ce: {  	p1 =	sne.s32 s3, $0x1  }
.Ltmp56:
0x2cf: {  	v19 =	vsub.s32 v17, v13;
	v20 =	vshll.u32 v17, $0x3;
	v21 =	vshrl.u32 v17, $0x5;
	(pc) =	sbr.rel @!p1 .LBB2_84-.Ltmp56, $4  }
0x2d0: {  	v22 =	vand.u32 $0x7F, v17;
	vm1 =	vne.s32 v17, v18;
	v20 =	vand.u32 $0x7C00, v20  }
0x2d1: {  	vm0 =	vlt.u32 v19, $0x8000;
	v19 =	vand.u32 $0xFFFF8000, v19;
	v20 =	vor.u32 v22, v20  }
0x2d2: {  	s1 =	simm.s32 $0x2080;
	v18 =	vand.u32 $0x380, v21;
	vm0 =	vmand vm0, vm1;
	v19 =	vor.u32 v19, v20  }
0x2d3: {  	s2 =	sadd.s32 $0xFFFFFFFF, s3;
	v17 =	vld [tilespmem:s1+$0x0];
	v18 =	vor.u32 v18, v19  }
.LBB2_83:
0x2d4: {  	_ =	sdelay $0x3  }
0x2d5: {  	p1 =	sne.s32 s2, $0x1;
	s0 =	sadd.s32 $0x10, s0;
	s1 =	sadd.s32 $0x10, s1;
	[tilespmem:v18+s29+$0x0] =	vst.idx.msk vm0, v17  }
0x2d6: {  	s2 =	sadd.s32 $0xFFFFFFFF, s2;
	v17 =	vld [tilespmem:s0+$0xFFFFFFFF];
	_ =	sdelay $0x1  }
0x2d7: {  	v18 =	vld [tilespmem:s0+$0x0];
	_ =	sdelay $0x2  }
.Ltmp57:
0x2d8: {  	v19 =	vsub.s32 v17, v13;
	v20 =	vshll.u32 v17, $0x3;
	v21 =	vshrl.u32 v17, $0x5;
	(pc) =	sbr.rel @p1 .LBB2_83-.Ltmp57, $4  }
0x2d9: {  	v22 =	vand.u32 $0x7F, v17;
	vm0 =	vlt.u32 v19, $0x8000;
	v20 =	vand.u32 $0x7C00, v20  }
0x2da: {  	vm1 =	vne.s32 v17, v18;
	v17 =	vand.u32 $0xFFFF8000, v19;
	v18 =	vor.u32 v22, v20  }
0x2db: {  	v19 =	vand.u32 $0x380, v21;
	vm0 =	vmand vm0, vm1;
	v18 =	vor.u32 v17, v18  }
0x2dc: {  	v17 =	vld [tilespmem:s1+$0x0];
	v18 =	vor.u32 v19, v18  }
.LBB2_84:
0x2dd: {  	_ =	sdelay $0x4  }
0x2de: {  	[tilespmem:v18+s29+$0x0] =	vst.idx.msk vm0, v17  }
.LBB2_85:
0x2df: {  	s0 =	simm.s32 $0x0  }
0x2e0: {  	[hbm4b:s21+s0] =	stream.linear.scatter [tilespmem:s29], [sflag:$0x2], $0x8000, $0x38;
	[tilespmem:$0x14180] =	vst v63  }
0x2e1: {  	s1 =	sand.u32 $0x1F000, s0;
	_ =	swait.ge [sflag:s30], $0x8000  }
0x2e2: {  	s0 =	sand.u32 $0x380, s0;
	s1 =	sshrl.u32 s1, $0x2;
	[sflag:s30] =	ssyncset.done $0x0  }
0x2e3: {  	s0 =	sor.u32 s0, s1;
	[sflag:s30] =	ssyncadd.s32 $0xFFFF8000  }
0x2e4: {  	[tilespmem:s0+$0x4170] =	vst v16  }
0x2e5: {  	[tilespmem:s0+$0x4100] =	vst v16  }
0x2e6: {  	[tilespmem:s0+$0x4110] =	vst v16  }
0x2e7: {  	[tilespmem:s0+$0x4120] =	vst v16  }
0x2e8: {  	s26 =	simm.s32 $0x1000;
	[tilespmem:s0+$0x4130] =	vst v16  }
0x2e9: {  	s2 =	simm.s32 $0x4;
	s4 =	sand.u32 $0x1F000, s26;
	s1 =	simm.s32 $0x2000;
	[tilespmem:s0+$0x4140] =	vst v16  }
.LBB2_86:
0x2ea: {  	p1 =	sne.s32 s1, $0xFF000;
	s24 =	sand.u32 $0x380, s2;
	s4 =	sshrl.u32 s4, $0x2;
	[tilespmem:s0+$0x4150] =	vst v16  }
0x2eb: {  	[tilespmem:s0+$0x4160] =	vst v16;
	s0 =	sor.u32 s24, s4  }
0x2ec: {  	[tilespmem:s0+$0x4170] =	vst v16  }
.Ltmp58:
0x2ed: {  	[tilespmem:s0+$0x4100] =	vst v16;
	(pc) =	sbr.rel @p1 .LBB2_86-.Ltmp58, $4  }
0x2ee: {  	[tilespmem:s0+$0x4110] =	vst v16  }
0x2ef: {  	[tilespmem:s0+$0x4120] =	vst v16  }
0x2f0: {  	[tilespmem:s0+$0x4130] =	vst v16  }
0x2f1: {  	s2 =	sadd.s32 $0x4, s2;
	s4 =	sand.u32 $0x1F000, s1;
	s1 =	sadd.s32 $0x1000, s1;
	[tilespmem:s0+$0x4140] =	vst v16  }
0x2f2: {  	s1 =	sand.u32 $0x380, s2;
	s26 =	sshrl.u32 s4, $0x2;
	[tilespmem:s0+$0x4150] =	vst v16  }
0x2f3: {  	[tilespmem:s0+$0x4160] =	vst v16;
	s1 =	sor.u32 s1, s26  }
0x2f4: {  	[tilespmem:s1+$0x4170] =	vst v16  }
0x2f5: {  	[tilespmem:s1+$0x4100] =	vst v16  }
0x2f6: {  	[tilespmem:s1+$0x4110] =	vst v16  }
.Ltmp59:
0x2f7: {  	[tilespmem:s1+$0x4120] =	vst v16;
	(pc) =	sbr.rel @p0 .LBB2_91-.Ltmp59, $4  }
0x2f8: {  	[tilespmem:s1+$0x4130] =	vst v16  }
0x2f9: {  	[tilespmem:s1+$0x4140] =	vst v16  }
0x2fa: {  	[tilespmem:s1+$0x4150] =	vst v16  }
0x2fb: {  	[tilespmem:s1+$0x4160] =	vst v16  }
0x2fc: {  	s0 =	simm.s32 $0x1  }
0x2fd: {  	v17 =	vld [tilespmem:s0+$0xFFFFFFFF]  }
0x2fe: {  	v18 =	vld [tilespmem:s0+$0x0];
	_ =	sdelay $0x2  }
0x2ff: {  	p1 =	sne.s32 s3, $0x1  }
.Ltmp60:
0x300: {  	v19 =	vsub.s32 v17, v14;
	v20 =	vshll.u32 v17, $0x3;
	v21 =	vshrl.u32 v17, $0x5;
	(pc) =	sbr.rel @!p1 .LBB2_90-.Ltmp60, $4  }
0x301: {  	v22 =	vand.u32 $0x7F, v17;
	vm1 =	vne.s32 v17, v18;
	v20 =	vand.u32 $0x7C00, v20  }
0x302: {  	vm0 =	vlt.u32 v19, $0x8000;
	v19 =	vand.u32 $0xFFFF8000, v19;
	v20 =	vor.u32 v22, v20  }
0x303: {  	s1 =	simm.s32 $0x2080;
	v18 =	vand.u32 $0x380, v21;
	vm0 =	vmand vm0, vm1;
	v19 =	vor.u32 v19, v20  }
0x304: {  	s2 =	sadd.s32 $0xFFFFFFFF, s3;
	v17 =	vld [tilespmem:s1+$0x0];
	v18 =	vor.u32 v18, v19  }
.LBB2_89:
0x305: {  	_ =	sdelay $0x3  }
0x306: {  	p1 =	sne.s32 s2, $0x1;
	s0 =	sadd.s32 $0x10, s0;
	s1 =	sadd.s32 $0x10, s1;
	[tilespmem:v18+s28+$0x0] =	vst.idx.msk vm0, v17  }
0x307: {  	s2 =	sadd.s32 $0xFFFFFFFF, s2;
	v17 =	vld [tilespmem:s0+$0xFFFFFFFF];
	_ =	sdelay $0x1  }
0x308: {  	v18 =	vld [tilespmem:s0+$0x0];
	_ =	sdelay $0x2  }
.Ltmp61:
0x309: {  	v19 =	vsub.s32 v17, v14;
	v20 =	vshll.u32 v17, $0x3;
	v21 =	vshrl.u32 v17, $0x5;
	(pc) =	sbr.rel @p1 .LBB2_89-.Ltmp61, $4  }
0x30a: {  	v22 =	vand.u32 $0x7F, v17;
	vm0 =	vlt.u32 v19, $0x8000;
	v20 =	vand.u32 $0x7C00, v20  }
0x30b: {  	vm1 =	vne.s32 v17, v18;
	v17 =	vand.u32 $0xFFFF8000, v19;
	v18 =	vor.u32 v22, v20  }
0x30c: {  	v19 =	vand.u32 $0x380, v21;
	vm0 =	vmand vm0, vm1;
	v18 =	vor.u32 v17, v18  }
0x30d: {  	v17 =	vld [tilespmem:s1+$0x0];
	v18 =	vor.u32 v19, v18  }
.LBB2_90:
0x30e: {  	_ =	sdelay $0x4  }
0x30f: {  	[tilespmem:v18+s28+$0x0] =	vst.idx.msk vm0, v17  }
.LBB2_91:
0x310: {  	s0 =	simm.s32 $0x0  }
0x311: {  	[hbm4b:s22+s0] =	stream.linear.scatter [tilespmem:s28], [sflag:$0x2], $0x8000, $0x38;
	[tilespmem:$0x14180] =	vst v63  }
0x312: {  	s1 =	sand.u32 $0x1F000, s0;
	_ =	swait.ge [sflag:s30], $0x8000  }
0x313: {  	s0 =	sand.u32 $0x380, s0;
	s1 =	sshrl.u32 s1, $0x2;
	[sflag:s30] =	ssyncset.done $0x0  }
0x314: {  	s0 =	sor.u32 s0, s1;
	[sflag:s30] =	ssyncadd.s32 $0xFFFF8000  }
0x315: {  	[tilespmem:s0+$0xC170] =	vst v16  }
0x316: {  	[tilespmem:s0+$0xC100] =	vst v16  }
0x317: {  	[tilespmem:s0+$0xC110] =	vst v16  }
0x318: {  	[tilespmem:s0+$0xC120] =	vst v16  }
0x319: {  	s26 =	simm.s32 $0x1000;
	[tilespmem:s0+$0xC130] =	vst v16  }
0x31a: {  	s2 =	simm.s32 $0x4;
	s4 =	sand.u32 $0x1F000, s26;
	s1 =	simm.s32 $0x2000;
	[tilespmem:s0+$0xC140] =	vst v16  }
.LBB2_92:
0x31b: {  	p1 =	sne.s32 s1, $0xFF000;
	s24 =	sand.u32 $0x380, s2;
	s4 =	sshrl.u32 s4, $0x2;
	[tilespmem:s0+$0xC150] =	vst v16  }
0x31c: {  	[tilespmem:s0+$0xC160] =	vst v16;
	s0 =	sor.u32 s24, s4  }
0x31d: {  	[tilespmem:s0+$0xC170] =	vst v16  }
.Ltmp62:
0x31e: {  	[tilespmem:s0+$0xC100] =	vst v16;
	(pc) =	sbr.rel @p1 .LBB2_92-.Ltmp62, $4  }
0x31f: {  	[tilespmem:s0+$0xC110] =	vst v16  }
0x320: {  	[tilespmem:s0+$0xC120] =	vst v16  }
0x321: {  	[tilespmem:s0+$0xC130] =	vst v16  }
0x322: {  	s2 =	sadd.s32 $0x4, s2;
	s4 =	sand.u32 $0x1F000, s1;
	s1 =	sadd.s32 $0x1000, s1;
	[tilespmem:s0+$0xC140] =	vst v16  }
0x323: {  	s1 =	sand.u32 $0x380, s2;
	s26 =	sshrl.u32 s4, $0x2;
	[tilespmem:s0+$0xC150] =	vst v16  }
0x324: {  	[tilespmem:s0+$0xC160] =	vst v16;
	s1 =	sor.u32 s1, s26  }
0x325: {  	[tilespmem:s1+$0xC170] =	vst v16  }
0x326: {  	[tilespmem:s1+$0xC100] =	vst v16  }
0x327: {  	[tilespmem:s1+$0xC110] =	vst v16  }
.Ltmp63:
0x328: {  	[tilespmem:s1+$0xC120] =	vst v16;
	(pc) =	sbr.rel @p0 .LBB2_97-.Ltmp63, $4  }
0x329: {  	[tilespmem:s1+$0xC130] =	vst v16  }
0x32a: {  	[tilespmem:s1+$0xC140] =	vst v16  }
0x32b: {  	[tilespmem:s1+$0xC150] =	vst v16  }
0x32c: {  	[tilespmem:s1+$0xC160] =	vst v16  }
0x32d: {  	s0 =	simm.s32 $0x1  }
0x32e: {  	v17 =	vld [tilespmem:s0+$0xFFFFFFFF]  }
0x32f: {  	v18 =	vld [tilespmem:s0+$0x0];
	_ =	sdelay $0x3  }
0x330: {  	v19 =	vsub.s32 v17, v15;
	v20 =	vshll.u32 v17, $0x3;
	v21 =	vshrl.u32 v17, $0x5  }
0x331: {  	v22 =	vand.u32 $0x7F, v17;
	vm1 =	vne.s32 v17, v18;
	v20 =	vand.u32 $0x7C00, v20  }
0x332: {  	vm0 =	vlt.u32 v19, $0x8000;
	v19 =	vand.u32 $0xFFFF8000, v19;
	v20 =	vor.u32 v22, v20  }
0x333: {  	s1 =	simm.s32 $0x2080;
	p0 =	sne.s32 s3, $0x1;
	v18 =	vand.u32 $0x380, v21;
	vm0 =	vmand vm0, vm1;
	v19 =	vor.u32 v19, v20  }
.Ltmp64:
0x334: {  	v17 =	vld [tilespmem:s1+$0x0];
	v18 =	vor.u32 v18, v19;
	(pc) =	sbr.rel @!p0 .LBB2_96-.Ltmp64, $2  }
0x335: {  	_ =	sdelay $0x2  }
0x336: {  	s2 =	sadd.s32 $0xFFFFFFFF, s3  }
.LBB2_95:
0x337: {  	p0 =	sne.s32 s2, $0x1;
	[tilespmem:v18+s29+$0x0] =	vst.idx.msk vm0, v17;
	s0 =	sadd.s32 $0x10, s0;
	s1 =	sadd.s32 $0x10, s1  }
0x338: {  	s2 =	sadd.s32 $0xFFFFFFFF, s2;
	v17 =	vld [tilespmem:s0+$0xFFFFFFFF];
	_ =	sdelay $0x1  }
0x339: {  	v18 =	vld [tilespmem:s0+$0x0];
	_ =	sdelay $0x2  }
.Ltmp65:
0x33a: {  	v19 =	vsub.s32 v17, v15;
	v20 =	vshll.u32 v17, $0x3;
	v21 =	vshrl.u32 v17, $0x5;
	(pc) =	sbr.rel @p0 .LBB2_95-.Ltmp65, $4  }
0x33b: {  	v22 =	vand.u32 $0x7F, v17;
	vm0 =	vlt.u32 v19, $0x8000;
	v20 =	vand.u32 $0x7C00, v20  }
0x33c: {  	vm1 =	vne.s32 v17, v18;
	v17 =	vand.u32 $0xFFFF8000, v19;
	v18 =	vor.u32 v22, v20  }
0x33d: {  	v19 =	vand.u32 $0x380, v21;
	vm0 =	vmand vm0, vm1;
	v18 =	vor.u32 v17, v18  }
0x33e: {  	v17 =	vld [tilespmem:s1+$0x0];
	v18 =	vor.u32 v19, v18  }
.Ltmp66:
0x33f: {  	_ = 	snop;
	(pc) =	sbr.rel .LBB2_96-.Ltmp66, $1  }
0x340: {  	_ =	sdelay $0x3  }
.LBB2_98:
0x341: {  	_ =	sfence.sel $0x180000  }
0x342: {  	[bflag:$0x0] =	sbarrier.arrive $0xFFFF  }
0x343: {  	_ =	strace $0x90000047  }
0x344: {  	s0 =	stileid.u32;
	[bflag:$0x2] =	sbarrier.arrive $0xFFFF  }
0x345: {  	p0 =	sne.s32 s0, $0x0;
	s0 =	rddreg [dreg:$0x4]  }
0x346: {  	s0 =	sadd.s32 @!p0 $0x100000, s0  }
0x347: {  	[sflag:s0] =	ssyncadd.tile.s32 @!p0 $0x1;
	_ =	shalt  }
.Lfunc_end2:
_tile_overlayer_lowered:
.L_overlay_start_2:
0x348: {  	(tag) =	ssettag $0x2  }
0x349: {  	s0 =	rddreg [dreg:$0x0];
	s2 =	stileid.u32  }
0x34a: {  	s1 =	rddreg [dreg:$0x1];
	p0 =	sne.s32 s2, $0x0  }
0x34b: {  	s3 =	rddreg [dreg:$0x2];
	[bflag:$0x3] =	sbarrier.arrive $0xFFFF;
	s2 =	simm.s32 @!p0 $0x1C03  }
0x34c: {  	[timem:s3], [sflag:s2] =	dma.local @!p0 [hbm:s0], s1  }
0x34d: {  	s0 =	simm.s32 @!p0 $0x3  }
0x34e: {  	_ =	swait.ge @!p0 [sflag:s0], s1  }
0x34f: {  	s1 =	ssub.s32 @!p0 $0x0, s1;
	[sflag:s0] =	ssyncset.done @!p0 $0x0  }
0x350: {  	[sflag:s0] =	ssyncadd.s32 @!p0 s1  }
0x351: {  	[bflag:$0x3] =	sbarrier.arrive $0xFFFF  }
0x352: {  	_ =	shalt  }

</sc_bundles>
